<compile_context>
chip_gen: v7x
topology: tpu7x:2x2x1
jax: 0.10.2.dev20260603
libtpu: 0.0.44.dev20260713+nightly
codegen_flags: <defaults>
</compile_context>

<pallas_src>
import jax
import jax.numpy as jnp
from jax import lax
from jax.experimental import pallas as pl
from jax.experimental.pallas import tpu as pltpu
from jax.experimental.pallas import tpu_sc as plsc

N = 10000
E = 320000
D_IN = 128
H1, F1 = 8, 8
HF1 = H1 * F1
F2 = 40
NEG_SLOPE = 0.2

NWORK = 32
EPT = E // NWORK
B = 80
NB = EPT // B
N_PAD = 10240
ROWS_PT = N_PAD // 16

W1ROW = 80
W2ROW = 48

_MESH = plsc.VectorSubcoreMesh(core_axis_name="c", subcore_axis_name="s")


_GDN = lax.GatherDimensionNumbers(
    offset_dims=(), collapsed_slice_dims=(0,), start_index_map=(0,))


def _vgather(vec, idx):
    return lax.gather(vec, idx[:, None], _GDN, (1,),
                      mode=lax.GatherScatterMode.PROMISE_IN_BOUNDS)


def _sc1_body(src_hbm, dst_hbm, elp_hbm, erp_hbm, ftp_hbm, zero_hbm,
              part_hbm,
              src_all, dst_all, elbuf, erbuf, ftbuf, msgbuf,
              acc_sh, gsem0, gsem1, ssem0, ssem1):
    c = lax.axis_index("c")
    s = lax.axis_index("s")
    wid = c * 16 + s
    gsem = (gsem0, gsem1)
    ssem = (ssem0, ssem1)

    pltpu.sync_copy(src_hbm.at[wid], src_all)
    pltpu.sync_copy(dst_hbm.at[wid], dst_all)

    pltpu.sync_copy(zero_hbm, acc_sh.at[pl.ds(s * ROWS_PT, ROWS_PT)])
    plsc.subcore_barrier()

    def g_start(p, b):
        pltpu.async_copy(elp_hbm.at[src_all.at[b]], elbuf.at[p], gsem[p])
        pltpu.async_copy(erp_hbm.at[dst_all.at[b]], erbuf.at[p], gsem[p])
        pltpu.async_copy(ftp_hbm.at[src_all.at[b]], ftbuf.at[p], gsem[p])

    def g_wait(p):
        pltpu.make_async_copy(elp_hbm.at[src_all.at[0]], elbuf.at[p],
                              gsem[p]).wait()
        pltpu.make_async_copy(erp_hbm.at[dst_all.at[0]], erbuf.at[p],
                              gsem[p]).wait()
        pltpu.make_async_copy(ftp_hbm.at[src_all.at[0]], ftbuf.at[p],
                              gsem[p]).wait()

    def s_start(p, b):
        pltpu.async_copy(msgbuf.at[p], acc_sh.at[dst_all.at[b]], ssem[p],
                         add=True)

    def s_wait(p, b):
        pltpu.make_async_copy(msgbuf.at[p], acc_sh.at[dst_all.at[b]],
                              ssem[p]).wait()

    def run_edges(p):
        def edge(e):
            iot = lax.iota(jnp.int32, 16)
            x = elbuf[p, e] + erbuf[p, e]
            x = jnp.where(x >= 0.0, x, x * NEG_SLOPE)
            w = jnp.exp(x)
            wz = jnp.where(iot < H1, w, 0.0)
            msgbuf[p, e, pl.ds(HF1, 16)] = wz
            for k in range(4):
                wb = _vgather(w, iot // F1 + 2 * k)
                ftv = ftbuf[p, e, pl.ds(16 * k, 16)]
                msgbuf[p, e, pl.ds(16 * k, 16)] = ftv * wb
        plsc.parallel_loop(0, B, unroll=4)(edge)

    g_start(0, 0)

    def pair(i, _):
        b0 = 2 * i
        b1 = b0 + 1
        g_wait(0)
        g_start(1, b1)
        run_edges(0)
        s_start(0, b0)
        g_wait(1)
        g_start(0, b0 + 2)
        run_edges(1)
        s_start(1, b1)
        s_wait(0, b0)
        s_wait(1, b1)
        return 0

    lax.fori_loop(0, NB // 2, pair, 0)
    g_wait(0)
    run_edges(0)
    pltpu.sync_copy(msgbuf.at[0], acc_sh.at[dst_all.at[NB - 1]], add=True)
    plsc.subcore_barrier()

    pltpu.sync_copy(acc_sh.at[pl.ds(s * ROWS_PT, ROWS_PT)],
                    part_hbm.at[c].at[pl.ds(s * ROWS_PT, ROWS_PT)])


_sc1 = pl.kernel(
    _sc1_body,
    out_type=jax.ShapeDtypeStruct((2, N_PAD, W1ROW), jnp.float32),
    mesh=_MESH,
    compiler_params=pltpu.CompilerParams(use_tc_tiling_on_sc=False,
                                         needs_layout_passes=False),
    scratch_types=[
        pltpu.VMEM((NB, B), jnp.int32),
        pltpu.VMEM((NB, B), jnp.int32),
        pltpu.VMEM((2, B, 16), jnp.float32),
        pltpu.VMEM((2, B, 16), jnp.float32),
        pltpu.VMEM((2, B, HF1), jnp.float32),
        pltpu.VMEM((2, B, W1ROW), jnp.float32),
        pltpu.VMEM_SHARED((N_PAD, W1ROW), jnp.float32),
        pltpu.SemaphoreType.DMA,
        pltpu.SemaphoreType.DMA,
        pltpu.SemaphoreType.DMA,
        pltpu.SemaphoreType.DMA,
    ],
)


def _sc2_body(src_hbm, dst_hbm, elp_hbm, erp_hbm, ftp_hbm, zero_hbm,
              part_hbm,
              src_all, dst_all, elbuf, erbuf, ftbuf, msgbuf,
              acc_sh, gsem0, gsem1, ssem0, ssem1):
    c = lax.axis_index("c")
    s = lax.axis_index("s")
    wid = c * 16 + s
    gsem = (gsem0, gsem1)
    ssem = (ssem0, ssem1)

    pltpu.sync_copy(src_hbm.at[wid], src_all)
    pltpu.sync_copy(dst_hbm.at[wid], dst_all)
    pltpu.sync_copy(zero_hbm, acc_sh.at[pl.ds(s * ROWS_PT, ROWS_PT)])
    plsc.subcore_barrier()

    def g_start(p, b):
        pltpu.async_copy(elp_hbm.at[src_all.at[b]], elbuf.at[p], gsem[p])
        pltpu.async_copy(erp_hbm.at[dst_all.at[b]], erbuf.at[p], gsem[p])
        pltpu.async_copy(ftp_hbm.at[src_all.at[b]], ftbuf.at[p], gsem[p])

    def g_wait(p):
        pltpu.make_async_copy(elp_hbm.at[src_all.at[0]], elbuf.at[p],
                              gsem[p]).wait()
        pltpu.make_async_copy(erp_hbm.at[dst_all.at[0]], erbuf.at[p],
                              gsem[p]).wait()
        pltpu.make_async_copy(ftp_hbm.at[src_all.at[0]], ftbuf.at[p],
                              gsem[p]).wait()

    def s_start(p, b):
        pltpu.async_copy(msgbuf.at[p], acc_sh.at[dst_all.at[b]], ssem[p],
                         add=True)

    def s_wait(p, b):
        pltpu.make_async_copy(msgbuf.at[p], acc_sh.at[dst_all.at[b]],
                              ssem[p]).wait()

    def run_edges(p):
        def edge(e):
            zer = lax.iota(jnp.int32, 16) * 0
            x = elbuf[p, e] + erbuf[p, e]
            x = jnp.where(x >= 0.0, x, x * NEG_SLOPE)
            wb = _vgather(jnp.exp(x), zer)
            for k in range(3):
                ftv = ftbuf[p, e, pl.ds(16 * k, 16)]
                msgbuf[p, e, pl.ds(16 * k, 16)] = ftv * wb
        plsc.parallel_loop(0, B, unroll=4)(edge)

    g_start(0, 0)

    def pair(i, _):
        b0 = 2 * i
        b1 = b0 + 1
        g_wait(0)
        g_start(1, b1)
        run_edges(0)
        s_start(0, b0)
        g_wait(1)
        g_start(0, b0 + 2)
        run_edges(1)
        s_start(1, b1)
        s_wait(0, b0)
        s_wait(1, b1)
        return 0

    lax.fori_loop(0, NB // 2, pair, 0)
    g_wait(0)
    run_edges(0)
    pltpu.sync_copy(msgbuf.at[0], acc_sh.at[dst_all.at[NB - 1]], add=True)
    plsc.subcore_barrier()
    pltpu.sync_copy(acc_sh.at[pl.ds(s * ROWS_PT, ROWS_PT)],
                    part_hbm.at[c].at[pl.ds(s * ROWS_PT, ROWS_PT)])


_sc2 = pl.kernel(
    _sc2_body,
    out_type=jax.ShapeDtypeStruct((2, N_PAD, W2ROW), jnp.float32),
    mesh=_MESH,
    compiler_params=pltpu.CompilerParams(use_tc_tiling_on_sc=False,
                                         needs_layout_passes=False),
    scratch_types=[
        pltpu.VMEM((NB, B), jnp.int32),
        pltpu.VMEM((NB, B), jnp.int32),
        pltpu.VMEM((2, B, 16), jnp.float32),
        pltpu.VMEM((2, B, 16), jnp.float32),
        pltpu.VMEM((2, B, W2ROW), jnp.float32),
        pltpu.VMEM((2, B, W2ROW), jnp.float32),
        pltpu.VMEM_SHARED((N_PAD, W2ROW), jnp.float32),
        pltpu.SemaphoreType.DMA,
        pltpu.SemaphoreType.DMA,
        pltpu.SemaphoreType.DMA,
        pltpu.SemaphoreType.DMA,
    ],
)


RB = 1000


def _pre1_body(h_ref, w1_ref, alp_ref, arp_ref, ft_ref, el_ref, er_ref):
    ft = jnp.dot(h_ref[...], w1_ref[...], preferred_element_type=jnp.float32)
    ft_ref[...] = ft
    el_ref[...] = jnp.dot(ft, alp_ref[...], preferred_element_type=jnp.float32)
    er_ref[...] = jnp.dot(ft, arp_ref[...], preferred_element_type=jnp.float32)


def _mid_body(p0_ref, p1_ref, b1_ref, r8_ref, w2p_ref, c40_ref,
              al2p_ref, ar2p_ref, ft2_ref, el2_ref, er2_ref):
    acc = p0_ref[...] + p1_ref[...]
    num = acc[:, 0:HF1]
    den = acc[:, HF1:HF1 + H1]
    den = jnp.where(den > 0.0, den, 1.0)
    rep = jnp.dot(1.0 / den, r8_ref[...], preferred_element_type=jnp.float32)
    x = num * rep + b1_ref[...]
    x = jnp.where(x > 0.0, x, jnp.exp(x) - 1.0)
    ft2 = jnp.dot(x, w2p_ref[...], preferred_element_type=jnp.float32)
    ft2 = ft2 + c40_ref[...]
    ft2_ref[...] = ft2
    el2_ref[...] = jnp.dot(ft2, al2p_ref[...],
                           preferred_element_type=jnp.float32)
    er2_ref[...] = jnp.dot(ft2, ar2p_ref[...],
                           preferred_element_type=jnp.float32)


def _post_body(q0_ref, q1_ref, b2_ref, out_ref):
    acc = q0_ref[...] + q1_ref[...]
    num = acc[:, 0:F2]
    den = acc[:, F2:F2 + 1]
    den = jnp.where(den > 0.0, den, 1.0)
    out_ref[...] = num / den + b2_ref[...]


def _full(shape):
    return pl.BlockSpec(shape, lambda i: (0,) * len(shape))


def _rows(width):
    return pl.BlockSpec((RB, width), lambda i: (i, 0))


def kernel(h, edge_index, W1, al1, ar1, b1, W2, al2, ar2, b2):
    f32 = jnp.float32
    src2 = edge_index[0].reshape(NWORK, NB, B).astype(jnp.int32)
    dst2 = edge_index[1].reshape(NWORK, NB, B).astype(jnp.int32)

    eye8 = jnp.eye(H1, dtype=f32)
    alp1 = (al1[:, :, None] * eye8[:, None, :]).reshape(HF1, H1)
    arp1 = (ar1[:, :, None] * eye8[:, None, :]).reshape(HF1, H1)
    alp1 = jnp.pad(alp1, ((0, 0), (0, 16 - H1)))
    arp1 = jnp.pad(arp1, ((0, 0), (0, 16 - H1)))

    r8 = jnp.repeat(eye8, F1, axis=1)
    b1f = b1.reshape(1, HF1)

    w2p = jnp.pad(W2, ((0, 0), (0, W2ROW - F2)))
    c40 = jnp.zeros((1, W2ROW), f32).at[0, F2].set(1.0)
    al2p = jnp.zeros((W2ROW, 16), f32).at[0:F2, 0].set(al2.reshape(F2))
    ar2p = jnp.zeros((W2ROW, 16), f32).at[0:F2, 0].set(ar2.reshape(F2))
    b2f = b2.reshape(1, F2)

    zh1 = jnp.zeros((ROWS_PT, W1ROW), f32)
    zh2 = jnp.zeros((ROWS_PT, W2ROW), f32)

    grid = (N // RB,)
    ftp, elp, erp = pl.pallas_call(
        _pre1_body,
        grid=grid,
        in_specs=[_rows(D_IN), _full((D_IN, HF1)), _full((HF1, 16)),
                  _full((HF1, 16))],
        out_specs=[_rows(HF1), _rows(16), _rows(16)],
        out_shape=[jax.ShapeDtypeStruct((N, HF1), f32),
                   jax.ShapeDtypeStruct((N, 16), f32),
                   jax.ShapeDtypeStruct((N, 16), f32)],
    )(h, W1, alp1, arp1)

    part1 = _sc1(src2, dst2, elp, erp, ftp, zh1)


    ftp2, elp2, erp2 = pl.pallas_call(
        _mid_body,
        grid=grid,
        in_specs=[_rows(W1ROW), _rows(W1ROW), _full((1, HF1)),
                  _full((H1, HF1)), _full((HF1, W2ROW)), _full((1, W2ROW)),
                  _full((W2ROW, 16)), _full((W2ROW, 16))],
        out_specs=[_rows(W2ROW), _rows(16), _rows(16)],
        out_shape=[jax.ShapeDtypeStruct((N, W2ROW), f32),
                   jax.ShapeDtypeStruct((N, 16), f32),
                   jax.ShapeDtypeStruct((N, 16), f32)],
    )(part1[0], part1[1], b1f, r8, w2p, c40, al2p, ar2p)

    part2 = _sc2(src2, dst2, elp2, erp2, ftp2, zh2)

    out = pl.pallas_call(
        _post_body,
        grid=grid,
        in_specs=[_rows(W2ROW), _rows(W2ROW), _full((1, F2))],
        out_specs=_rows(F2),
        out_shape=jax.ShapeDtypeStruct((N, F2), f32),
    )(part2[0], part2[1], b2f)

    return out

# --- scband reference (transcript-rebuilt; emitter-appended) ---
"""Pipeline reference for scband-gat-83408264888785 (READ-ONLY COPY).

The authoritative reference and input builder live on the scoring server;
editing this copy changes nothing except your own understanding.
"""

import jax, jax.numpy as jnp
import numpy as np

N = 10000
E = 320000
D_IN = 128
H1, F1 = 8, 8
H2, F2 = 1, 40
NEG_SLOPE = 0.2


def gat_conv(x, W, attn_l, attn_r, b, src, dst, H, Fo):
    n = x.shape[0]
    ft = (x @ W).reshape(n, H, Fo)
    el = (ft * attn_l[None, :, :]).sum(-1)  # [N, H]
    er = (ft * attn_r[None, :, :]).sum(-1)  # [N, H]
    e = jax.nn.leaky_relu(el[src] + er[dst], NEG_SLOPE)  # [E, H]
    m = jax.ops.segment_max(e, dst, num_segments=n)
    e_exp = jnp.exp(e - m[dst])
    denom = jax.ops.segment_sum(e_exp, dst, num_segments=n)
    alpha = e_exp / denom[dst]  # [E, H] edge softmax over dst
    msg = ft[src] * alpha[:, :, None]  # [E, H, Fo]
    out = jax.ops.segment_sum(msg, dst, num_segments=n)  # [N, H, Fo]
    return out + b[None, :, :]


def setup_inputs(seed: int = 0):
    key = jax.random.key(seed)
    ks = jax.random.split(key, 12)
    h = jax.random.normal(ks[0], (N, D_IN), dtype=jnp.float32)
    edge_index = jax.random.randint(ks[1], (2, E), 0, N)
    W1 = jax.random.normal(ks[2], (D_IN, H1 * F1), dtype=jnp.float32) * 0.1
    al1 = jax.random.normal(ks[3], (H1, F1), dtype=jnp.float32) * 0.1
    ar1 = jax.random.normal(ks[4], (H1, F1), dtype=jnp.float32) * 0.1
    b1 = jnp.zeros((H1, F1), dtype=jnp.float32)
    W2 = jax.random.normal(ks[5], (H1 * F1, H2 * F2), dtype=jnp.float32) * 0.1
    al2 = jax.random.normal(ks[6], (H2, F2), dtype=jnp.float32) * 0.1
    ar2 = jax.random.normal(ks[7], (H2, F2), dtype=jnp.float32) * 0.1
    b2 = jnp.zeros((H2, F2), dtype=jnp.float32)
    return {"h": h, "edge_index": edge_index, "W1": W1, "al1": al1,
            "ar1": ar1, "b1": b1, "W2": W2, "al2": al2, "ar2": ar2, "b2": b2}


def reference(h, edge_index, W1, al1, ar1, b1, W2, al2, ar2, b2):
    src = edge_index[0]
    dst = edge_index[1]
    # layer 1: GATConv + elu activation, flatten heads
    x = gat_conv(h, W1, al1, ar1, b1, src, dst, H1, F1)
    x = jax.nn.elu(x).reshape(N, H1 * F1)
    # layer 2: GATConv (no activation), mean over heads
    x = gat_conv(x, W2, al2, ar2, b2, src, dst, H2, F2)
    return x.mean(axis=1)  # [N, n_classes]

if __name__ == "__main__":
    import jax
    _d = setup_inputs()
    print(jax.jit(kernel)(*tuple(_d.values())))

</pallas_src>

<mosaic_0001>
#map = affine_map<(d0, d1) -> (0, 0, 0)>
#map1 = affine_map<(d0, d1) -> (0, 0)>
module attributes {stable_mosaic.version = 14 : i64} {
  func.func @_sc1_body(%arg0: i32, %arg1: i32, %arg2: memref<32x125x80xi32, #tpu.memory_space<hbm>>, %arg3: memref<32x125x80xi32, #tpu.memory_space<hbm>>, %arg4: memref<10000x16xf32, #tpu.memory_space<hbm>>, %arg5: memref<10000x16xf32, #tpu.memory_space<hbm>>, %arg6: memref<10000x64xf32, #tpu.memory_space<hbm>>, %arg7: memref<640x80xf32, #tpu.memory_space<hbm>>, %arg8: memref<2x10240x80xf32, #tpu.memory_space<hbm>>, %arg9: memref<125x80xi32, #tpu.memory_space<vmem>>, %arg10: memref<125x80xi32, #tpu.memory_space<vmem>>, %arg11: memref<2x80x16xf32, #tpu.memory_space<vmem>>, %arg12: memref<2x80x16xf32, #tpu.memory_space<vmem>>, %arg13: memref<2x80x64xf32, #tpu.memory_space<vmem>>, %arg14: memref<2x80x80xf32, #tpu.memory_space<vmem>>, %arg15: memref<10240x80xf32, #tpu.memory_space<vmem_shared>>, %arg16: memref<!tpu.dma_semaphore, #tpu.memory_space<semaphore_mem>>, %arg17: memref<!tpu.dma_semaphore, #tpu.memory_space<semaphore_mem>>, %arg18: memref<!tpu.dma_semaphore, #tpu.memory_space<semaphore_mem>>, %arg19: memref<!tpu.dma_semaphore, #tpu.memory_space<semaphore_mem>>) attributes {dimension_semantics = [#tpu.dimension_semantics<core_parallel>, #tpu.dimension_semantics<subcore_parallel>], iteration_bounds = array<i64: 2, 16>, scalar_prefetch = 0 : i64, scratch_operands = 11 : i64, tpu.core_type = #tpu.core_type<sc_vector_subcore>, window_params = [{transform_indices = #map}, {transform_indices = #map}, {transform_indices = #map1}, {transform_indices = #map1}, {transform_indices = #map1}, {transform_indices = #map1}, {transform_indices = #map}]} {
    %mul3A = arith.constant 16 : i32
    %mul3A_0 = arith.muli %arg0, %mul3A : i32
    %add3A = arith.addi %mul3A_0, %arg1 : i32
    "tpu.region"() ({
      %run_scoped3A_87 = tpu.sem_alloc : memref<!tpu.dma_semaphore, #tpu.memory_space<semaphore_mem>>
      %dma_start3A_88 = arith.constant 0 : i32
      %dma_start3A_89 = arith.constant 0 : i32
      %dma_start3A_90 = tpu.memref_slice %arg2[%add3A, %dma_start3A_88, %dma_start3A_89] : memref<32x125x80xi32, #tpu.memory_space<hbm>> -> memref<1x125x80xi32, #tpu.memory_space<hbm>>
      %dma_start3A_91 = tpu.memref_squeeze %dma_start3A_90 : memref<1x125x80xi32, #tpu.memory_space<hbm>> -> memref<125x80xi32, #tpu.memory_space<hbm>>
      %dma_start3A_92 = arith.constant 0 : i32
      %dma_start3A_93 = arith.constant 0 : i32
      %dma_start3A_94 = tpu.memref_slice %arg2[%add3A, %dma_start3A_92, %dma_start3A_93] : memref<32x125x80xi32, #tpu.memory_space<hbm>> -> memref<1x125x80xi32, #tpu.memory_space<hbm>>
      %dma_start3A_95 = tpu.memref_squeeze %dma_start3A_94 : memref<1x125x80xi32, #tpu.memory_space<hbm>> -> memref<125x80xi32, #tpu.memory_space<hbm>>
      tpu.enqueue_dma source(%dma_start3A_95 : memref<125x80xi32, #tpu.memory_space<hbm>>) target(%arg9 : memref<125x80xi32, #tpu.memory_space<vmem>>) target_semaphore(%run_scoped3A_87 : memref<!tpu.dma_semaphore, #tpu.memory_space<semaphore_mem>>)
      %dma_wait3A_96 = arith.constant 0 : i32
      %dma_wait3A_97 = arith.constant 0 : i32
      %dma_wait3A_98 = tpu.memref_slice %arg2[%add3A, %dma_wait3A_96, %dma_wait3A_97] : memref<32x125x80xi32, #tpu.memory_space<hbm>> -> memref<1x125x80xi32, #tpu.memory_space<hbm>>
      %dma_wait3A_99 = tpu.memref_squeeze %dma_wait3A_98 : memref<1x125x80xi32, #tpu.memory_space<hbm>> -> memref<125x80xi32, #tpu.memory_space<hbm>>
      %dma_wait3A_100 = arith.constant 0 : i32
      %dma_wait3A_101 = arith.constant 0 : i32
      %dma_wait3A_102 = tpu.memref_slice %arg2[%add3A, %dma_wait3A_100, %dma_wait3A_101] : memref<32x125x80xi32, #tpu.memory_space<hbm>> -> memref<1x125x80xi32, #tpu.memory_space<hbm>>
      %dma_wait3A_103 = tpu.memref_squeeze %dma_wait3A_102 : memref<1x125x80xi32, #tpu.memory_space<hbm>> -> memref<125x80xi32, #tpu.memory_space<hbm>>
      tpu.wait_dma2 semaphore(%run_scoped3A_87 : memref<!tpu.dma_semaphore, #tpu.memory_space<semaphore_mem>>) src(%dma_wait3A_103 : memref<125x80xi32, #tpu.memory_space<hbm>>) dst(%arg9 : memref<125x80xi32, #tpu.memory_space<vmem>>)
      tpu.yield
    }) : () -> ()
    "tpu.region"() ({
      %run_scoped3A_87 = tpu.sem_alloc : memref<!tpu.dma_semaphore, #tpu.memory_space<semaphore_mem>>
      %dma_start3A_88 = arith.constant 0 : i32
      %dma_start3A_89 = arith.constant 0 : i32
      %dma_start3A_90 = tpu.memref_slice %arg3[%add3A, %dma_start3A_88, %dma_start3A_89] : memref<32x125x80xi32, #tpu.memory_space<hbm>> -> memref<1x125x80xi32, #tpu.memory_space<hbm>>
      %dma_start3A_91 = tpu.memref_squeeze %dma_start3A_90 : memref<1x125x80xi32, #tpu.memory_space<hbm>> -> memref<125x80xi32, #tpu.memory_space<hbm>>
      %dma_start3A_92 = arith.constant 0 : i32
      %dma_start3A_93 = arith.constant 0 : i32
      %dma_start3A_94 = tpu.memref_slice %arg3[%add3A, %dma_start3A_92, %dma_start3A_93] : memref<32x125x80xi32, #tpu.memory_space<hbm>> -> memref<1x125x80xi32, #tpu.memory_space<hbm>>
      %dma_start3A_95 = tpu.memref_squeeze %dma_start3A_94 : memref<1x125x80xi32, #tpu.memory_space<hbm>> -> memref<125x80xi32, #tpu.memory_space<hbm>>
      tpu.enqueue_dma source(%dma_start3A_95 : memref<125x80xi32, #tpu.memory_space<hbm>>) target(%arg10 : memref<125x80xi32, #tpu.memory_space<vmem>>) target_semaphore(%run_scoped3A_87 : memref<!tpu.dma_semaphore, #tpu.memory_space<semaphore_mem>>)
      %dma_wait3A_96 = arith.constant 0 : i32
      %dma_wait3A_97 = arith.constant 0 : i32
      %dma_wait3A_98 = tpu.memref_slice %arg3[%add3A, %dma_wait3A_96, %dma_wait3A_97] : memref<32x125x80xi32, #tpu.memory_space<hbm>> -> memref<1x125x80xi32, #tpu.memory_space<hbm>>
      %dma_wait3A_99 = tpu.memref_squeeze %dma_wait3A_98 : memref<1x125x80xi32, #tpu.memory_space<hbm>> -> memref<125x80xi32, #tpu.memory_space<hbm>>
      %dma_wait3A_100 = arith.constant 0 : i32
      %dma_wait3A_101 = arith.constant 0 : i32
      %dma_wait3A_102 = tpu.memref_slice %arg3[%add3A, %dma_wait3A_100, %dma_wait3A_101] : memref<32x125x80xi32, #tpu.memory_space<hbm>> -> memref<1x125x80xi32, #tpu.memory_space<hbm>>
      %dma_wait3A_103 = tpu.memref_squeeze %dma_wait3A_102 : memref<1x125x80xi32, #tpu.memory_space<hbm>> -> memref<125x80xi32, #tpu.memory_space<hbm>>
      tpu.wait_dma2 semaphore(%run_scoped3A_87 : memref<!tpu.dma_semaphore, #tpu.memory_space<semaphore_mem>>) src(%dma_wait3A_103 : memref<125x80xi32, #tpu.memory_space<hbm>>) dst(%arg10 : memref<125x80xi32, #tpu.memory_space<vmem>>)
      tpu.yield
    }) : () -> ()
    %mul3A_1 = arith.constant 640 : i32
    %mul3A_2 = arith.muli %arg1, %mul3A_1 : i32
    "tpu.region"() ({
      %run_scoped3A_87 = tpu.sem_alloc : memref<!tpu.dma_semaphore, #tpu.memory_space<semaphore_mem>>
      %dma_start3A_88 = arith.constant 0 : i32
      %dma_start3A_89 = tpu.memref_slice %arg15[%mul3A_2, %dma_start3A_88] : memref<10240x80xf32, #tpu.memory_space<vmem_shared>> -> memref<640x80xf32, #tpu.memory_space<vmem_shared>>
      tpu.enqueue_dma source(%arg7 : memref<640x80xf32, #tpu.memory_space<hbm>>) target(%dma_start3A_89 : memref<640x80xf32, #tpu.memory_space<vmem_shared>>) target_semaphore(%run_scoped3A_87 : memref<!tpu.dma_semaphore, #tpu.memory_space<semaphore_mem>>)
      %dma_wait3A_90 = arith.constant 0 : i32
      %dma_wait3A_91 = tpu.memref_slice %arg15[%mul3A_2, %dma_wait3A_90] : memref<10240x80xf32, #tpu.memory_space<vmem_shared>> -> memref<640x80xf32, #tpu.memory_space<vmem_shared>>
      tpu.wait_dma2 semaphore(%run_scoped3A_87 : memref<!tpu.dma_semaphore, #tpu.memory_space<semaphore_mem>>) src(%arg7 : memref<640x80xf32, #tpu.memory_space<hbm>>) dst(%dma_wait3A_91 : memref<640x80xf32, #tpu.memory_space<vmem_shared>>)
      tpu.yield
    }) : () -> ()
    %barrier3A = arith.constant 0 : index
    tpu.barrier barrier_id(%barrier3A)
    %dma_start3A = arith.constant 0 : i32
    %dma_start3A_3 = arith.constant 0 : i32
    %dma_start3A_4 = arith.constant 0 : i32
    %dma_start3A_5 = arith.constant 0 : i32
    %dma_start3A_6 = tpu.memref_slice %arg11[%dma_start3A_3, %dma_start3A_4, %dma_start3A_5] : memref<2x80x16xf32, #tpu.memory_space<vmem>> -> memref<1x80x16xf32, #tpu.memory_space<vmem>>
    %dma_start3A_7 = tpu.memref_squeeze %dma_start3A_6 : memref<1x80x16xf32, #tpu.memory_space<vmem>> -> memref<80x16xf32, #tpu.memory_space<vmem>>
    %dma_start3A_8 = arith.constant 0 : i32
    %dma_start3A_9 = tpu.memref_slice %arg9[%dma_start3A, %dma_start3A_8] : memref<125x80xi32, #tpu.memory_space<vmem>> -> memref<1x80xi32, #tpu.memory_space<vmem>>
    %dma_start3A_10 = tpu.memref_squeeze %dma_start3A_9 : memref<1x80xi32, #tpu.memory_space<vmem>> -> memref<80xi32, #tpu.memory_space<vmem>>
    %dma_start3A_11 = arith.constant 0 : i32
    %dma_start3A_12 = arith.constant 0 : i32
    %dma_start3A_13 = tpu.memref_slice %arg4[%dma_start3A_11, %dma_start3A_12] : memref<10000x16xf32, #tpu.memory_space<hbm>> -> memref<10000x16xf32, #tpu.memory_space<hbm>>
    tpu.enqueue_indirect_dma source(%dma_start3A_13 : memref<10000x16xf32, #tpu.memory_space<hbm>>) target(%dma_start3A_7 : memref<80x16xf32, #tpu.memory_space<vmem>>) offsets(%dma_start3A_10 : memref<80xi32, #tpu.memory_space<vmem>>) semaphore(%arg16 : memref<!tpu.dma_semaphore, #tpu.memory_space<semaphore_mem>>)
    %dma_start3A_14 = arith.constant 0 : i32
    %dma_start3A_15 = arith.constant 0 : i32
    %dma_start3A_16 = arith.constant 0 : i32
    %dma_start3A_17 = arith.constant 0 : i32
    %dma_start3A_18 = tpu.memref_slice %arg12[%dma_start3A_15, %dma_start3A_16, %dma_start3A_17] : memref<2x80x16xf32, #tpu.memory_space<vmem>> -> memref<1x80x16xf32, #tpu.memory_space<vmem>>
    %dma_start3A_19 = tpu.memref_squeeze %dma_start3A_18 : memref<1x80x16xf32, #tpu.memory_space<vmem>> -> memref<80x16xf32, #tpu.memory_space<vmem>>
    %dma_start3A_20 = arith.constant 0 : i32
    %dma_start3A_21 = tpu.memref_slice %arg10[%dma_start3A_14, %dma_start3A_20] : memref<125x80xi32, #tpu.memory_space<vmem>> -> memref<1x80xi32, #tpu.memory_space<vmem>>
    %dma_start3A_22 = tpu.memref_squeeze %dma_start3A_21 : memref<1x80xi32, #tpu.memory_space<vmem>> -> memref<80xi32, #tpu.memory_space<vmem>>
    %dma_start3A_23 = arith.constant 0 : i32
    %dma_start3A_24 = arith.constant 0 : i32
    %dma_start3A_25 = tpu.memref_slice %arg5[%dma_start3A_23, %dma_start3A_24] : memref<10000x16xf32, #tpu.memory_space<hbm>> -> memref<10000x16xf32, #tpu.memory_space<hbm>>
    tpu.enqueue_indirect_dma source(%dma_start3A_25 : memref<10000x16xf32, #tpu.memory_space<hbm>>) target(%dma_start3A_19 : memref<80x16xf32, #tpu.memory_space<vmem>>) offsets(%dma_start3A_22 : memref<80xi32, #tpu.memory_space<vmem>>) semaphore(%arg16 : memref<!tpu.dma_semaphore, #tpu.memory_space<semaphore_mem>>)
    %dma_start3A_26 = arith.constant 0 : i32
    %dma_start3A_27 = arith.constant 0 : i32
    %dma_start3A_28 = arith.constant 0 : i32
    %dma_start3A_29 = arith.constant 0 : i32
    %dma_start3A_30 = tpu.memref_slice %arg13[%dma_start3A_27, %dma_start3A_28, %dma_start3A_29] : memref<2x80x64xf32, #tpu.memory_space<vmem>> -> memref<1x80x64xf32, #tpu.memory_space<vmem>>
    %dma_start3A_31 = tpu.memref_squeeze %dma_start3A_30 : memref<1x80x64xf32, #tpu.memory_space<vmem>> -> memref<80x64xf32, #tpu.memory_space<vmem>>
    %dma_start3A_32 = arith.constant 0 : i32
    %dma_start3A_33 = tpu.memref_slice %arg9[%dma_start3A_26, %dma_start3A_32] : memref<125x80xi32, #tpu.memory_space<vmem>> -> memref<1x80xi32, #tpu.memory_space<vmem>>
    %dma_start3A_34 = tpu.memref_squeeze %dma_start3A_33 : memref<1x80xi32, #tpu.memory_space<vmem>> -> memref<80xi32, #tpu.memory_space<vmem>>
    %dma_start3A_35 = arith.constant 0 : i32
    %dma_start3A_36 = arith.constant 0 : i32
    %dma_start3A_37 = tpu.memref_slice %arg6[%dma_start3A_35, %dma_start3A_36] : memref<10000x64xf32, #tpu.memory_space<hbm>> -> memref<10000x64xf32, #tpu.memory_space<hbm>>
    tpu.enqueue_indirect_dma source(%dma_start3A_37 : memref<10000x64xf32, #tpu.memory_space<hbm>>) target(%dma_start3A_31 : memref<80x64xf32, #tpu.memory_space<vmem>>) offsets(%dma_start3A_34 : memref<80xi32, #tpu.memory_space<vmem>>) semaphore(%arg16 : memref<!tpu.dma_semaphore, #tpu.memory_space<semaphore_mem>>)
    %scan3A = arith.constant 0 : i32
    %scan3A_38 = arith.constant 0 : i32
    %scan3A_39 = arith.constant 62 : i32
    %scan3A_40 = arith.addi %scan3A_38, %scan3A_39 : i32
    %scan3A_41 = arith.constant 1 : i32
    %scan3A_42 = scf.for %scan3A_87 = %scan3A_38 to %scan3A_40 step %scan3A_41 iter_args(%scan3A_88 = %scan3A) -> (i32)  : i32 {
      %mul3A_89 = arith.constant 2 : i32
      %mul3A_90 = arith.muli %mul3A_89, %scan3A_87 : i32
      %add3A_91 = arith.constant 1 : i32
      %add3A_92 = arith.addi %mul3A_90, %add3A_91 : i32
      %dma_wait3A_93 = arith.constant 0 : i32
      %dma_wait3A_94 = arith.constant 0 : i32
      %dma_wait3A_95 = arith.constant 0 : i32
      %dma_wait3A_96 = arith.constant 0 : i32
      %dma_wait3A_97 = tpu.memref_slice %arg11[%dma_wait3A_94, %dma_wait3A_95, %dma_wait3A_96] : memref<2x80x16xf32, #tpu.memory_space<vmem>> -> memref<1x80x16xf32, #tpu.memory_space<vmem>>
      %dma_wait3A_98 = tpu.memref_squeeze %dma_wait3A_97 : memref<1x80x16xf32, #tpu.memory_space<vmem>> -> memref<80x16xf32, #tpu.memory_space<vmem>>
      %dma_wait3A_99 = arith.constant 0 : i32
      %dma_wait3A_100 = tpu.memref_slice %arg9[%dma_wait3A_93, %dma_wait3A_99] : memref<125x80xi32, #tpu.memory_space<vmem>> -> memref<1x80xi32, #tpu.memory_space<vmem>>
      %dma_wait3A_101 = tpu.memref_squeeze %dma_wait3A_100 : memref<1x80xi32, #tpu.memory_space<vmem>> -> memref<80xi32, #tpu.memory_space<vmem>>
      %dma_wait3A_102 = arith.constant 0 : i32
      %dma_wait3A_103 = arith.constant 0 : i32
      %dma_wait3A_104 = tpu.memref_slice %arg4[%dma_wait3A_102, %dma_wait3A_103] : memref<10000x16xf32, #tpu.memory_space<hbm>> -> memref<10000x16xf32, #tpu.memory_space<hbm>>
      tpu.wait_indirect_dma semaphore(%arg16 : memref<!tpu.dma_semaphore, #tpu.memory_space<semaphore_mem>>) src(%dma_wait3A_104 : memref<10000x16xf32, #tpu.memory_space<hbm>>) dst(%dma_wait3A_98 : memref<80x16xf32, #tpu.memory_space<vmem>>)
      %dma_wait3A_105 = arith.constant 0 : i32
      %dma_wait3A_106 = arith.constant 0 : i32
      %dma_wait3A_107 = arith.constant 0 : i32
      %dma_wait3A_108 = arith.constant 0 : i32
      %dma_wait3A_109 = tpu.memref_slice %arg12[%dma_wait3A_106, %dma_wait3A_107, %dma_wait3A_108] : memref<2x80x16xf32, #tpu.memory_space<vmem>> -> memref<1x80x16xf32, #tpu.memory_space<vmem>>
      %dma_wait3A_110 = tpu.memref_squeeze %dma_wait3A_109 : memref<1x80x16xf32, #tpu.memory_space<vmem>> -> memref<80x16xf32, #tpu.memory_space<vmem>>
      %dma_wait3A_111 = arith.constant 0 : i32
      %dma_wait3A_112 = tpu.memref_slice %arg10[%dma_wait3A_105, %dma_wait3A_111] : memref<125x80xi32, #tpu.memory_space<vmem>> -> memref<1x80xi32, #tpu.memory_space<vmem>>
      %dma_wait3A_113 = tpu.memref_squeeze %dma_wait3A_112 : memref<1x80xi32, #tpu.memory_space<vmem>> -> memref<80xi32, #tpu.memory_space<vmem>>
      %dma_wait3A_114 = arith.constant 0 : i32
      %dma_wait3A_115 = arith.constant 0 : i32
      %dma_wait3A_116 = tpu.memref_slice %arg5[%dma_wait3A_114, %dma_wait3A_115] : memref<10000x16xf32, #tpu.memory_space<hbm>> -> memref<10000x16xf32, #tpu.memory_space<hbm>>
      tpu.wait_indirect_dma semaphore(%arg16 : memref<!tpu.dma_semaphore, #tpu.memory_space<semaphore_mem>>) src(%dma_wait3A_116 : memref<10000x16xf32, #tpu.memory_space<hbm>>) dst(%dma_wait3A_110 : memref<80x16xf32, #tpu.memory_space<vmem>>)
      %dma_wait3A_117 = arith.constant 0 : i32
      %dma_wait3A_118 = arith.constant 0 : i32
      %dma_wait3A_119 = arith.constant 0 : i32
      %dma_wait3A_120 = arith.constant 0 : i32
      %dma_wait3A_121 = tpu.memref_slice %arg13[%dma_wait3A_118, %dma_wait3A_119, %dma_wait3A_120] : memref<2x80x64xf32, #tpu.memory_space<vmem>> -> memref<1x80x64xf32, #tpu.memory_space<vmem>>
      %dma_wait3A_122 = tpu.memref_squeeze %dma_wait3A_121 : memref<1x80x64xf32, #tpu.memory_space<vmem>> -> memref<80x64xf32, #tpu.memory_space<vmem>>
      %dma_wait3A_123 = arith.constant 0 : i32
      %dma_wait3A_124 = tpu.memref_slice %arg9[%dma_wait3A_117, %dma_wait3A_123] : memref<125x80xi32, #tpu.memory_space<vmem>> -> memref<1x80xi32, #tpu.memory_space<vmem>>
      %dma_wait3A_125 = tpu.memref_squeeze %dma_wait3A_124 : memref<1x80xi32, #tpu.memory_space<vmem>> -> memref<80xi32, #tpu.memory_space<vmem>>
      %dma_wait3A_126 = arith.constant 0 : i32
      %dma_wait3A_127 = arith.constant 0 : i32
      %dma_wait3A_128 = tpu.memref_slice %arg6[%dma_wait3A_126, %dma_wait3A_127] : memref<10000x64xf32, #tpu.memory_space<hbm>> -> memref<10000x64xf32, #tpu.memory_space<hbm>>
      tpu.wait_indirect_dma semaphore(%arg16 : memref<!tpu.dma_semaphore, #tpu.memory_space<semaphore_mem>>) src(%dma_wait3A_128 : memref<10000x64xf32, #tpu.memory_space<hbm>>) dst(%dma_wait3A_122 : memref<80x64xf32, #tpu.memory_space<vmem>>)
      %dma_start3A_129 = arith.constant 1 : i32
      %dma_start3A_130 = arith.constant 0 : i32
      %dma_start3A_131 = arith.constant 0 : i32
      %dma_start3A_132 = tpu.memref_slice %arg11[%dma_start3A_129, %dma_start3A_130, %dma_start3A_131] : memref<2x80x16xf32, #tpu.memory_space<vmem>> -> memref<1x80x16xf32, #tpu.memory_space<vmem>>
      %dma_start3A_133 = tpu.memref_squeeze %dma_start3A_132 : memref<1x80x16xf32, #tpu.memory_space<vmem>> -> memref<80x16xf32, #tpu.memory_space<vmem>>
      %dma_start3A_134 = arith.constant 0 : i32
      %dma_start3A_135 = tpu.memref_slice %arg9[%add3A_92, %dma_start3A_134] : memref<125x80xi32, #tpu.memory_space<vmem>> -> memref<1x80xi32, #tpu.memory_space<vmem>>
      %dma_start3A_136 = tpu.memref_squeeze %dma_start3A_135 : memref<1x80xi32, #tpu.memory_space<vmem>> -> memref<80xi32, #tpu.memory_space<vmem>>
      %dma_start3A_137 = arith.constant 0 : i32
      %dma_start3A_138 = arith.constant 0 : i32
      %dma_start3A_139 = tpu.memref_slice %arg4[%dma_start3A_137, %dma_start3A_138] : memref<10000x16xf32, #tpu.memory_space<hbm>> -> memref<10000x16xf32, #tpu.memory_space<hbm>>
      tpu.enqueue_indirect_dma source(%dma_start3A_139 : memref<10000x16xf32, #tpu.memory_space<hbm>>) target(%dma_start3A_133 : memref<80x16xf32, #tpu.memory_space<vmem>>) offsets(%dma_start3A_136 : memref<80xi32, #tpu.memory_space<vmem>>) semaphore(%arg17 : memref<!tpu.dma_semaphore, #tpu.memory_space<semaphore_mem>>)
      %dma_start3A_140 = arith.constant 1 : i32
      %dma_start3A_141 = arith.constant 0 : i32
      %dma_start3A_142 = arith.constant 0 : i32
      %dma_start3A_143 = tpu.memref_slice %arg12[%dma_start3A_140, %dma_start3A_141, %dma_start3A_142] : memref<2x80x16xf32, #tpu.memory_space<vmem>> -> memref<1x80x16xf32, #tpu.memory_space<vmem>>
      %dma_start3A_144 = tpu.memref_squeeze %dma_start3A_143 : memref<1x80x16xf32, #tpu.memory_space<vmem>> -> memref<80x16xf32, #tpu.memory_space<vmem>>
      %dma_start3A_145 = arith.constant 0 : i32
      %dma_start3A_146 = tpu.memref_slice %arg10[%add3A_92, %dma_start3A_145] : memref<125x80xi32, #tpu.memory_space<vmem>> -> memref<1x80xi32, #tpu.memory_space<vmem>>
      %dma_start3A_147 = tpu.memref_squeeze %dma_start3A_146 : memref<1x80xi32, #tpu.memory_space<vmem>> -> memref<80xi32, #tpu.memory_space<vmem>>
      %dma_start3A_148 = arith.constant 0 : i32
      %dma_start3A_149 = arith.constant 0 : i32
      %dma_start3A_150 = tpu.memref_slice %arg5[%dma_start3A_148, %dma_start3A_149] : memref<10000x16xf32, #tpu.memory_space<hbm>> -> memref<10000x16xf32, #tpu.memory_space<hbm>>
      tpu.enqueue_indirect_dma source(%dma_start3A_150 : memref<10000x16xf32, #tpu.memory_space<hbm>>) target(%dma_start3A_144 : memref<80x16xf32, #tpu.memory_space<vmem>>) offsets(%dma_start3A_147 : memref<80xi32, #tpu.memory_space<vmem>>) semaphore(%arg17 : memref<!tpu.dma_semaphore, #tpu.memory_space<semaphore_mem>>)
      %dma_start3A_151 = arith.constant 1 : i32
      %dma_start3A_152 = arith.constant 0 : i32
      %dma_start3A_153 = arith.constant 0 : i32
      %dma_start3A_154 = tpu.memref_slice %arg13[%dma_start3A_151, %dma_start3A_152, %dma_start3A_153] : memref<2x80x64xf32, #tpu.memory_space<vmem>> -> memref<1x80x64xf32, #tpu.memory_space<vmem>>
      %dma_start3A_155 = tpu.memref_squeeze %dma_start3A_154 : memref<1x80x64xf32, #tpu.memory_space<vmem>> -> memref<80x64xf32, #tpu.memory_space<vmem>>
      %dma_start3A_156 = arith.constant 0 : i32
      %dma_start3A_157 = tpu.memref_slice %arg9[%add3A_92, %dma_start3A_156] : memref<125x80xi32, #tpu.memory_space<vmem>> -> memref<1x80xi32, #tpu.memory_space<vmem>>
      %dma_start3A_158 = tpu.memref_squeeze %dma_start3A_157 : memref<1x80xi32, #tpu.memory_space<vmem>> -> memref<80xi32, #tpu.memory_space<vmem>>
      %dma_start3A_159 = arith.constant 0 : i32
      %dma_start3A_160 = arith.constant 0 : i32
      %dma_start3A_161 = tpu.memref_slice %arg6[%dma_start3A_159, %dma_start3A_160] : memref<10000x64xf32, #tpu.memory_space<hbm>> -> memref<10000x64xf32, #tpu.memory_space<hbm>>
      tpu.enqueue_indirect_dma source(%dma_start3A_161 : memref<10000x64xf32, #tpu.memory_space<hbm>>) target(%dma_start3A_155 : memref<80x64xf32, #tpu.memory_space<vmem>>) offsets(%dma_start3A_158 : memref<80xi32, #tpu.memory_space<vmem>>) semaphore(%arg17 : memref<!tpu.dma_semaphore, #tpu.memory_space<semaphore_mem>>)
      %parallel_loop3A_162 = arith.constant 0 : i32
      %parallel_loop3A_163 = arith.constant 80 : i32
      %parallel_loop3A_164 = arith.constant 1 : i32
      scf.for %parallel_loop3A_284 = %parallel_loop3A_162 to %parallel_loop3A_163 step %parallel_loop3A_164  : i32 {
        %parallel_loop3A_285 = tpu.iota {dimensions = array<i32: 0>} : vector<16xi32>
        %parallel_loop3A_286 = arith.constant 0 : i32
        %parallel_loop3A_287 = arith.index_cast %parallel_loop3A_286 : i32 to index
        %parallel_loop3A_288 = arith.index_cast %parallel_loop3A_284 : i32 to index
        %parallel_loop3A_289 = arith.constant 0 : index
        %parallel_loop3A_290 = tpu.vector_load %arg11[%parallel_loop3A_287, %parallel_loop3A_288, %parallel_loop3A_289] {strides = array<i32>} : memref<2x80x16xf32, #tpu.memory_space<vmem>>, vector<16xf32>,
        %parallel_loop3A_291 = arith.constant 0 : i32
        %parallel_loop3A_292 = arith.index_cast %parallel_loop3A_291 : i32 to index
        %parallel_loop3A_293 = arith.index_cast %parallel_loop3A_284 : i32 to index
        %parallel_loop3A_294 = arith.constant 0 : index
        %parallel_loop3A_295 = tpu.vector_load %arg12[%parallel_loop3A_292, %parallel_loop3A_293, %parallel_loop3A_294] {strides = array<i32>} : memref<2x80x16xf32, #tpu.memory_space<vmem>>, vector<16xf32>,
        %parallel_loop3A_296 = arith.addf %parallel_loop3A_290, %parallel_loop3A_295 : vector<16xf32>
        %parallel_loop3A_297 = arith.constant 0.000000e+00 : f32
        %parallel_loop3A_298 = vector.broadcast %parallel_loop3A_297 : f32 to vector<16xf32>
        %parallel_loop3A_299 = arith.cmpf oge, %parallel_loop3A_296, %parallel_loop3A_298 : vector<16xf32>
        %parallel_loop3A_300 = arith.constant 2.000000e-01 : f32
        %parallel_loop3A_301 = vector.broadcast %parallel_loop3A_300 : f32 to vector<16xf32>
        %parallel_loop3A_302 = arith.mulf %parallel_loop3A_296, %parallel_loop3A_301 : vector<16xf32>
        %parallel_loop3A_303 = arith.select %parallel_loop3A_299, %parallel_loop3A_296, %parallel_loop3A_302 : vector<16xi1>, vector<16xf32>
        %parallel_loop3A_304 = math.exp %parallel_loop3A_303 : vector<16xf32>
        %parallel_loop3A_305 = arith.constant 8 : i32
        %parallel_loop3A_306 = vector.broadcast %parallel_loop3A_305 : i32 to vector<16xi32>
        %parallel_loop3A_307 = arith.cmpi slt, %parallel_loop3A_285, %parallel_loop3A_306 : vector<16xi32>
        %parallel_loop3A_308 = arith.constant 0.000000e+00 : f32
        %parallel_loop3A_309 = vector.broadcast %parallel_loop3A_308 : f32 to vector<16xf32>
        %parallel_loop3A_310 = arith.select %parallel_loop3A_307, %parallel_loop3A_304, %parallel_loop3A_309 : vector<16xi1>, vector<16xf32>
        %parallel_loop3A_311 = arith.constant 0 : i32
        %parallel_loop3A_312 = arith.index_cast %parallel_loop3A_311 : i32 to index
        %parallel_loop3A_313 = arith.index_cast %parallel_loop3A_284 : i32 to index
        %parallel_loop3A_314 = arith.constant 64 : index
        %parallel_loop3A_315 = tpu.vector_load %arg14[%parallel_loop3A_312, %parallel_loop3A_313, %parallel_loop3A_314] {strides = array<i32>} : memref<2x80x80xf32, #tpu.memory_space<vmem>>, vector<16xf32>,
        tpu.vector_store %arg14[%parallel_loop3A_312, %parallel_loop3A_313, %parallel_loop3A_314], %parallel_loop3A_310 {strides = array<i32>} : memref<2x80x80xf32, #tpu.memory_space<vmem>>, vector<16xf32>,
        %parallel_loop3A_316 = arith.constant 8 : i32
        %parallel_loop3A_317 = vector.broadcast %parallel_loop3A_316 : i32 to vector<16xi32>
        %parallel_loop3A_318 = arith.divsi %parallel_loop3A_285, %parallel_loop3A_317 : vector<16xi32>
        %parallel_loop3A_319 = arith.constant 0 : i32
        %parallel_loop3A_320 = vector.broadcast %parallel_loop3A_319 : i32 to vector<16xi32>
        %parallel_loop3A_321 = arith.cmpi sgt, %parallel_loop3A_285, %parallel_loop3A_320 : vector<16xi32>
        %parallel_loop3A_322 = arith.extui %parallel_loop3A_321 : vector<16xi1> to vector<16xi32>
        %parallel_loop3A_323 = arith.constant 0 : i32
        %parallel_loop3A_324 = vector.broadcast %parallel_loop3A_323 : i32 to vector<16xi32>
        %parallel_loop3A_325 = arith.cmpi slt, %parallel_loop3A_285, %parallel_loop3A_324 : vector<16xi32>
        %parallel_loop3A_326 = arith.extui %parallel_loop3A_325 : vector<16xi1> to vector<16xi32>
        %parallel_loop3A_327 = arith.subi %parallel_loop3A_322, %parallel_loop3A_326 : vector<16xi32>
        %parallel_loop3A_328 = arith.constant 0 : i32
        %parallel_loop3A_329 = arith.cmpi sgt, %parallel_loop3A_316, %parallel_loop3A_328 : i32
        %parallel_loop3A_330 = arith.extui %parallel_loop3A_329 : i1 to i32
        %parallel_loop3A_331 = arith.constant 0 : i32
        %parallel_loop3A_332 = arith.cmpi slt, %parallel_loop3A_316, %parallel_loop3A_331 : i32
        %parallel_loop3A_333 = arith.extui %parallel_loop3A_332 : i1 to i32
        %parallel_loop3A_334 = arith.subi %parallel_loop3A_330, %parallel_loop3A_333 : i32
        %parallel_loop3A_335 = vector.broadcast %parallel_loop3A_334 : i32 to vector<16xi32>
        %parallel_loop3A_336 = arith.cmpi ne, %parallel_loop3A_327, %parallel_loop3A_335 : vector<16xi32>
        %parallel_loop3A_337 = vector.broadcast %parallel_loop3A_316 : i32 to vector<16xi32>
        %parallel_loop3A_338 = arith.remsi %parallel_loop3A_285, %parallel_loop3A_337 : vector<16xi32>
        %parallel_loop3A_339 = arith.constant 0 : i32
        %parallel_loop3A_340 = vector.broadcast %parallel_loop3A_339 : i32 to vector<16xi32>
        %parallel_loop3A_341 = arith.cmpi ne, %parallel_loop3A_338, %parallel_loop3A_340 : vector<16xi32>
        %parallel_loop3A_342 = arith.andi %parallel_loop3A_336, %parallel_loop3A_341 : vector<16xi1>
        %parallel_loop3A_343 = arith.constant 1 : i32
        %parallel_loop3A_344 = vector.broadcast %parallel_loop3A_343 : i32 to vector<16xi32>
        %parallel_loop3A_345 = arith.subi %parallel_loop3A_318, %parallel_loop3A_344 : vector<16xi32>
        %parallel_loop3A_346 = arith.select %parallel_loop3A_342, %parallel_loop3A_345, %parallel_loop3A_318 : vector<16xi1>, vector<16xi32>
        %parallel_loop3A_347 = arith.constant 0 : i32
        %parallel_loop3A_348 = vector.broadcast %parallel_loop3A_347 : i32 to vector<16xi32>
        %parallel_loop3A_349 = arith.addi %parallel_loop3A_346, %parallel_loop3A_348 : vector<16xi32>
        %parallel_loop3A_350 = vector.shape_cast %parallel_loop3A_349 : vector<16xi32> to vector<16x1xi32>
        %parallel_loop3A_351 = vector.shape_cast %parallel_loop3A_350 : vector<16x1xi32> to vector<16xi32>
        %parallel_loop3A_352 = tpu.dynamic_gather %parallel_loop3A_304[%parallel_loop3A_351] in [0] : vector<16xf32>, vector<16xi32> -> vector<16xf32>
        %parallel_loop3A_353 = arith.constant 0 : i32
        %parallel_loop3A_354 = arith.index_cast %parallel_loop3A_353 : i32 to index
        %parallel_loop3A_355 = arith.index_cast %parallel_loop3A_284 : i32 to index
        %parallel_loop3A_356 = arith.constant 0 : index
        %parallel_loop3A_357 = tpu.vector_load %arg13[%parallel_loop3A_354, %parallel_loop3A_355, %parallel_loop3A_356] {strides = array<i32>} : memref<2x80x64xf32, #tpu.memory_space<vmem>>, vector<16xf32>,
        %parallel_loop3A_358 = arith.mulf %parallel_loop3A_357, %parallel_loop3A_352 : vector<16xf32>
        %parallel_loop3A_359 = arith.constant 0 : i32
        %parallel_loop3A_360 = arith.index_cast %parallel_loop3A_359 : i32 to index
        %parallel_loop3A_361 = arith.index_cast %parallel_loop3A_284 : i32 to index
        %parallel_loop3A_362 = arith.constant 0 : index
        %parallel_loop3A_363 = tpu.vector_load %arg14[%parallel_loop3A_360, %parallel_loop3A_361, %parallel_loop3A_362] {strides = array<i32>} : memref<2x80x80xf32, #tpu.memory_space<vmem>>, vector<16xf32>,
        tpu.vector_store %arg14[%parallel_loop3A_360, %parallel_loop3A_361, %parallel_loop3A_362], %parallel_loop3A_358 {strides = array<i32>} : memref<2x80x80xf32, #tpu.memory_space<vmem>>, vector<16xf32>,
        %parallel_loop3A_364 = arith.constant 8 : i32
        %parallel_loop3A_365 = vector.broadcast %parallel_loop3A_364 : i32 to vector<16xi32>
        %parallel_loop3A_366 = arith.divsi %parallel_loop3A_285, %parallel_loop3A_365 : vector<16xi32>
        %parallel_loop3A_367 = arith.constant 0 : i32
        %parallel_loop3A_368 = vector.broadcast %parallel_loop3A_367 : i32 to vector<16xi32>
        %parallel_loop3A_369 = arith.cmpi sgt, %parallel_loop3A_285, %parallel_loop3A_368 : vector<16xi32>
        %parallel_loop3A_370 = arith.extui %parallel_loop3A_369 : vector<16xi1> to vector<16xi32>
        %parallel_loop3A_371 = arith.constant 0 : i32
        %parallel_loop3A_372 = vector.broadcast %parallel_loop3A_371 : i32 to vector<16xi32>
        %parallel_loop3A_373 = arith.cmpi slt, %parallel_loop3A_285, %parallel_loop3A_372 : vector<16xi32>
        %parallel_loop3A_374 = arith.extui %parallel_loop3A_373 : vector<16xi1> to vector<16xi32>
        %parallel_loop3A_375 = arith.subi %parallel_loop3A_370, %parallel_loop3A_374 : vector<16xi32>
        %parallel_loop3A_376 = arith.constant 0 : i32
        %parallel_loop3A_377 = arith.cmpi sgt, %parallel_loop3A_364, %parallel_loop3A_376 : i32
        %parallel_loop3A_378 = arith.extui %parallel_loop3A_377 : i1 to i32
        %parallel_loop3A_379 = arith.constant 0 : i32
        %parallel_loop3A_380 = arith.cmpi slt, %parallel_loop3A_364, %parallel_loop3A_379 : i32
        %parallel_loop3A_381 = arith.extui %parallel_loop3A_380 : i1 to i32
        %parallel_loop3A_382 = arith.subi %parallel_loop3A_378, %parallel_loop3A_381 : i32
        %parallel_loop3A_383 = vector.broadcast %parallel_loop3A_382 : i32 to vector<16xi32>
        %parallel_loop3A_384 = arith.cmpi ne, %parallel_loop3A_375, %parallel_loop3A_383 : vector<16xi32>
        %parallel_loop3A_385 = vector.broadcast %parallel_loop3A_364 : i32 to vector<16xi32>
        %parallel_loop3A_386 = arith.remsi %parallel_loop3A_285, %parallel_loop3A_385 : vector<16xi32>
        %parallel_loop3A_387 = arith.constant 0 : i32
        %parallel_loop3A_388 = vector.broadcast %parallel_loop3A_387 : i32 to vector<16xi32>
        %parallel_loop3A_389 = arith.cmpi ne, %parallel_loop3A_386, %parallel_loop3A_388 : vector<16xi32>
        %parallel_loop3A_390 = arith.andi %parallel_loop3A_384, %parallel_loop3A_389 : vector<16xi1>
        %parallel_loop3A_391 = arith.constant 1 : i32
        %parallel_loop3A_392 = vector.broadcast %parallel_loop3A_391 : i32 to vector<16xi32>
        %parallel_loop3A_393 = arith.subi %parallel_loop3A_366, %parallel_loop3A_392 : vector<16xi32>
        %parallel_loop3A_394 = arith.select %parallel_loop3A_390, %parallel_loop3A_393, %parallel_loop3A_366 : vector<16xi1>, vector<16xi32>
        %parallel_loop3A_395 = arith.constant 2 : i32
        %parallel_loop3A_396 = vector.broadcast %parallel_loop3A_395 : i32 to vector<16xi32>
        %parallel_loop3A_397 = arith.addi %parallel_loop3A_394, %parallel_loop3A_396 : vector<16xi32>
        %parallel_loop3A_398 = vector.shape_cast %parallel_loop3A_397 : vector<16xi32> to vector<16x1xi32>
        %parallel_loop3A_399 = vector.shape_cast %parallel_loop3A_398 : vector<16x1xi32> to vector<16xi32>
        %parallel_loop3A_400 = tpu.dynamic_gather %parallel_loop3A_304[%parallel_loop3A_399] in [0] : vector<16xf32>, vector<16xi32> -> vector<16xf32>
        %parallel_loop3A_401 = arith.constant 0 : i32
        %parallel_loop3A_402 = arith.index_cast %parallel_loop3A_401 : i32 to index
        %parallel_loop3A_403 = arith.index_cast %parallel_loop3A_284 : i32 to index
        %parallel_loop3A_404 = arith.constant 16 : index
        %parallel_loop3A_405 = tpu.vector_load %arg13[%parallel_loop3A_402, %parallel_loop3A_403, %parallel_loop3A_404] {strides = array<i32>} : memref<2x80x64xf32, #tpu.memory_space<vmem>>, vector<16xf32>,
        %parallel_loop3A_406 = arith.mulf %parallel_loop3A_405, %parallel_loop3A_400 : vector<16xf32>
        %parallel_loop3A_407 = arith.constant 0 : i32
        %parallel_loop3A_408 = arith.index_cast %parallel_loop3A_407 : i32 to index
        %parallel_loop3A_409 = arith.index_cast %parallel_loop3A_284 : i32 to index
        %parallel_loop3A_410 = arith.constant 16 : index
        %parallel_loop3A_411 = tpu.vector_load %arg14[%parallel_loop3A_408, %parallel_loop3A_409, %parallel_loop3A_410] {strides = array<i32>} : memref<2x80x80xf32, #tpu.memory_space<vmem>>, vector<16xf32>,
        tpu.vector_store %arg14[%parallel_loop3A_408, %parallel_loop3A_409, %parallel_loop3A_410], %parallel_loop3A_406 {strides = array<i32>} : memref<2x80x80xf32, #tpu.memory_space<vmem>>, vector<16xf32>,
        %parallel_loop3A_412 = arith.constant 8 : i32
        %parallel_loop3A_413 = vector.broadcast %parallel_loop3A_412 : i32 to vector<16xi32>
        %parallel_loop3A_414 = arith.divsi %parallel_loop3A_285, %parallel_loop3A_413 : vector<16xi32>
        %parallel_loop3A_415 = arith.constant 0 : i32
        %parallel_loop3A_416 = vector.broadcast %parallel_loop3A_415 : i32 to vector<16xi32>
        %parallel_loop3A_417 = arith.cmpi sgt, %parallel_loop3A_285, %parallel_loop3A_416 : vector<16xi32>
        %parallel_loop3A_418 = arith.extui %parallel_loop3A_417 : vector<16xi1> to vector<16xi32>
        %parallel_loop3A_419 = arith.constant 0 : i32
        %parallel_loop3A_420 = vector.broadcast %parallel_loop3A_419 : i32 to vector<16xi32>
        %parallel_loop3A_421 = arith.cmpi slt, %parallel_loop3A_285, %parallel_loop3A_420 : vector<16xi32>
        %parallel_loop3A_422 = arith.extui %parallel_loop3A_421 : vector<16xi1> to vector<16xi32>
        %parallel_loop3A_423 = arith.subi %parallel_loop3A_418, %parallel_loop3A_422 : vector<16xi32>
        %parallel_loop3A_424 = arith.constant 0 : i32
        %parallel_loop3A_425 = arith.cmpi sgt, %parallel_loop3A_412, %parallel_loop3A_424 : i32
        %parallel_loop3A_426 = arith.extui %parallel_loop3A_425 : i1 to i32
        %parallel_loop3A_427 = arith.constant 0 : i32
        %parallel_loop3A_428 = arith.cmpi slt, %parallel_loop3A_412, %parallel_loop3A_427 : i32
        %parallel_loop3A_429 = arith.extui %parallel_loop3A_428 : i1 to i32
        %parallel_loop3A_430 = arith.subi %parallel_loop3A_426, %parallel_loop3A_429 : i32
        %parallel_loop3A_431 = vector.broadcast %parallel_loop3A_430 : i32 to vector<16xi32>
        %parallel_loop3A_432 = arith.cmpi ne, %parallel_loop3A_423, %parallel_loop3A_431 : vector<16xi32>
        %parallel_loop3A_433 = vector.broadcast %parallel_loop3A_412 : i32 to vector<16xi32>
        %parallel_loop3A_434 = arith.remsi %parallel_loop3A_285, %parallel_loop3A_433 : vector<16xi32>
        %parallel_loop3A_435 = arith.constant 0 : i32
        %parallel_loop3A_436 = vector.broadcast %parallel_loop3A_435 : i32 to vector<16xi32>
        %parallel_loop3A_437 = arith.cmpi ne, %parallel_loop3A_434, %parallel_loop3A_436 : vector<16xi32>
        %parallel_loop3A_438 = arith.andi %parallel_loop3A_432, %parallel_loop3A_437 : vector<16xi1>
        %parallel_loop3A_439 = arith.constant 1 : i32
        %parallel_loop3A_440 = vector.broadcast %parallel_loop3A_439 : i32 to vector<16xi32>
        %parallel_loop3A_441 = arith.subi %parallel_loop3A_414, %parallel_loop3A_440 : vector<16xi32>
        %parallel_loop3A_442 = arith.select %parallel_loop3A_438, %parallel_loop3A_441, %parallel_loop3A_414 : vector<16xi1>, vector<16xi32>
        %parallel_loop3A_443 = arith.constant 4 : i32
        %parallel_loop3A_444 = vector.broadcast %parallel_loop3A_443 : i32 to vector<16xi32>
        %parallel_loop3A_445 = arith.addi %parallel_loop3A_442, %parallel_loop3A_444 : vector<16xi32>
        %parallel_loop3A_446 = vector.shape_cast %parallel_loop3A_445 : vector<16xi32> to vector<16x1xi32>
        %parallel_loop3A_447 = vector.shape_cast %parallel_loop3A_446 : vector<16x1xi32> to vector<16xi32>
        %parallel_loop3A_448 = tpu.dynamic_gather %parallel_loop3A_304[%parallel_loop3A_447] in [0] : vector<16xf32>, vector<16xi32> -> vector<16xf32>
        %parallel_loop3A_449 = arith.constant 0 : i32
        %parallel_loop3A_450 = arith.index_cast %parallel_loop3A_449 : i32 to index
        %parallel_loop3A_451 = arith.index_cast %parallel_loop3A_284 : i32 to index
        %parallel_loop3A_452 = arith.constant 32 : index
        %parallel_loop3A_453 = tpu.vector_load %arg13[%parallel_loop3A_450, %parallel_loop3A_451, %parallel_loop3A_452] {strides = array<i32>} : memref<2x80x64xf32, #tpu.memory_space<vmem>>, vector<16xf32>,
        %parallel_loop3A_454 = arith.mulf %parallel_loop3A_453, %parallel_loop3A_448 : vector<16xf32>
        %parallel_loop3A_455 = arith.constant 0 : i32
        %parallel_loop3A_456 = arith.index_cast %parallel_loop3A_455 : i32 to index
        %parallel_loop3A_457 = arith.index_cast %parallel_loop3A_284 : i32 to index
        %parallel_loop3A_458 = arith.constant 32 : index
        %parallel_loop3A_459 = tpu.vector_load %arg14[%parallel_loop3A_456, %parallel_loop3A_457, %parallel_loop3A_458] {strides = array<i32>} : memref<2x80x80xf32, #tpu.memory_space<vmem>>, vector<16xf32>,
        tpu.vector_store %arg14[%parallel_loop3A_456, %parallel_loop3A_457, %parallel_loop3A_458], %parallel_loop3A_454 {strides = array<i32>} : memref<2x80x80xf32, #tpu.memory_space<vmem>>, vector<16xf32>,
        %parallel_loop3A_460 = arith.constant 8 : i32
        %parallel_loop3A_461 = vector.broadcast %parallel_loop3A_460 : i32 to vector<16xi32>
        %parallel_loop3A_462 = arith.divsi %parallel_loop3A_285, %parallel_loop3A_461 : vector<16xi32>
        %parallel_loop3A_463 = arith.constant 0 : i32
        %parallel_loop3A_464 = vector.broadcast %parallel_loop3A_463 : i32 to vector<16xi32>
        %parallel_loop3A_465 = arith.cmpi sgt, %parallel_loop3A_285, %parallel_loop3A_464 : vector<16xi32>
        %parallel_loop3A_466 = arith.extui %parallel_loop3A_465 : vector<16xi1> to vector<16xi32>
        %parallel_loop3A_467 = arith.constant 0 : i32
        %parallel_loop3A_468 = vector.broadcast %parallel_loop3A_467 : i32 to vector<16xi32>
        %parallel_loop3A_469 = arith.cmpi slt, %parallel_loop3A_285, %parallel_loop3A_468 : vector<16xi32>
        %parallel_loop3A_470 = arith.extui %parallel_loop3A_469 : vector<16xi1> to vector<16xi32>
        %parallel_loop3A_471 = arith.subi %parallel_loop3A_466, %parallel_loop3A_470 : vector<16xi32>
        %parallel_loop3A_472 = arith.constant 0 : i32
        %parallel_loop3A_473 = arith.cmpi sgt, %parallel_loop3A_460, %parallel_loop3A_472 : i32
        %parallel_loop3A_474 = arith.extui %parallel_loop3A_473 : i1 to i32
        %parallel_loop3A_475 = arith.constant 0 : i32
        %parallel_loop3A_476 = arith.cmpi slt, %parallel_loop3A_460, %parallel_loop3A_475 : i32
        %parallel_loop3A_477 = arith.extui %parallel_loop3A_476 : i1 to i32
        %parallel_loop3A_478 = arith.subi %parallel_loop3A_474, %parallel_loop3A_477 : i32
        %parallel_loop3A_479 = vector.broadcast %parallel_loop3A_478 : i32 to vector<16xi32>
        %parallel_loop3A_480 = arith.cmpi ne, %parallel_loop3A_471, %parallel_loop3A_479 : vector<16xi32>
        %parallel_loop3A_481 = vector.broadcast %parallel_loop3A_460 : i32 to vector<16xi32>
        %parallel_loop3A_482 = arith.remsi %parallel_loop3A_285, %parallel_loop3A_481 : vector<16xi32>
        %parallel_loop3A_483 = arith.constant 0 : i32
        %parallel_loop3A_484 = vector.broadcast %parallel_loop3A_483 : i32 to vector<16xi32>
        %parallel_loop3A_485 = arith.cmpi ne, %parallel_loop3A_482, %parallel_loop3A_484 : vector<16xi32>
        %parallel_loop3A_486 = arith.andi %parallel_loop3A_480, %parallel_loop3A_485 : vector<16xi1>
        %parallel_loop3A_487 = arith.constant 1 : i32
        %parallel_loop3A_488 = vector.broadcast %parallel_loop3A_487 : i32 to vector<16xi32>
        %parallel_loop3A_489 = arith.subi %parallel_loop3A_462, %parallel_loop3A_488 : vector<16xi32>
        %parallel_loop3A_490 = arith.select %parallel_loop3A_486, %parallel_loop3A_489, %parallel_loop3A_462 : vector<16xi1>, vector<16xi32>
        %parallel_loop3A_491 = arith.constant 6 : i32
        %parallel_loop3A_492 = vector.broadcast %parallel_loop3A_491 : i32 to vector<16xi32>
        %parallel_loop3A_493 = arith.addi %parallel_loop3A_490, %parallel_loop3A_492 : vector<16xi32>
        %parallel_loop3A_494 = vector.shape_cast %parallel_loop3A_493 : vector<16xi32> to vector<16x1xi32>
        %parallel_loop3A_495 = vector.shape_cast %parallel_loop3A_494 : vector<16x1xi32> to vector<16xi32>
        %parallel_loop3A_496 = tpu.dynamic_gather %parallel_loop3A_304[%parallel_loop3A_495] in [0] : vector<16xf32>, vector<16xi32> -> vector<16xf32>
        %parallel_loop3A_497 = arith.constant 0 : i32
        %parallel_loop3A_498 = arith.index_cast %parallel_loop3A_497 : i32 to index
        %parallel_loop3A_499 = arith.index_cast %parallel_loop3A_284 : i32 to index
        %parallel_loop3A_500 = arith.constant 48 : index
        %parallel_loop3A_501 = tpu.vector_load %arg13[%parallel_loop3A_498, %parallel_loop3A_499, %parallel_loop3A_500] {strides = array<i32>} : memref<2x80x64xf32, #tpu.memory_space<vmem>>, vector<16xf32>,
        %parallel_loop3A_502 = arith.mulf %parallel_loop3A_501, %parallel_loop3A_496 : vector<16xf32>
        %parallel_loop3A_503 = arith.constant 0 : i32
        %parallel_loop3A_504 = arith.index_cast %parallel_loop3A_503 : i32 to index
        %parallel_loop3A_505 = arith.index_cast %parallel_loop3A_284 : i32 to index
        %parallel_loop3A_506 = arith.constant 48 : index
        %parallel_loop3A_507 = tpu.vector_load %arg14[%parallel_loop3A_504, %parallel_loop3A_505, %parallel_loop3A_506] {strides = array<i32>} : memref<2x80x80xf32, #tpu.memory_space<vmem>>, vector<16xf32>,
        tpu.vector_store %arg14[%parallel_loop3A_504, %parallel_loop3A_505, %parallel_loop3A_506], %parallel_loop3A_502 {strides = array<i32>} : memref<2x80x80xf32, #tpu.memory_space<vmem>>, vector<16xf32>,
      } {sc.loop_unroll_factor = 4 : i64, sc.parallel_access}
      %dma_start3A_165 = arith.constant 0 : i32
      %dma_start3A_166 = arith.constant 0 : i32
      %dma_start3A_167 = arith.constant 0 : i32
      %dma_start3A_168 = tpu.memref_slice %arg14[%dma_start3A_165, %dma_start3A_166, %dma_start3A_167] : memref<2x80x80xf32, #tpu.memory_space<vmem>> -> memref<1x80x80xf32, #tpu.memory_space<vmem>>
      %dma_start3A_169 = tpu.memref_squeeze %dma_start3A_168 : memref<1x80x80xf32, #tpu.memory_space<vmem>> -> memref<80x80xf32, #tpu.memory_space<vmem>>
      %dma_start3A_170 = arith.constant 0 : i32
      %dma_start3A_171 = tpu.memref_slice %arg10[%mul3A_90, %dma_start3A_170] : memref<125x80xi32, #tpu.memory_space<vmem>> -> memref<1x80xi32, #tpu.memory_space<vmem>>
      %dma_start3A_172 = tpu.memref_squeeze %dma_start3A_171 : memref<1x80xi32, #tpu.memory_space<vmem>> -> memref<80xi32, #tpu.memory_space<vmem>>
      %dma_start3A_173 = arith.constant 0 : i32
      %dma_start3A_174 = arith.constant 0 : i32
      %dma_start3A_175 = tpu.memref_slice %arg15[%dma_start3A_173, %dma_start3A_174] : memref<10240x80xf32, #tpu.memory_space<vmem_shared>> -> memref<10240x80xf32, #tpu.memory_space<vmem_shared>>
      tpu.enqueue_indirect_dma source(%dma_start3A_169 : memref<80x80xf32, #tpu.memory_space<vmem>>) target(%dma_start3A_175 : memref<10240x80xf32, #tpu.memory_space<vmem_shared>>) offsets(%dma_start3A_172 : memref<80xi32, #tpu.memory_space<vmem>>) semaphore(%arg18 : memref<!tpu.dma_semaphore, #tpu.memory_space<semaphore_mem>>) {add = true}
      %dma_wait3A_176 = arith.constant 0 : i32
      %dma_wait3A_177 = arith.constant 1 : i32
      %dma_wait3A_178 = arith.constant 0 : i32
      %dma_wait3A_179 = arith.constant 0 : i32
      %dma_wait3A_180 = tpu.memref_slice %arg11[%dma_wait3A_177, %dma_wait3A_178, %dma_wait3A_179] : memref<2x80x16xf32, #tpu.memory_space<vmem>> -> memref<1x80x16xf32, #tpu.memory_space<vmem>>
      %dma_wait3A_181 = tpu.memref_squeeze %dma_wait3A_180 : memref<1x80x16xf32, #tpu.memory_space<vmem>> -> memref<80x16xf32, #tpu.memory_space<vmem>>
      %dma_wait3A_182 = arith.constant 0 : i32
      %dma_wait3A_183 = tpu.memref_slice %arg9[%dma_wait3A_176, %dma_wait3A_182] : memref<125x80xi32, #tpu.memory_space<vmem>> -> memref<1x80xi32, #tpu.memory_space<vmem>>
      %dma_wait3A_184 = tpu.memref_squeeze %dma_wait3A_183 : memref<1x80xi32, #tpu.memory_space<vmem>> -> memref<80xi32, #tpu.memory_space<vmem>>
      %dma_wait3A_185 = arith.constant 0 : i32
      %dma_wait3A_186 = arith.constant 0 : i32
      %dma_wait3A_187 = tpu.memref_slice %arg4[%dma_wait3A_185, %dma_wait3A_186] : memref<10000x16xf32, #tpu.memory_space<hbm>> -> memref<10000x16xf32, #tpu.memory_space<hbm>>
      tpu.wait_indirect_dma semaphore(%arg17 : memref<!tpu.dma_semaphore, #tpu.memory_space<semaphore_mem>>) src(%dma_wait3A_187 : memref<10000x16xf32, #tpu.memory_space<hbm>>) dst(%dma_wait3A_181 : memref<80x16xf32, #tpu.memory_space<vmem>>)
      %dma_wait3A_188 = arith.constant 0 : i32
      %dma_wait3A_189 = arith.constant 1 : i32
      %dma_wait3A_190 = arith.constant 0 : i32
      %dma_wait3A_191 = arith.constant 0 : i32
      %dma_wait3A_192 = tpu.memref_slice %arg12[%dma_wait3A_189, %dma_wait3A_190, %dma_wait3A_191] : memref<2x80x16xf32, #tpu.memory_space<vmem>> -> memref<1x80x16xf32, #tpu.memory_space<vmem>>
      %dma_wait3A_193 = tpu.memref_squeeze %dma_wait3A_192 : memref<1x80x16xf32, #tpu.memory_space<vmem>> -> memref<80x16xf32, #tpu.memory_space<vmem>>
      %dma_wait3A_194 = arith.constant 0 : i32
      %dma_wait3A_195 = tpu.memref_slice %arg10[%dma_wait3A_188, %dma_wait3A_194] : memref<125x80xi32, #tpu.memory_space<vmem>> -> memref<1x80xi32, #tpu.memory_space<vmem>>
      %dma_wait3A_196 = tpu.memref_squeeze %dma_wait3A_195 : memref<1x80xi32, #tpu.memory_space<vmem>> -> memref<80xi32, #tpu.memory_space<vmem>>
      %dma_wait3A_197 = arith.constant 0 : i32
      %dma_wait3A_198 = arith.constant 0 : i32
      %dma_wait3A_199 = tpu.memref_slice %arg5[%dma_wait3A_197, %dma_wait3A_198] : memref<10000x16xf32, #tpu.memory_space<hbm>> -> memref<10000x16xf32, #tpu.memory_space<hbm>>
      tpu.wait_indirect_dma semaphore(%arg17 : memref<!tpu.dma_semaphore, #tpu.memory_space<semaphore_mem>>) src(%dma_wait3A_199 : memref<10000x16xf32, #tpu.memory_space<hbm>>) dst(%dma_wait3A_193 : memref<80x16xf32, #tpu.memory_space<vmem>>)
      %dma_wait3A_200 = arith.constant 0 : i32
      %dma_wait3A_201 = arith.constant 1 : i32
      %dma_wait3A_202 = arith.constant 0 : i32
      %dma_wait3A_203 = arith.constant 0 : i32
      %dma_wait3A_204 = tpu.memref_slice %arg13[%dma_wait3A_201, %dma_wait3A_202, %dma_wait3A_203] : memref<2x80x64xf32, #tpu.memory_space<vmem>> -> memref<1x80x64xf32, #tpu.memory_space<vmem>>
      %dma_wait3A_205 = tpu.memref_squeeze %dma_wait3A_204 : memref<1x80x64xf32, #tpu.memory_space<vmem>> -> memref<80x64xf32, #tpu.memory_space<vmem>>
      %dma_wait3A_206 = arith.constant 0 : i32
      %dma_wait3A_207 = tpu.memref_slice %arg9[%dma_wait3A_200, %dma_wait3A_206] : memref<125x80xi32, #tpu.memory_space<vmem>> -> memref<1x80xi32, #tpu.memory_space<vmem>>
      %dma_wait3A_208 = tpu.memref_squeeze %dma_wait3A_207 : memref<1x80xi32, #tpu.memory_space<vmem>> -> memref<80xi32, #tpu.memory_space<vmem>>
      %dma_wait3A_209 = arith.constant 0 : i32
      %dma_wait3A_210 = arith.constant 0 : i32
      %dma_wait3A_211 = tpu.memref_slice %arg6[%dma_wait3A_209, %dma_wait3A_210] : memref<10000x64xf32, #tpu.memory_space<hbm>> -> memref<10000x64xf32, #tpu.memory_space<hbm>>
      tpu.wait_indirect_dma semaphore(%arg17 : memref<!tpu.dma_semaphore, #tpu.memory_space<semaphore_mem>>) src(%dma_wait3A_211 : memref<10000x64xf32, #tpu.memory_space<hbm>>) dst(%dma_wait3A_205 : memref<80x64xf32, #tpu.memory_space<vmem>>)
      %add3A_212 = arith.constant 2 : i32
      %add3A_213 = arith.addi %mul3A_90, %add3A_212 : i32
      %dma_start3A_214 = arith.constant 0 : i32
      %dma_start3A_215 = arith.constant 0 : i32
      %dma_start3A_216 = arith.constant 0 : i32
      %dma_start3A_217 = tpu.memref_slice %arg11[%dma_start3A_214, %dma_start3A_215, %dma_start3A_216] : memref<2x80x16xf32, #tpu.memory_space<vmem>> -> memref<1x80x16xf32, #tpu.memory_space<vmem>>
      %dma_start3A_218 = tpu.memref_squeeze %dma_start3A_217 : memref<1x80x16xf32, #tpu.memory_space<vmem>> -> memref<80x16xf32, #tpu.memory_space<vmem>>
      %dma_start3A_219 = arith.constant 0 : i32
      %dma_start3A_220 = tpu.memref_slice %arg9[%add3A_213, %dma_start3A_219] : memref<125x80xi32, #tpu.memory_space<vmem>> -> memref<1x80xi32, #tpu.memory_space<vmem>>
      %dma_start3A_221 = tpu.memref_squeeze %dma_start3A_220 : memref<1x80xi32, #tpu.memory_space<vmem>> -> memref<80xi32, #tpu.memory_space<vmem>>
      %dma_start3A_222 = arith.constant 0 : i32
      %dma_start3A_223 = arith.constant 0 : i32
      %dma_start3A_224 = tpu.memref_slice %arg4[%dma_start3A_222, %dma_start3A_223] : memref<10000x16xf32, #tpu.memory_space<hbm>> -> memref<10000x16xf32, #tpu.memory_space<hbm>>
      tpu.enqueue_indirect_dma source(%dma_start3A_224 : memref<10000x16xf32, #tpu.memory_space<hbm>>) target(%dma_start3A_218 : memref<80x16xf32, #tpu.memory_space<vmem>>) offsets(%dma_start3A_221 : memref<80xi32, #tpu.memory_space<vmem>>) semaphore(%arg16 : memref<!tpu.dma_semaphore, #tpu.memory_space<semaphore_mem>>)
      %dma_start3A_225 = arith.constant 0 : i32
      %dma_start3A_226 = arith.constant 0 : i32
      %dma_start3A_227 = arith.constant 0 : i32
      %dma_start3A_228 = tpu.memref_slice %arg12[%dma_start3A_225, %dma_start3A_226, %dma_start3A_227] : memref<2x80x16xf32, #tpu.memory_space<vmem>> -> memref<1x80x16xf32, #tpu.memory_space<vmem>>
      %dma_start3A_229 = tpu.memref_squeeze %dma_start3A_228 : memref<1x80x16xf32, #tpu.memory_space<vmem>> -> memref<80x16xf32, #tpu.memory_space<vmem>>
      %dma_start3A_230 = arith.constant 0 : i32
      %dma_start3A_231 = tpu.memref_slice %arg10[%add3A_213, %dma_start3A_230] : memref<125x80xi32, #tpu.memory_space<vmem>> -> memref<1x80xi32, #tpu.memory_space<vmem>>
      %dma_start3A_232 = tpu.memref_squeeze %dma_start3A_231 : memref<1x80xi32, #tpu.memory_space<vmem>> -> memref<80xi32, #tpu.memory_space<vmem>>
      %dma_start3A_233 = arith.constant 0 : i32
      %dma_start3A_234 = arith.constant 0 : i32
      %dma_start3A_235 = tpu.memref_slice %arg5[%dma_start3A_233, %dma_start3A_234] : memref<10000x16xf32, #tpu.memory_space<hbm>> -> memref<10000x16xf32, #tpu.memory_space<hbm>>
      tpu.enqueue_indirect_dma source(%dma_start3A_235 : memref<10000x16xf32, #tpu.memory_space<hbm>>) target(%dma_start3A_229 : memref<80x16xf32, #tpu.memory_space<vmem>>) offsets(%dma_start3A_232 : memref<80xi32, #tpu.memory_space<vmem>>) semaphore(%arg16 : memref<!tpu.dma_semaphore, #tpu.memory_space<semaphore_mem>>)
      %dma_start3A_236 = arith.constant 0 : i32
      %dma_start3A_237 = arith.constant 0 : i32
      %dma_start3A_238 = arith.constant 0 : i32
      %dma_start3A_239 = tpu.memref_slice %arg13[%dma_start3A_236, %dma_start3A_237, %dma_start3A_238] : memref<2x80x64xf32, #tpu.memory_space<vmem>> -> memref<1x80x64xf32, #tpu.memory_space<vmem>>
      %dma_start3A_240 = tpu.memref_squeeze %dma_start3A_239 : memref<1x80x64xf32, #tpu.memory_space<vmem>> -> memref<80x64xf32, #tpu.memory_space<vmem>>
      %dma_start3A_241 = arith.constant 0 : i32
      %dma_start3A_242 = tpu.memref_slice %arg9[%add3A_213, %dma_start3A_241] : memref<125x80xi32, #tpu.memory_space<vmem>> -> memref<1x80xi32, #tpu.memory_space<vmem>>
      %dma_start3A_243 = tpu.memref_squeeze %dma_start3A_242 : memref<1x80xi32, #tpu.memory_space<vmem>> -> memref<80xi32, #tpu.memory_space<vmem>>
      %dma_start3A_244 = arith.constant 0 : i32
      %dma_start3A_245 = arith.constant 0 : i32
      %dma_start3A_246 = tpu.memref_slice %arg6[%dma_start3A_244, %dma_start3A_245] : memref<10000x64xf32, #tpu.memory_space<hbm>> -> memref<10000x64xf32, #tpu.memory_space<hbm>>
      tpu.enqueue_indirect_dma source(%dma_start3A_246 : memref<10000x64xf32, #tpu.memory_space<hbm>>) target(%dma_start3A_240 : memref<80x64xf32, #tpu.memory_space<vmem>>) offsets(%dma_start3A_243 : memref<80xi32, #tpu.memory_space<vmem>>) semaphore(%arg16 : memref<!tpu.dma_semaphore, #tpu.memory_space<semaphore_mem>>)
      %parallel_loop3A_247 = arith.constant 0 : i32
      %parallel_loop3A_248 = arith.constant 80 : i32
      %parallel_loop3A_249 = arith.constant 1 : i32
      scf.for %parallel_loop3A_284 = %parallel_loop3A_247 to %parallel_loop3A_248 step %parallel_loop3A_249  : i32 {
        %parallel_loop3A_285 = tpu.iota {dimensions = array<i32: 0>} : vector<16xi32>
        %parallel_loop3A_286 = arith.constant 1 : i32
        %parallel_loop3A_287 = arith.index_cast %parallel_loop3A_286 : i32 to index
        %parallel_loop3A_288 = arith.index_cast %parallel_loop3A_284 : i32 to index
        %parallel_loop3A_289 = arith.constant 0 : index
        %parallel_loop3A_290 = tpu.vector_load %arg11[%parallel_loop3A_287, %parallel_loop3A_288, %parallel_loop3A_289] {strides = array<i32>} : memref<2x80x16xf32, #tpu.memory_space<vmem>>, vector<16xf32>,
        %parallel_loop3A_291 = arith.constant 1 : i32
        %parallel_loop3A_292 = arith.index_cast %parallel_loop3A_291 : i32 to index
        %parallel_loop3A_293 = arith.index_cast %parallel_loop3A_284 : i32 to index
        %parallel_loop3A_294 = arith.constant 0 : index
        %parallel_loop3A_295 = tpu.vector_load %arg12[%parallel_loop3A_292, %parallel_loop3A_293, %parallel_loop3A_294] {strides = array<i32>} : memref<2x80x16xf32, #tpu.memory_space<vmem>>, vector<16xf32>,
        %parallel_loop3A_296 = arith.addf %parallel_loop3A_290, %parallel_loop3A_295 : vector<16xf32>
        %parallel_loop3A_297 = arith.constant 0.000000e+00 : f32
        %parallel_loop3A_298 = vector.broadcast %parallel_loop3A_297 : f32 to vector<16xf32>
        %parallel_loop3A_299 = arith.cmpf oge, %parallel_loop3A_296, %parallel_loop3A_298 : vector<16xf32>
        %parallel_loop3A_300 = arith.constant 2.000000e-01 : f32
        %parallel_loop3A_301 = vector.broadcast %parallel_loop3A_300 : f32 to vector<16xf32>
        %parallel_loop3A_302 = arith.mulf %parallel_loop3A_296, %parallel_loop3A_301 : vector<16xf32>
        %parallel_loop3A_303 = arith.select %parallel_loop3A_299, %parallel_loop3A_296, %parallel_loop3A_302 : vector<16xi1>, vector<16xf32>
        %parallel_loop3A_304 = math.exp %parallel_loop3A_303 : vector<16xf32>
        %parallel_loop3A_305 = arith.constant 8 : i32
        %parallel_loop3A_306 = vector.broadcast %parallel_loop3A_305 : i32 to vector<16xi32>
        %parallel_loop3A_307 = arith.cmpi slt, %parallel_loop3A_285, %parallel_loop3A_306 : vector<16xi32>
        %parallel_loop3A_308 = arith.constant 0.000000e+00 : f32
        %parallel_loop3A_309 = vector.broadcast %parallel_loop3A_308 : f32 to vector<16xf32>
        %parallel_loop3A_310 = arith.select %parallel_loop3A_307, %parallel_loop3A_304, %parallel_loop3A_309 : vector<16xi1>, vector<16xf32>
        %parallel_loop3A_311 = arith.constant 1 : i32
        %parallel_loop3A_312 = arith.index_cast %parallel_loop3A_311 : i32 to index
        %parallel_loop3A_313 = arith.index_cast %parallel_loop3A_284 : i32 to index
        %parallel_loop3A_314 = arith.constant 64 : index
        %parallel_loop3A_315 = tpu.vector_load %arg14[%parallel_loop3A_312, %parallel_loop3A_313, %parallel_loop3A_314] {strides = array<i32>} : memref<2x80x80xf32, #tpu.memory_space<vmem>>, vector<16xf32>,
        tpu.vector_store %arg14[%parallel_loop3A_312, %parallel_loop3A_313, %parallel_loop3A_314], %parallel_loop3A_310 {strides = array<i32>} : memref<2x80x80xf32, #tpu.memory_space<vmem>>, vector<16xf32>,
        %parallel_loop3A_316 = arith.constant 8 : i32
        %parallel_loop3A_317 = vector.broadcast %parallel_loop3A_316 : i32 to vector<16xi32>
        %parallel_loop3A_318 = arith.divsi %parallel_loop3A_285, %parallel_loop3A_317 : vector<16xi32>
        %parallel_loop3A_319 = arith.constant 0 : i32
        %parallel_loop3A_320 = vector.broadcast %parallel_loop3A_319 : i32 to vector<16xi32>
        %parallel_loop3A_321 = arith.cmpi sgt, %parallel_loop3A_285, %parallel_loop3A_320 : vector<16xi32>
        %parallel_loop3A_322 = arith.extui %parallel_loop3A_321 : vector<16xi1> to vector<16xi32>
        %parallel_loop3A_323 = arith.constant 0 : i32
        %parallel_loop3A_324 = vector.broadcast %parallel_loop3A_323 : i32 to vector<16xi32>
        %parallel_loop3A_325 = arith.cmpi slt, %parallel_loop3A_285, %parallel_loop3A_324 : vector<16xi32>
        %parallel_loop3A_326 = arith.extui %parallel_loop3A_325 : vector<16xi1> to vector<16xi32>
        %parallel_loop3A_327 = arith.subi %parallel_loop3A_322, %parallel_loop3A_326 : vector<16xi32>
        %parallel_loop3A_328 = arith.constant 0 : i32
        %parallel_loop3A_329 = arith.cmpi sgt, %parallel_loop3A_316, %parallel_loop3A_328 : i32
        %parallel_loop3A_330 = arith.extui %parallel_loop3A_329 : i1 to i32
        %parallel_loop3A_331 = arith.constant 0 : i32
        %parallel_loop3A_332 = arith.cmpi slt, %parallel_loop3A_316, %parallel_loop3A_331 : i32
        %parallel_loop3A_333 = arith.extui %parallel_loop3A_332 : i1 to i32
        %parallel_loop3A_334 = arith.subi %parallel_loop3A_330, %parallel_loop3A_333 : i32
        %parallel_loop3A_335 = vector.broadcast %parallel_loop3A_334 : i32 to vector<16xi32>
        %parallel_loop3A_336 = arith.cmpi ne, %parallel_loop3A_327, %parallel_loop3A_335 : vector<16xi32>
        %parallel_loop3A_337 = vector.broadcast %parallel_loop3A_316 : i32 to vector<16xi32>
        %parallel_loop3A_338 = arith.remsi %parallel_loop3A_285, %parallel_loop3A_337 : vector<16xi32>
        %parallel_loop3A_339 = arith.constant 0 : i32
        %parallel_loop3A_340 = vector.broadcast %parallel_loop3A_339 : i32 to vector<16xi32>
        %parallel_loop3A_341 = arith.cmpi ne, %parallel_loop3A_338, %parallel_loop3A_340 : vector<16xi32>
        %parallel_loop3A_342 = arith.andi %parallel_loop3A_336, %parallel_loop3A_341 : vector<16xi1>
        %parallel_loop3A_343 = arith.constant 1 : i32
        %parallel_loop3A_344 = vector.broadcast %parallel_loop3A_343 : i32 to vector<16xi32>
        %parallel_loop3A_345 = arith.subi %parallel_loop3A_318, %parallel_loop3A_344 : vector<16xi32>
        %parallel_loop3A_346 = arith.select %parallel_loop3A_342, %parallel_loop3A_345, %parallel_loop3A_318 : vector<16xi1>, vector<16xi32>
        %parallel_loop3A_347 = arith.constant 0 : i32
        %parallel_loop3A_348 = vector.broadcast %parallel_loop3A_347 : i32 to vector<16xi32>
        %parallel_loop3A_349 = arith.addi %parallel_loop3A_346, %parallel_loop3A_348 : vector<16xi32>
        %parallel_loop3A_350 = vector.shape_cast %parallel_loop3A_349 : vector<16xi32> to vector<16x1xi32>
        %parallel_loop3A_351 = vector.shape_cast %parallel_loop3A_350 : vector<16x1xi32> to vector<16xi32>
        %parallel_loop3A_352 = tpu.dynamic_gather %parallel_loop3A_304[%parallel_loop3A_351] in [0] : vector<16xf32>, vector<16xi32> -> vector<16xf32>
        %parallel_loop3A_353 = arith.constant 1 : i32
        %parallel_loop3A_354 = arith.index_cast %parallel_loop3A_353 : i32 to index
        %parallel_loop3A_355 = arith.index_cast %parallel_loop3A_284 : i32 to index
        %parallel_loop3A_356 = arith.constant 0 : index
        %parallel_loop3A_357 = tpu.vector_load %arg13[%parallel_loop3A_354, %parallel_loop3A_355, %parallel_loop3A_356] {strides = array<i32>} : memref<2x80x64xf32, #tpu.memory_space<vmem>>, vector<16xf32>,
        %parallel_loop3A_358 = arith.mulf %parallel_loop3A_357, %parallel_loop3A_352 : vector<16xf32>
        %parallel_loop3A_359 = arith.constant 1 : i32
        %parallel_loop3A_360 = arith.index_cast %parallel_loop3A_359 : i32 to index
        %parallel_loop3A_361 = arith.index_cast %parallel_loop3A_284 : i32 to index
        %parallel_loop3A_362 = arith.constant 0 : index
        %parallel_loop3A_363 = tpu.vector_load %arg14[%parallel_loop3A_360, %parallel_loop3A_361, %parallel_loop3A_362] {strides = array<i32>} : memref<2x80x80xf32, #tpu.memory_space<vmem>>, vector<16xf32>,
        tpu.vector_store %arg14[%parallel_loop3A_360, %parallel_loop3A_361, %parallel_loop3A_362], %parallel_loop3A_358 {strides = array<i32>} : memref<2x80x80xf32, #tpu.memory_space<vmem>>, vector<16xf32>,
        %parallel_loop3A_364 = arith.constant 8 : i32
        %parallel_loop3A_365 = vector.broadcast %parallel_loop3A_364 : i32 to vector<16xi32>
        %parallel_loop3A_366 = arith.divsi %parallel_loop3A_285, %parallel_loop3A_365 : vector<16xi32>
        %parallel_loop3A_367 = arith.constant 0 : i32
        %parallel_loop3A_368 = vector.broadcast %parallel_loop3A_367 : i32 to vector<16xi32>
        %parallel_loop3A_369 = arith.cmpi sgt, %parallel_loop3A_285, %parallel_loop3A_368 : vector<16xi32>
        %parallel_loop3A_370 = arith.extui %parallel_loop3A_369 : vector<16xi1> to vector<16xi32>
        %parallel_loop3A_371 = arith.constant 0 : i32
        %parallel_loop3A_372 = vector.broadcast %parallel_loop3A_371 : i32 to vector<16xi32>
        %parallel_loop3A_373 = arith.cmpi slt, %parallel_loop3A_285, %parallel_loop3A_372 : vector<16xi32>
        %parallel_loop3A_374 = arith.extui %parallel_loop3A_373 : vector<16xi1> to vector<16xi32>
        %parallel_loop3A_375 = arith.subi %parallel_loop3A_370, %parallel_loop3A_374 : vector<16xi32>
        %parallel_loop3A_376 = arith.constant 0 : i32
        %parallel_loop3A_377 = arith.cmpi sgt, %parallel_loop3A_364, %parallel_loop3A_376 : i32
        %parallel_loop3A_378 = arith.extui %parallel_loop3A_377 : i1 to i32
        %parallel_loop3A_379 = arith.constant 0 : i32
        %parallel_loop3A_380 = arith.cmpi slt, %parallel_loop3A_364, %parallel_loop3A_379 : i32
        %parallel_loop3A_381 = arith.extui %parallel_loop3A_380 : i1 to i32
        %parallel_loop3A_382 = arith.subi %parallel_loop3A_378, %parallel_loop3A_381 : i32
        %parallel_loop3A_383 = vector.broadcast %parallel_loop3A_382 : i32 to vector<16xi32>
        %parallel_loop3A_384 = arith.cmpi ne, %parallel_loop3A_375, %parallel_loop3A_383 : vector<16xi32>
        %parallel_loop3A_385 = vector.broadcast %parallel_loop3A_364 : i32 to vector<16xi32>
        %parallel_loop3A_386 = arith.remsi %parallel_loop3A_285, %parallel_loop3A_385 : vector<16xi32>
        %parallel_loop3A_387 = arith.constant 0 : i32
        %parallel_loop3A_388 = vector.broadcast %parallel_loop3A_387 : i32 to vector<16xi32>
        %parallel_loop3A_389 = arith.cmpi ne, %parallel_loop3A_386, %parallel_loop3A_388 : vector<16xi32>
        %parallel_loop3A_390 = arith.andi %parallel_loop3A_384, %parallel_loop3A_389 : vector<16xi1>
        %parallel_loop3A_391 = arith.constant 1 : i32
        %parallel_loop3A_392 = vector.broadcast %parallel_loop3A_391 : i32 to vector<16xi32>
        %parallel_loop3A_393 = arith.subi %parallel_loop3A_366, %parallel_loop3A_392 : vector<16xi32>
        %parallel_loop3A_394 = arith.select %parallel_loop3A_390, %parallel_loop3A_393, %parallel_loop3A_366 : vector<16xi1>, vector<16xi32>
        %parallel_loop3A_395 = arith.constant 2 : i32
        %parallel_loop3A_396 = vector.broadcast %parallel_loop3A_395 : i32 to vector<16xi32>
        %parallel_loop3A_397 = arith.addi %parallel_loop3A_394, %parallel_loop3A_396 : vector<16xi32>
        %parallel_loop3A_398 = vector.shape_cast %parallel_loop3A_397 : vector<16xi32> to vector<16x1xi32>
        %parallel_loop3A_399 = vector.shape_cast %parallel_loop3A_398 : vector<16x1xi32> to vector<16xi32>
        %parallel_loop3A_400 = tpu.dynamic_gather %parallel_loop3A_304[%parallel_loop3A_399] in [0] : vector<16xf32>, vector<16xi32> -> vector<16xf32>
        %parallel_loop3A_401 = arith.constant 1 : i32
        %parallel_loop3A_402 = arith.index_cast %parallel_loop3A_401 : i32 to index
        %parallel_loop3A_403 = arith.index_cast %parallel_loop3A_284 : i32 to index
        %parallel_loop3A_404 = arith.constant 16 : index
        %parallel_loop3A_405 = tpu.vector_load %arg13[%parallel_loop3A_402, %parallel_loop3A_403, %parallel_loop3A_404] {strides = array<i32>} : memref<2x80x64xf32, #tpu.memory_space<vmem>>, vector<16xf32>,
        %parallel_loop3A_406 = arith.mulf %parallel_loop3A_405, %parallel_loop3A_400 : vector<16xf32>
        %parallel_loop3A_407 = arith.constant 1 : i32
        %parallel_loop3A_408 = arith.index_cast %parallel_loop3A_407 : i32 to index
        %parallel_loop3A_409 = arith.index_cast %parallel_loop3A_284 : i32 to index
        %parallel_loop3A_410 = arith.constant 16 : index
        %parallel_loop3A_411 = tpu.vector_load %arg14[%parallel_loop3A_408, %parallel_loop3A_409, %parallel_loop3A_410] {strides = array<i32>} : memref<2x80x80xf32, #tpu.memory_space<vmem>>, vector<16xf32>,
        tpu.vector_store %arg14[%parallel_loop3A_408, %parallel_loop3A_409, %parallel_loop3A_410], %parallel_loop3A_406 {strides = array<i32>} : memref<2x80x80xf32, #tpu.memory_space<vmem>>, vector<16xf32>,
        %parallel_loop3A_412 = arith.constant 8 : i32
        %parallel_loop3A_413 = vector.broadcast %parallel_loop3A_412 : i32 to vector<16xi32>
        %parallel_loop3A_414 = arith.divsi %parallel_loop3A_285, %parallel_loop3A_413 : vector<16xi32>
        %parallel_loop3A_415 = arith.constant 0 : i32
        %parallel_loop3A_416 = vector.broadcast %parallel_loop3A_415 : i32 to vector<16xi32>
        %parallel_loop3A_417 = arith.cmpi sgt, %parallel_loop3A_285, %parallel_loop3A_416 : vector<16xi32>
        %parallel_loop3A_418 = arith.extui %parallel_loop3A_417 : vector<16xi1> to vector<16xi32>
        %parallel_loop3A_419 = arith.constant 0 : i32
        %parallel_loop3A_420 = vector.broadcast %parallel_loop3A_419 : i32 to vector<16xi32>
        %parallel_loop3A_421 = arith.cmpi slt, %parallel_loop3A_285, %parallel_loop3A_420 : vector<16xi32>
        %parallel_loop3A_422 = arith.extui %parallel_loop3A_421 : vector<16xi1> to vector<16xi32>
        %parallel_loop3A_423 = arith.subi %parallel_loop3A_418, %parallel_loop3A_422 : vector<16xi32>
        %parallel_loop3A_424 = arith.constant 0 : i32
        %parallel_loop3A_425 = arith.cmpi sgt, %parallel_loop3A_412, %parallel_loop3A_424 : i32
        %parallel_loop3A_426 = arith.extui %parallel_loop3A_425 : i1 to i32
        %parallel_loop3A_427 = arith.constant 0 : i32
        %parallel_loop3A_428 = arith.cmpi slt, %parallel_loop3A_412, %parallel_loop3A_427 : i32
        %parallel_loop3A_429 = arith.extui %parallel_loop3A_428 : i1 to i32
        %parallel_loop3A_430 = arith.subi %parallel_loop3A_426, %parallel_loop3A_429 : i32
        %parallel_loop3A_431 = vector.broadcast %parallel_loop3A_430 : i32 to vector<16xi32>
        %parallel_loop3A_432 = arith.cmpi ne, %parallel_loop3A_423, %parallel_loop3A_431 : vector<16xi32>
        %parallel_loop3A_433 = vector.broadcast %parallel_loop3A_412 : i32 to vector<16xi32>
        %parallel_loop3A_434 = arith.remsi %parallel_loop3A_285, %parallel_loop3A_433 : vector<16xi32>
        %parallel_loop3A_435 = arith.constant 0 : i32
        %parallel_loop3A_436 = vector.broadcast %parallel_loop3A_435 : i32 to vector<16xi32>
        %parallel_loop3A_437 = arith.cmpi ne, %parallel_loop3A_434, %parallel_loop3A_436 : vector<16xi32>
        %parallel_loop3A_438 = arith.andi %parallel_loop3A_432, %parallel_loop3A_437 : vector<16xi1>
        %parallel_loop3A_439 = arith.constant 1 : i32
        %parallel_loop3A_440 = vector.broadcast %parallel_loop3A_439 : i32 to vector<16xi32>
        %parallel_loop3A_441 = arith.subi %parallel_loop3A_414, %parallel_loop3A_440 : vector<16xi32>
        %parallel_loop3A_442 = arith.select %parallel_loop3A_438, %parallel_loop3A_441, %parallel_loop3A_414 : vector<16xi1>, vector<16xi32>
        %parallel_loop3A_443 = arith.constant 4 : i32
        %parallel_loop3A_444 = vector.broadcast %parallel_loop3A_443 : i32 to vector<16xi32>
        %parallel_loop3A_445 = arith.addi %parallel_loop3A_442, %parallel_loop3A_444 : vector<16xi32>
        %parallel_loop3A_446 = vector.shape_cast %parallel_loop3A_445 : vector<16xi32> to vector<16x1xi32>
        %parallel_loop3A_447 = vector.shape_cast %parallel_loop3A_446 : vector<16x1xi32> to vector<16xi32>
        %parallel_loop3A_448 = tpu.dynamic_gather %parallel_loop3A_304[%parallel_loop3A_447] in [0] : vector<16xf32>, vector<16xi32> -> vector<16xf32>
        %parallel_loop3A_449 = arith.constant 1 : i32
        %parallel_loop3A_450 = arith.index_cast %parallel_loop3A_449 : i32 to index
        %parallel_loop3A_451 = arith.index_cast %parallel_loop3A_284 : i32 to index
        %parallel_loop3A_452 = arith.constant 32 : index
        %parallel_loop3A_453 = tpu.vector_load %arg13[%parallel_loop3A_450, %parallel_loop3A_451, %parallel_loop3A_452] {strides = array<i32>} : memref<2x80x64xf32, #tpu.memory_space<vmem>>, vector<16xf32>,
        %parallel_loop3A_454 = arith.mulf %parallel_loop3A_453, %parallel_loop3A_448 : vector<16xf32>
        %parallel_loop3A_455 = arith.constant 1 : i32
        %parallel_loop3A_456 = arith.index_cast %parallel_loop3A_455 : i32 to index
        %parallel_loop3A_457 = arith.index_cast %parallel_loop3A_284 : i32 to index
        %parallel_loop3A_458 = arith.constant 32 : index
        %parallel_loop3A_459 = tpu.vector_load %arg14[%parallel_loop3A_456, %parallel_loop3A_457, %parallel_loop3A_458] {strides = array<i32>} : memref<2x80x80xf32, #tpu.memory_space<vmem>>, vector<16xf32>,
        tpu.vector_store %arg14[%parallel_loop3A_456, %parallel_loop3A_457, %parallel_loop3A_458], %parallel_loop3A_454 {strides = array<i32>} : memref<2x80x80xf32, #tpu.memory_space<vmem>>, vector<16xf32>,
        %parallel_loop3A_460 = arith.constant 8 : i32
        %parallel_loop3A_461 = vector.broadcast %parallel_loop3A_460 : i32 to vector<16xi32>
        %parallel_loop3A_462 = arith.divsi %parallel_loop3A_285, %parallel_loop3A_461 : vector<16xi32>
        %parallel_loop3A_463 = arith.constant 0 : i32
        %parallel_loop3A_464 = vector.broadcast %parallel_loop3A_463 : i32 to vector<16xi32>
        %parallel_loop3A_465 = arith.cmpi sgt, %parallel_loop3A_285, %parallel_loop3A_464 : vector<16xi32>
        %parallel_loop3A_466 = arith.extui %parallel_loop3A_465 : vector<16xi1> to vector<16xi32>
        %parallel_loop3A_467 = arith.constant 0 : i32
        %parallel_loop3A_468 = vector.broadcast %parallel_loop3A_467 : i32 to vector<16xi32>
        %parallel_loop3A_469 = arith.cmpi slt, %parallel_loop3A_285, %parallel_loop3A_468 : vector<16xi32>
        %parallel_loop3A_470 = arith.extui %parallel_loop3A_469 : vector<16xi1> to vector<16xi32>
        %parallel_loop3A_471 = arith.subi %parallel_loop3A_466, %parallel_loop3A_470 : vector<16xi32>
        %parallel_loop3A_472 = arith.constant 0 : i32
        %parallel_loop3A_473 = arith.cmpi sgt, %parallel_loop3A_460, %parallel_loop3A_472 : i32
        %parallel_loop3A_474 = arith.extui %parallel_loop3A_473 : i1 to i32
        %parallel_loop3A_475 = arith.constant 0 : i32
        %parallel_loop3A_476 = arith.cmpi slt, %parallel_loop3A_460, %parallel_loop3A_475 : i32
        %parallel_loop3A_477 = arith.extui %parallel_loop3A_476 : i1 to i32
        %parallel_loop3A_478 = arith.subi %parallel_loop3A_474, %parallel_loop3A_477 : i32
        %parallel_loop3A_479 = vector.broadcast %parallel_loop3A_478 : i32 to vector<16xi32>
        %parallel_loop3A_480 = arith.cmpi ne, %parallel_loop3A_471, %parallel_loop3A_479 : vector<16xi32>
        %parallel_loop3A_481 = vector.broadcast %parallel_loop3A_460 : i32 to vector<16xi32>
        %parallel_loop3A_482 = arith.remsi %parallel_loop3A_285, %parallel_loop3A_481 : vector<16xi32>
        %parallel_loop3A_483 = arith.constant 0 : i32
        %parallel_loop3A_484 = vector.broadcast %parallel_loop3A_483 : i32 to vector<16xi32>
        %parallel_loop3A_485 = arith.cmpi ne, %parallel_loop3A_482, %parallel_loop3A_484 : vector<16xi32>
        %parallel_loop3A_486 = arith.andi %parallel_loop3A_480, %parallel_loop3A_485 : vector<16xi1>
        %parallel_loop3A_487 = arith.constant 1 : i32
        %parallel_loop3A_488 = vector.broadcast %parallel_loop3A_487 : i32 to vector<16xi32>
        %parallel_loop3A_489 = arith.subi %parallel_loop3A_462, %parallel_loop3A_488 : vector<16xi32>
        %parallel_loop3A_490 = arith.select %parallel_loop3A_486, %parallel_loop3A_489, %parallel_loop3A_462 : vector<16xi1>, vector<16xi32>
        %parallel_loop3A_491 = arith.constant 6 : i32
        %parallel_loop3A_492 = vector.broadcast %parallel_loop3A_491 : i32 to vector<16xi32>
        %parallel_loop3A_493 = arith.addi %parallel_loop3A_490, %parallel_loop3A_492 : vector<16xi32>
        %parallel_loop3A_494 = vector.shape_cast %parallel_loop3A_493 : vector<16xi32> to vector<16x1xi32>
        %parallel_loop3A_495 = vector.shape_cast %parallel_loop3A_494 : vector<16x1xi32> to vector<16xi32>
        %parallel_loop3A_496 = tpu.dynamic_gather %parallel_loop3A_304[%parallel_loop3A_495] in [0] : vector<16xf32>, vector<16xi32> -> vector<16xf32>
        %parallel_loop3A_497 = arith.constant 1 : i32
        %parallel_loop3A_498 = arith.index_cast %parallel_loop3A_497 : i32 to index
        %parallel_loop3A_499 = arith.index_cast %parallel_loop3A_284 : i32 to index
        %parallel_loop3A_500 = arith.constant 48 : index
        %parallel_loop3A_501 = tpu.vector_load %arg13[%parallel_loop3A_498, %parallel_loop3A_499, %parallel_loop3A_500] {strides = array<i32>} : memref<2x80x64xf32, #tpu.memory_space<vmem>>, vector<16xf32>,
        %parallel_loop3A_502 = arith.mulf %parallel_loop3A_501, %parallel_loop3A_496 : vector<16xf32>
        %parallel_loop3A_503 = arith.constant 1 : i32
        %parallel_loop3A_504 = arith.index_cast %parallel_loop3A_503 : i32 to index
        %parallel_loop3A_505 = arith.index_cast %parallel_loop3A_284 : i32 to index
        %parallel_loop3A_506 = arith.constant 48 : index
        %parallel_loop3A_507 = tpu.vector_load %arg14[%parallel_loop3A_504, %parallel_loop3A_505, %parallel_loop3A_506] {strides = array<i32>} : memref<2x80x80xf32, #tpu.memory_space<vmem>>, vector<16xf32>,
        tpu.vector_store %arg14[%parallel_loop3A_504, %parallel_loop3A_505, %parallel_loop3A_506], %parallel_loop3A_502 {strides = array<i32>} : memref<2x80x80xf32, #tpu.memory_space<vmem>>, vector<16xf32>,
      } {sc.loop_unroll_factor = 4 : i64, sc.parallel_access}
      %dma_start3A_250 = arith.constant 1 : i32
      %dma_start3A_251 = arith.constant 0 : i32
      %dma_start3A_252 = arith.constant 0 : i32
      %dma_start3A_253 = tpu.memref_slice %arg14[%dma_start3A_250, %dma_start3A_251, %dma_start3A_252] : memref<2x80x80xf32, #tpu.memory_space<vmem>> -> memref<1x80x80xf32, #tpu.memory_space<vmem>>
      %dma_start3A_254 = tpu.memref_squeeze %dma_start3A_253 : memref<1x80x80xf32, #tpu.memory_space<vmem>> -> memref<80x80xf32, #tpu.memory_space<vmem>>
      %dma_start3A_255 = arith.constant 0 : i32
      %dma_start3A_256 = tpu.memref_slice %arg10[%add3A_92, %dma_start3A_255] : memref<125x80xi32, #tpu.memory_space<vmem>> -> memref<1x80xi32, #tpu.memory_space<vmem>>
      %dma_start3A_257 = tpu.memref_squeeze %dma_start3A_256 : memref<1x80xi32, #tpu.memory_space<vmem>> -> memref<80xi32, #tpu.memory_space<vmem>>
      %dma_start3A_258 = arith.constant 0 : i32
      %dma_start3A_259 = arith.constant 0 : i32
      %dma_start3A_260 = tpu.memref_slice %arg15[%dma_start3A_258, %dma_start3A_259] : memref<10240x80xf32, #tpu.memory_space<vmem_shared>> -> memref<10240x80xf32, #tpu.memory_space<vmem_shared>>
      tpu.enqueue_indirect_dma source(%dma_start3A_254 : memref<80x80xf32, #tpu.memory_space<vmem>>) target(%dma_start3A_260 : memref<10240x80xf32, #tpu.memory_space<vmem_shared>>) offsets(%dma_start3A_257 : memref<80xi32, #tpu.memory_space<vmem>>) semaphore(%arg19 : memref<!tpu.dma_semaphore, #tpu.memory_space<semaphore_mem>>) {add = true}
      %dma_wait3A_261 = arith.constant 0 : i32
      %dma_wait3A_262 = arith.constant 0 : i32
      %dma_wait3A_263 = arith.constant 0 : i32
      %dma_wait3A_264 = tpu.memref_slice %arg14[%dma_wait3A_261, %dma_wait3A_262, %dma_wait3A_263] : memref<2x80x80xf32, #tpu.memory_space<vmem>> -> memref<1x80x80xf32, #tpu.memory_space<vmem>>
      %dma_wait3A_265 = tpu.memref_squeeze %dma_wait3A_264 : memref<1x80x80xf32, #tpu.memory_space<vmem>> -> memref<80x80xf32, #tpu.memory_space<vmem>>
      %dma_wait3A_266 = arith.constant 0 : i32
      %dma_wait3A_267 = tpu.memref_slice %arg10[%mul3A_90, %dma_wait3A_266] : memref<125x80xi32, #tpu.memory_space<vmem>> -> memref<1x80xi32, #tpu.memory_space<vmem>>
      %dma_wait3A_268 = tpu.memref_squeeze %dma_wait3A_267 : memref<1x80xi32, #tpu.memory_space<vmem>> -> memref<80xi32, #tpu.memory_space<vmem>>
      %dma_wait3A_269 = arith.constant 0 : i32
      %dma_wait3A_270 = arith.constant 0 : i32
      %dma_wait3A_271 = tpu.memref_slice %arg15[%dma_wait3A_269, %dma_wait3A_270] : memref<10240x80xf32, #tpu.memory_space<vmem_shared>> -> memref<10240x80xf32, #tpu.memory_space<vmem_shared>>
      tpu.wait_indirect_dma semaphore(%arg18 : memref<!tpu.dma_semaphore, #tpu.memory_space<semaphore_mem>>) src(%dma_wait3A_265 : memref<80x80xf32, #tpu.memory_space<vmem>>) dst(%dma_wait3A_271 : memref<10240x80xf32, #tpu.memory_space<vmem_shared>>)
      %dma_wait3A_272 = arith.constant 1 : i32
      %dma_wait3A_273 = arith.constant 0 : i32
      %dma_wait3A_274 = arith.constant 0 : i32
      %dma_wait3A_275 = tpu.memref_slice %arg14[%dma_wait3A_272, %dma_wait3A_273, %dma_wait3A_274] : memref<2x80x80xf32, #tpu.memory_space<vmem>> -> memref<1x80x80xf32, #tpu.memory_space<vmem>>
      %dma_wait3A_276 = tpu.memref_squeeze %dma_wait3A_275 : memref<1x80x80xf32, #tpu.memory_space<vmem>> -> memref<80x80xf32, #tpu.memory_space<vmem>>
      %dma_wait3A_277 = arith.constant 0 : i32
      %dma_wait3A_278 = tpu.memref_slice %arg10[%add3A_92, %dma_wait3A_277] : memref<125x80xi32, #tpu.memory_space<vmem>> -> memref<1x80xi32, #tpu.memory_space<vmem>>
      %dma_wait3A_279 = tpu.memref_squeeze %dma_wait3A_278 : memref<1x80xi32, #tpu.memory_space<vmem>> -> memref<80xi32, #tpu.memory_space<vmem>>
      %dma_wait3A_280 = arith.constant 0 : i32
      %dma_wait3A_281 = arith.constant 0 : i32
      %dma_wait3A_282 = tpu.memref_slice %arg15[%dma_wait3A_280, %dma_wait3A_281] : memref<10240x80xf32, #tpu.memory_space<vmem_shared>> -> memref<10240x80xf32, #tpu.memory_space<vmem_shared>>
      tpu.wait_indirect_dma semaphore(%arg19 : memref<!tpu.dma_semaphore, #tpu.memory_space<semaphore_mem>>) src(%dma_wait3A_276 : memref<80x80xf32, #tpu.memory_space<vmem>>) dst(%dma_wait3A_282 : memref<10240x80xf32, #tpu.memory_space<vmem_shared>>)
      %scan3A_283 = arith.constant 0 : i32
      scf.yield %scan3A_283 : i32
    }
    %scan3A_43 = arith.constant 62 : i32
    %dma_wait3A = arith.constant 0 : i32
    %dma_wait3A_44 = arith.constant 0 : i32
    %dma_wait3A_45 = arith.constant 0 : i32
    %dma_wait3A_46 = arith.constant 0 : i32
    %dma_wait3A_47 = tpu.memref_slice %arg11[%dma_wait3A_44, %dma_wait3A_45, %dma_wait3A_46] : memref<2x80x16xf32, #tpu.memory_space<vmem>> -> memref<1x80x16xf32, #tpu.memory_space<vmem>>
    %dma_wait3A_48 = tpu.memref_squeeze %dma_wait3A_47 : memref<1x80x16xf32, #tpu.memory_space<vmem>> -> memref<80x16xf32, #tpu.memory_space<vmem>>
    %dma_wait3A_49 = arith.constant 0 : i32
    %dma_wait3A_50 = tpu.memref_slice %arg9[%dma_wait3A, %dma_wait3A_49] : memref<125x80xi32, #tpu.memory_space<vmem>> -> memref<1x80xi32, #tpu.memory_space<vmem>>
    %dma_wait3A_51 = tpu.memref_squeeze %dma_wait3A_50 : memref<1x80xi32, #tpu.memory_space<vmem>> -> memref<80xi32, #tpu.memory_space<vmem>>
    %dma_wait3A_52 = arith.constant 0 : i32
    %dma_wait3A_53 = arith.constant 0 : i32
    %dma_wait3A_54 = tpu.memref_slice %arg4[%dma_wait3A_52, %dma_wait3A_53] : memref<10000x16xf32, #tpu.memory_space<hbm>> -> memref<10000x16xf32, #tpu.memory_space<hbm>>
    tpu.wait_indirect_dma semaphore(%arg16 : memref<!tpu.dma_semaphore, #tpu.memory_space<semaphore_mem>>) src(%dma_wait3A_54 : memref<10000x16xf32, #tpu.memory_space<hbm>>) dst(%dma_wait3A_48 : memref<80x16xf32, #tpu.memory_space<vmem>>)
    %dma_wait3A_55 = arith.constant 0 : i32
    %dma_wait3A_56 = arith.constant 0 : i32
    %dma_wait3A_57 = arith.constant 0 : i32
    %dma_wait3A_58 = arith.constant 0 : i32
    %dma_wait3A_59 = tpu.memref_slice %arg12[%dma_wait3A_56, %dma_wait3A_57, %dma_wait3A_58] : memref<2x80x16xf32, #tpu.memory_space<vmem>> -> memref<1x80x16xf32, #tpu.memory_space<vmem>>
    %dma_wait3A_60 = tpu.memref_squeeze %dma_wait3A_59 : memref<1x80x16xf32, #tpu.memory_space<vmem>> -> memref<80x16xf32, #tpu.memory_space<vmem>>
    %dma_wait3A_61 = arith.constant 0 : i32
    %dma_wait3A_62 = tpu.memref_slice %arg10[%dma_wait3A_55, %dma_wait3A_61] : memref<125x80xi32, #tpu.memory_space<vmem>> -> memref<1x80xi32, #tpu.memory_space<vmem>>
    %dma_wait3A_63 = tpu.memref_squeeze %dma_wait3A_62 : memref<1x80xi32, #tpu.memory_space<vmem>> -> memref<80xi32, #tpu.memory_space<vmem>>
    %dma_wait3A_64 = arith.constant 0 : i32
    %dma_wait3A_65 = arith.constant 0 : i32
    %dma_wait3A_66 = tpu.memref_slice %arg5[%dma_wait3A_64, %dma_wait3A_65] : memref<10000x16xf32, #tpu.memory_space<hbm>> -> memref<10000x16xf32, #tpu.memory_space<hbm>>
    tpu.wait_indirect_dma semaphore(%arg16 : memref<!tpu.dma_semaphore, #tpu.memory_space<semaphore_mem>>) src(%dma_wait3A_66 : memref<10000x16xf32, #tpu.memory_space<hbm>>) dst(%dma_wait3A_60 : memref<80x16xf32, #tpu.memory_space<vmem>>)
    %dma_wait3A_67 = arith.constant 0 : i32
    %dma_wait3A_68 = arith.constant 0 : i32
    %dma_wait3A_69 = arith.constant 0 : i32
    %dma_wait3A_70 = arith.constant 0 : i32
    %dma_wait3A_71 = tpu.memref_slice %arg13[%dma_wait3A_68, %dma_wait3A_69, %dma_wait3A_70] : memref<2x80x64xf32, #tpu.memory_space<vmem>> -> memref<1x80x64xf32, #tpu.memory_space<vmem>>
    %dma_wait3A_72 = tpu.memref_squeeze %dma_wait3A_71 : memref<1x80x64xf32, #tpu.memory_space<vmem>> -> memref<80x64xf32, #tpu.memory_space<vmem>>
    %dma_wait3A_73 = arith.constant 0 : i32
    %dma_wait3A_74 = tpu.memref_slice %arg9[%dma_wait3A_67, %dma_wait3A_73] : memref<125x80xi32, #tpu.memory_space<vmem>> -> memref<1x80xi32, #tpu.memory_space<vmem>>
    %dma_wait3A_75 = tpu.memref_squeeze %dma_wait3A_74 : memref<1x80xi32, #tpu.memory_space<vmem>> -> memref<80xi32, #tpu.memory_space<vmem>>
    %dma_wait3A_76 = arith.constant 0 : i32
    %dma_wait3A_77 = arith.constant 0 : i32
    %dma_wait3A_78 = tpu.memref_slice %arg6[%dma_wait3A_76, %dma_wait3A_77] : memref<10000x64xf32, #tpu.memory_space<hbm>> -> memref<10000x64xf32, #tpu.memory_space<hbm>>
    tpu.wait_indirect_dma semaphore(%arg16 : memref<!tpu.dma_semaphore, #tpu.memory_space<semaphore_mem>>) src(%dma_wait3A_78 : memref<10000x64xf32, #tpu.memory_space<hbm>>) dst(%dma_wait3A_72 : memref<80x64xf32, #tpu.memory_space<vmem>>)
    %parallel_loop3A = arith.constant 0 : i32
    %parallel_loop3A_79 = arith.constant 80 : i32
    %parallel_loop3A_80 = arith.constant 1 : i32
    scf.for %parallel_loop3A_87 = %parallel_loop3A to %parallel_loop3A_79 step %parallel_loop3A_80  : i32 {
      %parallel_loop3A_88 = tpu.iota {dimensions = array<i32: 0>} : vector<16xi32>
      %parallel_loop3A_89 = arith.constant 0 : i32
      %parallel_loop3A_90 = arith.index_cast %parallel_loop3A_89 : i32 to index
      %parallel_loop3A_91 = arith.index_cast %parallel_loop3A_87 : i32 to index
      %parallel_loop3A_92 = arith.constant 0 : index
      %parallel_loop3A_93 = tpu.vector_load %arg11[%parallel_loop3A_90, %parallel_loop3A_91, %parallel_loop3A_92] {strides = array<i32>} : memref<2x80x16xf32, #tpu.memory_space<vmem>>, vector<16xf32>,
      %parallel_loop3A_94 = arith.constant 0 : i32
      %parallel_loop3A_95 = arith.index_cast %parallel_loop3A_94 : i32 to index
      %parallel_loop3A_96 = arith.index_cast %parallel_loop3A_87 : i32 to index
      %parallel_loop3A_97 = arith.constant 0 : index
      %parallel_loop3A_98 = tpu.vector_load %arg12[%parallel_loop3A_95, %parallel_loop3A_96, %parallel_loop3A_97] {strides = array<i32>} : memref<2x80x16xf32, #tpu.memory_space<vmem>>, vector<16xf32>,
      %parallel_loop3A_99 = arith.addf %parallel_loop3A_93, %parallel_loop3A_98 : vector<16xf32>
      %parallel_loop3A_100 = arith.constant 0.000000e+00 : f32
      %parallel_loop3A_101 = vector.broadcast %parallel_loop3A_100 : f32 to vector<16xf32>
      %parallel_loop3A_102 = arith.cmpf oge, %parallel_loop3A_99, %parallel_loop3A_101 : vector<16xf32>
      %parallel_loop3A_103 = arith.constant 2.000000e-01 : f32
      %parallel_loop3A_104 = vector.broadcast %parallel_loop3A_103 : f32 to vector<16xf32>
      %parallel_loop3A_105 = arith.mulf %parallel_loop3A_99, %parallel_loop3A_104 : vector<16xf32>
      %parallel_loop3A_106 = arith.select %parallel_loop3A_102, %parallel_loop3A_99, %parallel_loop3A_105 : vector<16xi1>, vector<16xf32>
      %parallel_loop3A_107 = math.exp %parallel_loop3A_106 : vector<16xf32>
      %parallel_loop3A_108 = arith.constant 8 : i32
      %parallel_loop3A_109 = vector.broadcast %parallel_loop3A_108 : i32 to vector<16xi32>
      %parallel_loop3A_110 = arith.cmpi slt, %parallel_loop3A_88, %parallel_loop3A_109 : vector<16xi32>
      %parallel_loop3A_111 = arith.constant 0.000000e+00 : f32
      %parallel_loop3A_112 = vector.broadcast %parallel_loop3A_111 : f32 to vector<16xf32>
      %parallel_loop3A_113 = arith.select %parallel_loop3A_110, %parallel_loop3A_107, %parallel_loop3A_112 : vector<16xi1>, vector<16xf32>
      %parallel_loop3A_114 = arith.constant 0 : i32
      %parallel_loop3A_115 = arith.index_cast %parallel_loop3A_114 : i32 to index
      %parallel_loop3A_116 = arith.index_cast %parallel_loop3A_87 : i32 to index
      %parallel_loop3A_117 = arith.constant 64 : index
      %parallel_loop3A_118 = tpu.vector_load %arg14[%parallel_loop3A_115, %parallel_loop3A_116, %parallel_loop3A_117] {strides = array<i32>} : memref<2x80x80xf32, #tpu.memory_space<vmem>>, vector<16xf32>,
      tpu.vector_store %arg14[%parallel_loop3A_115, %parallel_loop3A_116, %parallel_loop3A_117], %parallel_loop3A_113 {strides = array<i32>} : memref<2x80x80xf32, #tpu.memory_space<vmem>>, vector<16xf32>,
      %parallel_loop3A_119 = arith.constant 8 : i32
      %parallel_loop3A_120 = vector.broadcast %parallel_loop3A_119 : i32 to vector<16xi32>
      %parallel_loop3A_121 = arith.divsi %parallel_loop3A_88, %parallel_loop3A_120 : vector<16xi32>
      %parallel_loop3A_122 = arith.constant 0 : i32
      %parallel_loop3A_123 = vector.broadcast %parallel_loop3A_122 : i32 to vector<16xi32>
      %parallel_loop3A_124 = arith.cmpi sgt, %parallel_loop3A_88, %parallel_loop3A_123 : vector<16xi32>
      %parallel_loop3A_125 = arith.extui %parallel_loop3A_124 : vector<16xi1> to vector<16xi32>
      %parallel_loop3A_126 = arith.constant 0 : i32
      %parallel_loop3A_127 = vector.broadcast %parallel_loop3A_126 : i32 to vector<16xi32>
      %parallel_loop3A_128 = arith.cmpi slt, %parallel_loop3A_88, %parallel_loop3A_127 : vector<16xi32>
      %parallel_loop3A_129 = arith.extui %parallel_loop3A_128 : vector<16xi1> to vector<16xi32>
      %parallel_loop3A_130 = arith.subi %parallel_loop3A_125, %parallel_loop3A_129 : vector<16xi32>
      %parallel_loop3A_131 = arith.constant 0 : i32
      %parallel_loop3A_132 = arith.cmpi sgt, %parallel_loop3A_119, %parallel_loop3A_131 : i32
      %parallel_loop3A_133 = arith.extui %parallel_loop3A_132 : i1 to i32
      %parallel_loop3A_134 = arith.constant 0 : i32
      %parallel_loop3A_135 = arith.cmpi slt, %parallel_loop3A_119, %parallel_loop3A_134 : i32
      %parallel_loop3A_136 = arith.extui %parallel_loop3A_135 : i1 to i32
      %parallel_loop3A_137 = arith.subi %parallel_loop3A_133, %parallel_loop3A_136 : i32
      %parallel_loop3A_138 = vector.broadcast %parallel_loop3A_137 : i32 to vector<16xi32>
      %parallel_loop3A_139 = arith.cmpi ne, %parallel_loop3A_130, %parallel_loop3A_138 : vector<16xi32>
      %parallel_loop3A_140 = vector.broadcast %parallel_loop3A_119 : i32 to vector<16xi32>
      %parallel_loop3A_141 = arith.remsi %parallel_loop3A_88, %parallel_loop3A_140 : vector<16xi32>
      %parallel_loop3A_142 = arith.constant 0 : i32
      %parallel_loop3A_143 = vector.broadcast %parallel_loop3A_142 : i32 to vector<16xi32>
      %parallel_loop3A_144 = arith.cmpi ne, %parallel_loop3A_141, %parallel_loop3A_143 : vector<16xi32>
      %parallel_loop3A_145 = arith.andi %parallel_loop3A_139, %parallel_loop3A_144 : vector<16xi1>
      %parallel_loop3A_146 = arith.constant 1 : i32
      %parallel_loop3A_147 = vector.broadcast %parallel_loop3A_146 : i32 to vector<16xi32>
      %parallel_loop3A_148 = arith.subi %parallel_loop3A_121, %parallel_loop3A_147 : vector<16xi32>
      %parallel_loop3A_149 = arith.select %parallel_loop3A_145, %parallel_loop3A_148, %parallel_loop3A_121 : vector<16xi1>, vector<16xi32>
      %parallel_loop3A_150 = arith.constant 0 : i32
      %parallel_loop3A_151 = vector.broadcast %parallel_loop3A_150 : i32 to vector<16xi32>
      %parallel_loop3A_152 = arith.addi %parallel_loop3A_149, %parallel_loop3A_151 : vector<16xi32>
      %parallel_loop3A_153 = vector.shape_cast %parallel_loop3A_152 : vector<16xi32> to vector<16x1xi32>
      %parallel_loop3A_154 = vector.shape_cast %parallel_loop3A_153 : vector<16x1xi32> to vector<16xi32>
      %parallel_loop3A_155 = tpu.dynamic_gather %parallel_loop3A_107[%parallel_loop3A_154] in [0] : vector<16xf32>, vector<16xi32> -> vector<16xf32>
      %parallel_loop3A_156 = arith.constant 0 : i32
      %parallel_loop3A_157 = arith.index_cast %parallel_loop3A_156 : i32 to index
      %parallel_loop3A_158 = arith.index_cast %parallel_loop3A_87 : i32 to index
      %parallel_loop3A_159 = arith.constant 0 : index
      %parallel_loop3A_160 = tpu.vector_load %arg13[%parallel_loop3A_157, %parallel_loop3A_158, %parallel_loop3A_159] {strides = array<i32>} : memref<2x80x64xf32, #tpu.memory_space<vmem>>, vector<16xf32>,
      %parallel_loop3A_161 = arith.mulf %parallel_loop3A_160, %parallel_loop3A_155 : vector<16xf32>
      %parallel_loop3A_162 = arith.constant 0 : i32
      %parallel_loop3A_163 = arith.index_cast %parallel_loop3A_162 : i32 to index
      %parallel_loop3A_164 = arith.index_cast %parallel_loop3A_87 : i32 to index
      %parallel_loop3A_165 = arith.constant 0 : index
      %parallel_loop3A_166 = tpu.vector_load %arg14[%parallel_loop3A_163, %parallel_loop3A_164, %parallel_loop3A_165] {strides = array<i32>} : memref<2x80x80xf32, #tpu.memory_space<vmem>>, vector<16xf32>,
      tpu.vector_store %arg14[%parallel_loop3A_163, %parallel_loop3A_164, %parallel_loop3A_165], %parallel_loop3A_161 {strides = array<i32>} : memref<2x80x80xf32, #tpu.memory_space<vmem>>, vector<16xf32>,
      %parallel_loop3A_167 = arith.constant 8 : i32
      %parallel_loop3A_168 = vector.broadcast %parallel_loop3A_167 : i32 to vector<16xi32>
      %parallel_loop3A_169 = arith.divsi %parallel_loop3A_88, %parallel_loop3A_168 : vector<16xi32>
      %parallel_loop3A_170 = arith.constant 0 : i32
      %parallel_loop3A_171 = vector.broadcast %parallel_loop3A_170 : i32 to vector<16xi32>
      %parallel_loop3A_172 = arith.cmpi sgt, %parallel_loop3A_88, %parallel_loop3A_171 : vector<16xi32>
      %parallel_loop3A_173 = arith.extui %parallel_loop3A_172 : vector<16xi1> to vector<16xi32>
      %parallel_loop3A_174 = arith.constant 0 : i32
      %parallel_loop3A_175 = vector.broadcast %parallel_loop3A_174 : i32 to vector<16xi32>
      %parallel_loop3A_176 = arith.cmpi slt, %parallel_loop3A_88, %parallel_loop3A_175 : vector<16xi32>
      %parallel_loop3A_177 = arith.extui %parallel_loop3A_176 : vector<16xi1> to vector<16xi32>
      %parallel_loop3A_178 = arith.subi %parallel_loop3A_173, %parallel_loop3A_177 : vector<16xi32>
      %parallel_loop3A_179 = arith.constant 0 : i32
      %parallel_loop3A_180 = arith.cmpi sgt, %parallel_loop3A_167, %parallel_loop3A_179 : i32
      %parallel_loop3A_181 = arith.extui %parallel_loop3A_180 : i1 to i32
      %parallel_loop3A_182 = arith.constant 0 : i32
      %parallel_loop3A_183 = arith.cmpi slt, %parallel_loop3A_167, %parallel_loop3A_182 : i32
      %parallel_loop3A_184 = arith.extui %parallel_loop3A_183 : i1 to i32
      %parallel_loop3A_185 = arith.subi %parallel_loop3A_181, %parallel_loop3A_184 : i32
      %parallel_loop3A_186 = vector.broadcast %parallel_loop3A_185 : i32 to vector<16xi32>
      %parallel_loop3A_187 = arith.cmpi ne, %parallel_loop3A_178, %parallel_loop3A_186 : vector<16xi32>
      %parallel_loop3A_188 = vector.broadcast %parallel_loop3A_167 : i32 to vector<16xi32>
      %parallel_loop3A_189 = arith.remsi %parallel_loop3A_88, %parallel_loop3A_188 : vector<16xi32>
      %parallel_loop3A_190 = arith.constant 0 : i32
      %parallel_loop3A_191 = vector.broadcast %parallel_loop3A_190 : i32 to vector<16xi32>
      %parallel_loop3A_192 = arith.cmpi ne, %parallel_loop3A_189, %parallel_loop3A_191 : vector<16xi32>
      %parallel_loop3A_193 = arith.andi %parallel_loop3A_187, %parallel_loop3A_192 : vector<16xi1>
      %parallel_loop3A_194 = arith.constant 1 : i32
      %parallel_loop3A_195 = vector.broadcast %parallel_loop3A_194 : i32 to vector<16xi32>
      %parallel_loop3A_196 = arith.subi %parallel_loop3A_169, %parallel_loop3A_195 : vector<16xi32>
      %parallel_loop3A_197 = arith.select %parallel_loop3A_193, %parallel_loop3A_196, %parallel_loop3A_169 : vector<16xi1>, vector<16xi32>
      %parallel_loop3A_198 = arith.constant 2 : i32
      %parallel_loop3A_199 = vector.broadcast %parallel_loop3A_198 : i32 to vector<16xi32>
      %parallel_loop3A_200 = arith.addi %parallel_loop3A_197, %parallel_loop3A_199 : vector<16xi32>
      %parallel_loop3A_201 = vector.shape_cast %parallel_loop3A_200 : vector<16xi32> to vector<16x1xi32>
      %parallel_loop3A_202 = vector.shape_cast %parallel_loop3A_201 : vector<16x1xi32> to vector<16xi32>
      %parallel_loop3A_203 = tpu.dynamic_gather %parallel_loop3A_107[%parallel_loop3A_202] in [0] : vector<16xf32>, vector<16xi32> -> vector<16xf32>
      %parallel_loop3A_204 = arith.constant 0 : i32
      %parallel_loop3A_205 = arith.index_cast %parallel_loop3A_204 : i32 to index
      %parallel_loop3A_206 = arith.index_cast %parallel_loop3A_87 : i32 to index
      %parallel_loop3A_207 = arith.constant 16 : index
      %parallel_loop3A_208 = tpu.vector_load %arg13[%parallel_loop3A_205, %parallel_loop3A_206, %parallel_loop3A_207] {strides = array<i32>} : memref<2x80x64xf32, #tpu.memory_space<vmem>>, vector<16xf32>,
      %parallel_loop3A_209 = arith.mulf %parallel_loop3A_208, %parallel_loop3A_203 : vector<16xf32>
      %parallel_loop3A_210 = arith.constant 0 : i32
      %parallel_loop3A_211 = arith.index_cast %parallel_loop3A_210 : i32 to index
      %parallel_loop3A_212 = arith.index_cast %parallel_loop3A_87 : i32 to index
      %parallel_loop3A_213 = arith.constant 16 : index
      %parallel_loop3A_214 = tpu.vector_load %arg14[%parallel_loop3A_211, %parallel_loop3A_212, %parallel_loop3A_213] {strides = array<i32>} : memref<2x80x80xf32, #tpu.memory_space<vmem>>, vector<16xf32>,
      tpu.vector_store %arg14[%parallel_loop3A_211, %parallel_loop3A_212, %parallel_loop3A_213], %parallel_loop3A_209 {strides = array<i32>} : memref<2x80x80xf32, #tpu.memory_space<vmem>>, vector<16xf32>,
      %parallel_loop3A_215 = arith.constant 8 : i32
      %parallel_loop3A_216 = vector.broadcast %parallel_loop3A_215 : i32 to vector<16xi32>
      %parallel_loop3A_217 = arith.divsi %parallel_loop3A_88, %parallel_loop3A_216 : vector<16xi32>
      %parallel_loop3A_218 = arith.constant 0 : i32
      %parallel_loop3A_219 = vector.broadcast %parallel_loop3A_218 : i32 to vector<16xi32>
      %parallel_loop3A_220 = arith.cmpi sgt, %parallel_loop3A_88, %parallel_loop3A_219 : vector<16xi32>
      %parallel_loop3A_221 = arith.extui %parallel_loop3A_220 : vector<16xi1> to vector<16xi32>
      %parallel_loop3A_222 = arith.constant 0 : i32
      %parallel_loop3A_223 = vector.broadcast %parallel_loop3A_222 : i32 to vector<16xi32>
      %parallel_loop3A_224 = arith.cmpi slt, %parallel_loop3A_88, %parallel_loop3A_223 : vector<16xi32>
      %parallel_loop3A_225 = arith.extui %parallel_loop3A_224 : vector<16xi1> to vector<16xi32>
      %parallel_loop3A_226 = arith.subi %parallel_loop3A_221, %parallel_loop3A_225 : vector<16xi32>
      %parallel_loop3A_227 = arith.constant 0 : i32
      %parallel_loop3A_228 = arith.cmpi sgt, %parallel_loop3A_215, %parallel_loop3A_227 : i32
      %parallel_loop3A_229 = arith.extui %parallel_loop3A_228 : i1 to i32
      %parallel_loop3A_230 = arith.constant 0 : i32
      %parallel_loop3A_231 = arith.cmpi slt, %parallel_loop3A_215, %parallel_loop3A_230 : i32
      %parallel_loop3A_232 = arith.extui %parallel_loop3A_231 : i1 to i32
      %parallel_loop3A_233 = arith.subi %parallel_loop3A_229, %parallel_loop3A_232 : i32
      %parallel_loop3A_234 = vector.broadcast %parallel_loop3A_233 : i32 to vector<16xi32>
      %parallel_loop3A_235 = arith.cmpi ne, %parallel_loop3A_226, %parallel_loop3A_234 : vector<16xi32>
      %parallel_loop3A_236 = vector.broadcast %parallel_loop3A_215 : i32 to vector<16xi32>
      %parallel_loop3A_237 = arith.remsi %parallel_loop3A_88, %parallel_loop3A_236 : vector<16xi32>
      %parallel_loop3A_238 = arith.constant 0 : i32
      %parallel_loop3A_239 = vector.broadcast %parallel_loop3A_238 : i32 to vector<16xi32>
      %parallel_loop3A_240 = arith.cmpi ne, %parallel_loop3A_237, %parallel_loop3A_239 : vector<16xi32>
      %parallel_loop3A_241 = arith.andi %parallel_loop3A_235, %parallel_loop3A_240 : vector<16xi1>
      %parallel_loop3A_242 = arith.constant 1 : i32
      %parallel_loop3A_243 = vector.broadcast %parallel_loop3A_242 : i32 to vector<16xi32>
      %parallel_loop3A_244 = arith.subi %parallel_loop3A_217, %parallel_loop3A_243 : vector<16xi32>
      %parallel_loop3A_245 = arith.select %parallel_loop3A_241, %parallel_loop3A_244, %parallel_loop3A_217 : vector<16xi1>, vector<16xi32>
      %parallel_loop3A_246 = arith.constant 4 : i32
      %parallel_loop3A_247 = vector.broadcast %parallel_loop3A_246 : i32 to vector<16xi32>
      %parallel_loop3A_248 = arith.addi %parallel_loop3A_245, %parallel_loop3A_247 : vector<16xi32>
      %parallel_loop3A_249 = vector.shape_cast %parallel_loop3A_248 : vector<16xi32> to vector<16x1xi32>
      %parallel_loop3A_250 = vector.shape_cast %parallel_loop3A_249 : vector<16x1xi32> to vector<16xi32>
      %parallel_loop3A_251 = tpu.dynamic_gather %parallel_loop3A_107[%parallel_loop3A_250] in [0] : vector<16xf32>, vector<16xi32> -> vector<16xf32>
      %parallel_loop3A_252 = arith.constant 0 : i32
      %parallel_loop3A_253 = arith.index_cast %parallel_loop3A_252 : i32 to index
      %parallel_loop3A_254 = arith.index_cast %parallel_loop3A_87 : i32 to index
      %parallel_loop3A_255 = arith.constant 32 : index
      %parallel_loop3A_256 = tpu.vector_load %arg13[%parallel_loop3A_253, %parallel_loop3A_254, %parallel_loop3A_255] {strides = array<i32>} : memref<2x80x64xf32, #tpu.memory_space<vmem>>, vector<16xf32>,
      %parallel_loop3A_257 = arith.mulf %parallel_loop3A_256, %parallel_loop3A_251 : vector<16xf32>
      %parallel_loop3A_258 = arith.constant 0 : i32
      %parallel_loop3A_259 = arith.index_cast %parallel_loop3A_258 : i32 to index
      %parallel_loop3A_260 = arith.index_cast %parallel_loop3A_87 : i32 to index
      %parallel_loop3A_261 = arith.constant 32 : index
      %parallel_loop3A_262 = tpu.vector_load %arg14[%parallel_loop3A_259, %parallel_loop3A_260, %parallel_loop3A_261] {strides = array<i32>} : memref<2x80x80xf32, #tpu.memory_space<vmem>>, vector<16xf32>,
      tpu.vector_store %arg14[%parallel_loop3A_259, %parallel_loop3A_260, %parallel_loop3A_261], %parallel_loop3A_257 {strides = array<i32>} : memref<2x80x80xf32, #tpu.memory_space<vmem>>, vector<16xf32>,
      %parallel_loop3A_263 = arith.constant 8 : i32
      %parallel_loop3A_264 = vector.broadcast %parallel_loop3A_263 : i32 to vector<16xi32>
      %parallel_loop3A_265 = arith.divsi %parallel_loop3A_88, %parallel_loop3A_264 : vector<16xi32>
      %parallel_loop3A_266 = arith.constant 0 : i32
      %parallel_loop3A_267 = vector.broadcast %parallel_loop3A_266 : i32 to vector<16xi32>
      %parallel_loop3A_268 = arith.cmpi sgt, %parallel_loop3A_88, %parallel_loop3A_267 : vector<16xi32>
      %parallel_loop3A_269 = arith.extui %parallel_loop3A_268 : vector<16xi1> to vector<16xi32>
      %parallel_loop3A_270 = arith.constant 0 : i32
      %parallel_loop3A_271 = vector.broadcast %parallel_loop3A_270 : i32 to vector<16xi32>
      %parallel_loop3A_272 = arith.cmpi slt, %parallel_loop3A_88, %parallel_loop3A_271 : vector<16xi32>
      %parallel_loop3A_273 = arith.extui %parallel_loop3A_272 : vector<16xi1> to vector<16xi32>
      %parallel_loop3A_274 = arith.subi %parallel_loop3A_269, %parallel_loop3A_273 : vector<16xi32>
      %parallel_loop3A_275 = arith.constant 0 : i32
      %parallel_loop3A_276 = arith.cmpi sgt, %parallel_loop3A_263, %parallel_loop3A_275 : i32
      %parallel_loop3A_277 = arith.extui %parallel_loop3A_276 : i1 to i32
      %parallel_loop3A_278 = arith.constant 0 : i32
      %parallel_loop3A_279 = arith.cmpi slt, %parallel_loop3A_263, %parallel_loop3A_278 : i32
      %parallel_loop3A_280 = arith.extui %parallel_loop3A_279 : i1 to i32
      %parallel_loop3A_281 = arith.subi %parallel_loop3A_277, %parallel_loop3A_280 : i32
      %parallel_loop3A_282 = vector.broadcast %parallel_loop3A_281 : i32 to vector<16xi32>
      %parallel_loop3A_283 = arith.cmpi ne, %parallel_loop3A_274, %parallel_loop3A_282 : vector<16xi32>
      %parallel_loop3A_284 = vector.broadcast %parallel_loop3A_263 : i32 to vector<16xi32>
      %parallel_loop3A_285 = arith.remsi %parallel_loop3A_88, %parallel_loop3A_284 : vector<16xi32>
      %parallel_loop3A_286 = arith.constant 0 : i32
      %parallel_loop3A_287 = vector.broadcast %parallel_loop3A_286 : i32 to vector<16xi32>
      %parallel_loop3A_288 = arith.cmpi ne, %parallel_loop3A_285, %parallel_loop3A_287 : vector<16xi32>
      %parallel_loop3A_289 = arith.andi %parallel_loop3A_283, %parallel_loop3A_288 : vector<16xi1>
      %parallel_loop3A_290 = arith.constant 1 : i32
      %parallel_loop3A_291 = vector.broadcast %parallel_loop3A_290 : i32 to vector<16xi32>
      %parallel_loop3A_292 = arith.subi %parallel_loop3A_265, %parallel_loop3A_291 : vector<16xi32>
      %parallel_loop3A_293 = arith.select %parallel_loop3A_289, %parallel_loop3A_292, %parallel_loop3A_265 : vector<16xi1>, vector<16xi32>
      %parallel_loop3A_294 = arith.constant 6 : i32
      %parallel_loop3A_295 = vector.broadcast %parallel_loop3A_294 : i32 to vector<16xi32>
      %parallel_loop3A_296 = arith.addi %parallel_loop3A_293, %parallel_loop3A_295 : vector<16xi32>
      %parallel_loop3A_297 = vector.shape_cast %parallel_loop3A_296 : vector<16xi32> to vector<16x1xi32>
      %parallel_loop3A_298 = vector.shape_cast %parallel_loop3A_297 : vector<16x1xi32> to vector<16xi32>
      %parallel_loop3A_299 = tpu.dynamic_gather %parallel_loop3A_107[%parallel_loop3A_298] in [0] : vector<16xf32>, vector<16xi32> -> vector<16xf32>
      %parallel_loop3A_300 = arith.constant 0 : i32
      %parallel_loop3A_301 = arith.index_cast %parallel_loop3A_300 : i32 to index
      %parallel_loop3A_302 = arith.index_cast %parallel_loop3A_87 : i32 to index
      %parallel_loop3A_303 = arith.constant 48 : index
      %parallel_loop3A_304 = tpu.vector_load %arg13[%parallel_loop3A_301, %parallel_loop3A_302, %parallel_loop3A_303] {strides = array<i32>} : memref<2x80x64xf32, #tpu.memory_space<vmem>>, vector<16xf32>,
      %parallel_loop3A_305 = arith.mulf %parallel_loop3A_304, %parallel_loop3A_299 : vector<16xf32>
      %parallel_loop3A_306 = arith.constant 0 : i32
      %parallel_loop3A_307 = arith.index_cast %parallel_loop3A_306 : i32 to index
      %parallel_loop3A_308 = arith.index_cast %parallel_loop3A_87 : i32 to index
      %parallel_loop3A_309 = arith.constant 48 : index
      %parallel_loop3A_310 = tpu.vector_load %arg14[%parallel_loop3A_307, %parallel_loop3A_308, %parallel_loop3A_309] {strides = array<i32>} : memref<2x80x80xf32, #tpu.memory_space<vmem>>, vector<16xf32>,
      tpu.vector_store %arg14[%parallel_loop3A_307, %parallel_loop3A_308, %parallel_loop3A_309], %parallel_loop3A_305 {strides = array<i32>} : memref<2x80x80xf32, #tpu.memory_space<vmem>>, vector<16xf32>,
    } {sc.loop_unroll_factor = 4 : i64, sc.parallel_access}
    %run_scoped3A = arith.constant 0 : i32
    %run_scoped3A_81 = arith.constant 124 : i32
    "tpu.region"() ({
      %run_scoped3A_87 = tpu.sem_alloc : memref<!tpu.dma_semaphore, #tpu.memory_space<semaphore_mem>>
      %dma_start3A_88 = arith.constant 0 : i32
      %dma_start3A_89 = arith.constant 0 : i32
      %dma_start3A_90 = tpu.memref_slice %arg14[%run_scoped3A, %dma_start3A_88, %dma_start3A_89] : memref<2x80x80xf32, #tpu.memory_space<vmem>> -> memref<1x80x80xf32, #tpu.memory_space<vmem>>
      %dma_start3A_91 = tpu.memref_squeeze %dma_start3A_90 : memref<1x80x80xf32, #tpu.memory_space<vmem>> -> memref<80x80xf32, #tpu.memory_space<vmem>>
      %dma_start3A_92 = arith.constant 0 : i32
      %dma_start3A_93 = tpu.memref_slice %arg10[%run_scoped3A_81, %dma_start3A_92] : memref<125x80xi32, #tpu.memory_space<vmem>> -> memref<1x80xi32, #tpu.memory_space<vmem>>
      %dma_start3A_94 = tpu.memref_squeeze %dma_start3A_93 : memref<1x80xi32, #tpu.memory_space<vmem>> -> memref<80xi32, #tpu.memory_space<vmem>>
      %dma_start3A_95 = arith.constant 0 : i32
      %dma_start3A_96 = arith.constant 0 : i32
      %dma_start3A_97 = tpu.memref_slice %arg15[%dma_start3A_95, %dma_start3A_96] : memref<10240x80xf32, #tpu.memory_space<vmem_shared>> -> memref<10240x80xf32, #tpu.memory_space<vmem_shared>>
      tpu.enqueue_indirect_dma source(%dma_start3A_91 : memref<80x80xf32, #tpu.memory_space<vmem>>) target(%dma_start3A_97 : memref<10240x80xf32, #tpu.memory_space<vmem_shared>>) offsets(%dma_start3A_94 : memref<80xi32, #tpu.memory_space<vmem>>) semaphore(%run_scoped3A_87 : memref<!tpu.dma_semaphore, #tpu.memory_space<semaphore_mem>>) {add = true}
      %dma_wait3A_98 = arith.constant 0 : i32
      %dma_wait3A_99 = arith.constant 0 : i32
      %dma_wait3A_100 = tpu.memref_slice %arg14[%run_scoped3A, %dma_wait3A_98, %dma_wait3A_99] : memref<2x80x80xf32, #tpu.memory_space<vmem>> -> memref<1x80x80xf32, #tpu.memory_space<vmem>>
      %dma_wait3A_101 = tpu.memref_squeeze %dma_wait3A_100 : memref<1x80x80xf32, #tpu.memory_space<vmem>> -> memref<80x80xf32, #tpu.memory_space<vmem>>
      %dma_wait3A_102 = arith.constant 0 : i32
      %dma_wait3A_103 = tpu.memref_slice %arg10[%run_scoped3A_81, %dma_wait3A_102] : memref<125x80xi32, #tpu.memory_space<vmem>> -> memref<1x80xi32, #tpu.memory_space<vmem>>
      %dma_wait3A_104 = tpu.memref_squeeze %dma_wait3A_103 : memref<1x80xi32, #tpu.memory_space<vmem>> -> memref<80xi32, #tpu.memory_space<vmem>>
      %dma_wait3A_105 = arith.constant 0 : i32
      %dma_wait3A_106 = arith.constant 0 : i32
      %dma_wait3A_107 = tpu.memref_slice %arg15[%dma_wait3A_105, %dma_wait3A_106] : memref<10240x80xf32, #tpu.memory_space<vmem_shared>> -> memref<10240x80xf32, #tpu.memory_space<vmem_shared>>
      tpu.wait_indirect_dma semaphore(%run_scoped3A_87 : memref<!tpu.dma_semaphore, #tpu.memory_space<semaphore_mem>>) src(%dma_wait3A_101 : memref<80x80xf32, #tpu.memory_space<vmem>>) dst(%dma_wait3A_107 : memref<10240x80xf32, #tpu.memory_space<vmem_shared>>)
      tpu.yield
    }) : () -> ()
    %barrier3A_82 = arith.constant 0 : index
    tpu.barrier barrier_id(%barrier3A_82)
    %mul3A_83 = arith.constant 640 : i32
    %mul3A_84 = arith.muli %arg1, %mul3A_83 : i32
    %mul3A_85 = arith.constant 640 : i32
    %mul3A_86 = arith.muli %arg1, %mul3A_85 : i32
    "tpu.region"() ({
      %run_scoped3A_87 = tpu.sem_alloc : memref<!tpu.dma_semaphore, #tpu.memory_space<semaphore_mem>>
      %dma_start3A_88 = arith.constant 0 : i32
      %dma_start3A_89 = arith.constant 0 : i32
      %dma_start3A_90 = tpu.memref_slice %arg8[%arg0, %dma_start3A_88, %dma_start3A_89] : memref<2x10240x80xf32, #tpu.memory_space<hbm>> -> memref<1x10240x80xf32, #tpu.memory_space<hbm>>
      %dma_start3A_91 = tpu.memref_squeeze %dma_start3A_90 : memref<1x10240x80xf32, #tpu.memory_space<hbm>> -> memref<10240x80xf32, #tpu.memory_space<hbm>>
      %dma_start3A_92 = arith.constant 0 : i32
      %dma_start3A_93 = tpu.memref_slice %dma_start3A_91[%mul3A_86, %dma_start3A_92] : memref<10240x80xf32, #tpu.memory_space<hbm>> -> memref<640x80xf32, #tpu.memory_space<hbm>>
      %dma_start3A_94 = arith.constant 0 : i32
      %dma_start3A_95 = tpu.memref_slice %arg15[%mul3A_84, %dma_start3A_94] : memref<10240x80xf32, #tpu.memory_space<vmem_shared>> -> memref<640x80xf32, #tpu.memory_space<vmem_shared>>
      tpu.enqueue_dma source(%dma_start3A_95 : memref<640x80xf32, #tpu.memory_space<vmem_shared>>) target(%dma_start3A_93 : memref<640x80xf32, #tpu.memory_space<hbm>>) target_semaphore(%run_scoped3A_87 : memref<!tpu.dma_semaphore, #tpu.memory_space<semaphore_mem>>)
      %dma_wait3A_96 = arith.constant 0 : i32
      %dma_wait3A_97 = arith.constant 0 : i32
      %dma_wait3A_98 = tpu.memref_slice %arg8[%arg0, %dma_wait3A_96, %dma_wait3A_97] : memref<2x10240x80xf32, #tpu.memory_space<hbm>> -> memref<1x10240x80xf32, #tpu.memory_space<hbm>>
      %dma_wait3A_99 = tpu.memref_squeeze %dma_wait3A_98 : memref<1x10240x80xf32, #tpu.memory_space<hbm>> -> memref<10240x80xf32, #tpu.memory_space<hbm>>
      %dma_wait3A_100 = arith.constant 0 : i32
      %dma_wait3A_101 = tpu.memref_slice %dma_wait3A_99[%mul3A_86, %dma_wait3A_100] : memref<10240x80xf32, #tpu.memory_space<hbm>> -> memref<640x80xf32, #tpu.memory_space<hbm>>
      %dma_wait3A_102 = arith.constant 0 : i32
      %dma_wait3A_103 = tpu.memref_slice %arg15[%mul3A_84, %dma_wait3A_102] : memref<10240x80xf32, #tpu.memory_space<vmem_shared>> -> memref<640x80xf32, #tpu.memory_space<vmem_shared>>
      tpu.wait_dma2 semaphore(%run_scoped3A_87 : memref<!tpu.dma_semaphore, #tpu.memory_space<semaphore_mem>>) src(%dma_wait3A_103 : memref<640x80xf32, #tpu.memory_space<vmem_shared>>) dst(%dma_wait3A_101 : memref<640x80xf32, #tpu.memory_space<hbm>>)
      tpu.yield
    }) : () -> ()
    return
  }
}

#map = affine_map<(d0, d1) -> (0, 0, 0)>
#map1 = affine_map<(d0, d1) -> (0, 0)>
module attributes {stable_mosaic.version = 14 : i64} {
  func.func @_sc2_body(%arg0: i32, %arg1: i32, %arg2: memref<32x125x80xi32, #tpu.memory_space<hbm>>, %arg3: memref<32x125x80xi32, #tpu.memory_space<hbm>>, %arg4: memref<10000x16xf32, #tpu.memory_space<hbm>>, %arg5: memref<10000x16xf32, #tpu.memory_space<hbm>>, %arg6: memref<10000x48xf32, #tpu.memory_space<hbm>>, %arg7: memref<640x48xf32, #tpu.memory_space<hbm>>, %arg8: memref<2x10240x48xf32, #tpu.memory_space<hbm>>, %arg9: memref<125x80xi32, #tpu.memory_space<vmem>>, %arg10: memref<125x80xi32, #tpu.memory_space<vmem>>, %arg11: memref<2x80x16xf32, #tpu.memory_space<vmem>>, %arg12: memref<2x80x16xf32, #tpu.memory_space<vmem>>, %arg13: memref<2x80x48xf32, #tpu.memory_space<vmem>>, %arg14: memref<2x80x48xf32, #tpu.memory_space<vmem>>, %arg15: memref<10240x48xf32, #tpu.memory_space<vmem_shared>>, %arg16: memref<!tpu.dma_semaphore, #tpu.memory_space<semaphore_mem>>, %arg17: memref<!tpu.dma_semaphore, #tpu.memory_space<semaphore_mem>>, %arg18: memref<!tpu.dma_semaphore, #tpu.memory_space<semaphore_mem>>, %arg19: memref<!tpu.dma_semaphore, #tpu.memory_space<semaphore_mem>>) attributes {dimension_semantics = [#tpu.dimension_semantics<core_parallel>, #tpu.dimension_semantics<subcore_parallel>], iteration_bounds = array<i64: 2, 16>, scalar_prefetch = 0 : i64, scratch_operands = 11 : i64, tpu.core_type = #tpu.core_type<sc_vector_subcore>, window_params = [{transform_indices = #map}, {transform_indices = #map}, {transform_indices = #map1}, {transform_indices = #map1}, {transform_indices = #map1}, {transform_indices = #map1}, {transform_indices = #map}]} {
    %mul3A = arith.constant 16 : i32
    %mul3A_0 = arith.muli %arg0, %mul3A : i32
    %add3A = arith.addi %mul3A_0, %arg1 : i32
    "tpu.region"() ({
      %run_scoped3A_87 = tpu.sem_alloc : memref<!tpu.dma_semaphore, #tpu.memory_space<semaphore_mem>>
      %dma_start3A_88 = arith.constant 0 : i32
      %dma_start3A_89 = arith.constant 0 : i32
      %dma_start3A_90 = tpu.memref_slice %arg2[%add3A, %dma_start3A_88, %dma_start3A_89] : memref<32x125x80xi32, #tpu.memory_space<hbm>> -> memref<1x125x80xi32, #tpu.memory_space<hbm>>
      %dma_start3A_91 = tpu.memref_squeeze %dma_start3A_90 : memref<1x125x80xi32, #tpu.memory_space<hbm>> -> memref<125x80xi32, #tpu.memory_space<hbm>>
      %dma_start3A_92 = arith.constant 0 : i32
      %dma_start3A_93 = arith.constant 0 : i32
      %dma_start3A_94 = tpu.memref_slice %arg2[%add3A, %dma_start3A_92, %dma_start3A_93] : memref<32x125x80xi32, #tpu.memory_space<hbm>> -> memref<1x125x80xi32, #tpu.memory_space<hbm>>
      %dma_start3A_95 = tpu.memref_squeeze %dma_start3A_94 : memref<1x125x80xi32, #tpu.memory_space<hbm>> -> memref<125x80xi32, #tpu.memory_space<hbm>>
      tpu.enqueue_dma source(%dma_start3A_95 : memref<125x80xi32, #tpu.memory_space<hbm>>) target(%arg9 : memref<125x80xi32, #tpu.memory_space<vmem>>) target_semaphore(%run_scoped3A_87 : memref<!tpu.dma_semaphore, #tpu.memory_space<semaphore_mem>>)
      %dma_wait3A_96 = arith.constant 0 : i32
      %dma_wait3A_97 = arith.constant 0 : i32
      %dma_wait3A_98 = tpu.memref_slice %arg2[%add3A, %dma_wait3A_96, %dma_wait3A_97] : memref<32x125x80xi32, #tpu.memory_space<hbm>> -> memref<1x125x80xi32, #tpu.memory_space<hbm>>
      %dma_wait3A_99 = tpu.memref_squeeze %dma_wait3A_98 : memref<1x125x80xi32, #tpu.memory_space<hbm>> -> memref<125x80xi32, #tpu.memory_space<hbm>>
      %dma_wait3A_100 = arith.constant 0 : i32
      %dma_wait3A_101 = arith.constant 0 : i32
      %dma_wait3A_102 = tpu.memref_slice %arg2[%add3A, %dma_wait3A_100, %dma_wait3A_101] : memref<32x125x80xi32, #tpu.memory_space<hbm>> -> memref<1x125x80xi32, #tpu.memory_space<hbm>>
      %dma_wait3A_103 = tpu.memref_squeeze %dma_wait3A_102 : memref<1x125x80xi32, #tpu.memory_space<hbm>> -> memref<125x80xi32, #tpu.memory_space<hbm>>
      tpu.wait_dma2 semaphore(%run_scoped3A_87 : memref<!tpu.dma_semaphore, #tpu.memory_space<semaphore_mem>>) src(%dma_wait3A_103 : memref<125x80xi32, #tpu.memory_space<hbm>>) dst(%arg9 : memref<125x80xi32, #tpu.memory_space<vmem>>)
      tpu.yield
    }) : () -> ()
    "tpu.region"() ({
      %run_scoped3A_87 = tpu.sem_alloc : memref<!tpu.dma_semaphore, #tpu.memory_space<semaphore_mem>>
      %dma_start3A_88 = arith.constant 0 : i32
      %dma_start3A_89 = arith.constant 0 : i32
      %dma_start3A_90 = tpu.memref_slice %arg3[%add3A, %dma_start3A_88, %dma_start3A_89] : memref<32x125x80xi32, #tpu.memory_space<hbm>> -> memref<1x125x80xi32, #tpu.memory_space<hbm>>
      %dma_start3A_91 = tpu.memref_squeeze %dma_start3A_90 : memref<1x125x80xi32, #tpu.memory_space<hbm>> -> memref<125x80xi32, #tpu.memory_space<hbm>>
      %dma_start3A_92 = arith.constant 0 : i32
      %dma_start3A_93 = arith.constant 0 : i32
      %dma_start3A_94 = tpu.memref_slice %arg3[%add3A, %dma_start3A_92, %dma_start3A_93] : memref<32x125x80xi32, #tpu.memory_space<hbm>> -> memref<1x125x80xi32, #tpu.memory_space<hbm>>
      %dma_start3A_95 = tpu.memref_squeeze %dma_start3A_94 : memref<1x125x80xi32, #tpu.memory_space<hbm>> -> memref<125x80xi32, #tpu.memory_space<hbm>>
      tpu.enqueue_dma source(%dma_start3A_95 : memref<125x80xi32, #tpu.memory_space<hbm>>) target(%arg10 : memref<125x80xi32, #tpu.memory_space<vmem>>) target_semaphore(%run_scoped3A_87 : memref<!tpu.dma_semaphore, #tpu.memory_space<semaphore_mem>>)
      %dma_wait3A_96 = arith.constant 0 : i32
      %dma_wait3A_97 = arith.constant 0 : i32
      %dma_wait3A_98 = tpu.memref_slice %arg3[%add3A, %dma_wait3A_96, %dma_wait3A_97] : memref<32x125x80xi32, #tpu.memory_space<hbm>> -> memref<1x125x80xi32, #tpu.memory_space<hbm>>
      %dma_wait3A_99 = tpu.memref_squeeze %dma_wait3A_98 : memref<1x125x80xi32, #tpu.memory_space<hbm>> -> memref<125x80xi32, #tpu.memory_space<hbm>>
      %dma_wait3A_100 = arith.constant 0 : i32
      %dma_wait3A_101 = arith.constant 0 : i32
      %dma_wait3A_102 = tpu.memref_slice %arg3[%add3A, %dma_wait3A_100, %dma_wait3A_101] : memref<32x125x80xi32, #tpu.memory_space<hbm>> -> memref<1x125x80xi32, #tpu.memory_space<hbm>>
      %dma_wait3A_103 = tpu.memref_squeeze %dma_wait3A_102 : memref<1x125x80xi32, #tpu.memory_space<hbm>> -> memref<125x80xi32, #tpu.memory_space<hbm>>
      tpu.wait_dma2 semaphore(%run_scoped3A_87 : memref<!tpu.dma_semaphore, #tpu.memory_space<semaphore_mem>>) src(%dma_wait3A_103 : memref<125x80xi32, #tpu.memory_space<hbm>>) dst(%arg10 : memref<125x80xi32, #tpu.memory_space<vmem>>)
      tpu.yield
    }) : () -> ()
    %mul3A_1 = arith.constant 640 : i32
    %mul3A_2 = arith.muli %arg1, %mul3A_1 : i32
    "tpu.region"() ({
      %run_scoped3A_87 = tpu.sem_alloc : memref<!tpu.dma_semaphore, #tpu.memory_space<semaphore_mem>>
      %dma_start3A_88 = arith.constant 0 : i32
      %dma_start3A_89 = tpu.memref_slice %arg15[%mul3A_2, %dma_start3A_88] : memref<10240x48xf32, #tpu.memory_space<vmem_shared>> -> memref<640x48xf32, #tpu.memory_space<vmem_shared>>
      tpu.enqueue_dma source(%arg7 : memref<640x48xf32, #tpu.memory_space<hbm>>) target(%dma_start3A_89 : memref<640x48xf32, #tpu.memory_space<vmem_shared>>) target_semaphore(%run_scoped3A_87 : memref<!tpu.dma_semaphore, #tpu.memory_space<semaphore_mem>>)
      %dma_wait3A_90 = arith.constant 0 : i32
      %dma_wait3A_91 = tpu.memref_slice %arg15[%mul3A_2, %dma_wait3A_90] : memref<10240x48xf32, #tpu.memory_space<vmem_shared>> -> memref<640x48xf32, #tpu.memory_space<vmem_shared>>
      tpu.wait_dma2 semaphore(%run_scoped3A_87 : memref<!tpu.dma_semaphore, #tpu.memory_space<semaphore_mem>>) src(%arg7 : memref<640x48xf32, #tpu.memory_space<hbm>>) dst(%dma_wait3A_91 : memref<640x48xf32, #tpu.memory_space<vmem_shared>>)
      tpu.yield
    }) : () -> ()
    %barrier3A = arith.constant 0 : index
    tpu.barrier barrier_id(%barrier3A)
    %dma_start3A = arith.constant 0 : i32
    %dma_start3A_3 = arith.constant 0 : i32
    %dma_start3A_4 = arith.constant 0 : i32
    %dma_start3A_5 = arith.constant 0 : i32
    %dma_start3A_6 = tpu.memref_slice %arg11[%dma_start3A_3, %dma_start3A_4, %dma_start3A_5] : memref<2x80x16xf32, #tpu.memory_space<vmem>> -> memref<1x80x16xf32, #tpu.memory_space<vmem>>
    %dma_start3A_7 = tpu.memref_squeeze %dma_start3A_6 : memref<1x80x16xf32, #tpu.memory_space<vmem>> -> memref<80x16xf32, #tpu.memory_space<vmem>>
    %dma_start3A_8 = arith.constant 0 : i32
    %dma_start3A_9 = tpu.memref_slice %arg9[%dma_start3A, %dma_start3A_8] : memref<125x80xi32, #tpu.memory_space<vmem>> -> memref<1x80xi32, #tpu.memory_space<vmem>>
    %dma_start3A_10 = tpu.memref_squeeze %dma_start3A_9 : memref<1x80xi32, #tpu.memory_space<vmem>> -> memref<80xi32, #tpu.memory_space<vmem>>
    %dma_start3A_11 = arith.constant 0 : i32
    %dma_start3A_12 = arith.constant 0 : i32
    %dma_start3A_13 = tpu.memref_slice %arg4[%dma_start3A_11, %dma_start3A_12] : memref<10000x16xf32, #tpu.memory_space<hbm>> -> memref<10000x16xf32, #tpu.memory_space<hbm>>
    tpu.enqueue_indirect_dma source(%dma_start3A_13 : memref<10000x16xf32, #tpu.memory_space<hbm>>) target(%dma_start3A_7 : memref<80x16xf32, #tpu.memory_space<vmem>>) offsets(%dma_start3A_10 : memref<80xi32, #tpu.memory_space<vmem>>) semaphore(%arg16 : memref<!tpu.dma_semaphore, #tpu.memory_space<semaphore_mem>>)
    %dma_start3A_14 = arith.constant 0 : i32
    %dma_start3A_15 = arith.constant 0 : i32
    %dma_start3A_16 = arith.constant 0 : i32
    %dma_start3A_17 = arith.constant 0 : i32
    %dma_start3A_18 = tpu.memref_slice %arg12[%dma_start3A_15, %dma_start3A_16, %dma_start3A_17] : memref<2x80x16xf32, #tpu.memory_space<vmem>> -> memref<1x80x16xf32, #tpu.memory_space<vmem>>
    %dma_start3A_19 = tpu.memref_squeeze %dma_start3A_18 : memref<1x80x16xf32, #tpu.memory_space<vmem>> -> memref<80x16xf32, #tpu.memory_space<vmem>>
    %dma_start3A_20 = arith.constant 0 : i32
    %dma_start3A_21 = tpu.memref_slice %arg10[%dma_start3A_14, %dma_start3A_20] : memref<125x80xi32, #tpu.memory_space<vmem>> -> memref<1x80xi32, #tpu.memory_space<vmem>>
    %dma_start3A_22 = tpu.memref_squeeze %dma_start3A_21 : memref<1x80xi32, #tpu.memory_space<vmem>> -> memref<80xi32, #tpu.memory_space<vmem>>
    %dma_start3A_23 = arith.constant 0 : i32
    %dma_start3A_24 = arith.constant 0 : i32
    %dma_start3A_25 = tpu.memref_slice %arg5[%dma_start3A_23, %dma_start3A_24] : memref<10000x16xf32, #tpu.memory_space<hbm>> -> memref<10000x16xf32, #tpu.memory_space<hbm>>
    tpu.enqueue_indirect_dma source(%dma_start3A_25 : memref<10000x16xf32, #tpu.memory_space<hbm>>) target(%dma_start3A_19 : memref<80x16xf32, #tpu.memory_space<vmem>>) offsets(%dma_start3A_22 : memref<80xi32, #tpu.memory_space<vmem>>) semaphore(%arg16 : memref<!tpu.dma_semaphore, #tpu.memory_space<semaphore_mem>>)
    %dma_start3A_26 = arith.constant 0 : i32
    %dma_start3A_27 = arith.constant 0 : i32
    %dma_start3A_28 = arith.constant 0 : i32
    %dma_start3A_29 = arith.constant 0 : i32
    %dma_start3A_30 = tpu.memref_slice %arg13[%dma_start3A_27, %dma_start3A_28, %dma_start3A_29] : memref<2x80x48xf32, #tpu.memory_space<vmem>> -> memref<1x80x48xf32, #tpu.memory_space<vmem>>
    %dma_start3A_31 = tpu.memref_squeeze %dma_start3A_30 : memref<1x80x48xf32, #tpu.memory_space<vmem>> -> memref<80x48xf32, #tpu.memory_space<vmem>>
    %dma_start3A_32 = arith.constant 0 : i32
    %dma_start3A_33 = tpu.memref_slice %arg9[%dma_start3A_26, %dma_start3A_32] : memref<125x80xi32, #tpu.memory_space<vmem>> -> memref<1x80xi32, #tpu.memory_space<vmem>>
    %dma_start3A_34 = tpu.memref_squeeze %dma_start3A_33 : memref<1x80xi32, #tpu.memory_space<vmem>> -> memref<80xi32, #tpu.memory_space<vmem>>
    %dma_start3A_35 = arith.constant 0 : i32
    %dma_start3A_36 = arith.constant 0 : i32
    %dma_start3A_37 = tpu.memref_slice %arg6[%dma_start3A_35, %dma_start3A_36] : memref<10000x48xf32, #tpu.memory_space<hbm>> -> memref<10000x48xf32, #tpu.memory_space<hbm>>
    tpu.enqueue_indirect_dma source(%dma_start3A_37 : memref<10000x48xf32, #tpu.memory_space<hbm>>) target(%dma_start3A_31 : memref<80x48xf32, #tpu.memory_space<vmem>>) offsets(%dma_start3A_34 : memref<80xi32, #tpu.memory_space<vmem>>) semaphore(%arg16 : memref<!tpu.dma_semaphore, #tpu.memory_space<semaphore_mem>>)
    %scan3A = arith.constant 0 : i32
    %scan3A_38 = arith.constant 0 : i32
    %scan3A_39 = arith.constant 62 : i32
    %scan3A_40 = arith.addi %scan3A_38, %scan3A_39 : i32
    %scan3A_41 = arith.constant 1 : i32
    %scan3A_42 = scf.for %scan3A_87 = %scan3A_38 to %scan3A_40 step %scan3A_41 iter_args(%scan3A_88 = %scan3A) -> (i32)  : i32 {
      %mul3A_89 = arith.constant 2 : i32
      %mul3A_90 = arith.muli %mul3A_89, %scan3A_87 : i32
      %add3A_91 = arith.constant 1 : i32
      %add3A_92 = arith.addi %mul3A_90, %add3A_91 : i32
      %dma_wait3A_93 = arith.constant 0 : i32
      %dma_wait3A_94 = arith.constant 0 : i32
      %dma_wait3A_95 = arith.constant 0 : i32
      %dma_wait3A_96 = arith.constant 0 : i32
      %dma_wait3A_97 = tpu.memref_slice %arg11[%dma_wait3A_94, %dma_wait3A_95, %dma_wait3A_96] : memref<2x80x16xf32, #tpu.memory_space<vmem>> -> memref<1x80x16xf32, #tpu.memory_space<vmem>>
      %dma_wait3A_98 = tpu.memref_squeeze %dma_wait3A_97 : memref<1x80x16xf32, #tpu.memory_space<vmem>> -> memref<80x16xf32, #tpu.memory_space<vmem>>
      %dma_wait3A_99 = arith.constant 0 : i32
      %dma_wait3A_100 = tpu.memref_slice %arg9[%dma_wait3A_93, %dma_wait3A_99] : memref<125x80xi32, #tpu.memory_space<vmem>> -> memref<1x80xi32, #tpu.memory_space<vmem>>
      %dma_wait3A_101 = tpu.memref_squeeze %dma_wait3A_100 : memref<1x80xi32, #tpu.memory_space<vmem>> -> memref<80xi32, #tpu.memory_space<vmem>>
      %dma_wait3A_102 = arith.constant 0 : i32
      %dma_wait3A_103 = arith.constant 0 : i32
      %dma_wait3A_104 = tpu.memref_slice %arg4[%dma_wait3A_102, %dma_wait3A_103] : memref<10000x16xf32, #tpu.memory_space<hbm>> -> memref<10000x16xf32, #tpu.memory_space<hbm>>
      tpu.wait_indirect_dma semaphore(%arg16 : memref<!tpu.dma_semaphore, #tpu.memory_space<semaphore_mem>>) src(%dma_wait3A_104 : memref<10000x16xf32, #tpu.memory_space<hbm>>) dst(%dma_wait3A_98 : memref<80x16xf32, #tpu.memory_space<vmem>>)
      %dma_wait3A_105 = arith.constant 0 : i32
      %dma_wait3A_106 = arith.constant 0 : i32
      %dma_wait3A_107 = arith.constant 0 : i32
      %dma_wait3A_108 = arith.constant 0 : i32
      %dma_wait3A_109 = tpu.memref_slice %arg12[%dma_wait3A_106, %dma_wait3A_107, %dma_wait3A_108] : memref<2x80x16xf32, #tpu.memory_space<vmem>> -> memref<1x80x16xf32, #tpu.memory_space<vmem>>
      %dma_wait3A_110 = tpu.memref_squeeze %dma_wait3A_109 : memref<1x80x16xf32, #tpu.memory_space<vmem>> -> memref<80x16xf32, #tpu.memory_space<vmem>>
      %dma_wait3A_111 = arith.constant 0 : i32
      %dma_wait3A_112 = tpu.memref_slice %arg10[%dma_wait3A_105, %dma_wait3A_111] : memref<125x80xi32, #tpu.memory_space<vmem>> -> memref<1x80xi32, #tpu.memory_space<vmem>>
      %dma_wait3A_113 = tpu.memref_squeeze %dma_wait3A_112 : memref<1x80xi32, #tpu.memory_space<vmem>> -> memref<80xi32, #tpu.memory_space<vmem>>
      %dma_wait3A_114 = arith.constant 0 : i32
      %dma_wait3A_115 = arith.constant 0 : i32
      %dma_wait3A_116 = tpu.memref_slice %arg5[%dma_wait3A_114, %dma_wait3A_115] : memref<10000x16xf32, #tpu.memory_space<hbm>> -> memref<10000x16xf32, #tpu.memory_space<hbm>>
      tpu.wait_indirect_dma semaphore(%arg16 : memref<!tpu.dma_semaphore, #tpu.memory_space<semaphore_mem>>) src(%dma_wait3A_116 : memref<10000x16xf32, #tpu.memory_space<hbm>>) dst(%dma_wait3A_110 : memref<80x16xf32, #tpu.memory_space<vmem>>)
      %dma_wait3A_117 = arith.constant 0 : i32
      %dma_wait3A_118 = arith.constant 0 : i32
      %dma_wait3A_119 = arith.constant 0 : i32
      %dma_wait3A_120 = arith.constant 0 : i32
      %dma_wait3A_121 = tpu.memref_slice %arg13[%dma_wait3A_118, %dma_wait3A_119, %dma_wait3A_120] : memref<2x80x48xf32, #tpu.memory_space<vmem>> -> memref<1x80x48xf32, #tpu.memory_space<vmem>>
      %dma_wait3A_122 = tpu.memref_squeeze %dma_wait3A_121 : memref<1x80x48xf32, #tpu.memory_space<vmem>> -> memref<80x48xf32, #tpu.memory_space<vmem>>
      %dma_wait3A_123 = arith.constant 0 : i32
      %dma_wait3A_124 = tpu.memref_slice %arg9[%dma_wait3A_117, %dma_wait3A_123] : memref<125x80xi32, #tpu.memory_space<vmem>> -> memref<1x80xi32, #tpu.memory_space<vmem>>
      %dma_wait3A_125 = tpu.memref_squeeze %dma_wait3A_124 : memref<1x80xi32, #tpu.memory_space<vmem>> -> memref<80xi32, #tpu.memory_space<vmem>>
      %dma_wait3A_126 = arith.constant 0 : i32
      %dma_wait3A_127 = arith.constant 0 : i32
      %dma_wait3A_128 = tpu.memref_slice %arg6[%dma_wait3A_126, %dma_wait3A_127] : memref<10000x48xf32, #tpu.memory_space<hbm>> -> memref<10000x48xf32, #tpu.memory_space<hbm>>
      tpu.wait_indirect_dma semaphore(%arg16 : memref<!tpu.dma_semaphore, #tpu.memory_space<semaphore_mem>>) src(%dma_wait3A_128 : memref<10000x48xf32, #tpu.memory_space<hbm>>) dst(%dma_wait3A_122 : memref<80x48xf32, #tpu.memory_space<vmem>>)
      %dma_start3A_129 = arith.constant 1 : i32
      %dma_start3A_130 = arith.constant 0 : i32
      %dma_start3A_131 = arith.constant 0 : i32
      %dma_start3A_132 = tpu.memref_slice %arg11[%dma_start3A_129, %dma_start3A_130, %dma_start3A_131] : memref<2x80x16xf32, #tpu.memory_space<vmem>> -> memref<1x80x16xf32, #tpu.memory_space<vmem>>
      %dma_start3A_133 = tpu.memref_squeeze %dma_start3A_132 : memref<1x80x16xf32, #tpu.memory_space<vmem>> -> memref<80x16xf32, #tpu.memory_space<vmem>>
      %dma_start3A_134 = arith.constant 0 : i32
      %dma_start3A_135 = tpu.memref_slice %arg9[%add3A_92, %dma_start3A_134] : memref<125x80xi32, #tpu.memory_space<vmem>> -> memref<1x80xi32, #tpu.memory_space<vmem>>
      %dma_start3A_136 = tpu.memref_squeeze %dma_start3A_135 : memref<1x80xi32, #tpu.memory_space<vmem>> -> memref<80xi32, #tpu.memory_space<vmem>>
      %dma_start3A_137 = arith.constant 0 : i32
      %dma_start3A_138 = arith.constant 0 : i32
      %dma_start3A_139 = tpu.memref_slice %arg4[%dma_start3A_137, %dma_start3A_138] : memref<10000x16xf32, #tpu.memory_space<hbm>> -> memref<10000x16xf32, #tpu.memory_space<hbm>>
      tpu.enqueue_indirect_dma source(%dma_start3A_139 : memref<10000x16xf32, #tpu.memory_space<hbm>>) target(%dma_start3A_133 : memref<80x16xf32, #tpu.memory_space<vmem>>) offsets(%dma_start3A_136 : memref<80xi32, #tpu.memory_space<vmem>>) semaphore(%arg17 : memref<!tpu.dma_semaphore, #tpu.memory_space<semaphore_mem>>)
      %dma_start3A_140 = arith.constant 1 : i32
      %dma_start3A_141 = arith.constant 0 : i32
      %dma_start3A_142 = arith.constant 0 : i32
      %dma_start3A_143 = tpu.memref_slice %arg12[%dma_start3A_140, %dma_start3A_141, %dma_start3A_142] : memref<2x80x16xf32, #tpu.memory_space<vmem>> -> memref<1x80x16xf32, #tpu.memory_space<vmem>>
      %dma_start3A_144 = tpu.memref_squeeze %dma_start3A_143 : memref<1x80x16xf32, #tpu.memory_space<vmem>> -> memref<80x16xf32, #tpu.memory_space<vmem>>
      %dma_start3A_145 = arith.constant 0 : i32
      %dma_start3A_146 = tpu.memref_slice %arg10[%add3A_92, %dma_start3A_145] : memref<125x80xi32, #tpu.memory_space<vmem>> -> memref<1x80xi32, #tpu.memory_space<vmem>>
      %dma_start3A_147 = tpu.memref_squeeze %dma_start3A_146 : memref<1x80xi32, #tpu.memory_space<vmem>> -> memref<80xi32, #tpu.memory_space<vmem>>
      %dma_start3A_148 = arith.constant 0 : i32
      %dma_start3A_149 = arith.constant 0 : i32
      %dma_start3A_150 = tpu.memref_slice %arg5[%dma_start3A_148, %dma_start3A_149] : memref<10000x16xf32, #tpu.memory_space<hbm>> -> memref<10000x16xf32, #tpu.memory_space<hbm>>
      tpu.enqueue_indirect_dma source(%dma_start3A_150 : memref<10000x16xf32, #tpu.memory_space<hbm>>) target(%dma_start3A_144 : memref<80x16xf32, #tpu.memory_space<vmem>>) offsets(%dma_start3A_147 : memref<80xi32, #tpu.memory_space<vmem>>) semaphore(%arg17 : memref<!tpu.dma_semaphore, #tpu.memory_space<semaphore_mem>>)
      %dma_start3A_151 = arith.constant 1 : i32
      %dma_start3A_152 = arith.constant 0 : i32
      %dma_start3A_153 = arith.constant 0 : i32
      %dma_start3A_154 = tpu.memref_slice %arg13[%dma_start3A_151, %dma_start3A_152, %dma_start3A_153] : memref<2x80x48xf32, #tpu.memory_space<vmem>> -> memref<1x80x48xf32, #tpu.memory_space<vmem>>
      %dma_start3A_155 = tpu.memref_squeeze %dma_start3A_154 : memref<1x80x48xf32, #tpu.memory_space<vmem>> -> memref<80x48xf32, #tpu.memory_space<vmem>>
      %dma_start3A_156 = arith.constant 0 : i32
      %dma_start3A_157 = tpu.memref_slice %arg9[%add3A_92, %dma_start3A_156] : memref<125x80xi32, #tpu.memory_space<vmem>> -> memref<1x80xi32, #tpu.memory_space<vmem>>
      %dma_start3A_158 = tpu.memref_squeeze %dma_start3A_157 : memref<1x80xi32, #tpu.memory_space<vmem>> -> memref<80xi32, #tpu.memory_space<vmem>>
      %dma_start3A_159 = arith.constant 0 : i32
      %dma_start3A_160 = arith.constant 0 : i32
      %dma_start3A_161 = tpu.memref_slice %arg6[%dma_start3A_159, %dma_start3A_160] : memref<10000x48xf32, #tpu.memory_space<hbm>> -> memref<10000x48xf32, #tpu.memory_space<hbm>>
      tpu.enqueue_indirect_dma source(%dma_start3A_161 : memref<10000x48xf32, #tpu.memory_space<hbm>>) target(%dma_start3A_155 : memref<80x48xf32, #tpu.memory_space<vmem>>) offsets(%dma_start3A_158 : memref<80xi32, #tpu.memory_space<vmem>>) semaphore(%arg17 : memref<!tpu.dma_semaphore, #tpu.memory_space<semaphore_mem>>)
      %parallel_loop3A_162 = arith.constant 0 : i32
      %parallel_loop3A_163 = arith.constant 80 : i32
      %parallel_loop3A_164 = arith.constant 1 : i32
      scf.for %parallel_loop3A_284 = %parallel_loop3A_162 to %parallel_loop3A_163 step %parallel_loop3A_164  : i32 {
        %parallel_loop3A_285 = tpu.iota {dimensions = array<i32: 0>} : vector<16xi32>
        %parallel_loop3A_286 = arith.constant 0 : i32
        %parallel_loop3A_287 = vector.broadcast %parallel_loop3A_286 : i32 to vector<16xi32>
        %parallel_loop3A_288 = arith.muli %parallel_loop3A_285, %parallel_loop3A_287 : vector<16xi32>
        %parallel_loop3A_289 = arith.constant 0 : i32
        %parallel_loop3A_290 = arith.index_cast %parallel_loop3A_289 : i32 to index
        %parallel_loop3A_291 = arith.index_cast %parallel_loop3A_284 : i32 to index
        %parallel_loop3A_292 = arith.constant 0 : index
        %parallel_loop3A_293 = tpu.vector_load %arg11[%parallel_loop3A_290, %parallel_loop3A_291, %parallel_loop3A_292] {strides = array<i32>} : memref<2x80x16xf32, #tpu.memory_space<vmem>>, vector<16xf32>,
        %parallel_loop3A_294 = arith.constant 0 : i32
        %parallel_loop3A_295 = arith.index_cast %parallel_loop3A_294 : i32 to index
        %parallel_loop3A_296 = arith.index_cast %parallel_loop3A_284 : i32 to index
        %parallel_loop3A_297 = arith.constant 0 : index
        %parallel_loop3A_298 = tpu.vector_load %arg12[%parallel_loop3A_295, %parallel_loop3A_296, %parallel_loop3A_297] {strides = array<i32>} : memref<2x80x16xf32, #tpu.memory_space<vmem>>, vector<16xf32>,
        %parallel_loop3A_299 = arith.addf %parallel_loop3A_293, %parallel_loop3A_298 : vector<16xf32>
        %parallel_loop3A_300 = arith.constant 0.000000e+00 : f32
        %parallel_loop3A_301 = vector.broadcast %parallel_loop3A_300 : f32 to vector<16xf32>
        %parallel_loop3A_302 = arith.cmpf oge, %parallel_loop3A_299, %parallel_loop3A_301 : vector<16xf32>
        %parallel_loop3A_303 = arith.constant 2.000000e-01 : f32
        %parallel_loop3A_304 = vector.broadcast %parallel_loop3A_303 : f32 to vector<16xf32>
        %parallel_loop3A_305 = arith.mulf %parallel_loop3A_299, %parallel_loop3A_304 : vector<16xf32>
        %parallel_loop3A_306 = arith.select %parallel_loop3A_302, %parallel_loop3A_299, %parallel_loop3A_305 : vector<16xi1>, vector<16xf32>
        %parallel_loop3A_307 = math.exp %parallel_loop3A_306 : vector<16xf32>
        %parallel_loop3A_308 = vector.shape_cast %parallel_loop3A_288 : vector<16xi32> to vector<16x1xi32>
        %parallel_loop3A_309 = vector.shape_cast %parallel_loop3A_308 : vector<16x1xi32> to vector<16xi32>
        %parallel_loop3A_310 = tpu.dynamic_gather %parallel_loop3A_307[%parallel_loop3A_309] in [0] : vector<16xf32>, vector<16xi32> -> vector<16xf32>
        %parallel_loop3A_311 = arith.constant 0 : i32
        %parallel_loop3A_312 = arith.index_cast %parallel_loop3A_311 : i32 to index
        %parallel_loop3A_313 = arith.index_cast %parallel_loop3A_284 : i32 to index
        %parallel_loop3A_314 = arith.constant 0 : index
        %parallel_loop3A_315 = tpu.vector_load %arg13[%parallel_loop3A_312, %parallel_loop3A_313, %parallel_loop3A_314] {strides = array<i32>} : memref<2x80x48xf32, #tpu.memory_space<vmem>>, vector<16xf32>,
        %parallel_loop3A_316 = arith.mulf %parallel_loop3A_315, %parallel_loop3A_310 : vector<16xf32>
        %parallel_loop3A_317 = arith.constant 0 : i32
        %parallel_loop3A_318 = arith.index_cast %parallel_loop3A_317 : i32 to index
        %parallel_loop3A_319 = arith.index_cast %parallel_loop3A_284 : i32 to index
        %parallel_loop3A_320 = arith.constant 0 : index
        %parallel_loop3A_321 = tpu.vector_load %arg14[%parallel_loop3A_318, %parallel_loop3A_319, %parallel_loop3A_320] {strides = array<i32>} : memref<2x80x48xf32, #tpu.memory_space<vmem>>, vector<16xf32>,
        tpu.vector_store %arg14[%parallel_loop3A_318, %parallel_loop3A_319, %parallel_loop3A_320], %parallel_loop3A_316 {strides = array<i32>} : memref<2x80x48xf32, #tpu.memory_space<vmem>>, vector<16xf32>,
        %parallel_loop3A_322 = arith.constant 0 : i32
        %parallel_loop3A_323 = arith.index_cast %parallel_loop3A_322 : i32 to index
        %parallel_loop3A_324 = arith.index_cast %parallel_loop3A_284 : i32 to index
        %parallel_loop3A_325 = arith.constant 16 : index
        %parallel_loop3A_326 = tpu.vector_load %arg13[%parallel_loop3A_323, %parallel_loop3A_324, %parallel_loop3A_325] {strides = array<i32>} : memref<2x80x48xf32, #tpu.memory_space<vmem>>, vector<16xf32>,
        %parallel_loop3A_327 = arith.mulf %parallel_loop3A_326, %parallel_loop3A_310 : vector<16xf32>
        %parallel_loop3A_328 = arith.constant 0 : i32
        %parallel_loop3A_329 = arith.index_cast %parallel_loop3A_328 : i32 to index
        %parallel_loop3A_330 = arith.index_cast %parallel_loop3A_284 : i32 to index
        %parallel_loop3A_331 = arith.constant 16 : index
        %parallel_loop3A_332 = tpu.vector_load %arg14[%parallel_loop3A_329, %parallel_loop3A_330, %parallel_loop3A_331] {strides = array<i32>} : memref<2x80x48xf32, #tpu.memory_space<vmem>>, vector<16xf32>,
        tpu.vector_store %arg14[%parallel_loop3A_329, %parallel_loop3A_330, %parallel_loop3A_331], %parallel_loop3A_327 {strides = array<i32>} : memref<2x80x48xf32, #tpu.memory_space<vmem>>, vector<16xf32>,
        %parallel_loop3A_333 = arith.constant 0 : i32
        %parallel_loop3A_334 = arith.index_cast %parallel_loop3A_333 : i32 to index
        %parallel_loop3A_335 = arith.index_cast %parallel_loop3A_284 : i32 to index
        %parallel_loop3A_336 = arith.constant 32 : index
        %parallel_loop3A_337 = tpu.vector_load %arg13[%parallel_loop3A_334, %parallel_loop3A_335, %parallel_loop3A_336] {strides = array<i32>} : memref<2x80x48xf32, #tpu.memory_space<vmem>>, vector<16xf32>,
        %parallel_loop3A_338 = arith.mulf %parallel_loop3A_337, %parallel_loop3A_310 : vector<16xf32>
        %parallel_loop3A_339 = arith.constant 0 : i32
        %parallel_loop3A_340 = arith.index_cast %parallel_loop3A_339 : i32 to index
        %parallel_loop3A_341 = arith.index_cast %parallel_loop3A_284 : i32 to index
        %parallel_loop3A_342 = arith.constant 32 : index
        %parallel_loop3A_343 = tpu.vector_load %arg14[%parallel_loop3A_340, %parallel_loop3A_341, %parallel_loop3A_342] {strides = array<i32>} : memref<2x80x48xf32, #tpu.memory_space<vmem>>, vector<16xf32>,
        tpu.vector_store %arg14[%parallel_loop3A_340, %parallel_loop3A_341, %parallel_loop3A_342], %parallel_loop3A_338 {strides = array<i32>} : memref<2x80x48xf32, #tpu.memory_space<vmem>>, vector<16xf32>,
      } {sc.loop_unroll_factor = 4 : i64, sc.parallel_access}
      %dma_start3A_165 = arith.constant 0 : i32
      %dma_start3A_166 = arith.constant 0 : i32
      %dma_start3A_167 = arith.constant 0 : i32
      %dma_start3A_168 = tpu.memref_slice %arg14[%dma_start3A_165, %dma_start3A_166, %dma_start3A_167] : memref<2x80x48xf32, #tpu.memory_space<vmem>> -> memref<1x80x48xf32, #tpu.memory_space<vmem>>
      %dma_start3A_169 = tpu.memref_squeeze %dma_start3A_168 : memref<1x80x48xf32, #tpu.memory_space<vmem>> -> memref<80x48xf32, #tpu.memory_space<vmem>>
      %dma_start3A_170 = arith.constant 0 : i32
      %dma_start3A_171 = tpu.memref_slice %arg10[%mul3A_90, %dma_start3A_170] : memref<125x80xi32, #tpu.memory_space<vmem>> -> memref<1x80xi32, #tpu.memory_space<vmem>>
      %dma_start3A_172 = tpu.memref_squeeze %dma_start3A_171 : memref<1x80xi32, #tpu.memory_space<vmem>> -> memref<80xi32, #tpu.memory_space<vmem>>
      %dma_start3A_173 = arith.constant 0 : i32
      %dma_start3A_174 = arith.constant 0 : i32
      %dma_start3A_175 = tpu.memref_slice %arg15[%dma_start3A_173, %dma_start3A_174] : memref<10240x48xf32, #tpu.memory_space<vmem_shared>> -> memref<10240x48xf32, #tpu.memory_space<vmem_shared>>
      tpu.enqueue_indirect_dma source(%dma_start3A_169 : memref<80x48xf32, #tpu.memory_space<vmem>>) target(%dma_start3A_175 : memref<10240x48xf32, #tpu.memory_space<vmem_shared>>) offsets(%dma_start3A_172 : memref<80xi32, #tpu.memory_space<vmem>>) semaphore(%arg18 : memref<!tpu.dma_semaphore, #tpu.memory_space<semaphore_mem>>) {add = true}
      %dma_wait3A_176 = arith.constant 0 : i32
      %dma_wait3A_177 = arith.constant 1 : i32
      %dma_wait3A_178 = arith.constant 0 : i32
      %dma_wait3A_179 = arith.constant 0 : i32
      %dma_wait3A_180 = tpu.memref_slice %arg11[%dma_wait3A_177, %dma_wait3A_178, %dma_wait3A_179] : memref<2x80x16xf32, #tpu.memory_space<vmem>> -> memref<1x80x16xf32, #tpu.memory_space<vmem>>
      %dma_wait3A_181 = tpu.memref_squeeze %dma_wait3A_180 : memref<1x80x16xf32, #tpu.memory_space<vmem>> -> memref<80x16xf32, #tpu.memory_space<vmem>>
      %dma_wait3A_182 = arith.constant 0 : i32
      %dma_wait3A_183 = tpu.memref_slice %arg9[%dma_wait3A_176, %dma_wait3A_182] : memref<125x80xi32, #tpu.memory_space<vmem>> -> memref<1x80xi32, #tpu.memory_space<vmem>>
      %dma_wait3A_184 = tpu.memref_squeeze %dma_wait3A_183 : memref<1x80xi32, #tpu.memory_space<vmem>> -> memref<80xi32, #tpu.memory_space<vmem>>
      %dma_wait3A_185 = arith.constant 0 : i32
      %dma_wait3A_186 = arith.constant 0 : i32
      %dma_wait3A_187 = tpu.memref_slice %arg4[%dma_wait3A_185, %dma_wait3A_186] : memref<10000x16xf32, #tpu.memory_space<hbm>> -> memref<10000x16xf32, #tpu.memory_space<hbm>>
      tpu.wait_indirect_dma semaphore(%arg17 : memref<!tpu.dma_semaphore, #tpu.memory_space<semaphore_mem>>) src(%dma_wait3A_187 : memref<10000x16xf32, #tpu.memory_space<hbm>>) dst(%dma_wait3A_181 : memref<80x16xf32, #tpu.memory_space<vmem>>)
      %dma_wait3A_188 = arith.constant 0 : i32
      %dma_wait3A_189 = arith.constant 1 : i32
      %dma_wait3A_190 = arith.constant 0 : i32
      %dma_wait3A_191 = arith.constant 0 : i32
      %dma_wait3A_192 = tpu.memref_slice %arg12[%dma_wait3A_189, %dma_wait3A_190, %dma_wait3A_191] : memref<2x80x16xf32, #tpu.memory_space<vmem>> -> memref<1x80x16xf32, #tpu.memory_space<vmem>>
      %dma_wait3A_193 = tpu.memref_squeeze %dma_wait3A_192 : memref<1x80x16xf32, #tpu.memory_space<vmem>> -> memref<80x16xf32, #tpu.memory_space<vmem>>
      %dma_wait3A_194 = arith.constant 0 : i32
      %dma_wait3A_195 = tpu.memref_slice %arg10[%dma_wait3A_188, %dma_wait3A_194] : memref<125x80xi32, #tpu.memory_space<vmem>> -> memref<1x80xi32, #tpu.memory_space<vmem>>
      %dma_wait3A_196 = tpu.memref_squeeze %dma_wait3A_195 : memref<1x80xi32, #tpu.memory_space<vmem>> -> memref<80xi32, #tpu.memory_space<vmem>>
      %dma_wait3A_197 = arith.constant 0 : i32
      %dma_wait3A_198 = arith.constant 0 : i32
      %dma_wait3A_199 = tpu.memref_slice %arg5[%dma_wait3A_197, %dma_wait3A_198] : memref<10000x16xf32, #tpu.memory_space<hbm>> -> memref<10000x16xf32, #tpu.memory_space<hbm>>
      tpu.wait_indirect_dma semaphore(%arg17 : memref<!tpu.dma_semaphore, #tpu.memory_space<semaphore_mem>>) src(%dma_wait3A_199 : memref<10000x16xf32, #tpu.memory_space<hbm>>) dst(%dma_wait3A_193 : memref<80x16xf32, #tpu.memory_space<vmem>>)
      %dma_wait3A_200 = arith.constant 0 : i32
      %dma_wait3A_201 = arith.constant 1 : i32
      %dma_wait3A_202 = arith.constant 0 : i32
      %dma_wait3A_203 = arith.constant 0 : i32
      %dma_wait3A_204 = tpu.memref_slice %arg13[%dma_wait3A_201, %dma_wait3A_202, %dma_wait3A_203] : memref<2x80x48xf32, #tpu.memory_space<vmem>> -> memref<1x80x48xf32, #tpu.memory_space<vmem>>
      %dma_wait3A_205 = tpu.memref_squeeze %dma_wait3A_204 : memref<1x80x48xf32, #tpu.memory_space<vmem>> -> memref<80x48xf32, #tpu.memory_space<vmem>>
      %dma_wait3A_206 = arith.constant 0 : i32
      %dma_wait3A_207 = tpu.memref_slice %arg9[%dma_wait3A_200, %dma_wait3A_206] : memref<125x80xi32, #tpu.memory_space<vmem>> -> memref<1x80xi32, #tpu.memory_space<vmem>>
      %dma_wait3A_208 = tpu.memref_squeeze %dma_wait3A_207 : memref<1x80xi32, #tpu.memory_space<vmem>> -> memref<80xi32, #tpu.memory_space<vmem>>
      %dma_wait3A_209 = arith.constant 0 : i32
      %dma_wait3A_210 = arith.constant 0 : i32
      %dma_wait3A_211 = tpu.memref_slice %arg6[%dma_wait3A_209, %dma_wait3A_210] : memref<10000x48xf32, #tpu.memory_space<hbm>> -> memref<10000x48xf32, #tpu.memory_space<hbm>>
      tpu.wait_indirect_dma semaphore(%arg17 : memref<!tpu.dma_semaphore, #tpu.memory_space<semaphore_mem>>) src(%dma_wait3A_211 : memref<10000x48xf32, #tpu.memory_space<hbm>>) dst(%dma_wait3A_205 : memref<80x48xf32, #tpu.memory_space<vmem>>)
      %add3A_212 = arith.constant 2 : i32
      %add3A_213 = arith.addi %mul3A_90, %add3A_212 : i32
      %dma_start3A_214 = arith.constant 0 : i32
      %dma_start3A_215 = arith.constant 0 : i32
      %dma_start3A_216 = arith.constant 0 : i32
      %dma_start3A_217 = tpu.memref_slice %arg11[%dma_start3A_214, %dma_start3A_215, %dma_start3A_216] : memref<2x80x16xf32, #tpu.memory_space<vmem>> -> memref<1x80x16xf32, #tpu.memory_space<vmem>>
      %dma_start3A_218 = tpu.memref_squeeze %dma_start3A_217 : memref<1x80x16xf32, #tpu.memory_space<vmem>> -> memref<80x16xf32, #tpu.memory_space<vmem>>
      %dma_start3A_219 = arith.constant 0 : i32
      %dma_start3A_220 = tpu.memref_slice %arg9[%add3A_213, %dma_start3A_219] : memref<125x80xi32, #tpu.memory_space<vmem>> -> memref<1x80xi32, #tpu.memory_space<vmem>>
      %dma_start3A_221 = tpu.memref_squeeze %dma_start3A_220 : memref<1x80xi32, #tpu.memory_space<vmem>> -> memref<80xi32, #tpu.memory_space<vmem>>
      %dma_start3A_222 = arith.constant 0 : i32
      %dma_start3A_223 = arith.constant 0 : i32
      %dma_start3A_224 = tpu.memref_slice %arg4[%dma_start3A_222, %dma_start3A_223] : memref<10000x16xf32, #tpu.memory_space<hbm>> -> memref<10000x16xf32, #tpu.memory_space<hbm>>
      tpu.enqueue_indirect_dma source(%dma_start3A_224 : memref<10000x16xf32, #tpu.memory_space<hbm>>) target(%dma_start3A_218 : memref<80x16xf32, #tpu.memory_space<vmem>>) offsets(%dma_start3A_221 : memref<80xi32, #tpu.memory_space<vmem>>) semaphore(%arg16 : memref<!tpu.dma_semaphore, #tpu.memory_space<semaphore_mem>>)
      %dma_start3A_225 = arith.constant 0 : i32
      %dma_start3A_226 = arith.constant 0 : i32
      %dma_start3A_227 = arith.constant 0 : i32
      %dma_start3A_228 = tpu.memref_slice %arg12[%dma_start3A_225, %dma_start3A_226, %dma_start3A_227] : memref<2x80x16xf32, #tpu.memory_space<vmem>> -> memref<1x80x16xf32, #tpu.memory_space<vmem>>
      %dma_start3A_229 = tpu.memref_squeeze %dma_start3A_228 : memref<1x80x16xf32, #tpu.memory_space<vmem>> -> memref<80x16xf32, #tpu.memory_space<vmem>>
      %dma_start3A_230 = arith.constant 0 : i32
      %dma_start3A_231 = tpu.memref_slice %arg10[%add3A_213, %dma_start3A_230] : memref<125x80xi32, #tpu.memory_space<vmem>> -> memref<1x80xi32, #tpu.memory_space<vmem>>
      %dma_start3A_232 = tpu.memref_squeeze %dma_start3A_231 : memref<1x80xi32, #tpu.memory_space<vmem>> -> memref<80xi32, #tpu.memory_space<vmem>>
      %dma_start3A_233 = arith.constant 0 : i32
      %dma_start3A_234 = arith.constant 0 : i32
      %dma_start3A_235 = tpu.memref_slice %arg5[%dma_start3A_233, %dma_start3A_234] : memref<10000x16xf32, #tpu.memory_space<hbm>> -> memref<10000x16xf32, #tpu.memory_space<hbm>>
      tpu.enqueue_indirect_dma source(%dma_start3A_235 : memref<10000x16xf32, #tpu.memory_space<hbm>>) target(%dma_start3A_229 : memref<80x16xf32, #tpu.memory_space<vmem>>) offsets(%dma_start3A_232 : memref<80xi32, #tpu.memory_space<vmem>>) semaphore(%arg16 : memref<!tpu.dma_semaphore, #tpu.memory_space<semaphore_mem>>)
      %dma_start3A_236 = arith.constant 0 : i32
      %dma_start3A_237 = arith.constant 0 : i32
      %dma_start3A_238 = arith.constant 0 : i32
      %dma_start3A_239 = tpu.memref_slice %arg13[%dma_start3A_236, %dma_start3A_237, %dma_start3A_238] : memref<2x80x48xf32, #tpu.memory_space<vmem>> -> memref<1x80x48xf32, #tpu.memory_space<vmem>>
      %dma_start3A_240 = tpu.memref_squeeze %dma_start3A_239 : memref<1x80x48xf32, #tpu.memory_space<vmem>> -> memref<80x48xf32, #tpu.memory_space<vmem>>
      %dma_start3A_241 = arith.constant 0 : i32
      %dma_start3A_242 = tpu.memref_slice %arg9[%add3A_213, %dma_start3A_241] : memref<125x80xi32, #tpu.memory_space<vmem>> -> memref<1x80xi32, #tpu.memory_space<vmem>>
      %dma_start3A_243 = tpu.memref_squeeze %dma_start3A_242 : memref<1x80xi32, #tpu.memory_space<vmem>> -> memref<80xi32, #tpu.memory_space<vmem>>
      %dma_start3A_244 = arith.constant 0 : i32
      %dma_start3A_245 = arith.constant 0 : i32
      %dma_start3A_246 = tpu.memref_slice %arg6[%dma_start3A_244, %dma_start3A_245] : memref<10000x48xf32, #tpu.memory_space<hbm>> -> memref<10000x48xf32, #tpu.memory_space<hbm>>
      tpu.enqueue_indirect_dma source(%dma_start3A_246 : memref<10000x48xf32, #tpu.memory_space<hbm>>) target(%dma_start3A_240 : memref<80x48xf32, #tpu.memory_space<vmem>>) offsets(%dma_start3A_243 : memref<80xi32, #tpu.memory_space<vmem>>) semaphore(%arg16 : memref<!tpu.dma_semaphore, #tpu.memory_space<semaphore_mem>>)
      %parallel_loop3A_247 = arith.constant 0 : i32
      %parallel_loop3A_248 = arith.constant 80 : i32
      %parallel_loop3A_249 = arith.constant 1 : i32
      scf.for %parallel_loop3A_284 = %parallel_loop3A_247 to %parallel_loop3A_248 step %parallel_loop3A_249  : i32 {
        %parallel_loop3A_285 = tpu.iota {dimensions = array<i32: 0>} : vector<16xi32>
        %parallel_loop3A_286 = arith.constant 0 : i32
        %parallel_loop3A_287 = vector.broadcast %parallel_loop3A_286 : i32 to vector<16xi32>
        %parallel_loop3A_288 = arith.muli %parallel_loop3A_285, %parallel_loop3A_287 : vector<16xi32>
        %parallel_loop3A_289 = arith.constant 1 : i32
        %parallel_loop3A_290 = arith.index_cast %parallel_loop3A_289 : i32 to index
        %parallel_loop3A_291 = arith.index_cast %parallel_loop3A_284 : i32 to index
        %parallel_loop3A_292 = arith.constant 0 : index
        %parallel_loop3A_293 = tpu.vector_load %arg11[%parallel_loop3A_290, %parallel_loop3A_291, %parallel_loop3A_292] {strides = array<i32>} : memref<2x80x16xf32, #tpu.memory_space<vmem>>, vector<16xf32>,
        %parallel_loop3A_294 = arith.constant 1 : i32
        %parallel_loop3A_295 = arith.index_cast %parallel_loop3A_294 : i32 to index
        %parallel_loop3A_296 = arith.index_cast %parallel_loop3A_284 : i32 to index
        %parallel_loop3A_297 = arith.constant 0 : index
        %parallel_loop3A_298 = tpu.vector_load %arg12[%parallel_loop3A_295, %parallel_loop3A_296, %parallel_loop3A_297] {strides = array<i32>} : memref<2x80x16xf32, #tpu.memory_space<vmem>>, vector<16xf32>,
        %parallel_loop3A_299 = arith.addf %parallel_loop3A_293, %parallel_loop3A_298 : vector<16xf32>
        %parallel_loop3A_300 = arith.constant 0.000000e+00 : f32
        %parallel_loop3A_301 = vector.broadcast %parallel_loop3A_300 : f32 to vector<16xf32>
        %parallel_loop3A_302 = arith.cmpf oge, %parallel_loop3A_299, %parallel_loop3A_301 : vector<16xf32>
        %parallel_loop3A_303 = arith.constant 2.000000e-01 : f32
        %parallel_loop3A_304 = vector.broadcast %parallel_loop3A_303 : f32 to vector<16xf32>
        %parallel_loop3A_305 = arith.mulf %parallel_loop3A_299, %parallel_loop3A_304 : vector<16xf32>
        %parallel_loop3A_306 = arith.select %parallel_loop3A_302, %parallel_loop3A_299, %parallel_loop3A_305 : vector<16xi1>, vector<16xf32>
        %parallel_loop3A_307 = math.exp %parallel_loop3A_306 : vector<16xf32>
        %parallel_loop3A_308 = vector.shape_cast %parallel_loop3A_288 : vector<16xi32> to vector<16x1xi32>
        %parallel_loop3A_309 = vector.shape_cast %parallel_loop3A_308 : vector<16x1xi32> to vector<16xi32>
        %parallel_loop3A_310 = tpu.dynamic_gather %parallel_loop3A_307[%parallel_loop3A_309] in [0] : vector<16xf32>, vector<16xi32> -> vector<16xf32>
        %parallel_loop3A_311 = arith.constant 1 : i32
        %parallel_loop3A_312 = arith.index_cast %parallel_loop3A_311 : i32 to index
        %parallel_loop3A_313 = arith.index_cast %parallel_loop3A_284 : i32 to index
        %parallel_loop3A_314 = arith.constant 0 : index
        %parallel_loop3A_315 = tpu.vector_load %arg13[%parallel_loop3A_312, %parallel_loop3A_313, %parallel_loop3A_314] {strides = array<i32>} : memref<2x80x48xf32, #tpu.memory_space<vmem>>, vector<16xf32>,
        %parallel_loop3A_316 = arith.mulf %parallel_loop3A_315, %parallel_loop3A_310 : vector<16xf32>
        %parallel_loop3A_317 = arith.constant 1 : i32
        %parallel_loop3A_318 = arith.index_cast %parallel_loop3A_317 : i32 to index
        %parallel_loop3A_319 = arith.index_cast %parallel_loop3A_284 : i32 to index
        %parallel_loop3A_320 = arith.constant 0 : index
        %parallel_loop3A_321 = tpu.vector_load %arg14[%parallel_loop3A_318, %parallel_loop3A_319, %parallel_loop3A_320] {strides = array<i32>} : memref<2x80x48xf32, #tpu.memory_space<vmem>>, vector<16xf32>,
        tpu.vector_store %arg14[%parallel_loop3A_318, %parallel_loop3A_319, %parallel_loop3A_320], %parallel_loop3A_316 {strides = array<i32>} : memref<2x80x48xf32, #tpu.memory_space<vmem>>, vector<16xf32>,
        %parallel_loop3A_322 = arith.constant 1 : i32
        %parallel_loop3A_323 = arith.index_cast %parallel_loop3A_322 : i32 to index
        %parallel_loop3A_324 = arith.index_cast %parallel_loop3A_284 : i32 to index
        %parallel_loop3A_325 = arith.constant 16 : index
        %parallel_loop3A_326 = tpu.vector_load %arg13[%parallel_loop3A_323, %parallel_loop3A_324, %parallel_loop3A_325] {strides = array<i32>} : memref<2x80x48xf32, #tpu.memory_space<vmem>>, vector<16xf32>,
        %parallel_loop3A_327 = arith.mulf %parallel_loop3A_326, %parallel_loop3A_310 : vector<16xf32>
        %parallel_loop3A_328 = arith.constant 1 : i32
        %parallel_loop3A_329 = arith.index_cast %parallel_loop3A_328 : i32 to index
        %parallel_loop3A_330 = arith.index_cast %parallel_loop3A_284 : i32 to index
        %parallel_loop3A_331 = arith.constant 16 : index
        %parallel_loop3A_332 = tpu.vector_load %arg14[%parallel_loop3A_329, %parallel_loop3A_330, %parallel_loop3A_331] {strides = array<i32>} : memref<2x80x48xf32, #tpu.memory_space<vmem>>, vector<16xf32>,
        tpu.vector_store %arg14[%parallel_loop3A_329, %parallel_loop3A_330, %parallel_loop3A_331], %parallel_loop3A_327 {strides = array<i32>} : memref<2x80x48xf32, #tpu.memory_space<vmem>>, vector<16xf32>,
        %parallel_loop3A_333 = arith.constant 1 : i32
        %parallel_loop3A_334 = arith.index_cast %parallel_loop3A_333 : i32 to index
        %parallel_loop3A_335 = arith.index_cast %parallel_loop3A_284 : i32 to index
        %parallel_loop3A_336 = arith.constant 32 : index
        %parallel_loop3A_337 = tpu.vector_load %arg13[%parallel_loop3A_334, %parallel_loop3A_335, %parallel_loop3A_336] {strides = array<i32>} : memref<2x80x48xf32, #tpu.memory_space<vmem>>, vector<16xf32>,
        %parallel_loop3A_338 = arith.mulf %parallel_loop3A_337, %parallel_loop3A_310 : vector<16xf32>
        %parallel_loop3A_339 = arith.constant 1 : i32
        %parallel_loop3A_340 = arith.index_cast %parallel_loop3A_339 : i32 to index
        %parallel_loop3A_341 = arith.index_cast %parallel_loop3A_284 : i32 to index
        %parallel_loop3A_342 = arith.constant 32 : index
        %parallel_loop3A_343 = tpu.vector_load %arg14[%parallel_loop3A_340, %parallel_loop3A_341, %parallel_loop3A_342] {strides = array<i32>} : memref<2x80x48xf32, #tpu.memory_space<vmem>>, vector<16xf32>,
        tpu.vector_store %arg14[%parallel_loop3A_340, %parallel_loop3A_341, %parallel_loop3A_342], %parallel_loop3A_338 {strides = array<i32>} : memref<2x80x48xf32, #tpu.memory_space<vmem>>, vector<16xf32>,
      } {sc.loop_unroll_factor = 4 : i64, sc.parallel_access}
      %dma_start3A_250 = arith.constant 1 : i32
      %dma_start3A_251 = arith.constant 0 : i32
      %dma_start3A_252 = arith.constant 0 : i32
      %dma_start3A_253 = tpu.memref_slice %arg14[%dma_start3A_250, %dma_start3A_251, %dma_start3A_252] : memref<2x80x48xf32, #tpu.memory_space<vmem>> -> memref<1x80x48xf32, #tpu.memory_space<vmem>>
      %dma_start3A_254 = tpu.memref_squeeze %dma_start3A_253 : memref<1x80x48xf32, #tpu.memory_space<vmem>> -> memref<80x48xf32, #tpu.memory_space<vmem>>
      %dma_start3A_255 = arith.constant 0 : i32
      %dma_start3A_256 = tpu.memref_slice %arg10[%add3A_92, %dma_start3A_255] : memref<125x80xi32, #tpu.memory_space<vmem>> -> memref<1x80xi32, #tpu.memory_space<vmem>>
      %dma_start3A_257 = tpu.memref_squeeze %dma_start3A_256 : memref<1x80xi32, #tpu.memory_space<vmem>> -> memref<80xi32, #tpu.memory_space<vmem>>
      %dma_start3A_258 = arith.constant 0 : i32
      %dma_start3A_259 = arith.constant 0 : i32
      %dma_start3A_260 = tpu.memref_slice %arg15[%dma_start3A_258, %dma_start3A_259] : memref<10240x48xf32, #tpu.memory_space<vmem_shared>> -> memref<10240x48xf32, #tpu.memory_space<vmem_shared>>
      tpu.enqueue_indirect_dma source(%dma_start3A_254 : memref<80x48xf32, #tpu.memory_space<vmem>>) target(%dma_start3A_260 : memref<10240x48xf32, #tpu.memory_space<vmem_shared>>) offsets(%dma_start3A_257 : memref<80xi32, #tpu.memory_space<vmem>>) semaphore(%arg19 : memref<!tpu.dma_semaphore, #tpu.memory_space<semaphore_mem>>) {add = true}
      %dma_wait3A_261 = arith.constant 0 : i32
      %dma_wait3A_262 = arith.constant 0 : i32
      %dma_wait3A_263 = arith.constant 0 : i32
      %dma_wait3A_264 = tpu.memref_slice %arg14[%dma_wait3A_261, %dma_wait3A_262, %dma_wait3A_263] : memref<2x80x48xf32, #tpu.memory_space<vmem>> -> memref<1x80x48xf32, #tpu.memory_space<vmem>>
      %dma_wait3A_265 = tpu.memref_squeeze %dma_wait3A_264 : memref<1x80x48xf32, #tpu.memory_space<vmem>> -> memref<80x48xf32, #tpu.memory_space<vmem>>
      %dma_wait3A_266 = arith.constant 0 : i32
      %dma_wait3A_267 = tpu.memref_slice %arg10[%mul3A_90, %dma_wait3A_266] : memref<125x80xi32, #tpu.memory_space<vmem>> -> memref<1x80xi32, #tpu.memory_space<vmem>>
      %dma_wait3A_268 = tpu.memref_squeeze %dma_wait3A_267 : memref<1x80xi32, #tpu.memory_space<vmem>> -> memref<80xi32, #tpu.memory_space<vmem>>
      %dma_wait3A_269 = arith.constant 0 : i32
      %dma_wait3A_270 = arith.constant 0 : i32
      %dma_wait3A_271 = tpu.memref_slice %arg15[%dma_wait3A_269, %dma_wait3A_270] : memref<10240x48xf32, #tpu.memory_space<vmem_shared>> -> memref<10240x48xf32, #tpu.memory_space<vmem_shared>>
      tpu.wait_indirect_dma semaphore(%arg18 : memref<!tpu.dma_semaphore, #tpu.memory_space<semaphore_mem>>) src(%dma_wait3A_265 : memref<80x48xf32, #tpu.memory_space<vmem>>) dst(%dma_wait3A_271 : memref<10240x48xf32, #tpu.memory_space<vmem_shared>>)
      %dma_wait3A_272 = arith.constant 1 : i32
      %dma_wait3A_273 = arith.constant 0 : i32
      %dma_wait3A_274 = arith.constant 0 : i32
      %dma_wait3A_275 = tpu.memref_slice %arg14[%dma_wait3A_272, %dma_wait3A_273, %dma_wait3A_274] : memref<2x80x48xf32, #tpu.memory_space<vmem>> -> memref<1x80x48xf32, #tpu.memory_space<vmem>>
      %dma_wait3A_276 = tpu.memref_squeeze %dma_wait3A_275 : memref<1x80x48xf32, #tpu.memory_space<vmem>> -> memref<80x48xf32, #tpu.memory_space<vmem>>
      %dma_wait3A_277 = arith.constant 0 : i32
      %dma_wait3A_278 = tpu.memref_slice %arg10[%add3A_92, %dma_wait3A_277] : memref<125x80xi32, #tpu.memory_space<vmem>> -> memref<1x80xi32, #tpu.memory_space<vmem>>
      %dma_wait3A_279 = tpu.memref_squeeze %dma_wait3A_278 : memref<1x80xi32, #tpu.memory_space<vmem>> -> memref<80xi32, #tpu.memory_space<vmem>>
      %dma_wait3A_280 = arith.constant 0 : i32
      %dma_wait3A_281 = arith.constant 0 : i32
      %dma_wait3A_282 = tpu.memref_slice %arg15[%dma_wait3A_280, %dma_wait3A_281] : memref<10240x48xf32, #tpu.memory_space<vmem_shared>> -> memref<10240x48xf32, #tpu.memory_space<vmem_shared>>
      tpu.wait_indirect_dma semaphore(%arg19 : memref<!tpu.dma_semaphore, #tpu.memory_space<semaphore_mem>>) src(%dma_wait3A_276 : memref<80x48xf32, #tpu.memory_space<vmem>>) dst(%dma_wait3A_282 : memref<10240x48xf32, #tpu.memory_space<vmem_shared>>)
      %scan3A_283 = arith.constant 0 : i32
      scf.yield %scan3A_283 : i32
    }
    %scan3A_43 = arith.constant 62 : i32
    %dma_wait3A = arith.constant 0 : i32
    %dma_wait3A_44 = arith.constant 0 : i32
    %dma_wait3A_45 = arith.constant 0 : i32
    %dma_wait3A_46 = arith.constant 0 : i32
    %dma_wait3A_47 = tpu.memref_slice %arg11[%dma_wait3A_44, %dma_wait3A_45, %dma_wait3A_46] : memref<2x80x16xf32, #tpu.memory_space<vmem>> -> memref<1x80x16xf32, #tpu.memory_space<vmem>>
    %dma_wait3A_48 = tpu.memref_squeeze %dma_wait3A_47 : memref<1x80x16xf32, #tpu.memory_space<vmem>> -> memref<80x16xf32, #tpu.memory_space<vmem>>
    %dma_wait3A_49 = arith.constant 0 : i32
    %dma_wait3A_50 = tpu.memref_slice %arg9[%dma_wait3A, %dma_wait3A_49] : memref<125x80xi32, #tpu.memory_space<vmem>> -> memref<1x80xi32, #tpu.memory_space<vmem>>
    %dma_wait3A_51 = tpu.memref_squeeze %dma_wait3A_50 : memref<1x80xi32, #tpu.memory_space<vmem>> -> memref<80xi32, #tpu.memory_space<vmem>>
    %dma_wait3A_52 = arith.constant 0 : i32
    %dma_wait3A_53 = arith.constant 0 : i32
    %dma_wait3A_54 = tpu.memref_slice %arg4[%dma_wait3A_52, %dma_wait3A_53] : memref<10000x16xf32, #tpu.memory_space<hbm>> -> memref<10000x16xf32, #tpu.memory_space<hbm>>
    tpu.wait_indirect_dma semaphore(%arg16 : memref<!tpu.dma_semaphore, #tpu.memory_space<semaphore_mem>>) src(%dma_wait3A_54 : memref<10000x16xf32, #tpu.memory_space<hbm>>) dst(%dma_wait3A_48 : memref<80x16xf32, #tpu.memory_space<vmem>>)
    %dma_wait3A_55 = arith.constant 0 : i32
    %dma_wait3A_56 = arith.constant 0 : i32
    %dma_wait3A_57 = arith.constant 0 : i32
    %dma_wait3A_58 = arith.constant 0 : i32
    %dma_wait3A_59 = tpu.memref_slice %arg12[%dma_wait3A_56, %dma_wait3A_57, %dma_wait3A_58] : memref<2x80x16xf32, #tpu.memory_space<vmem>> -> memref<1x80x16xf32, #tpu.memory_space<vmem>>
    %dma_wait3A_60 = tpu.memref_squeeze %dma_wait3A_59 : memref<1x80x16xf32, #tpu.memory_space<vmem>> -> memref<80x16xf32, #tpu.memory_space<vmem>>
    %dma_wait3A_61 = arith.constant 0 : i32
    %dma_wait3A_62 = tpu.memref_slice %arg10[%dma_wait3A_55, %dma_wait3A_61] : memref<125x80xi32, #tpu.memory_space<vmem>> -> memref<1x80xi32, #tpu.memory_space<vmem>>
    %dma_wait3A_63 = tpu.memref_squeeze %dma_wait3A_62 : memref<1x80xi32, #tpu.memory_space<vmem>> -> memref<80xi32, #tpu.memory_space<vmem>>
    %dma_wait3A_64 = arith.constant 0 : i32
    %dma_wait3A_65 = arith.constant 0 : i32
    %dma_wait3A_66 = tpu.memref_slice %arg5[%dma_wait3A_64, %dma_wait3A_65] : memref<10000x16xf32, #tpu.memory_space<hbm>> -> memref<10000x16xf32, #tpu.memory_space<hbm>>
    tpu.wait_indirect_dma semaphore(%arg16 : memref<!tpu.dma_semaphore, #tpu.memory_space<semaphore_mem>>) src(%dma_wait3A_66 : memref<10000x16xf32, #tpu.memory_space<hbm>>) dst(%dma_wait3A_60 : memref<80x16xf32, #tpu.memory_space<vmem>>)
    %dma_wait3A_67 = arith.constant 0 : i32
    %dma_wait3A_68 = arith.constant 0 : i32
    %dma_wait3A_69 = arith.constant 0 : i32
    %dma_wait3A_70 = arith.constant 0 : i32
    %dma_wait3A_71 = tpu.memref_slice %arg13[%dma_wait3A_68, %dma_wait3A_69, %dma_wait3A_70] : memref<2x80x48xf32, #tpu.memory_space<vmem>> -> memref<1x80x48xf32, #tpu.memory_space<vmem>>
    %dma_wait3A_72 = tpu.memref_squeeze %dma_wait3A_71 : memref<1x80x48xf32, #tpu.memory_space<vmem>> -> memref<80x48xf32, #tpu.memory_space<vmem>>
    %dma_wait3A_73 = arith.constant 0 : i32
    %dma_wait3A_74 = tpu.memref_slice %arg9[%dma_wait3A_67, %dma_wait3A_73] : memref<125x80xi32, #tpu.memory_space<vmem>> -> memref<1x80xi32, #tpu.memory_space<vmem>>
    %dma_wait3A_75 = tpu.memref_squeeze %dma_wait3A_74 : memref<1x80xi32, #tpu.memory_space<vmem>> -> memref<80xi32, #tpu.memory_space<vmem>>
    %dma_wait3A_76 = arith.constant 0 : i32
    %dma_wait3A_77 = arith.constant 0 : i32
    %dma_wait3A_78 = tpu.memref_slice %arg6[%dma_wait3A_76, %dma_wait3A_77] : memref<10000x48xf32, #tpu.memory_space<hbm>> -> memref<10000x48xf32, #tpu.memory_space<hbm>>
    tpu.wait_indirect_dma semaphore(%arg16 : memref<!tpu.dma_semaphore, #tpu.memory_space<semaphore_mem>>) src(%dma_wait3A_78 : memref<10000x48xf32, #tpu.memory_space<hbm>>) dst(%dma_wait3A_72 : memref<80x48xf32, #tpu.memory_space<vmem>>)
    %parallel_loop3A = arith.constant 0 : i32
    %parallel_loop3A_79 = arith.constant 80 : i32
    %parallel_loop3A_80 = arith.constant 1 : i32
    scf.for %parallel_loop3A_87 = %parallel_loop3A to %parallel_loop3A_79 step %parallel_loop3A_80  : i32 {
      %parallel_loop3A_88 = tpu.iota {dimensions = array<i32: 0>} : vector<16xi32>
      %parallel_loop3A_89 = arith.constant 0 : i32
      %parallel_loop3A_90 = vector.broadcast %parallel_loop3A_89 : i32 to vector<16xi32>
      %parallel_loop3A_91 = arith.muli %parallel_loop3A_88, %parallel_loop3A_90 : vector<16xi32>
      %parallel_loop3A_92 = arith.constant 0 : i32
      %parallel_loop3A_93 = arith.index_cast %parallel_loop3A_92 : i32 to index
      %parallel_loop3A_94 = arith.index_cast %parallel_loop3A_87 : i32 to index
      %parallel_loop3A_95 = arith.constant 0 : index
      %parallel_loop3A_96 = tpu.vector_load %arg11[%parallel_loop3A_93, %parallel_loop3A_94, %parallel_loop3A_95] {strides = array<i32>} : memref<2x80x16xf32, #tpu.memory_space<vmem>>, vector<16xf32>,
      %parallel_loop3A_97 = arith.constant 0 : i32
      %parallel_loop3A_98 = arith.index_cast %parallel_loop3A_97 : i32 to index
      %parallel_loop3A_99 = arith.index_cast %parallel_loop3A_87 : i32 to index
      %parallel_loop3A_100 = arith.constant 0 : index
      %parallel_loop3A_101 = tpu.vector_load %arg12[%parallel_loop3A_98, %parallel_loop3A_99, %parallel_loop3A_100] {strides = array<i32>} : memref<2x80x16xf32, #tpu.memory_space<vmem>>, vector<16xf32>,
      %parallel_loop3A_102 = arith.addf %parallel_loop3A_96, %parallel_loop3A_101 : vector<16xf32>
      %parallel_loop3A_103 = arith.constant 0.000000e+00 : f32
      %parallel_loop3A_104 = vector.broadcast %parallel_loop3A_103 : f32 to vector<16xf32>
      %parallel_loop3A_105 = arith.cmpf oge, %parallel_loop3A_102, %parallel_loop3A_104 : vector<16xf32>
      %parallel_loop3A_106 = arith.constant 2.000000e-01 : f32
      %parallel_loop3A_107 = vector.broadcast %parallel_loop3A_106 : f32 to vector<16xf32>
      %parallel_loop3A_108 = arith.mulf %parallel_loop3A_102, %parallel_loop3A_107 : vector<16xf32>
      %parallel_loop3A_109 = arith.select %parallel_loop3A_105, %parallel_loop3A_102, %parallel_loop3A_108 : vector<16xi1>, vector<16xf32>
      %parallel_loop3A_110 = math.exp %parallel_loop3A_109 : vector<16xf32>
      %parallel_loop3A_111 = vector.shape_cast %parallel_loop3A_91 : vector<16xi32> to vector<16x1xi32>
      %parallel_loop3A_112 = vector.shape_cast %parallel_loop3A_111 : vector<16x1xi32> to vector<16xi32>
      %parallel_loop3A_113 = tpu.dynamic_gather %parallel_loop3A_110[%parallel_loop3A_112] in [0] : vector<16xf32>, vector<16xi32> -> vector<16xf32>
      %parallel_loop3A_114 = arith.constant 0 : i32
      %parallel_loop3A_115 = arith.index_cast %parallel_loop3A_114 : i32 to index
      %parallel_loop3A_116 = arith.index_cast %parallel_loop3A_87 : i32 to index
      %parallel_loop3A_117 = arith.constant 0 : index
      %parallel_loop3A_118 = tpu.vector_load %arg13[%parallel_loop3A_115, %parallel_loop3A_116, %parallel_loop3A_117] {strides = array<i32>} : memref<2x80x48xf32, #tpu.memory_space<vmem>>, vector<16xf32>,
      %parallel_loop3A_119 = arith.mulf %parallel_loop3A_118, %parallel_loop3A_113 : vector<16xf32>
      %parallel_loop3A_120 = arith.constant 0 : i32
      %parallel_loop3A_121 = arith.index_cast %parallel_loop3A_120 : i32 to index
      %parallel_loop3A_122 = arith.index_cast %parallel_loop3A_87 : i32 to index
      %parallel_loop3A_123 = arith.constant 0 : index
      %parallel_loop3A_124 = tpu.vector_load %arg14[%parallel_loop3A_121, %parallel_loop3A_122, %parallel_loop3A_123] {strides = array<i32>} : memref<2x80x48xf32, #tpu.memory_space<vmem>>, vector<16xf32>,
      tpu.vector_store %arg14[%parallel_loop3A_121, %parallel_loop3A_122, %parallel_loop3A_123], %parallel_loop3A_119 {strides = array<i32>} : memref<2x80x48xf32, #tpu.memory_space<vmem>>, vector<16xf32>,
      %parallel_loop3A_125 = arith.constant 0 : i32
      %parallel_loop3A_126 = arith.index_cast %parallel_loop3A_125 : i32 to index
      %parallel_loop3A_127 = arith.index_cast %parallel_loop3A_87 : i32 to index
      %parallel_loop3A_128 = arith.constant 16 : index
      %parallel_loop3A_129 = tpu.vector_load %arg13[%parallel_loop3A_126, %parallel_loop3A_127, %parallel_loop3A_128] {strides = array<i32>} : memref<2x80x48xf32, #tpu.memory_space<vmem>>, vector<16xf32>,
      %parallel_loop3A_130 = arith.mulf %parallel_loop3A_129, %parallel_loop3A_113 : vector<16xf32>
      %parallel_loop3A_131 = arith.constant 0 : i32
      %parallel_loop3A_132 = arith.index_cast %parallel_loop3A_131 : i32 to index
      %parallel_loop3A_133 = arith.index_cast %parallel_loop3A_87 : i32 to index
      %parallel_loop3A_134 = arith.constant 16 : index
      %parallel_loop3A_135 = tpu.vector_load %arg14[%parallel_loop3A_132, %parallel_loop3A_133, %parallel_loop3A_134] {strides = array<i32>} : memref<2x80x48xf32, #tpu.memory_space<vmem>>, vector<16xf32>,
      tpu.vector_store %arg14[%parallel_loop3A_132, %parallel_loop3A_133, %parallel_loop3A_134], %parallel_loop3A_130 {strides = array<i32>} : memref<2x80x48xf32, #tpu.memory_space<vmem>>, vector<16xf32>,
      %parallel_loop3A_136 = arith.constant 0 : i32
      %parallel_loop3A_137 = arith.index_cast %parallel_loop3A_136 : i32 to index
      %parallel_loop3A_138 = arith.index_cast %parallel_loop3A_87 : i32 to index
      %parallel_loop3A_139 = arith.constant 32 : index
      %parallel_loop3A_140 = tpu.vector_load %arg13[%parallel_loop3A_137, %parallel_loop3A_138, %parallel_loop3A_139] {strides = array<i32>} : memref<2x80x48xf32, #tpu.memory_space<vmem>>, vector<16xf32>,
      %parallel_loop3A_141 = arith.mulf %parallel_loop3A_140, %parallel_loop3A_113 : vector<16xf32>
      %parallel_loop3A_142 = arith.constant 0 : i32
      %parallel_loop3A_143 = arith.index_cast %parallel_loop3A_142 : i32 to index
      %parallel_loop3A_144 = arith.index_cast %parallel_loop3A_87 : i32 to index
      %parallel_loop3A_145 = arith.constant 32 : index
      %parallel_loop3A_146 = tpu.vector_load %arg14[%parallel_loop3A_143, %parallel_loop3A_144, %parallel_loop3A_145] {strides = array<i32>} : memref<2x80x48xf32, #tpu.memory_space<vmem>>, vector<16xf32>,
      tpu.vector_store %arg14[%parallel_loop3A_143, %parallel_loop3A_144, %parallel_loop3A_145], %parallel_loop3A_141 {strides = array<i32>} : memref<2x80x48xf32, #tpu.memory_space<vmem>>, vector<16xf32>,
    } {sc.loop_unroll_factor = 4 : i64, sc.parallel_access}
    %run_scoped3A = arith.constant 0 : i32
    %run_scoped3A_81 = arith.constant 124 : i32
    "tpu.region"() ({
      %run_scoped3A_87 = tpu.sem_alloc : memref<!tpu.dma_semaphore, #tpu.memory_space<semaphore_mem>>
      %dma_start3A_88 = arith.constant 0 : i32
      %dma_start3A_89 = arith.constant 0 : i32
      %dma_start3A_90 = tpu.memref_slice %arg14[%run_scoped3A, %dma_start3A_88, %dma_start3A_89] : memref<2x80x48xf32, #tpu.memory_space<vmem>> -> memref<1x80x48xf32, #tpu.memory_space<vmem>>
      %dma_start3A_91 = tpu.memref_squeeze %dma_start3A_90 : memref<1x80x48xf32, #tpu.memory_space<vmem>> -> memref<80x48xf32, #tpu.memory_space<vmem>>
      %dma_start3A_92 = arith.constant 0 : i32
      %dma_start3A_93 = tpu.memref_slice %arg10[%run_scoped3A_81, %dma_start3A_92] : memref<125x80xi32, #tpu.memory_space<vmem>> -> memref<1x80xi32, #tpu.memory_space<vmem>>
      %dma_start3A_94 = tpu.memref_squeeze %dma_start3A_93 : memref<1x80xi32, #tpu.memory_space<vmem>> -> memref<80xi32, #tpu.memory_space<vmem>>
      %dma_start3A_95 = arith.constant 0 : i32
      %dma_start3A_96 = arith.constant 0 : i32
      %dma_start3A_97 = tpu.memref_slice %arg15[%dma_start3A_95, %dma_start3A_96] : memref<10240x48xf32, #tpu.memory_space<vmem_shared>> -> memref<10240x48xf32, #tpu.memory_space<vmem_shared>>
      tpu.enqueue_indirect_dma source(%dma_start3A_91 : memref<80x48xf32, #tpu.memory_space<vmem>>) target(%dma_start3A_97 : memref<10240x48xf32, #tpu.memory_space<vmem_shared>>) offsets(%dma_start3A_94 : memref<80xi32, #tpu.memory_space<vmem>>) semaphore(%run_scoped3A_87 : memref<!tpu.dma_semaphore, #tpu.memory_space<semaphore_mem>>) {add = true}
      %dma_wait3A_98 = arith.constant 0 : i32
      %dma_wait3A_99 = arith.constant 0 : i32
      %dma_wait3A_100 = tpu.memref_slice %arg14[%run_scoped3A, %dma_wait3A_98, %dma_wait3A_99] : memref<2x80x48xf32, #tpu.memory_space<vmem>> -> memref<1x80x48xf32, #tpu.memory_space<vmem>>
      %dma_wait3A_101 = tpu.memref_squeeze %dma_wait3A_100 : memref<1x80x48xf32, #tpu.memory_space<vmem>> -> memref<80x48xf32, #tpu.memory_space<vmem>>
      %dma_wait3A_102 = arith.constant 0 : i32
      %dma_wait3A_103 = tpu.memref_slice %arg10[%run_scoped3A_81, %dma_wait3A_102] : memref<125x80xi32, #tpu.memory_space<vmem>> -> memref<1x80xi32, #tpu.memory_space<vmem>>
      %dma_wait3A_104 = tpu.memref_squeeze %dma_wait3A_103 : memref<1x80xi32, #tpu.memory_space<vmem>> -> memref<80xi32, #tpu.memory_space<vmem>>
      %dma_wait3A_105 = arith.constant 0 : i32
      %dma_wait3A_106 = arith.constant 0 : i32
      %dma_wait3A_107 = tpu.memref_slice %arg15[%dma_wait3A_105, %dma_wait3A_106] : memref<10240x48xf32, #tpu.memory_space<vmem_shared>> -> memref<10240x48xf32, #tpu.memory_space<vmem_shared>>
      tpu.wait_indirect_dma semaphore(%run_scoped3A_87 : memref<!tpu.dma_semaphore, #tpu.memory_space<semaphore_mem>>) src(%dma_wait3A_101 : memref<80x48xf32, #tpu.memory_space<vmem>>) dst(%dma_wait3A_107 : memref<10240x48xf32, #tpu.memory_space<vmem_shared>>)
      tpu.yield
    }) : () -> ()
    %barrier3A_82 = arith.constant 0 : index
    tpu.barrier barrier_id(%barrier3A_82)
    %mul3A_83 = arith.constant 640 : i32
    %mul3A_84 = arith.muli %arg1, %mul3A_83 : i32
    %mul3A_85 = arith.constant 640 : i32
    %mul3A_86 = arith.muli %arg1, %mul3A_85 : i32
    "tpu.region"() ({
      %run_scoped3A_87 = tpu.sem_alloc : memref<!tpu.dma_semaphore, #tpu.memory_space<semaphore_mem>>
      %dma_start3A_88 = arith.constant 0 : i32
      %dma_start3A_89 = arith.constant 0 : i32
      %dma_start3A_90 = tpu.memref_slice %arg8[%arg0, %dma_start3A_88, %dma_start3A_89] : memref<2x10240x48xf32, #tpu.memory_space<hbm>> -> memref<1x10240x48xf32, #tpu.memory_space<hbm>>
      %dma_start3A_91 = tpu.memref_squeeze %dma_start3A_90 : memref<1x10240x48xf32, #tpu.memory_space<hbm>> -> memref<10240x48xf32, #tpu.memory_space<hbm>>
      %dma_start3A_92 = arith.constant 0 : i32
      %dma_start3A_93 = tpu.memref_slice %dma_start3A_91[%mul3A_86, %dma_start3A_92] : memref<10240x48xf32, #tpu.memory_space<hbm>> -> memref<640x48xf32, #tpu.memory_space<hbm>>
      %dma_start3A_94 = arith.constant 0 : i32
      %dma_start3A_95 = tpu.memref_slice %arg15[%mul3A_84, %dma_start3A_94] : memref<10240x48xf32, #tpu.memory_space<vmem_shared>> -> memref<640x48xf32, #tpu.memory_space<vmem_shared>>
      tpu.enqueue_dma source(%dma_start3A_95 : memref<640x48xf32, #tpu.memory_space<vmem_shared>>) target(%dma_start3A_93 : memref<640x48xf32, #tpu.memory_space<hbm>>) target_semaphore(%run_scoped3A_87 : memref<!tpu.dma_semaphore, #tpu.memory_space<semaphore_mem>>)
      %dma_wait3A_96 = arith.constant 0 : i32
      %dma_wait3A_97 = arith.constant 0 : i32
      %dma_wait3A_98 = tpu.memref_slice %arg8[%arg0, %dma_wait3A_96, %dma_wait3A_97] : memref<2x10240x48xf32, #tpu.memory_space<hbm>> -> memref<1x10240x48xf32, #tpu.memory_space<hbm>>
      %dma_wait3A_99 = tpu.memref_squeeze %dma_wait3A_98 : memref<1x10240x48xf32, #tpu.memory_space<hbm>> -> memref<10240x48xf32, #tpu.memory_space<hbm>>
      %dma_wait3A_100 = arith.constant 0 : i32
      %dma_wait3A_101 = tpu.memref_slice %dma_wait3A_99[%mul3A_86, %dma_wait3A_100] : memref<10240x48xf32, #tpu.memory_space<hbm>> -> memref<640x48xf32, #tpu.memory_space<hbm>>
      %dma_wait3A_102 = arith.constant 0 : i32
      %dma_wait3A_103 = tpu.memref_slice %arg15[%mul3A_84, %dma_wait3A_102] : memref<10240x48xf32, #tpu.memory_space<vmem_shared>> -> memref<640x48xf32, #tpu.memory_space<vmem_shared>>
      tpu.wait_dma2 semaphore(%run_scoped3A_87 : memref<!tpu.dma_semaphore, #tpu.memory_space<semaphore_mem>>) src(%dma_wait3A_103 : memref<640x48xf32, #tpu.memory_space<vmem_shared>>) dst(%dma_wait3A_101 : memref<640x48xf32, #tpu.memory_space<hbm>>)
      tpu.yield
    }) : () -> ()
    return
  }
}

module attributes {stable_mosaic.version = 14 : i64} {
  func.func @_pre1_body(%arg0: i32, %arg1: memref<1000x128xf32, #tpu.memory_space<vmem>>, %arg2: memref<128x64xf32, #tpu.memory_space<vmem>>, %arg3: memref<64x16xf32, #tpu.memory_space<vmem>>, %arg4: memref<64x16xf32, #tpu.memory_space<vmem>>, %arg5: memref<1000x64xf32, #tpu.memory_space<vmem>>, %arg6: memref<1000x16xf32, #tpu.memory_space<vmem>>, %arg7: memref<1000x16xf32, #tpu.memory_space<vmem>>) attributes {dimension_semantics = [#tpu.dimension_semantics<arbitrary>], iteration_bounds = array<i64: 10>, scalar_prefetch = 0 : i64, scratch_operands = 0 : i64, tpu.core_type = #tpu.core_type<tc>, window_params = [{transform_indices = @transform_0, window_bounds = array<i64: 1000, 128>}, {pipeline_mode = #tpu.pipeline_mode<synchronous>, transform_indices = @transform_1, window_bounds = array<i64: 128, 64>}, {pipeline_mode = #tpu.pipeline_mode<synchronous>, transform_indices = @transform_2, window_bounds = array<i64: 64, 16>}, {pipeline_mode = #tpu.pipeline_mode<synchronous>, transform_indices = @transform_3, window_bounds = array<i64: 64, 16>}, {transform_indices = @transform_4, window_bounds = array<i64: 1000, 64>}, {transform_indices = @transform_5, window_bounds = array<i64: 1000, 16>}, {transform_indices = @transform_6, window_bounds = array<i64: 1000, 16>}]} {
    %get3A = arith.constant 0 : index
    %get3A_0 = arith.constant 0 : index
    %get3A_1 = vector.load %arg1[%get3A, %get3A_0] : memref<1000x128xf32, #tpu.memory_space<vmem>>, vector<1000x128xf32>
    %get3A_2 = arith.constant 0 : index
    %get3A_3 = arith.constant 0 : index
    %get3A_4 = vector.load %arg2[%get3A_2, %get3A_3] : memref<128x64xf32, #tpu.memory_space<vmem>>, vector<128x64xf32>
    %dot_general3A = arith.constant dense<0.000000e+00> : vector<1000x64xf32>
    %dot_general3A_5 = tpu.matmul %get3A_1, %get3A_4, %dot_general3A {dimension_numbers = #tpu.dot_dimension_numbers<[1], [0], [0], [1], [0, 0, 1, 1], [], []>, transpose_lhs_hint = false} : vector<1000x128xf32>, vector<128x64xf32>, vector<1000x64xf32> -> vector<1000x64xf32>
    %swap3A = arith.constant 0 : index
    %swap3A_6 = arith.constant 0 : index
    %swap3A_7 = vector.load %arg5[%swap3A, %swap3A_6] : memref<1000x64xf32, #tpu.memory_space<vmem>>, vector<1000x64xf32>
    tpu.vector_store %arg5[%swap3A, %swap3A_6], %dot_general3A_5 {strides = array<i32>} : memref<1000x64xf32, #tpu.memory_space<vmem>>, vector<1000x64xf32>,
    %get3A_8 = arith.constant 0 : index
    %get3A_9 = arith.constant 0 : index
    %get3A_10 = vector.load %arg3[%get3A_8, %get3A_9] : memref<64x16xf32, #tpu.memory_space<vmem>>, vector<64x16xf32>
    %dot_general3A_11 = arith.constant dense<0.000000e+00> : vector<1000x16xf32>
    %dot_general3A_12 = tpu.matmul %dot_general3A_5, %get3A_10, %dot_general3A_11 {dimension_numbers = #tpu.dot_dimension_numbers<[1], [0], [0], [1], [0, 0, 1, 1], [], []>, transpose_lhs_hint = false} : vector<1000x64xf32>, vector<64x16xf32>, vector<1000x16xf32> -> vector<1000x16xf32>
    %swap3A_13 = arith.constant 0 : index
    %swap3A_14 = arith.constant 0 : index
    %swap3A_15 = vector.load %arg6[%swap3A_13, %swap3A_14] : memref<1000x16xf32, #tpu.memory_space<vmem>>, vector<1000x16xf32>
    tpu.vector_store %arg6[%swap3A_13, %swap3A_14], %dot_general3A_12 {strides = array<i32>} : memref<1000x16xf32, #tpu.memory_space<vmem>>, vector<1000x16xf32>,
    %get3A_16 = arith.constant 0 : index
    %get3A_17 = arith.constant 0 : index
    %get3A_18 = vector.load %arg4[%get3A_16, %get3A_17] : memref<64x16xf32, #tpu.memory_space<vmem>>, vector<64x16xf32>
    %dot_general3A_19 = arith.constant dense<0.000000e+00> : vector<1000x16xf32>
    %dot_general3A_20 = tpu.matmul %dot_general3A_5, %get3A_18, %dot_general3A_19 {dimension_numbers = #tpu.dot_dimension_numbers<[1], [0], [0], [1], [0, 0, 1, 1], [], []>, transpose_lhs_hint = false} : vector<1000x64xf32>, vector<64x16xf32>, vector<1000x16xf32> -> vector<1000x16xf32>
    %swap3A_21 = arith.constant 0 : index
    %swap3A_22 = arith.constant 0 : index
    %swap3A_23 = vector.load %arg7[%swap3A_21, %swap3A_22] : memref<1000x16xf32, #tpu.memory_space<vmem>>, vector<1000x16xf32>
    tpu.vector_store %arg7[%swap3A_21, %swap3A_22], %dot_general3A_20 {strides = array<i32>} : memref<1000x16xf32, #tpu.memory_space<vmem>>, vector<1000x16xf32>,
    return
  }
  func.func @transform_0(%arg0: i32) -> (i32, i32) {
    %c0_i32 = arith.constant 0 : i32
    %c0_i32_0 = arith.constant 0 : i32
    return %arg0, %c0_i32 : i32, i32
  }
  func.func @transform_1(%arg0: i32) -> (i32, i32) {
    %c0_i32 = arith.constant 0 : i32
    %c0_i32_0 = arith.constant 0 : i32
    %c0_i32_1 = arith.constant 0 : i32
    return %c0_i32, %c0_i32_0 : i32, i32
  }
  func.func @transform_2(%arg0: i32) -> (i32, i32) {
    %c0_i32 = arith.constant 0 : i32
    %c0_i32_0 = arith.constant 0 : i32
    %c0_i32_1 = arith.constant 0 : i32
    return %c0_i32, %c0_i32_0 : i32, i32
  }
  func.func @transform_3(%arg0: i32) -> (i32, i32) {
    %c0_i32 = arith.constant 0 : i32
    %c0_i32_0 = arith.constant 0 : i32
    %c0_i32_1 = arith.constant 0 : i32
    return %c0_i32, %c0_i32_0 : i32, i32
  }
  func.func @transform_4(%arg0: i32) -> (i32, i32) {
    %c0_i32 = arith.constant 0 : i32
    %c0_i32_0 = arith.constant 0 : i32
    return %arg0, %c0_i32 : i32, i32
  }
  func.func @transform_5(%arg0: i32) -> (i32, i32) {
    %c0_i32 = arith.constant 0 : i32
    %c0_i32_0 = arith.constant 0 : i32
    return %arg0, %c0_i32 : i32, i32
  }
  func.func @transform_6(%arg0: i32) -> (i32, i32) {
    %c0_i32 = arith.constant 0 : i32
    %c0_i32_0 = arith.constant 0 : i32
    return %arg0, %c0_i32 : i32, i32
  }
}

module attributes {stable_mosaic.version = 14 : i64} {
  func.func @_mid_body(%arg0: i32, %arg1: memref<1000x80xf32, #tpu.memory_space<vmem>>, %arg2: memref<1000x80xf32, #tpu.memory_space<vmem>>, %arg3: memref<1x64xf32, #tpu.memory_space<vmem>>, %arg4: memref<8x64xf32, #tpu.memory_space<vmem>>, %arg5: memref<64x48xf32, #tpu.memory_space<vmem>>, %arg6: memref<1x48xf32, #tpu.memory_space<vmem>>, %arg7: memref<48x16xf32, #tpu.memory_space<vmem>>, %arg8: memref<48x16xf32, #tpu.memory_space<vmem>>, %arg9: memref<1000x48xf32, #tpu.memory_space<vmem>>, %arg10: memref<1000x16xf32, #tpu.memory_space<vmem>>, %arg11: memref<1000x16xf32, #tpu.memory_space<vmem>>) attributes {dimension_semantics = [#tpu.dimension_semantics<arbitrary>], iteration_bounds = array<i64: 10>, scalar_prefetch = 0 : i64, scratch_operands = 0 : i64, tpu.core_type = #tpu.core_type<tc>, window_params = [{transform_indices = @transform_0, window_bounds = array<i64: 1000, 80>}, {transform_indices = @transform_1, window_bounds = array<i64: 1000, 80>}, {pipeline_mode = #tpu.pipeline_mode<synchronous>, transform_indices = @transform_2, window_bounds = array<i64: 1, 64>}, {pipeline_mode = #tpu.pipeline_mode<synchronous>, transform_indices = @transform_3, window_bounds = array<i64: 8, 64>}, {pipeline_mode = #tpu.pipeline_mode<synchronous>, transform_indices = @transform_4, window_bounds = array<i64: 64, 48>}, {pipeline_mode = #tpu.pipeline_mode<synchronous>, transform_indices = @transform_5, window_bounds = array<i64: 1, 48>}, {pipeline_mode = #tpu.pipeline_mode<synchronous>, transform_indices = @transform_6, window_bounds = array<i64: 48, 16>}, {pipeline_mode = #tpu.pipeline_mode<synchronous>, transform_indices = @transform_7, window_bounds = array<i64: 48, 16>}, {transform_indices = @transform_8, window_bounds = array<i64: 1000, 48>}, {transform_indices = @transform_9, window_bounds = array<i64: 1000, 16>}, {transform_indices = @transform_10, window_bounds = array<i64: 1000, 16>}]} {
    %get3A = arith.constant 0 : index
    %get3A_0 = arith.constant 0 : index
    %get3A_1 = vector.load %arg1[%get3A, %get3A_0] : memref<1000x80xf32, #tpu.memory_space<vmem>>, vector<1000x80xf32>
    %get3A_2 = arith.constant 0 : index
    %get3A_3 = arith.constant 0 : index
    %get3A_4 = vector.load %arg2[%get3A_2, %get3A_3] : memref<1000x80xf32, #tpu.memory_space<vmem>>, vector<1000x80xf32>
    %add3A = arith.addf %get3A_1, %get3A_4 : vector<1000x80xf32>
    %slice3A = vector.extract_strided_slice %add3A {offsets = [0, 0], sizes = [1000, 64], strides = [1, 1]} : vector<1000x80xf32> to vector<1000x64xf32>
    %slice3A_5 = vector.extract_strided_slice %add3A {offsets = [0, 64], sizes = [1000, 8], strides = [1, 1]} : vector<1000x80xf32> to vector<1000x8xf32>
    %gt3A = arith.constant 0.000000e+00 : f32
    %gt3A_6 = vector.broadcast %gt3A : f32 to vector<1000x8xf32>
    %gt3A_7 = arith.cmpf ogt, %slice3A_5, %gt3A_6 : vector<1000x8xf32>
    %jit3A = arith.constant 1.000000e+00 : f32
    %broadcast_in_dim3A = vector.broadcast %jit3A : f32 to vector<1000x8xf32>
    %select_n3A = arith.select %gt3A_7, %slice3A_5, %broadcast_in_dim3A : vector<1000x8xi1>, vector<1000x8xf32>
    %div3A = arith.constant 1.000000e+00 : f32
    %div3A_8 = vector.broadcast %div3A : f32 to vector<1000x8xf32>
    %div3A_9 = arith.divf %div3A_8, %select_n3A : vector<1000x8xf32>
    %get3A_10 = arith.constant 0 : index
    %get3A_11 = arith.constant 0 : index
    %get3A_12 = vector.load %arg4[%get3A_10, %get3A_11] : memref<8x64xf32, #tpu.memory_space<vmem>>, vector<8x64xf32>
    %dot_general3A = arith.constant dense<0.000000e+00> : vector<1000x64xf32>
    %dot_general3A_13 = tpu.matmul %div3A_9, %get3A_12, %dot_general3A {dimension_numbers = #tpu.dot_dimension_numbers<[1], [0], [0], [1], [0, 0, 1, 1], [], []>, transpose_lhs_hint = false} : vector<1000x8xf32>, vector<8x64xf32>, vector<1000x64xf32> -> vector<1000x64xf32>
    %mul3A = arith.mulf %slice3A, %dot_general3A_13 : vector<1000x64xf32>
    %get3A_14 = arith.constant 0 : index
    %get3A_15 = arith.constant 0 : index
    %get3A_16 = vector.load %arg3[%get3A_14, %get3A_15] : memref<1x64xf32, #tpu.memory_space<vmem>>, vector<1x64xf32>
    %add3A_17 = vector.broadcast %get3A_16 : vector<1x64xf32> to vector<1000x64xf32>
    %add3A_18 = arith.addf %mul3A, %add3A_17 : vector<1000x64xf32>
    %gt3A_19 = arith.constant 0.000000e+00 : f32
    %gt3A_20 = vector.broadcast %gt3A_19 : f32 to vector<1000x64xf32>
    %gt3A_21 = arith.cmpf ogt, %add3A_18, %gt3A_20 : vector<1000x64xf32>
    %exp3A = math.exp %add3A_18 : vector<1000x64xf32>
    %sub3A = arith.constant 1.000000e+00 : f32
    %sub3A_22 = vector.broadcast %sub3A : f32 to vector<1000x64xf32>
    %sub3A_23 = arith.subf %exp3A, %sub3A_22 : vector<1000x64xf32>
    %select_n3A_24 = arith.select %gt3A_21, %add3A_18, %sub3A_23 : vector<1000x64xi1>, vector<1000x64xf32>
    %get3A_25 = arith.constant 0 : index
    %get3A_26 = arith.constant 0 : index
    %get3A_27 = vector.load %arg5[%get3A_25, %get3A_26] : memref<64x48xf32, #tpu.memory_space<vmem>>, vector<64x48xf32>
    %dot_general3A_28 = arith.constant dense<0.000000e+00> : vector<1000x48xf32>
    %dot_general3A_29 = tpu.matmul %select_n3A_24, %get3A_27, %dot_general3A_28 {dimension_numbers = #tpu.dot_dimension_numbers<[1], [0], [0], [1], [0, 0, 1, 1], [], []>, transpose_lhs_hint = false} : vector<1000x64xf32>, vector<64x48xf32>, vector<1000x48xf32> -> vector<1000x48xf32>
    %get3A_30 = arith.constant 0 : index
    %get3A_31 = arith.constant 0 : index
    %get3A_32 = vector.load %arg6[%get3A_30, %get3A_31] : memref<1x48xf32, #tpu.memory_space<vmem>>, vector<1x48xf32>
    %add3A_33 = vector.broadcast %get3A_32 : vector<1x48xf32> to vector<1000x48xf32>
    %add3A_34 = arith.addf %dot_general3A_29, %add3A_33 : vector<1000x48xf32>
    %swap3A = arith.constant 0 : index
    %swap3A_35 = arith.constant 0 : index
    %swap3A_36 = vector.load %arg9[%swap3A, %swap3A_35] : memref<1000x48xf32, #tpu.memory_space<vmem>>, vector<1000x48xf32>
    tpu.vector_store %arg9[%swap3A, %swap3A_35], %add3A_34 {strides = array<i32>} : memref<1000x48xf32, #tpu.memory_space<vmem>>, vector<1000x48xf32>,
    %get3A_37 = arith.constant 0 : index
    %get3A_38 = arith.constant 0 : index
    %get3A_39 = vector.load %arg7[%get3A_37, %get3A_38] : memref<48x16xf32, #tpu.memory_space<vmem>>, vector<48x16xf32>
    %dot_general3A_40 = arith.constant dense<0.000000e+00> : vector<1000x16xf32>
    %dot_general3A_41 = tpu.matmul %add3A_34, %get3A_39, %dot_general3A_40 {dimension_numbers = #tpu.dot_dimension_numbers<[1], [0], [0], [1], [0, 0, 1, 1], [], []>, transpose_lhs_hint = false} : vector<1000x48xf32>, vector<48x16xf32>, vector<1000x16xf32> -> vector<1000x16xf32>
    %swap3A_42 = arith.constant 0 : index
    %swap3A_43 = arith.constant 0 : index
    %swap3A_44 = vector.load %arg10[%swap3A_42, %swap3A_43] : memref<1000x16xf32, #tpu.memory_space<vmem>>, vector<1000x16xf32>
    tpu.vector_store %arg10[%swap3A_42, %swap3A_43], %dot_general3A_41 {strides = array<i32>} : memref<1000x16xf32, #tpu.memory_space<vmem>>, vector<1000x16xf32>,
    %get3A_45 = arith.constant 0 : index
    %get3A_46 = arith.constant 0 : index
    %get3A_47 = vector.load %arg8[%get3A_45, %get3A_46] : memref<48x16xf32, #tpu.memory_space<vmem>>, vector<48x16xf32>
    %dot_general3A_48 = arith.constant dense<0.000000e+00> : vector<1000x16xf32>
    %dot_general3A_49 = tpu.matmul %add3A_34, %get3A_47, %dot_general3A_48 {dimension_numbers = #tpu.dot_dimension_numbers<[1], [0], [0], [1], [0, 0, 1, 1], [], []>, transpose_lhs_hint = false} : vector<1000x48xf32>, vector<48x16xf32>, vector<1000x16xf32> -> vector<1000x16xf32>
    %swap3A_50 = arith.constant 0 : index
    %swap3A_51 = arith.constant 0 : index
    %swap3A_52 = vector.load %arg11[%swap3A_50, %swap3A_51] : memref<1000x16xf32, #tpu.memory_space<vmem>>, vector<1000x16xf32>
    tpu.vector_store %arg11[%swap3A_50, %swap3A_51], %dot_general3A_49 {strides = array<i32>} : memref<1000x16xf32, #tpu.memory_space<vmem>>, vector<1000x16xf32>,
    return
  }
  func.func @transform_0(%arg0: i32) -> (i32, i32) {
    %c0_i32 = arith.constant 0 : i32
    %c0_i32_0 = arith.constant 0 : i32
    return %arg0, %c0_i32 : i32, i32
  }
  func.func @transform_1(%arg0: i32) -> (i32, i32) {
    %c0_i32 = arith.constant 0 : i32
    %c0_i32_0 = arith.constant 0 : i32
    return %arg0, %c0_i32 : i32, i32
  }
  func.func @transform_2(%arg0: i32) -> (i32, i32) {
    %c0_i32 = arith.constant 0 : i32
    %c0_i32_0 = arith.constant 0 : i32
    %c0_i32_1 = arith.constant 0 : i32
    return %c0_i32, %c0_i32_0 : i32, i32
  }
  func.func @transform_3(%arg0: i32) -> (i32, i32) {
    %c0_i32 = arith.constant 0 : i32
    %c0_i32_0 = arith.constant 0 : i32
    %c0_i32_1 = arith.constant 0 : i32
    return %c0_i32, %c0_i32_0 : i32, i32
  }
  func.func @transform_4(%arg0: i32) -> (i32, i32) {
    %c0_i32 = arith.constant 0 : i32
    %c0_i32_0 = arith.constant 0 : i32
    %c0_i32_1 = arith.constant 0 : i32
    return %c0_i32, %c0_i32_0 : i32, i32
  }
  func.func @transform_5(%arg0: i32) -> (i32, i32) {
    %c0_i32 = arith.constant 0 : i32
    %c0_i32_0 = arith.constant 0 : i32
    %c0_i32_1 = arith.constant 0 : i32
    return %c0_i32, %c0_i32_0 : i32, i32
  }
  func.func @transform_6(%arg0: i32) -> (i32, i32) {
    %c0_i32 = arith.constant 0 : i32
    %c0_i32_0 = arith.constant 0 : i32
    %c0_i32_1 = arith.constant 0 : i32
    return %c0_i32, %c0_i32_0 : i32, i32
  }
  func.func @transform_7(%arg0: i32) -> (i32, i32) {
    %c0_i32 = arith.constant 0 : i32
    %c0_i32_0 = arith.constant 0 : i32
    %c0_i32_1 = arith.constant 0 : i32
    return %c0_i32, %c0_i32_0 : i32, i32
  }
  func.func @transform_8(%arg0: i32) -> (i32, i32) {
    %c0_i32 = arith.constant 0 : i32
    %c0_i32_0 = arith.constant 0 : i32
    return %arg0, %c0_i32 : i32, i32
  }
  func.func @transform_9(%arg0: i32) -> (i32, i32) {
    %c0_i32 = arith.constant 0 : i32
    %c0_i32_0 = arith.constant 0 : i32
    return %arg0, %c0_i32 : i32, i32
  }
  func.func @transform_10(%arg0: i32) -> (i32, i32) {
    %c0_i32 = arith.constant 0 : i32
    %c0_i32_0 = arith.constant 0 : i32
    return %arg0, %c0_i32 : i32, i32
  }
}

module attributes {stable_mosaic.version = 14 : i64} {
  func.func @_post_body(%arg0: i32, %arg1: memref<1000x48xf32, #tpu.memory_space<vmem>>, %arg2: memref<1000x48xf32, #tpu.memory_space<vmem>>, %arg3: memref<1x40xf32, #tpu.memory_space<vmem>>, %arg4: memref<1000x40xf32, #tpu.memory_space<vmem>>) attributes {dimension_semantics = [#tpu.dimension_semantics<arbitrary>], iteration_bounds = array<i64: 10>, scalar_prefetch = 0 : i64, scratch_operands = 0 : i64, tpu.core_type = #tpu.core_type<tc>, window_params = [{transform_indices = @transform_0, window_bounds = array<i64: 1000, 48>}, {transform_indices = @transform_1, window_bounds = array<i64: 1000, 48>}, {pipeline_mode = #tpu.pipeline_mode<synchronous>, transform_indices = @transform_2, window_bounds = array<i64: 1, 40>}, {transform_indices = @transform_3, window_bounds = array<i64: 1000, 40>}]} {
    %get3A = arith.constant 0 : index
    %get3A_0 = arith.constant 0 : index
    %get3A_1 = vector.load %arg1[%get3A, %get3A_0] : memref<1000x48xf32, #tpu.memory_space<vmem>>, vector<1000x48xf32>
    %get3A_2 = arith.constant 0 : index
    %get3A_3 = arith.constant 0 : index
    %get3A_4 = vector.load %arg2[%get3A_2, %get3A_3] : memref<1000x48xf32, #tpu.memory_space<vmem>>, vector<1000x48xf32>
    %add3A = arith.addf %get3A_1, %get3A_4 : vector<1000x48xf32>
    %slice3A = vector.extract_strided_slice %add3A {offsets = [0, 0], sizes = [1000, 40], strides = [1, 1]} : vector<1000x48xf32> to vector<1000x40xf32>
    %slice3A_5 = vector.extract_strided_slice %add3A {offsets = [0, 40], sizes = [1000, 1], strides = [1, 1]} : vector<1000x48xf32> to vector<1000x1xf32>
    %gt3A = arith.constant 0.000000e+00 : f32
    %gt3A_6 = vector.broadcast %gt3A : f32 to vector<1000x1xf32>
    %gt3A_7 = arith.cmpf ogt, %slice3A_5, %gt3A_6 : vector<1000x1xf32>
    %jit3A = arith.constant 1.000000e+00 : f32
    %broadcast_in_dim3A = vector.broadcast %jit3A : f32 to vector<1000x1xf32>
    %select_n3A = arith.select %gt3A_7, %slice3A_5, %broadcast_in_dim3A : vector<1000x1xi1>, vector<1000x1xf32>
    %div3A = vector.broadcast %select_n3A : vector<1000x1xf32> to vector<1000x40xf32>
    %div3A_8 = arith.divf %slice3A, %div3A : vector<1000x40xf32>
    %get3A_9 = arith.constant 0 : index
    %get3A_10 = arith.constant 0 : index
    %get3A_11 = vector.load %arg3[%get3A_9, %get3A_10] : memref<1x40xf32, #tpu.memory_space<vmem>>, vector<1x40xf32>
    %add3A_12 = vector.broadcast %get3A_11 : vector<1x40xf32> to vector<1000x40xf32>
    %add3A_13 = arith.addf %div3A_8, %add3A_12 : vector<1000x40xf32>
    %swap3A = arith.constant 0 : index
    %swap3A_14 = arith.constant 0 : index
    %swap3A_15 = vector.load %arg4[%swap3A, %swap3A_14] : memref<1000x40xf32, #tpu.memory_space<vmem>>, vector<1000x40xf32>
    tpu.vector_store %arg4[%swap3A, %swap3A_14], %add3A_13 {strides = array<i32>} : memref<1000x40xf32, #tpu.memory_space<vmem>>, vector<1000x40xf32>,
    return
  }
  func.func @transform_0(%arg0: i32) -> (i32, i32) {
    %c0_i32 = arith.constant 0 : i32
    %c0_i32_0 = arith.constant 0 : i32
    return %arg0, %c0_i32 : i32, i32
  }
  func.func @transform_1(%arg0: i32) -> (i32, i32) {
    %c0_i32 = arith.constant 0 : i32
    %c0_i32_0 = arith.constant 0 : i32
    return %arg0, %c0_i32 : i32, i32
  }
  func.func @transform_2(%arg0: i32) -> (i32, i32) {
    %c0_i32 = arith.constant 0 : i32
    %c0_i32_0 = arith.constant 0 : i32
    %c0_i32_1 = arith.constant 0 : i32
    return %c0_i32, %c0_i32_0 : i32, i32
  }
  func.func @transform_3(%arg0: i32) -> (i32, i32) {
    %c0_i32 = arith.constant 0 : i32
    %c0_i32_0 = arith.constant 0 : i32
    return %arg0, %c0_i32 : i32, i32
  }
}

</mosaic_0001>

<sc_bundles>
// kernel: kernel.10.cloned.1.call-start
scs
__scs_entry_jumppad:
0x0: {  	(pc) =	sbr.rel $0x88, $3  }
0x1: {  	(tag) =	ssettag $0x0;
	lr =	simm.s32 $0x1  }
0x2: {  	[smem:$0x3F97] =	sst lr;
	_ =	strace $0xD0000000  }
0x3: {  	_ = 	snop  }
0x4: {  	_ = 	snop  }
0x5: {  	_ = 	snop  }
0x6: {  	_ = 	snop  }
0x7: {  	_ = 	snop  }
__scs_overlays_trampoline_lowered:
0x8: {  	[smem:$0x3FA6] =	sst s0  }
0x9: {  	[smem:$0x3FA7] =	sst s1  }
0xa: {  	[smem:$0x3FA8] =	sst s2  }
0xb: {  	[smem:$0x3FA9] =	sst s3  }
0xc: {  	[smem:$0x3FAA] =	sst s4  }
0xd: {  	[smem:$0x3FAB] =	sst s5  }
0xe: {  	[smem:$0x3FAC] =	sst s6  }
0xf: {  	[smem:$0x3FAD] =	sst s7  }
0x10: {  	[smem:$0x3FAE] =	sst s8  }
0x11: {  	[smem:$0x3FAF] =	sst s9;
	s0 =	simm.s32 @!p0 $0x0  }
0x12: {  	s1 =	sld [smem:$0x3F95];
	s0 =	simm.s32 @p0 $0x1  }
0x13: {  	[smem:$0x3FB0] =	sst s0;
	s0 =	simm.s32 @!p1 $0x0  }
0x14: {  	s2 =	sld [smem:$0x3F94];
	s0 =	simm.s32 @p1 $0x1  }
0x15: {  	[smem:$0x3FB1] =	sst s0;
	s0 =	simm.s32 @!p2 $0x0  }
0x16: {  	s3 =	sld [smem:$0x3FDB];
	s0 =	simm.s32 @p2 $0x1  }
0x17: {  	s4 =	simm.s32 $0x1BF5;
	[smem:$0x3FB3] =	sst s0  }
0x18: {  	s0 =	sld [smem:$0x3F96];
	_ =	swait.ge [sflag:s4], $0x0  }
0x19: {  	s7 =	sld [smem:$0x3F97]  }
0x1a: {  	s8 =	sadd.s32 $0xFFFFE003, lr  }
0x1b: {  	s9 =	sadd.s32 $0xFFFFFEF7, lr;
	s5 =	simm.s32 $0xFFFFFFFF;
	p2 =	slt.u32 s8, $0xFFFFF086  }
0x1c: {  	p1 =	slt.u32 s9, $0xF7A;
	s5 =	simm.s32 @!p2 $0x0  }
0x1d: {  	s5 =	simm.s32 @p1 $0x1;
	p0 =	seq.s32 s7, s2  }
0x1e: {  	s7 =	smul.u32 @!p0 $0xF7A, s2;
	p2 =	seq.s32 @!p0 s5, $0x0  }
0x1f: {  	s9 =	smul.u32 $0xF7A, s1;
	s8 =	simm.s32 @!p0 $0x1BF5;
	p2 =	por !p2, p0  }
0x20: {  	[sflag:s8] =	ssyncset.s32 @!p0 $0xFFFFF086;
	s6 =	sadd.s32 @!p0 s3, s7;
	s7 =	simm.s32 @!p0 $0x108  }
0x21: {  	s3 =	sadd.s32 s3, s9;
	s6 =	sadd.s32 @!p0 $0x88, s6;
	s7 =	simm.s32 @p2 $0x1082  }
0x22: {  	[simem:s7], [sflag:s8] =	dma.local @!p0 [hbm:s6], $0xF7A  }
0x23: {  	s9 =	sor.u32 $0xD0000000, s2;
	s6 =	simm.s32 $0x108;
	_ =	swait.ge @!p0 [sflag:s8], $0x0  }
0x24: {  	s3 =	sadd.s32 $0x88, s3;
	s6 =	simm.s32 @!p1 $0x1082;
	[sflag:s4] =	ssyncset.s32 $0xFFFFF086  }
0x25: {  	[simem:s6], [sflag:s4] =	dma.local [hbm:s3], $0xF7A  }
0x26: {  	[smem:$0x3F97] =	sst s1;
	(tag) =	ssettag s2;
	_ =	strace s9  }
0x27: {  	s1 =	sld [smem:$0x3FA7]  }
0x28: {  	s2 =	sld [smem:$0x3FA8]  }
0x29: {  	s4 =	sld [smem:$0x3FAA]  }
0x2a: {  	p0 =	seq.s32 s5, $0x0;
	s5 =	sld [smem:$0x3FAB]  }
0x2b: {  	s6 =	sld [smem:$0x3FAC]  }
0x2c: {  	s7 =	sld [smem:$0x3FAD]  }
0x2d: {  	s3 =	simm.s32 $0x108;
	s8 =	sld [smem:$0x3FAE]  }
0x2e: {  	s3 =	simm.s32 @!p0 $0x1082;
	s9 =	sld [smem:$0x3FAF]  }
0x2f: {  	lr =	sadd.s32 s0, s3;
	s0 =	sld [smem:$0x3FA6]  }
0x30: {  	s3 =	sld [smem:$0x3FA9]  }
0x31: {  	[smem:$0x3FB2] =	sst s10  }
0x32: {  	s10 =	sld [smem:$0x3FB0];
	_ =	sdelay $0x3  }
0x33: {  	p0 =	seq.s32 s10, $0x1;
	s10 =	sld [smem:$0x3FB2];
	_ =	sdelay $0x3  }
0x34: {  	[smem:$0x3FB2] =	sst s10  }
0x35: {  	s10 =	sld [smem:$0x3FB1];
	_ =	sdelay $0x3  }
0x36: {  	p1 =	seq.s32 s10, $0x1;
	s10 =	sld [smem:$0x3FB2];
	_ =	sdelay $0x3  }
0x37: {  	[smem:$0x3FB2] =	sst s10  }
0x38: {  	s10 =	sld [smem:$0x3FB3]  }
0x39: {  	_ = 	snop;
	(pc) =	sbr.ind lr, $3  }
0x3a: {  	_ = 	snop  }
0x3b: {  	_ = 	snop  }
0x3c: {  	p2 =	seq.s32 s10, $0x1;
	s10 =	sld [smem:$0x3FB2]  }
0x3d: {  	_ =	shalt  }
0x3e: {  	_ =	shalt  }
0x3f: {  	_ =	shalt  }
0x40: {  	_ =	shalt  }
0x41: {  	_ =	shalt  }
0x42: {  	_ =	shalt  }
0x43: {  	_ =	shalt  }
0x44: {  	_ =	shalt  }
0x45: {  	_ =	shalt  }
0x46: {  	_ =	shalt  }
0x47: {  	_ =	shalt  }
0x48: {  	_ =	shalt  }
0x49: {  	_ =	shalt  }
0x4a: {  	_ =	shalt  }
0x4b: {  	_ =	shalt  }
0x4c: {  	_ =	shalt  }
0x4d: {  	_ =	shalt  }
0x4e: {  	_ =	shalt  }
0x4f: {  	_ =	shalt  }
0x50: {  	_ =	shalt  }
0x51: {  	_ =	shalt  }
0x52: {  	_ =	shalt  }
0x53: {  	_ =	shalt  }
0x54: {  	_ =	shalt  }
0x55: {  	_ =	shalt  }
0x56: {  	_ =	shalt  }
0x57: {  	_ =	shalt  }
0x58: {  	_ =	shalt  }
0x59: {  	_ =	shalt  }
0x5a: {  	_ =	shalt  }
0x5b: {  	_ =	shalt  }
0x5c: {  	_ =	shalt  }
0x5d: {  	_ =	shalt  }
0x5e: {  	_ =	shalt  }
0x5f: {  	_ =	shalt  }
0x60: {  	_ =	shalt  }
0x61: {  	_ =	shalt  }
0x62: {  	_ =	shalt  }
0x63: {  	_ =	shalt  }
0x64: {  	_ =	shalt  }
0x65: {  	_ =	shalt  }
0x66: {  	_ =	shalt  }
0x67: {  	_ =	shalt  }
0x68: {  	_ =	shalt  }
0x69: {  	_ =	shalt  }
0x6a: {  	_ =	shalt  }
0x6b: {  	_ =	shalt  }
0x6c: {  	_ =	shalt  }
0x6d: {  	_ =	shalt  }
0x6e: {  	_ =	shalt  }
0x6f: {  	_ =	shalt  }
0x70: {  	_ =	shalt  }
0x71: {  	_ =	shalt  }
0x72: {  	_ =	shalt  }
0x73: {  	_ =	shalt  }
0x74: {  	_ =	shalt  }
0x75: {  	_ =	shalt  }
0x76: {  	_ =	shalt  }
0x77: {  	_ =	shalt  }
0x78: {  	_ =	shalt  }
0x79: {  	_ =	shalt  }
0x7a: {  	_ =	shalt  }
0x7b: {  	_ =	shalt  }
0x7c: {  	_ =	shalt  }
0x7d: {  	_ =	shalt  }
0x7e: {  	_ =	shalt  }
0x7f: {  	_ =	shalt  }
0x80: {  	_ =	shalt  }
0x81: {  	_ =	shalt  }
0x82: {  	_ =	shalt  }
0x83: {  	_ =	shalt  }
0x84: {  	_ =	shalt  }
0x85: {  	_ =	shalt  }
0x86: {  	_ =	shalt  }
0x87: {  	_ =	shalt  }
.Lfunc_end0:
.L_simem_size_0:
called_computation.1_lowered:
.L_overlay_start_0:
0x88: {  	s2 =	sld [smem:$0x3FD9]  }
0x89: {  	s3 =	sld [smem:$0x3FFE];
	_ =	sdelay $0x1  }
0x8a: {  	s1 =	srdreg.scid  }
0x8b: {  	s0 =	sand.u32 $0x1, s1  }
0x8c: {  	s17 =	sshll.u32 s0, $0xA;
	s2 =	sadd.s32 s3, s2  }
0x8d: {  	s2 =	sadd.s32 s2, s17  }
0x8e: {  	[smem:$0x3FBE] =	sst s2  }
0x8f: {  	_ = 	snop  }
0x90: {  	s2 =	sld [smem:$0x3FD0];
	(tm) =	ssettm $0x1  }
0x91: {  	s18 =	sld [smem:$0x3FFB];
	_ =	sdelay $0x3  }
0x92: {  	_ =	strace s18  }
0x93: {  	s3 =	sld [smem:$0x3FFC];
	_ =	sdelay $0x3  }
0x94: {  	_ =	strace s3  }
0x95: {  	s3 =	sld [smem:$0x3FFD];
	_ =	sdelay $0x3  }
0x96: {  	_ =	strace s3  }
0x97: {  	_ =	strace $0x8FFFFFFF  }
0x98: {  	s19 =	sld [smem:$0x3FDB];
	_ =	sdelay $0x1  }
0x99: {  	s4 =	simm.s32 $_scs_section_size  }
0x9a: {  	s5 =	simm.s32 $_size__tile_overlayer_lowered;
	s6 =	simm.s32 $_tile_overlayer_lowered  }
0x9b: {  	s22 =	simm.s32 $0x1BFF;
	s21 =	sshll.u32 s6, $0x1;
	s3 =	sadd.s32 s4, s19  }
0x9c: {  	s7 =	simm.s32 $0x0;
	s20 =	sshll.u32 s5, $0x1;
	s5 =	sadd.s32 s21, s3  }
0x9d: {  	[timem:s7], [sflag:s22] =	dma.local [hbm:s5], s20  }
0x9e: {  	_ =	swait.ge [sflag:s22], s20  }
0x9f: {  	s4 =	ssub.s32 $0x0, s20;
	[sflag:s22] =	ssyncset.done $0x0  }
0xa0: {  	[sflag:s22] =	ssyncadd.s32 s4;
	_ =	sdelay $0x1  }
0xa1: {  	s23 =	simm.s32 $0x1B8B  }
0xa2: {  	_ =	swait.ge [sflag:s23], $0x1  }
0xa3: {  	[sflag:s23] =	ssyncset.done $0x0  }
0xa4: {  	s25 =	simm.s32 $0x1B8E;
	s24 =	sld [smem:$0x3FFE];
	[sflag:s23] =	ssyncadd.s32 $0xFFFFFFFF  }
0xa5: {  	s26 =	simm.s32 $execute0_lowered;
	[smem:$0x3FD2] =	sst s25  }
0xa6: {  	s5 =	sshll.u32 s26, $0x1;
	_ =	strace $0x80000049;
	[dreg:$0x1] =	wrdreg $0xFFFFFFFF  }
0xa7: {  	s28 =	simm.s32 $_size_execute0_lowered;
	s3 =	sadd.s32 s3, s5;
	[dreg:$0x0] =	wrdreg $0x0  }
0xa8: {  	s5 =	sshll.u32 s28, $0x1;
	[dreg:$0x2] =	wrdreg s3  }
0xa9: {  	[dreg:$0x3] =	wrdreg s5  }
0xaa: {  	[dreg:$0x4] =	wrdreg $0xC0  }
0xab: {  	_ =	task [dreg:s7], $0x5FFFF  }
0xac: {  	[dreg:$0x1] =	wrdreg $0xFFFFFFFF  }
0xad: {  	[dreg:$0x0] =	wrdreg $0x60  }
0xae: {  	[dreg:$0x2] =	wrdreg s24  }
0xaf: {  	[dreg:$0x3] =	wrdreg s2  }
0xb0: {  	[dreg:$0x4] =	wrdreg $0x9E200  }
0xb1: {  	[dreg:$0x5] =	wrdreg $0x9  }
0xb2: {  	_ =	task.clear_ibuf [dreg:s7], $0x6FFFF;
	_ =	strace $0x90000049  }
0xb3: {  	s29 =	simm.s32 $0x9;
	_ =	strace $0x8000004B  }
0xb4: {  	_ =	swait.ge [sflag:s29], $0x1  }
0xb5: {  	[sflag:s29] =	ssyncadd.s32 $0xFFFFFFFF  }
0xb6: {  	_ =	strace $0x9000004B  }
0xb7: {  	_ =	sfence  }
0xb8: {  	s30 =	sld [smem:$0x0];
	_ =	sdelay $0x2  }
0xb9: {  	s31 =	sshll.u32 s1, $0xD;
	s1 =	sshrl.u32 s1, $0x2  }
0xba: {  	s3 =	sand.u32 $0x4000, s31;
	s1 =	sadd.s32 s1, s30  }
0xbb: {  	s0 =	sor.u32 s3, s0;
	s1 =	sshll.u32 s1, $0x11  }
0xbc: {  	s0 =	sor.u32 s1, s0  }
0xbd: {  	s0 =	sadd.s32 $0x8F2B, s0  }
0xbe: {  	[sflag:s0] =	ssyncadd.remote.s32 $0x1  }
0xbf: {  	_ =	sfence.sel $0xFFFF  }
0xc0: {  	[dreg:$0x0] =	wrdreg $0xFFFFFFFF;
	(pc) =	sbr.abs _section_cstart, $3  }
0xc1: {  	[dreg:$0x1] =	wrdreg $0xFFFFFFFF  }
0xc2: {  	_ =	task.clear_ibuf [dreg:s7], $0x2FFFF;
	_ =	strace $0x9FFFFFFF  }
0xc3: {  	(tm) =	ssettm $0x7FFFFFFF  }
tec
execute0_lowered:
.L_overlay_start_1:
0x0: {  	(tag) =	ssettag $0x1  }
0x1: {  	s0 =	srdreg.scid;
	s1 =	rddreg [dreg:$0x0]  }
0x2: {  	s3 =	rddreg [dreg:$0x1];
	s12 =	stileid.u32  }
0x3: {  	s2 =	rddreg [dreg:$0x2];
	s5 =	simm.s32 $0x0;
	s15 =	simm.s32 $0x50  }
0x4: {  	s16 =	simm.s32 $0x4E20;
	s17 =	simm.s32 $0x5820;
	s18 =	simm.s32 $0x6220  }
0x5: {  	s19 =	simm.s32 $0x1;
	s20 =	simm.s32 $0x5320;
	s21 =	simm.s32 $0x5D20  }
0x6: {  	s22 =	simm.s32 $0x7120;
	s23 =	simm.s32 $0x8020;
	s28 =	simm.s32 $0x3  }
0x7: {  	s29 =	simm.s32 $0x4;
	s0 =	sand.u32 $0x1, s0;
	[smem:$0x7FF] =	sst s5  }
0x8: {  	s5 =	sadd.s32 $0xFE00, s1;
	s6 =	sadd.s32 $0x1200, s1;
	s11 =	smul.u32 $0x7800, s12  }
0x9: {  	s13 =	sadd.s32 $0x19E00, s1;
	s30 =	sshll.u32 s12, $0x6;
	s4 =	sshll.u32 s0, $0x4  }
0xa: {  	_ =	strace $0x8000004A;
	s9 =	smul.u32 $0xF000, s0;
	s0 =	ssub.s32 $0x2, s0  }
0xb: {  	[dreg:$0x4] =	wrdreg s13;
	s4 =	sor.u32 s12, s4;
	s10 =	sshrl.u32 s0, $0x1  }
0xc: {  	s25 =	sadd.s32 s11, s2;
	s7 =	smul.u32 $0x4E2, s4;
	s0 =	ssub.s32 s0, s10  }
0xd: {  	s26 =	sshrl.u32 s11, $0x3;
	s4 =	sadd.s32 $0x14E00, s1;
	s0 =	smax.u32 s0, $0x1  }
0xe: {  	s8 =	sadd.s32 s7, s1;
	s3 =	sadd.s32 s3, s7;
	[dreg:$0x7] =	wrdreg s0  }
0xf: {  	s1 =	sadd.s32 s9, s1;
	s9 =	sshrl.u32 s25, $0x3;
	[dreg:$0x6] =	wrdreg s3  }
0x10: {  	s8 =	sadd.s32 $0x1EC00, s8;
	s1 =	sadd.s32 $0x28A00, s1;
	[dreg:$0x9] =	wrdreg s9  }
0x11: {  	s11 =	simm.s32 $0x5;
	[dreg:$0x5] =	wrdreg s8;
	s31 =	sadd.s32 s26, s1  }
0x12: {  	s25 =	simm.s32 $0x2;
	s8 =	sor.u32 $0x1C05, s30;
	[dreg:$0xa] =	wrdreg s31  }
0x13: {  	v0 =	vimm.s32 $0x0;
	s26 =	simm.s32 $0x8F20;
	s1 =	simm.s32 $0x0;
	[dreg:$0x8] =	wrdreg s8  }
.LBB2_1:
0x14: {  	[dreg:$0xb] =	wrdreg s1  }
0x15: {  	s0 =	simm.s32 $0x0;
	s24 =	rddreg [dreg:$0x5]  }
0x16: {  	[tilespmem:s0], [sflag:$0x5] =	stream.linear.gather [hbm4b:s24+s0], $0x2710, $0x38;
	[tilespmem:$0x11620] =	vst v63  }
0x17: {  	_ =	swait.ge [sflag:s11], $0x2710  }
0x18: {  	[sflag:s11] =	ssyncset.done $0x0  }
0x19: {  	s3 =	simm.s32 $0x2710;
	s30 =	rddreg [dreg:$0x6];
	[sflag:s11] =	ssyncadd.s32 $0xFFFFD8F0  }
0x1a: {  	[tilespmem:s3], [sflag:$0x5] =	stream.linear.gather [hbm4b:s30+s0], $0x2710, $0x38;
	[tilespmem:$0x11620] =	vst v63  }
0x1b: {  	_ =	swait.ge [sflag:s11], $0x2710  }
0x1c: {  	[sflag:s11] =	ssyncset.done $0x0  }
0x1d: {  	s31 =	rddreg [dreg:$0x4];
	[sflag:s11] =	ssyncadd.s32 $0xFFFFD8F0  }
0x1e: {  	[spmem:s9], [sflag:s8] =	dma.local [hbm:s31], $0xF00  }
0x1f: {  	_ =	swait.ge [sflag:s11], $0xF00  }
0x20: {  	[sflag:s11] =	ssyncset.done $0x0  }
0x21: {  	[sflag:s11] =	ssyncadd.s32 $0xFFFFF100  }
0x22: {  	[bflag:$0x0] =	sbarrier.arrive $0xFFFF  }
0x23: {  	[tilespmem:s16], [sflag:$0x1] =	stream.indirect.gather [hbm4b:s4+s15], $0x10, s0, s15, $0xb8;
	[tilespmem:$0x11620] =	vst v63  }
0x24: {  	_ = 	snop  }
0x25: {  	[tilespmem:s17], [sflag:$0x1] =	stream.indirect.gather [hbm4b:s5+s15], $0x10, s3, s15, $0xb8;
	[tilespmem:$0x11620] =	vst v63  }
0x26: {  	s1 =	simm.s32 $0x0  }
0x27: {  	[tilespmem:s18], [sflag:$0x1] =	stream.indirect.gather [hbm4b:s6+s15], $0x30, s0, s15, $0xb8;
	[tilespmem:$0x11620] =	vst v63  }
.LBB2_2:
0x28: {  	_ =	swait.ge [sflag:s19], $0x500  }
0x29: {  	[sflag:s19] =	ssyncset.done $0x0  }
0x2a: {  	[sflag:s19] =	ssyncadd.s32 $0xFFFFFB00  }
0x2b: {  	_ =	swait.ge [sflag:s19], $0x500  }
0x2c: {  	[sflag:s19] =	ssyncset.done $0x0  }
0x2d: {  	[sflag:s19] =	ssyncadd.s32 $0xFFFFFB00  }
0x2e: {  	s30 =	smul.u32 $0xA0, s1;
	_ =	swait.ge [sflag:s19], $0xF00  }
0x2f: {  	[sflag:s19] =	ssyncset.done $0x0  }
0x30: {  	s3 =	sadd.s32 $0x50, s30;
	[sflag:s19] =	ssyncadd.s32 $0xFFFFF100  }
0x31: {  	[tilespmem:s20], [sflag:$0x2] =	stream.indirect.gather [hbm4b:s4+s15], $0x10, s3, s15, $0xb8;
	[tilespmem:$0x11620] =	vst v63  }
0x32: {  	s0 =	sadd.s32 $0x2760, s30  }
0x33: {  	[tilespmem:s21], [sflag:$0x2] =	stream.indirect.gather [hbm4b:s5+s15], $0x10, s0, s15, $0xb8;
	[tilespmem:$0x11620] =	vst v63  }
0x34: {  	s12 =	simm.s32 $0x4E40  }
0x35: {  	[tilespmem:s22], [sflag:$0x2] =	stream.indirect.gather [hbm4b:s6+s15], $0x30, s3, s15, $0xb8;
	[tilespmem:$0x11620] =	vst v63  }
0x36: {  	s7 =	simm.s32 $0x5840;
	v1 =	vld [tilespmem:s12+$0x10]  }
0x37: {  	v2 =	vld [tilespmem:s7+$0x10];
	_ =	sdelay $0x3  }
0x38: {  	v3 =	vld [tilespmem:s7+$0xFFFFFFE0]  }
0x39: {  	v4 =	vld [tilespmem:s12+$0xFFFFFFF0];
	v1 =	vadd.f32 v2, v1  }
0x3a: {  	v5 =	vld [tilespmem:s7+$0xFFFFFFF0]  }
0x3b: {  	v2 =	vld [tilespmem:s12+$0xFFFFFFE0];
	v6 =	vmul.f32 $2.000000030e-01, v1  }
0x3c: {  	vm0 =	vge.f32 v1, $0.0e+00  }
0x3d: {  	v1 =	vsel vm0, v1, v6  }
0x3e: {  	v1 =	vmul.f32 $1.442695020e+00, v1  }
0x3f: {  	v4 =	vadd.f32 v5, v4;
	v5 =	vld [tilespmem:s7+$0x0]  }
0x40: {  	v6 =	vld [tilespmem:s12+$0x0];
	v2 =	vadd.f32 v3, v2;
	(erf) = vpow2.f32 v1  }
0x41: {  	s8 =	simm.s32 $0x5880;
	v3 =	vmul.f32 $2.000000030e-01, v4  }
0x42: {  	s13 =	simm.s32 $0x4E80;
	v8 =	vld [tilespmem:s8+$0x10];
	vm14 =	vge.f32 v4, $0.0e+00;
	v7 =	vmul.f32 $2.000000030e-01, v2  }
0x43: {  	v1 =	vld [tilespmem:s13+$0x10];
	vm1 =	vge.f32 v2, $0.0e+00;
	v3 =	vsel vm14, v4, v3  }
0x44: {  	v3 =	vmul.f32 $1.442695020e+00, v3;
	v2 =	vsel vm1, v2, v7  }
0x45: {  	v4 =	vadd.f32 v5, v6;
	v2 =	vmul.f32 $1.442695020e+00, v2  }
0x46: {  	s14 =	simm.s32 $0x6280;
	(erf) = vpow2.f32 v3  }
0x47: {  	v3 =	vld [tilespmem:s14+$0x30];
	(erf) = vpow2.f32 v2;
	v2 =	vmul.f32 $2.000000030e-01, v4  }
0x48: {  	vm15 =	vge.f32 v4, $0.0e+00;
	v1 =	vadd.f32 v8, v1  }
0x49: {  	v5 =	vld [tilespmem:s8+$0xFFFFFFE0];
	v2 =	vsel vm15, v4, v2;
	v4 =	vpop (erf)  }
0x4a: {  	v6 =	vld [tilespmem:s13+$0xFFFFFFF0];
	v7 =	vmul.f32 $2.000000030e-01, v1;
	v9 =	vperm.xlane v4, v0  }
0x4b: {  	v8 =	vld [tilespmem:s8+$0xFFFFFFF0];
	vm4 =	vge.f32 v1, $0.0e+00  }
0x4c: {  	v2 =	vmul.f32 $1.442695020e+00, v2;
	v1 =	vsel vm4, v1, v7;
	v4 =	vld [tilespmem:s13+$0xFFFFFFE0];
	v3 =	vmul.f32 v3, v9  }
0x4d: {  	s9 =	simm.s32 $0x4EC0;
	v12 =	vld [tilespmem:s14+$0x0];
	v1 =	vmul.f32 $1.442695020e+00, v1  }
0x4e: {  	v16 =	vld [tilespmem:s9+$0xFFFFFFF0];
	(erf) = vpow2.f32 v2  }
0x4f: {  	s24 =	simm.s32 $0x58C0;
	s12 =	simm.s32 $0x8080;
	v7 =	vld [tilespmem:s14+$0xFFFFFFA0];
	(erf) = vpow2.f32 v1  }
0x50: {  	v18 =	vld [tilespmem:s24+$0xFFFFFFF0];
	v6 =	vadd.f32 v8, v6;
	[tilespmem:s12+$0x30] =	vst v3;
	v3 =	vpop (erf)  }
0x51: {  	v2 =	vld [tilespmem:s13+$0x0];
	v4 =	vadd.f32 v5, v4;
	v10 =	vpop (erf)  }
0x52: {  	v1 =	vld [tilespmem:s8+$0x0];
	v11 =	vmul.f32 $2.000000030e-01, v6;
	v10 =	vperm.xlane v10, v0  }
0x53: {  	s7 =	simm.s32 $0x6340;
	vm5 =	vge.f32 v6, $0.0e+00;
	v8 =	vld [tilespmem:s14+$0x40];
	v13 =	vmul.f32 $2.000000030e-01, v4  }
0x54: {  	v6 =	vsel vm5, v6, v11;
	v11 =	vld [tilespmem:s7+$0x30];
	vm6 =	vge.f32 v4, $0.0e+00;
	v7 =	vmul.f32 v7, v10  }
0x55: {  	v4 =	vsel vm6, v4, v13;
	v13 =	vld [tilespmem:s9+$0x10]  }
0x56: {  	v6 =	vmul.f32 $1.442695020e+00, v6;
	[tilespmem:s12+$0xFFFFFFA0] =	vst v7;
	v7 =	vld [tilespmem:s24+$0x10]  }
0x57: {  	v19 =	vld [tilespmem:s9+$0x0];
	v14 =	vpop (erf);
	v4 =	vmul.f32 $1.442695020e+00, v4  }
0x58: {  	v5 =	vld [tilespmem:s14+$0xFFFFFFD0];
	(erf) = vpow2.f32 v6;
	v17 =	vadd.f32 v1, v2;
	v8 =	vmul.f32 v8, v9;
	v15 =	vpop (erf)  }
0x59: {  	(erf) = vpow2.f32 v4;
	v4 =	vld [tilespmem:s24+$0xFFFFFFE0];
	v15 =	vperm.xlane v15, v0  }
0x5a: {  	v1 =	vperm.xlane v3, v0;
	v3 =	vmul.f32 $2.000000030e-01, v17;
	v6 =	vld [tilespmem:s14+$0xFFFFFFB0]  }
0x5b: {  	vm7 =	vge.f32 v17, $0.0e+00;
	[tilespmem:s12+$0x40] =	vst v8;
	v2 =	vmul.f32 v11, v15;
	v11 =	vld [tilespmem:s24+$0x0];
	v7 =	vadd.f32 v7, v13  }
0x5c: {  	v3 =	vsel vm7, v17, v3;
	v17 =	vld [tilespmem:s14+$0x50]  }
0x5d: {  	s8 =	simm.s32 $0x8140;
	v3 =	vmul.f32 $1.442695020e+00, v3;
	v13 =	vld [tilespmem:s9+$0xFFFFFFE0];
	v20 =	vmul.f32 $2.000000030e-01, v7  }
0x5e: {  	v16 =	vadd.f32 v18, v16;
	v18 =	vld [tilespmem:s7+$0xFFFFFFD0];
	s13 =	simm.s32 $0x4F00;
	[tilespmem:s8+$0x30] =	vst v2;
	v2 =	vperm.xlane v14, v0  }
0x5f: {  	v23 =	vld [tilespmem:s13+$0x0];
	v5 =	vmul.f32 v5, v1;
	(erf) = vpow2.f32 v3;
	vm8 =	vge.f32 v7, $0.0e+00  }
0x60: {  	v8 =	vld [tilespmem:s7+$0xFFFFFFA0];
	v12 =	vmul.f32 v12, v2;
	v11 =	vadd.f32 v11, v19;
	v7 =	vsel vm8, v7, v20  }
0x61: {  	s24 =	simm.s32 $0x5900;
	v14 =	vld [tilespmem:s7+$0x40];
	v3 =	vmul.f32 v6, v10;
	v7 =	vmul.f32 $1.442695020e+00, v7;
	v20 =	vpop (erf)  }
0x62: {  	v22 =	vld [tilespmem:s24+$0xFFFFFFE0];
	v9 =	vmul.f32 v17, v9;
	v19 =	vmul.f32 $2.000000030e-01, v11;
	v4 =	vadd.f32 v4, v13;
	v6 =	vpop (erf)  }
0x63: {  	[tilespmem:s12+$0xFFFFFFD0] =	vst v5;
	v25 =	vld [tilespmem:s24+$0x0];
	(erf) = vpow2.f32 v7;
	v5 =	vperm.xlane v6, v0  }
0x64: {  	vm9 =	vge.f32 v16, $0.0e+00;
	v17 =	vld [tilespmem:s24+$0xFFFFFFF0];
	[tilespmem:s12+$0xFFFFFFB0] =	vst v3;
	v7 =	vmul.f32 $2.000000030e-01, v16;
	v3 =	vmul.f32 $2.000000030e-01, v4  }
0x65: {  	[tilespmem:s12+$0x0] =	vst v12;
	v12 =	vld [tilespmem:s14+$0xFFFFFFE0];
	vm11 =	vge.f32 v11, $0.0e+00;
	vm10 =	vge.f32 v4, $0.0e+00;
	v8 =	vmul.f32 v8, v5  }
0x66: {  	v21 =	vld [tilespmem:s14+$0xFFFFFFC0];
	v13 =	vmul.f32 v14, v15;
	v7 =	vsel vm9, v16, v7;
	v3 =	vsel vm10, v4, v3  }
0x67: {  	s9 =	simm.s32 $0x6400;
	v14 =	vld [tilespmem:s14+$0x10];
	v4 =	vmul.f32 $1.442695020e+00, v7;
	v3 =	vmul.f32 $1.442695020e+00, v3;
	[tilespmem:s8+$0xFFFFFFA0] =	vst v8;
	v8 =	vsel vm11, v11, v19  }
0x68: {  	[tilespmem:s8+$0x40] =	vst v13;
	v13 =	vld [tilespmem:s9+$0x30];
	v8 =	vmul.f32 $1.442695020e+00, v8  }
0x69: {  	v16 =	vld [tilespmem:s13+$0x10];
	(erf) = vpow2.f32 v4  }
0x6a: {  	v19 =	vld [tilespmem:s24+$0x10];
	(erf) = vpow2.f32 v3  }
0x6b: {  	v6 =	vld [tilespmem:s7+$0x0];
	v3 =	vpop (erf);
	(erf) = vpow2.f32 v8  }
0x6c: {  	v7 =	vld [tilespmem:s7+$0x50];
	v8 =	vpop (erf)  }
0x6d: {  	v4 =	vperm.xlane v20, v0;
	v20 =	vld [tilespmem:s13+$0xFFFFFFF0];
	v8 =	vperm.xlane v8, v0  }
0x6e: {  	v12 =	vmul.f32 v12, v1;
	v11 =	vld [tilespmem:s7+$0xFFFFFFB0]  }
0x6f: {  	v21 =	vmul.f32 v21, v10;
	v16 =	vadd.f32 v19, v16;
	v19 =	vld [tilespmem:s13+$0xFFFFFFE0];
	v13 =	vmul.f32 v13, v8  }
0x70: {  	s10 =	simm.s32 $0x8200;
	v14 =	vmul.f32 v14, v2;
	v3 =	vperm.xlane v3, v0  }
0x71: {  	v18 =	vmul.f32 v18, v4;
	v15 =	vmul.f32 v7, v15;
	[tilespmem:s10+$0x30] =	vst v13  }
0x72: {  	[tilespmem:s12+$0x50] =	vst v9;
	v24 =	vmul.f32 v6, v3;
	v17 =	vadd.f32 v17, v20;
	v7 =	vmul.f32 $2.000000030e-01, v16;
	v6 =	vpop (erf);
	v10 =	vld [tilespmem:s9+$0x40]  }
0x73: {  	v26 =	vld [tilespmem:s9+$0xFFFFFFA0];
	[tilespmem:s12+$0xFFFFFFE0] =	vst v12;
	v20 =	vadd.f32 v25, v23;
	v11 =	vmul.f32 v11, v5;
	vm12 =	vge.f32 v16, $0.0e+00;
	v9 =	vpop (erf)  }
0x74: {  	[tilespmem:s8+$0xFFFFFFD0] =	vst v18;
	v18 =	vld [tilespmem:s9+$0xFFFFFFD0];
	v12 =	vmul.f32 $2.000000030e-01, v17;
	v16 =	vsel vm12, v16, v7;
	v19 =	vadd.f32 v22, v19;
	v13 =	vpop (erf)  }
0x75: {  	v61 =	vld [tilespmem:s7+$0xFFFFFFE0];
	vm13 =	vge.f32 v17, $0.0e+00;
	[tilespmem:s8+$0xFFFFFFB0] =	vst v11;
	v7 =	vperm.xlane v13, v0;
	v13 =	vmul.f32 $1.442695020e+00, v16  }
0x76: {  	v17 =	vsel vm13, v17, v12;
	v12 =	vld [tilespmem:s7+$0xFFFFFFC0];
	v9 =	vperm.xlane v9, v0;
	v11 =	vmul.f32 $2.000000030e-01, v19  }
0x77: {  	[tilespmem:s8+$0x0] =	vst v24;
	vm15 =	vge.f32 v19, $0.0e+00;
	v16 =	vld [tilespmem:s9+$0x0];
	(erf) = vpow2.f32 v13;
	v10 =	vmul.f32 v10, v8  }
0x78: {  	[tilespmem:s12+$0x10] =	vst v14;
	v14 =	vmul.f32 $2.000000030e-01, v20;
	v6 =	vperm.xlane v6, v0;
	v11 =	vsel vm15, v19, v11;
	v13 =	vld [tilespmem:s7+$0x10]  }
0x79: {  	vm14 =	vge.f32 v20, $0.0e+00;
	v62 =	vmul.f32 v26, v9;
	v19 =	vmul.f32 $1.442695020e+00, v11;
	v11 =	vld [tilespmem:s14+$0x20];
	[tilespmem:s10+$0x40] =	vst v10  }
0x7a: {  	[tilespmem:s8+$0x50] =	vst v15;
	v14 =	vsel vm14, v20, v14;
	v63 =	vmul.f32 v18, v6;
	v18 =	vmul.f32 $1.442695020e+00, v17;
	v15 =	vld [tilespmem:s9+$0x50]  }
0x7b: {  	v17 =	vmul.f32 $1.442695020e+00, v14;
	[tilespmem:s10+$0xFFFFFFA0] =	vst v62;
	v10 =	vld [tilespmem:s14+$0xFFFFFFF0]  }
0x7c: {  	[tilespmem:s12+$0xFFFFFFC0] =	vst v21;
	s13 =	simm.s32 $0x64C0;
	(erf) = vpow2.f32 v18;
	v14 =	vld [tilespmem:s9+$0xFFFFFFB0];
	v18 =	vmul.f32 v16, v7  }
0x7d: {  	s31 =	simm.s32 $0x4F40;
	s3 =	simm.s32 $0x8200;
	[tilespmem:s10+$0xFFFFFFD0] =	vst v63;
	(erf) = vpow2.f32 v19;
	v19 =	vmul.f32 v61, v4;
	s14 =	simm.s32 $0xC;
	v16 =	vld [tilespmem:s13+$0x30]  }
.LBB2_3:
0x7e: {  	v20 =	vld [tilespmem:s31+$0x10];
	s24 =	sadd.s32 $0x40, s24;
	(erf) = vpow2.f32 v17;
	[tilespmem:s10+$0x0] =	vst v18;
	v13 =	vmul.f32 v13, v3  }
0x7f: {  	s14 =	sadd.s32 $0x4, s14;
	v12 =	vmul.f32 v12, v5;
	v5 =	vmov v9;
	v17 =	vld [tilespmem:s24+$0x10];
	v15 =	vmul.f32 v15, v8;
	[tilespmem:s8+$0xFFFFFFE0] =	vst v19  }
0x80: {  	v9 =	vmul.f32 v10, v1;
	v1 =	vmov v4;
	p0 =	slt.u32 s14, $0x4C;
	v18 =	vld [tilespmem:s24+$0xFFFFFFE0];
	v8 =	vpop (erf);
	[tilespmem:s8+$0x10] =	vst v13;
	v10 =	vmul.f32 v11, v2  }
0x81: {  	v4 =	vmovc v6;
	v2 =	vmov v3;
	v11 =	vld [tilespmem:s31+$0xFFFFFFF0];
	v8 =	vperm.xlane v8, v0;
	v13 =	vmul.f32 v14, v5;
	[tilespmem:s10+$0x50] =	vst v15  }
0x82: {  	v3 =	vmov v7;
	v14 =	vld [tilespmem:s24+$0xFFFFFFF0];
	[tilespmem:s8+$0xFFFFFFC0] =	vst v12  }
0x83: {  	v12 =	vld [tilespmem:s31+$0x0];
	v16 =	vmul.f32 v16, v8;
	[tilespmem:s10+$0xFFFFFFB0] =	vst v13  }
0x84: {  	s10 =	sadd.s32 $0xC0, s10;
	v13 =	vld [tilespmem:s24+$0x0];
	v7 =	vadd.f32 v17, v20;
	[tilespmem:s12+$0xFFFFFFF0] =	vst v9  }
0x85: {  	v15 =	vld [tilespmem:s31+$0xFFFFFFE0];
	[tilespmem:s10+$0x30] =	vst v16;
	v6 =	vpop (erf)  }
0x86: {  	v16 =	vmul.f32 $2.000000030e-01, v7;
	v6 =	vperm.xlane v6, v0;
	v17 =	vld [tilespmem:s13+$0x40];
	v9 =	vpop (erf);
	[tilespmem:s12+$0x20] =	vst v10;
	s12 =	smov.u32 s8;
	s8 =	smov.u32 s3;
	s3 =	smov.u32 s10  }
0x87: {  	vm0 =	vge.f32 v7, $0.0e+00;
	v10 =	vadd.f32 v14, v11;
	v9 =	vperm.xlane v9, v0;
	v11 =	vld [tilespmem:s13+$0xFFFFFFA0];
	v14 =	vpop (erf)  }
0x88: {  	v16 =	vsel vm0, v7, v16;
	v19 =	vld [tilespmem:s13+$0xFFFFFFD0];
	v7 =	vperm.xlane v14, v0  }
0x89: {  	v14 =	vmul.f32 $2.000000030e-01, v10;
	v20 =	vadd.f32 v13, v12;
	v12 =	vmul.f32 $1.442695020e+00, v16;
	v16 =	vld [tilespmem:s13+$0x0]  }
0x8a: {  	vm0 =	vge.f32 v10, $0.0e+00;
	v15 =	vadd.f32 v18, v15;
	v21 =	vld [tilespmem:s9+$0xFFFFFFE0]  }
0x8b: {  	vm1 =	vge.f32 v20, $0.0e+00;
	(erf) = vpow2.f32 v12;
	v17 =	vmul.f32 v17, v8;
	v13 =	vld [tilespmem:s9+$0x10]  }
0x8c: {  	v22 =	vmul.f32 $2.000000030e-01, v20;
	vm2 =	vge.f32 v15, $0.0e+00;
	v18 =	vmul.f32 $2.000000030e-01, v15;
	v12 =	vld [tilespmem:s9+$0xFFFFFFC0]  }
.Ltmp0:
0x8d: {  	v14 =	vsel vm0, v10, v14;
	v11 =	vmul.f32 v11, v9;
	v19 =	vmul.f32 v19, v6;
	[tilespmem:s10+$0x40] =	vst v17;
	v10 =	vld [tilespmem:s7+$0xFFFFFFF0];
	(pc) =	sbr.rel @p0 .LBB2_3-.Ltmp0, $4  }
0x8e: {  	v14 =	vmul.f32 $1.442695020e+00, v14;
	v17 =	vsel vm2, v15, v18;
	v18 =	vsel vm1, v20, v22;
	v15 =	vld [tilespmem:s13+$0x50]  }
0x8f: {  	v20 =	vmul.f32 $1.442695020e+00, v17;
	v17 =	vmul.f32 $1.442695020e+00, v18;
	[tilespmem:s10+$0xFFFFFFA0] =	vst v11;
	v11 =	vld [tilespmem:s7+$0x20];
	s7 =	smov.u32 s9;
	s9 =	smov.u32 s13  }
0x90: {  	v18 =	vmul.f32 v16, v7;
	s13 =	sadd.s32 $0xC0, s13;
	(erf) = vpow2.f32 v14;
	v14 =	vld [tilespmem:s9+$0xFFFFFFB0];
	[tilespmem:s10+$0xFFFFFFD0] =	vst v19  }
0x91: {  	s31 =	sadd.s32 $0x40, s31;
	v19 =	vmul.f32 v21, v4;
	v16 =	vld [tilespmem:s13+$0x30];
	(erf) = vpow2.f32 v20  }
0x92: {  	_ =	sdelay $0x1  }
0x93: {  	v20 =	vpop (erf)  }
0x94: {  	(erf) = vpow2.f32 v17;
	v17 =	vperm.xlane v20, v0;
	_ =	sdelay $0x1  }
0x95: {  	v16 =	vmul.f32 v16, v17;
	_ =	sdelay $0x1  }
0x96: {  	s14 =	sadd.s32 $0xC0, s10;
	[tilespmem:s10+$0x0] =	vst v18  }
0x97: {  	v13 =	vmul.f32 v13, v3;
	v20 =	vld [tilespmem:s13+$0xFFFFFFA0];
	[tilespmem:s14+$0x30] =	vst v16  }
0x98: {  	v5 =	vmul.f32 v12, v5;
	[tilespmem:s8+$0xFFFFFFE0] =	vst v19;
	v18 =	vld [tilespmem:s13+$0x40];
	v16 =	vpop (erf)  }
0x99: {  	v12 =	vld [tilespmem:s13+$0x0];
	v8 =	vmul.f32 v15, v8;
	[tilespmem:s8+$0x10] =	vst v13;
	v21 =	vpop (erf)  }
0x9a: {  	v19 =	vld [tilespmem:s13+$0xFFFFFFD0];
	[tilespmem:s8+$0xFFFFFFC0] =	vst v5;
	v13 =	vmul.f32 v14, v9;
	v15 =	vperm.xlane v21, v0  }
0x9b: {  	v2 =	vmul.f32 v11, v2;
	[tilespmem:s10+$0x50] =	vst v8  }
0x9c: {  	[tilespmem:s10+$0xFFFFFFB0] =	vst v13;
	v5 =	vperm.xlane v16, v0;
	v14 =	vpop (erf);
	v8 =	vmul.f32 v20, v15  }
0x9d: {  	[tilespmem:s12+$0x20] =	vst v2;
	v2 =	vld [tilespmem:s9+$0xFFFFFFC0];
	v14 =	vperm.xlane v14, v0;
	v18 =	vmul.f32 v18, v17  }
0x9e: {  	v16 =	vld [tilespmem:s9+$0xFFFFFFE0];
	[tilespmem:s14+$0xFFFFFFA0] =	vst v8  }
0x9f: {  	v12 =	vmul.f32 v12, v14;
	v8 =	vmul.f32 v19, v5;
	v19 =	vld [tilespmem:s9+$0x10];
	[tilespmem:s14+$0x40] =	vst v18  }
0xa0: {  	v1 =	vmul.f32 v10, v1;
	v10 =	vld [tilespmem:s13+$0x50]  }
0xa1: {  	v13 =	vld [tilespmem:s13+$0xFFFFFFB0];
	[tilespmem:s14+$0x0] =	vst v12  }
0xa2: {  	v2 =	vmul.f32 v2, v9;
	[tilespmem:s14+$0xFFFFFFD0] =	vst v8;
	v11 =	vld [tilespmem:s13+$0x10]  }
0xa3: {  	[tilespmem:s12+$0xFFFFFFF0] =	vst v1;
	v1 =	vmul.f32 v16, v6;
	v8 =	vld [tilespmem:s13+$0xFFFFFFE0]  }
0xa4: {  	[tilespmem:s3+$0xFFFFFFC0] =	vst v2;
	v16 =	vmul.f32 v19, v7  }
0xa5: {  	[tilespmem:s3+$0xFFFFFFE0] =	vst v1;
	v1 =	vld [tilespmem:s7+$0x20];
	v10 =	vmul.f32 v10, v17  }
0xa6: {  	v12 =	vmul.f32 v13, v15;
	v13 =	vld [tilespmem:s7+$0xFFFFFFF0];
	[tilespmem:s3+$0x10] =	vst v16  }
0xa7: {  	v11 =	vmul.f32 v11, v14;
	[tilespmem:s14+$0x50] =	vst v10;
	v10 =	vld [tilespmem:s9+$0xFFFFFFF0]  }
0xa8: {  	[tilespmem:s14+$0xFFFFFFB0] =	vst v12;
	v8 =	vmul.f32 v8, v5;
	v9 =	vld [tilespmem:s9+$0x20]  }
0xa9: {  	v12 =	vld [tilespmem:s13+$0xFFFFFFC0];
	[tilespmem:s14+$0x10] =	vst v11  }
0xaa: {  	v1 =	vmul.f32 v1, v3;
	[tilespmem:s14+$0xFFFFFFE0] =	vst v8;
	v2 =	vld [tilespmem:s13+$0x20]  }
0xab: {  	v4 =	vmul.f32 v13, v4;
	v8 =	vld [tilespmem:s13+$0xFFFFFFF0]  }
0xac: {  	[tilespmem:s8+$0x20] =	vst v1;
	v1 =	vmul.f32 v10, v6  }
0xad: {  	[tilespmem:s8+$0xFFFFFFF0] =	vst v4;
	v4 =	vmul.f32 v9, v7  }
0xae: {  	v3 =	vmul.f32 v12, v15;
	[tilespmem:s3+$0xFFFFFFF0] =	vst v1  }
0xaf: {  	s13 =	smul.u32 $0x280, s1;
	[tilespmem:s3+$0x20] =	vst v4;
	v2 =	vmul.f32 v2, v14  }
0xb0: {  	[tilespmem:s14+$0xFFFFFFC0] =	vst v3;
	v1 =	vmul.f32 v8, v5  }
0xb1: {  	s24 =	sshra.s32 s13, $0x2;
	[tilespmem:s14+$0x20] =	vst v2  }
0xb2: {  	s3 =	sadd.s32 $0x2710, s24;
	[tilespmem:s14+$0xFFFFFFF0] =	vst v1  }
0xb3: {  	[spmem:s2] =	stream.indirect.scatter.add.f32 [tilespmem:s23], [sflag:$0x3], $0x30, s3, s15, $0xb8;
	[tilespmem:$0x11620] =	vst v63  }
0xb4: {  	_ =	swait.ge [sflag:s25], $0x500  }
0xb5: {  	[sflag:s25] =	ssyncset.done $0x0  }
0xb6: {  	[sflag:s25] =	ssyncadd.s32 $0xFFFFFB00  }
0xb7: {  	_ =	swait.ge [sflag:s25], $0x500  }
0xb8: {  	[sflag:s25] =	ssyncset.done $0x0  }
0xb9: {  	[sflag:s25] =	ssyncadd.s32 $0xFFFFFB00  }
0xba: {  	_ =	swait.ge [sflag:s25], $0xF00  }
0xbb: {  	[sflag:s25] =	ssyncset.done $0x0  }
0xbc: {  	s31 =	sadd.s32 $0xA0, s30;
	[sflag:s25] =	ssyncadd.s32 $0xFFFFF100  }
0xbd: {  	[tilespmem:s16], [sflag:$0x1] =	stream.indirect.gather [hbm4b:s4+s15], $0x10, s31, s15, $0xb8;
	[tilespmem:$0x11620] =	vst v63  }
0xbe: {  	s8 =	sadd.s32 $0x27B0, s30  }
0xbf: {  	[tilespmem:s17], [sflag:$0x1] =	stream.indirect.gather [hbm4b:s5+s15], $0x10, s8, s15, $0xb8;
	[tilespmem:$0x11620] =	vst v63  }
0xc0: {  	s9 =	simm.s32 $0x5350  }
0xc1: {  	[tilespmem:s18], [sflag:$0x1] =	stream.indirect.gather [hbm4b:s6+s15], $0x30, s31, s15, $0xb8;
	[tilespmem:$0x11620] =	vst v63  }
0xc2: {  	s10 =	simm.s32 $0x5D50;
	v1 =	vld [tilespmem:s9+$0x0]  }
0xc3: {  	v2 =	vld [tilespmem:s10+$0x0];
	_ =	sdelay $0x3  }
0xc4: {  	v3 =	vld [tilespmem:s10+$0xFFFFFFD0]  }
0xc5: {  	v4 =	vld [tilespmem:s9+$0xFFFFFFE0];
	v1 =	vadd.f32 v2, v1  }
0xc6: {  	v5 =	vld [tilespmem:s10+$0xFFFFFFE0]  }
0xc7: {  	v2 =	vld [tilespmem:s9+$0xFFFFFFD0];
	v6 =	vmul.f32 $2.000000030e-01, v1  }
0xc8: {  	vm0 =	vge.f32 v1, $0.0e+00  }
0xc9: {  	v1 =	vsel vm0, v1, v6  }
0xca: {  	v1 =	vmul.f32 $1.442695020e+00, v1  }
0xcb: {  	v4 =	vadd.f32 v5, v4;
	v5 =	vld [tilespmem:s10+$0xFFFFFFF0]  }
0xcc: {  	v6 =	vld [tilespmem:s9+$0xFFFFFFF0];
	v2 =	vadd.f32 v3, v2;
	(erf) = vpow2.f32 v1  }
0xcd: {  	v3 =	vmul.f32 $2.000000030e-01, v4  }
0xce: {  	s13 =	simm.s32 $0x5D90;
	vm14 =	vge.f32 v4, $0.0e+00;
	v7 =	vmul.f32 $2.000000030e-01, v2  }
0xcf: {  	s12 =	simm.s32 $0x5390;
	v8 =	vld [tilespmem:s13+$0x0];
	vm1 =	vge.f32 v2, $0.0e+00;
	v3 =	vsel vm14, v4, v3  }
0xd0: {  	v1 =	vld [tilespmem:s12+$0x0];
	v3 =	vmul.f32 $1.442695020e+00, v3;
	v2 =	vsel vm1, v2, v7  }
0xd1: {  	v4 =	vadd.f32 v5, v6;
	v2 =	vmul.f32 $1.442695020e+00, v2  }
0xd2: {  	s3 =	simm.s32 $0x71D0;
	(erf) = vpow2.f32 v3  }
0xd3: {  	v3 =	vld [tilespmem:s3+$0xFFFFFFE0];
	(erf) = vpow2.f32 v2;
	v2 =	vmul.f32 $2.000000030e-01, v4  }
0xd4: {  	vm15 =	vge.f32 v4, $0.0e+00  }
0xd5: {  	v9 =	vld [tilespmem:s12+$0xFFFFFFD0];
	v1 =	vadd.f32 v8, v1;
	v2 =	vsel vm15, v4, v2;
	v4 =	vpop (erf)  }
0xd6: {  	v5 =	vld [tilespmem:s13+$0xFFFFFFD0];
	v4 =	vperm.xlane v4, v0  }
0xd7: {  	v6 =	vld [tilespmem:s12+$0xFFFFFFE0];
	v7 =	vmul.f32 $2.000000030e-01, v1  }
0xd8: {  	v8 =	vld [tilespmem:s13+$0xFFFFFFE0];
	vm4 =	vge.f32 v1, $0.0e+00;
	v3 =	vmul.f32 v3, v4  }
0xd9: {  	v2 =	vmul.f32 $1.442695020e+00, v2;
	v1 =	vsel vm4, v1, v7  }
0xda: {  	v7 =	vld [tilespmem:s3+$0xFFFFFF50];
	v1 =	vmul.f32 $1.442695020e+00, v1  }
0xdb: {  	(erf) = vpow2.f32 v2;
	v2 =	vld [tilespmem:s12+$0xFFFFFFF0];
	s12 =	simm.s32 $0x8FD0  }
0xdc: {  	(erf) = vpow2.f32 v1;
	[tilespmem:s12+$0xFFFFFFE0] =	vst v3;
	v3 =	vpop (erf)  }
0xdd: {  	s14 =	simm.s32 $0x53D0;
	v12 =	vld [tilespmem:s3+$0xFFFFFFB0];
	v5 =	vadd.f32 v5, v9;
	v6 =	vadd.f32 v8, v6;
	v10 =	vpop (erf)  }
0xde: {  	s24 =	simm.s32 $0x5DD0;
	v16 =	vld [tilespmem:s14+$0xFFFFFFE0];
	v9 =	vperm.xlane v10, v0  }
0xdf: {  	v18 =	vld [tilespmem:s24+$0xFFFFFFE0];
	v13 =	vmul.f32 $2.000000030e-01, v5;
	v11 =	vmul.f32 $2.000000030e-01, v6  }
0xe0: {  	vm6 =	vge.f32 v5, $0.0e+00;
	v1 =	vld [tilespmem:s13+$0xFFFFFFF0];
	vm5 =	vge.f32 v6, $0.0e+00;
	v7 =	vmul.f32 v7, v9  }
0xe1: {  	v5 =	vsel vm6, v5, v13;
	v13 =	vld [tilespmem:s14+$0x0];
	v6 =	vsel vm5, v6, v11  }
0xe2: {  	s7 =	simm.s32 $0x7290;
	v6 =	vmul.f32 $1.442695020e+00, v6;
	[tilespmem:s12+$0xFFFFFF50] =	vst v7;
	v7 =	vld [tilespmem:s24+$0x0]  }
0xe3: {  	v5 =	vmul.f32 $1.442695020e+00, v5;
	v11 =	vld [tilespmem:s7+$0xFFFFFFE0]  }
0xe4: {  	v19 =	vld [tilespmem:s14+$0xFFFFFFF0];
	(erf) = vpow2.f32 v6;
	v14 =	vpop (erf)  }
0xe5: {  	v8 =	vld [tilespmem:s3+$0xFFFFFFF0];
	v17 =	vadd.f32 v1, v2;
	(erf) = vpow2.f32 v5;
	v15 =	vpop (erf)  }
0xe6: {  	v10 =	vld [tilespmem:s3+$0xFFFFFF80];
	v15 =	vperm.xlane v15, v0  }
0xe7: {  	v1 =	vperm.xlane v3, v0;
	v5 =	vld [tilespmem:s24+$0xFFFFFFD0];
	v3 =	vmul.f32 $2.000000030e-01, v17;
	v7 =	vadd.f32 v7, v13  }
0xe8: {  	vm7 =	vge.f32 v17, $0.0e+00;
	v6 =	vld [tilespmem:s3+$0xFFFFFF60];
	v2 =	vmul.f32 v11, v15  }
0xe9: {  	s8 =	simm.s32 $0x9090;
	v3 =	vsel vm7, v17, v3;
	v11 =	vld [tilespmem:s24+$0xFFFFFFF0];
	v20 =	vmul.f32 $2.000000030e-01, v7  }
0xea: {  	v8 =	vmul.f32 v8, v4;
	v3 =	vmul.f32 $1.442695020e+00, v3;
	[tilespmem:s8+$0xFFFFFFE0] =	vst v2;
	v13 =	vld [tilespmem:s14+$0xFFFFFFD0]  }
0xeb: {  	v2 =	vperm.xlane v14, v0;
	v14 =	vld [tilespmem:s7+$0xFFFFFFF0];
	vm8 =	vge.f32 v7, $0.0e+00  }
0xec: {  	s31 =	simm.s32 $0x5410;
	[tilespmem:s12+$0xFFFFFFF0] =	vst v8;
	v8 =	vld [tilespmem:s7+$0xFFFFFF50];
	v10 =	vmul.f32 v10, v1;
	v7 =	vsel vm8, v7, v20  }
0xed: {  	v23 =	vld [tilespmem:s31+$0xFFFFFFF0];
	v16 =	vadd.f32 v18, v16;
	(erf) = vpow2.f32 v3;
	v7 =	vmul.f32 $1.442695020e+00, v7;
	v20 =	vpop (erf)  }
0xee: {  	v18 =	vld [tilespmem:s7+$0xFFFFFF80];
	s10 =	simm.s32 $0x5E10;
	v12 =	vmul.f32 v12, v2;
	v6 =	vmul.f32 v6, v9;
	v11 =	vadd.f32 v11, v19;
	v3 =	vpop (erf)  }
0xef: {  	v22 =	vld [tilespmem:s10+$0xFFFFFFD0];
	[tilespmem:s12+$0xFFFFFF80] =	vst v10;
	(erf) = vpow2.f32 v7;
	v3 =	vperm.xlane v3, v0  }
0xf0: {  	v17 =	vld [tilespmem:s3+$0x0];
	[tilespmem:s12+$0xFFFFFFB0] =	vst v12;
	v19 =	vmul.f32 $2.000000030e-01, v11;
	v5 =	vadd.f32 v5, v13;
	v13 =	vmul.f32 v14, v15  }
0xf1: {  	v10 =	vld [tilespmem:s7+$0xFFFFFFB0];
	[tilespmem:s12+$0xFFFFFF60] =	vst v6;
	v7 =	vmul.f32 $2.000000030e-01, v16;
	v8 =	vmul.f32 v8, v3  }
0xf2: {  	vm9 =	vge.f32 v16, $0.0e+00;
	v12 =	vld [tilespmem:s3+$0xFFFFFF90];
	vm11 =	vge.f32 v11, $0.0e+00;
	v14 =	vmul.f32 $2.000000030e-01, v5;
	[tilespmem:s8+$0xFFFFFFF0] =	vst v13  }
0xf3: {  	v6 =	vld [tilespmem:s3+$0xFFFFFFC0];
	vm10 =	vge.f32 v5, $0.0e+00;
	v7 =	vsel vm9, v16, v7;
	[tilespmem:s8+$0xFFFFFF50] =	vst v8;
	v8 =	vsel vm11, v11, v19  }
0xf4: {  	v13 =	vld [tilespmem:s7+$0x0];
	v5 =	vsel vm10, v5, v14;
	v7 =	vmul.f32 $1.442695020e+00, v7;
	v8 =	vmul.f32 $1.442695020e+00, v8  }
0xf5: {  	s9 =	simm.s32 $0x7350;
	v14 =	vld [tilespmem:s31+$0x0];
	v5 =	vmul.f32 $1.442695020e+00, v5  }
0xf6: {  	(erf) = vpow2.f32 v7;
	v7 =	vld [tilespmem:s9+$0xFFFFFFE0]  }
0xf7: {  	v17 =	vmul.f32 v17, v4;
	v16 =	vpop (erf);
	v19 =	vld [tilespmem:s10+$0x0];
	(erf) = vpow2.f32 v5  }
0xf8: {  	v4 =	vperm.xlane v16, v0;
	v16 =	vld [tilespmem:s10+$0xFFFFFFE0];
	(erf) = vpow2.f32 v8;
	v8 =	vpop (erf)  }
0xf9: {  	v5 =	vperm.xlane v20, v0;
	v20 =	vld [tilespmem:s31+$0xFFFFFFE0];
	v8 =	vperm.xlane v8, v0  }
0xfa: {  	v60 =	vld [tilespmem:s3+$0xFFFFFF70]  }
0xfb: {  	v11 =	vld [tilespmem:s7+$0xFFFFFF60];
	v7 =	vmul.f32 v7, v8  }
0xfc: {  	v24 =	vld [tilespmem:s10+$0xFFFFFFF0];
	s24 =	simm.s32 $0x9150;
	v12 =	vmul.f32 v12, v1;
	v14 =	vadd.f32 v19, v14  }
0xfd: {  	v13 =	vmul.f32 v13, v15;
	v15 =	vld [tilespmem:s31+$0xFFFFFFD0];
	v18 =	vmul.f32 v18, v5;
	[tilespmem:s24+$0xFFFFFFE0] =	vst v7  }
0xfe: {  	[tilespmem:s12+$0x0] =	vst v17;
	v10 =	vmul.f32 v10, v4;
	v16 =	vadd.f32 v16, v20;
	v7 =	vmul.f32 $2.000000030e-01, v14;
	v25 =	vld [tilespmem:s9+$0xFFFFFFF0]  }
0xff: {  	v21 =	vmul.f32 v60, v9;
	[tilespmem:s12+$0xFFFFFF90] =	vst v12;
	v19 =	vmul.f32 v6, v2;
	v20 =	vld [tilespmem:s9+$0xFFFFFF80];
	vm12 =	vge.f32 v14, $0.0e+00;
	v6 =	vpop (erf)  }
0x100: {  	v17 =	vld [tilespmem:s9+$0xFFFFFF50];
	[tilespmem:s8+$0xFFFFFFB0] =	vst v10;
	v11 =	vmul.f32 v11, v3;
	v12 =	vmul.f32 $2.000000030e-01, v16;
	v9 =	vpop (erf);
	v14 =	vsel vm12, v14, v7  }
0x101: {  	v61 =	vld [tilespmem:s9+$0xFFFFFFB0];
	[tilespmem:s8+$0xFFFFFF80] =	vst v18;
	vm13 =	vge.f32 v16, $0.0e+00;
	v6 =	vperm.xlane v6, v0;
	v18 =	vpop (erf);
	v10 =	vmul.f32 $1.442695020e+00, v14  }
0x102: {  	v62 =	vld [tilespmem:s7+$0xFFFFFF90];
	v9 =	vperm.xlane v9, v0;
	v7 =	vperm.xlane v18, v0;
	v14 =	vadd.f32 v22, v15  }
0x103: {  	[tilespmem:s8+$0xFFFFFF60] =	vst v11;
	v11 =	vld [tilespmem:s7+$0xFFFFFFC0];
	v18 =	vadd.f32 v24, v23;
	(erf) = vpow2.f32 v10;
	v10 =	vmul.f32 v25, v8  }
0x104: {  	[tilespmem:s12+$0xFFFFFFC0] =	vst v19;
	v16 =	vsel vm13, v16, v12;
	v12 =	vld [tilespmem:s7+$0xFFFFFF70];
	v20 =	vmul.f32 v20, v6;
	v15 =	vmul.f32 $2.000000030e-01, v14  }
0x105: {  	v63 =	vmul.f32 v17, v9;
	v19 =	vmul.f32 $2.000000030e-01, v18;
	vm15 =	vge.f32 v14, $0.0e+00;
	[tilespmem:s24+$0xFFFFFFF0] =	vst v10;
	v10 =	vld [tilespmem:s3+$0xFFFFFFA0]  }
0x106: {  	[tilespmem:s8+$0x0] =	vst v13;
	vm14 =	vge.f32 v18, $0.0e+00;
	v13 =	vsel vm15, v14, v15;
	v14 =	vmul.f32 $1.442695020e+00, v16;
	v15 =	vld [tilespmem:s9+$0x0]  }
0x107: {  	[tilespmem:s24+$0xFFFFFF50] =	vst v63;
	v16 =	vsel vm14, v18, v19;
	v19 =	vmul.f32 v61, v7;
	v18 =	vmul.f32 $1.442695020e+00, v13;
	v13 =	vld [tilespmem:s3+$0xFFFFFFD0]  }
0x108: {  	s13 =	simm.s32 $0x7410;
	[tilespmem:s12+$0xFFFFFF70] =	vst v21;
	v17 =	vmul.f32 $1.442695020e+00, v16;
	(erf) = vpow2.f32 v14;
	v14 =	vld [tilespmem:s9+$0xFFFFFF60]  }
0x109: {  	s30 =	simm.s32 $0x5450;
	s14 =	simm.s32 $0xC;
	[tilespmem:s24+$0xFFFFFF80] =	vst v20;
	v16 =	vld [tilespmem:s13+$0xFFFFFFE0];
	s3 =	simm.s32 $0x9150;
	(erf) = vpow2.f32 v18;
	v18 =	vmul.f32 v62, v5  }
.LBB2_5:
0x10a: {  	v20 =	vld [tilespmem:s30+$0x0];
	s10 =	sadd.s32 $0x40, s10;
	(erf) = vpow2.f32 v17;
	[tilespmem:s24+$0xFFFFFFB0] =	vst v19;
	v11 =	vmul.f32 v11, v4  }
0x10b: {  	s14 =	sadd.s32 $0x4, s14;
	v12 =	vmul.f32 v12, v3;
	v3 =	vmov v9;
	v17 =	vld [tilespmem:s10+$0x0];
	v15 =	vmul.f32 v15, v8;
	[tilespmem:s8+$0xFFFFFF90] =	vst v18  }
0x10c: {  	v9 =	vmul.f32 v10, v1;
	v1 =	vmov v5;
	p0 =	slt.u32 s14, $0x4C;
	v18 =	vld [tilespmem:s10+$0xFFFFFFD0];
	v8 =	vpop (erf);
	[tilespmem:s8+$0xFFFFFFC0] =	vst v11;
	v10 =	vmul.f32 v13, v2  }
0x10d: {  	v5 =	vmovc v6;
	v2 =	vmov v4;
	v11 =	vld [tilespmem:s30+$0xFFFFFFE0];
	v8 =	vperm.xlane v8, v0;
	v13 =	vmul.f32 v14, v3;
	[tilespmem:s24+$0x0] =	vst v15  }
0x10e: {  	v4 =	vmov v7;
	v14 =	vld [tilespmem:s10+$0xFFFFFFE0];
	[tilespmem:s8+$0xFFFFFF70] =	vst v12  }
0x10f: {  	v12 =	vld [tilespmem:s30+$0xFFFFFFF0];
	v16 =	vmul.f32 v16, v8;
	[tilespmem:s24+$0xFFFFFF60] =	vst v13  }
0x110: {  	s24 =	sadd.s32 $0xC0, s24;
	v13 =	vld [tilespmem:s10+$0xFFFFFFF0];
	v7 =	vadd.f32 v17, v20;
	[tilespmem:s12+$0xFFFFFFA0] =	vst v9  }
0x111: {  	v15 =	vld [tilespmem:s30+$0xFFFFFFD0];
	[tilespmem:s24+$0xFFFFFFE0] =	vst v16;
	v6 =	vpop (erf)  }
0x112: {  	v16 =	vmul.f32 $2.000000030e-01, v7;
	v6 =	vperm.xlane v6, v0;
	v17 =	vld [tilespmem:s13+$0xFFFFFFF0];
	v9 =	vpop (erf);
	[tilespmem:s12+$0xFFFFFFD0] =	vst v10;
	s12 =	smov.u32 s8;
	s8 =	smov.u32 s3;
	s3 =	smov.u32 s24  }
0x113: {  	vm0 =	vge.f32 v7, $0.0e+00;
	v10 =	vadd.f32 v14, v11;
	v9 =	vperm.xlane v9, v0;
	v14 =	vld [tilespmem:s13+$0xFFFFFF50];
	v11 =	vpop (erf)  }
0x114: {  	v16 =	vsel vm0, v7, v16;
	v19 =	vld [tilespmem:s13+$0xFFFFFF80];
	v7 =	vperm.xlane v11, v0  }
0x115: {  	v20 =	vmul.f32 $2.000000030e-01, v10;
	v13 =	vadd.f32 v13, v12;
	v11 =	vmul.f32 $1.442695020e+00, v16;
	v16 =	vld [tilespmem:s13+$0xFFFFFFB0]  }
0x116: {  	vm0 =	vge.f32 v10, $0.0e+00;
	v15 =	vadd.f32 v18, v15;
	v18 =	vld [tilespmem:s9+$0xFFFFFF90]  }
0x117: {  	vm1 =	vge.f32 v13, $0.0e+00;
	(erf) = vpow2.f32 v11;
	v17 =	vmul.f32 v17, v8;
	v11 =	vld [tilespmem:s9+$0xFFFFFFC0]  }
0x118: {  	v22 =	vmul.f32 $2.000000030e-01, v13;
	vm2 =	vge.f32 v15, $0.0e+00;
	v21 =	vmul.f32 $2.000000030e-01, v15;
	v12 =	vld [tilespmem:s9+$0xFFFFFF70]  }
.Ltmp1:
0x119: {  	v20 =	vsel vm0, v10, v20;
	v14 =	vmul.f32 v14, v9;
	v19 =	vmul.f32 v19, v6;
	[tilespmem:s24+$0xFFFFFFF0] =	vst v17;
	v10 =	vld [tilespmem:s7+$0xFFFFFFA0];
	(pc) =	sbr.rel @p0 .LBB2_5-.Ltmp1, $4  }
0x11a: {  	v20 =	vmul.f32 $1.442695020e+00, v20;
	v13 =	vsel vm1, v13, v22;
	v17 =	vsel vm2, v15, v21;
	v15 =	vld [tilespmem:s13+$0x0]  }
0x11b: {  	v21 =	vmul.f32 $1.442695020e+00, v17;
	v17 =	vmul.f32 $1.442695020e+00, v13;
	[tilespmem:s24+$0xFFFFFF50] =	vst v14;
	v13 =	vld [tilespmem:s7+$0xFFFFFFD0];
	s7 =	smov.u32 s9;
	s9 =	smov.u32 s13  }
0x11c: {  	s13 =	sadd.s32 $0xC0, s13;
	(erf) = vpow2.f32 v20;
	v14 =	vld [tilespmem:s9+$0xFFFFFF60];
	[tilespmem:s24+$0xFFFFFF80] =	vst v19;
	v19 =	vmul.f32 v16, v7  }
0x11d: {  	s30 =	sadd.s32 $0x40, s30;
	v18 =	vmul.f32 v18, v5;
	v16 =	vld [tilespmem:s13+$0xFFFFFFE0];
	(erf) = vpow2.f32 v21  }
0x11e: {  	_ =	sdelay $0x1  }
0x11f: {  	v20 =	vpop (erf);
	(erf) = vpow2.f32 v17;
	_ =	sdelay $0x3  }
0x120: {  	[tilespmem:s24+$0xFFFFFFB0] =	vst v19;
	v11 =	vmul.f32 v11, v4;
	v53 =	vld [tilespmem:s9+$0xFFFFFF90]  }
0x121: {  	v48 =	vld [tilespmem:s13+$0xFFFFFF80];
	v3 =	vmul.f32 v12, v3;
	[tilespmem:s8+$0xFFFFFF90] =	vst v18  }
0x122: {  	v44 =	vld [tilespmem:s13+$0xFFFFFF50];
	v1 =	vmul.f32 v10, v1;
	[tilespmem:s8+$0xFFFFFFC0] =	vst v11;
	v43 =	vperm.xlane v20, v0  }
0x123: {  	v49 =	vld [tilespmem:s13+$0xFFFFFFB0];
	[tilespmem:s8+$0xFFFFFF70] =	vst v3;
	v14 =	vmul.f32 v14, v9;
	v45 =	vpop (erf)  }
0x124: {  	[tilespmem:s12+$0xFFFFFFA0] =	vst v1;
	v16 =	vmul.f32 v16, v43;
	v46 =	vpop (erf);
	v51 =	vperm.xlane v45, v0  }
0x125: {  	s10 =	sadd.s32 $0xC0, s24;
	[tilespmem:s24+$0xFFFFFF60] =	vst v14;
	v1 =	vmul.f32 v53, v6;
	v47 =	vperm.xlane v46, v0;
	v52 =	vpop (erf)  }
0x126: {  	v54 =	vld [tilespmem:s9+$0xFFFFFFC0];
	[tilespmem:s10+$0xFFFFFFE0] =	vst v16;
	v3 =	vmul.f32 v48, v51;
	v12 =	vperm.xlane v52, v0  }
0x127: {  	[tilespmem:s3+$0xFFFFFF90] =	vst v1;
	v1 =	vld [tilespmem:s7+$0xFFFFFFD0];
	v50 =	vmul.f32 v44, v47  }
0x128: {  	v16 =	vld [tilespmem:s13+$0xFFFFFFF0];
	[tilespmem:s10+$0xFFFFFF80] =	vst v3;
	v14 =	vmul.f32 v49, v12  }
0x129: {  	v8 =	vmul.f32 v15, v8;
	[tilespmem:s10+$0xFFFFFF50] =	vst v50;
	v3 =	vld [tilespmem:s13+$0xFFFFFF90]  }
0x12a: {  	v2 =	vmul.f32 v13, v2;
	v18 =	vld [tilespmem:s13+$0xFFFFFF60];
	[tilespmem:s10+$0xFFFFFFB0] =	vst v14  }
0x12b: {  	[tilespmem:s24+$0x0] =	vst v8;
	v59 =	vmul.f32 v54, v7;
	v56 =	vld [tilespmem:s13+$0xFFFFFFC0]  }
0x12c: {  	[tilespmem:s12+$0xFFFFFFD0] =	vst v2;
	v2 =	vld [tilespmem:s9+$0xFFFFFF70];
	v1 =	vmul.f32 v1, v4  }
0x12d: {  	[tilespmem:s3+$0xFFFFFFC0] =	vst v59;
	v60 =	vld [tilespmem:s9+$0xFFFFFFA0];
	v16 =	vmul.f32 v16, v43  }
0x12e: {  	v61 =	vld [tilespmem:s9+$0xFFFFFFD0];
	[tilespmem:s8+$0xFFFFFFD0] =	vst v1;
	v3 =	vmul.f32 v3, v51  }
0x12f: {  	v58 =	vld [tilespmem:s7+$0xFFFFFFA0];
	[tilespmem:s10+$0xFFFFFFF0] =	vst v16;
	v57 =	vmul.f32 v18, v47  }
0x130: {  	v55 =	vld [tilespmem:s13+$0x0];
	[tilespmem:s10+$0xFFFFFF90] =	vst v3;
	v13 =	vmul.f32 v56, v12  }
0x131: {  	v2 =	vmul.f32 v2, v9;
	[tilespmem:s10+$0xFFFFFF60] =	vst v57;
	v62 =	vld [tilespmem:s13+$0xFFFFFFA0]  }
0x132: {  	v1 =	vmul.f32 v60, v6;
	v14 =	vld [tilespmem:s13+$0xFFFFFF70];
	[tilespmem:s10+$0xFFFFFFC0] =	vst v13  }
0x133: {  	[tilespmem:s3+$0xFFFFFF70] =	vst v2;
	v63 =	vmul.f32 v61, v7;
	v2 =	vld [tilespmem:s13+$0xFFFFFFD0]  }
0x134: {  	[tilespmem:s3+$0xFFFFFFA0] =	vst v1;
	v3 =	vmul.f32 v58, v5  }
0x135: {  	[tilespmem:s3+$0xFFFFFFD0] =	vst v63;
	v10 =	vmul.f32 v55, v43  }
0x136: {  	[tilespmem:s8+$0xFFFFFFA0] =	vst v3;
	v1 =	vmul.f32 v62, v51  }
0x137: {  	[tilespmem:s10+$0x0] =	vst v10;
	v3 =	vmul.f32 v14, v47  }
0x138: {  	[tilespmem:s10+$0xFFFFFFA0] =	vst v1;
	v2 =	vmul.f32 v2, v12  }
0x139: {  	[tilespmem:s10+$0xFFFFFF70] =	vst v3  }
0x13a: {  	s1 =	sadd.s32 $0x1, s1;
	[tilespmem:s10+$0xFFFFFFD0] =	vst v2  }
0x13b: {  	[spmem:s2] =	stream.indirect.scatter.add.f32 [tilespmem:s26], [sflag:$0x4], $0x30, s0, s15, $0xb8;
	[tilespmem:$0x11620] =	vst v63  }
0x13c: {  	p0 =	sne.s32 s1, $0x3E;
	_ =	swait.ge [sflag:s28], $0xF00  }
.Ltmp2:
0x13d: {  	[sflag:s28] =	ssyncset.done $0x0;
	(pc) =	sbr.rel @p0 .LBB2_2-.Ltmp2, $4  }
0x13e: {  	[sflag:s28] =	ssyncadd.s32 $0xFFFFF100  }
0x13f: {  	_ =	swait.ge [sflag:s29], $0xF00  }
0x140: {  	[sflag:s29] =	ssyncset.done $0x0  }
0x141: {  	[sflag:s29] =	ssyncadd.s32 $0xFFFFF100  }
0x142: {  	_ =	swait.ge [sflag:s19], $0x500  }
0x143: {  	[sflag:s19] =	ssyncset.done $0x0  }
0x144: {  	[sflag:s19] =	ssyncadd.s32 $0xFFFFFB00  }
0x145: {  	_ =	swait.ge [sflag:s19], $0x500  }
0x146: {  	[sflag:s19] =	ssyncset.done $0x0  }
0x147: {  	[sflag:s19] =	ssyncadd.s32 $0xFFFFFB00  }
0x148: {  	_ =	swait.ge [sflag:s19], $0xF00  }
0x149: {  	[sflag:s19] =	ssyncset.done $0x0  }
0x14a: {  	s0 =	simm.s32 $0x4E40;
	[sflag:s19] =	ssyncadd.s32 $0xFFFFF100  }
0x14b: {  	s1 =	simm.s32 $0x5840;
	v1 =	vld [tilespmem:s0+$0x10]  }
0x14c: {  	v2 =	vld [tilespmem:s1+$0x10];
	_ =	sdelay $0x3  }
0x14d: {  	v3 =	vld [tilespmem:s1+$0xFFFFFFE0]  }
0x14e: {  	v4 =	vld [tilespmem:s0+$0xFFFFFFF0];
	v1 =	vadd.f32 v2, v1  }
0x14f: {  	v5 =	vld [tilespmem:s1+$0xFFFFFFF0]  }
0x150: {  	v2 =	vld [tilespmem:s0+$0xFFFFFFE0];
	v6 =	vmul.f32 $2.000000030e-01, v1  }
0x151: {  	vm0 =	vge.f32 v1, $0.0e+00  }
0x152: {  	v1 =	vsel vm0, v1, v6  }
0x153: {  	v1 =	vmul.f32 $1.442695020e+00, v1  }
0x154: {  	v4 =	vadd.f32 v5, v4;
	v5 =	vld [tilespmem:s1+$0x0]  }
0x155: {  	v6 =	vld [tilespmem:s0+$0x0];
	v2 =	vadd.f32 v3, v2;
	(erf) = vpow2.f32 v1  }
0x156: {  	v3 =	vmul.f32 $2.000000030e-01, v4  }
0x157: {  	s31 =	simm.s32 $0x5880;
	vm14 =	vge.f32 v4, $0.0e+00;
	v7 =	vmul.f32 $2.000000030e-01, v2  }
0x158: {  	s30 =	simm.s32 $0x4E80;
	v8 =	vld [tilespmem:s31+$0x10];
	vm1 =	vge.f32 v2, $0.0e+00;
	v3 =	vsel vm14, v4, v3  }
0x159: {  	v1 =	vld [tilespmem:s30+$0x10];
	v3 =	vmul.f32 $1.442695020e+00, v3;
	v2 =	vsel vm1, v2, v7  }
0x15a: {  	v4 =	vadd.f32 v5, v6;
	v2 =	vmul.f32 $1.442695020e+00, v2  }
0x15b: {  	s3 =	simm.s32 $0x6280;
	(erf) = vpow2.f32 v3  }
0x15c: {  	v3 =	vld [tilespmem:s3+$0x30];
	(erf) = vpow2.f32 v2;
	v2 =	vmul.f32 $2.000000030e-01, v4  }
0x15d: {  	vm15 =	vge.f32 v4, $0.0e+00  }
0x15e: {  	v9 =	vld [tilespmem:s30+$0xFFFFFFE0];
	v1 =	vadd.f32 v8, v1;
	v2 =	vsel vm15, v4, v2;
	v4 =	vpop (erf)  }
0x15f: {  	v5 =	vld [tilespmem:s31+$0xFFFFFFE0];
	v4 =	vperm.xlane v4, v0  }
0x160: {  	v6 =	vld [tilespmem:s30+$0xFFFFFFF0];
	v7 =	vmul.f32 $2.000000030e-01, v1  }
0x161: {  	v8 =	vld [tilespmem:s31+$0xFFFFFFF0];
	vm4 =	vge.f32 v1, $0.0e+00;
	v3 =	vmul.f32 v3, v4  }
0x162: {  	v2 =	vmul.f32 $1.442695020e+00, v2;
	v1 =	vsel vm4, v1, v7  }
0x163: {  	v1 =	vmul.f32 $1.442695020e+00, v1  }
0x164: {  	s0 =	simm.s32 $0x8080;
	v7 =	vld [tilespmem:s3+$0xFFFFFFA0];
	(erf) = vpow2.f32 v2  }
0x165: {  	s8 =	simm.s32 $0x4EC0;
	v12 =	vld [tilespmem:s3+$0x0];
	(erf) = vpow2.f32 v1;
	[tilespmem:s0+$0x30] =	vst v3;
	v3 =	vpop (erf)  }
0x166: {  	s7 =	simm.s32 $0x58C0;
	v16 =	vld [tilespmem:s8+$0xFFFFFFF0];
	v5 =	vadd.f32 v5, v9;
	v6 =	vadd.f32 v8, v6;
	v10 =	vpop (erf)  }
0x167: {  	v18 =	vld [tilespmem:s7+$0xFFFFFFF0];
	v9 =	vperm.xlane v10, v0  }
0x168: {  	v13 =	vmul.f32 $2.000000030e-01, v5;
	v2 =	vld [tilespmem:s30+$0x0];
	v11 =	vmul.f32 $2.000000030e-01, v6  }
0x169: {  	vm6 =	vge.f32 v5, $0.0e+00;
	v1 =	vld [tilespmem:s31+$0x0];
	vm5 =	vge.f32 v6, $0.0e+00;
	v7 =	vmul.f32 v7, v9  }
0x16a: {  	v5 =	vsel vm6, v5, v13;
	v13 =	vld [tilespmem:s8+$0x10];
	v6 =	vsel vm5, v6, v11  }
0x16b: {  	s1 =	simm.s32 $0x6340;
	v6 =	vmul.f32 $1.442695020e+00, v6;
	[tilespmem:s0+$0xFFFFFFA0] =	vst v7;
	v7 =	vld [tilespmem:s7+$0x10]  }
0x16c: {  	v5 =	vmul.f32 $1.442695020e+00, v5;
	v11 =	vld [tilespmem:s1+$0x30]  }
0x16d: {  	v19 =	vld [tilespmem:s8+$0x0];
	(erf) = vpow2.f32 v6;
	v14 =	vpop (erf)  }
0x16e: {  	v8 =	vld [tilespmem:s3+$0x40];
	v17 =	vadd.f32 v1, v2;
	(erf) = vpow2.f32 v5;
	v15 =	vpop (erf)  }
0x16f: {  	v10 =	vld [tilespmem:s3+$0xFFFFFFD0];
	v15 =	vperm.xlane v15, v0  }
0x170: {  	v1 =	vperm.xlane v3, v0;
	v5 =	vld [tilespmem:s7+$0xFFFFFFE0];
	v3 =	vmul.f32 $2.000000030e-01, v17;
	v7 =	vadd.f32 v7, v13  }
0x171: {  	vm7 =	vge.f32 v17, $0.0e+00;
	v6 =	vld [tilespmem:s3+$0xFFFFFFB0];
	v2 =	vmul.f32 v11, v15  }
0x172: {  	v3 =	vsel vm7, v17, v3;
	v11 =	vld [tilespmem:s7+$0x0];
	s7 =	simm.s32 $0x8140;
	v20 =	vmul.f32 $2.000000030e-01, v7  }
0x173: {  	v8 =	vmul.f32 v8, v4;
	v3 =	vmul.f32 $1.442695020e+00, v3;
	[tilespmem:s7+$0x30] =	vst v2;
	v13 =	vld [tilespmem:s8+$0xFFFFFFE0]  }
0x174: {  	v2 =	vperm.xlane v14, v0;
	v14 =	vld [tilespmem:s1+$0x40];
	vm8 =	vge.f32 v7, $0.0e+00  }
0x175: {  	s9 =	simm.s32 $0x5900;
	[tilespmem:s0+$0x40] =	vst v8;
	v8 =	vld [tilespmem:s1+$0xFFFFFFA0];
	v10 =	vmul.f32 v10, v1;
	v7 =	vsel vm8, v7, v20  }
0x176: {  	s12 =	simm.s32 $0x4F00;
	v22 =	vld [tilespmem:s9+$0xFFFFFFE0];
	(erf) = vpow2.f32 v3;
	v7 =	vmul.f32 $1.442695020e+00, v7;
	v20 =	vpop (erf)  }
0x177: {  	v23 =	vld [tilespmem:s12+$0x0];
	v12 =	vmul.f32 v12, v2;
	v6 =	vmul.f32 v6, v9;
	v11 =	vadd.f32 v11, v19;
	v3 =	vpop (erf)  }
0x178: {  	v16 =	vadd.f32 v18, v16;
	v18 =	vld [tilespmem:s1+$0xFFFFFFD0];
	[tilespmem:s0+$0xFFFFFFD0] =	vst v10;
	(erf) = vpow2.f32 v7;
	v3 =	vperm.xlane v3, v0  }
0x179: {  	v17 =	vld [tilespmem:s3+$0x50];
	[tilespmem:s0+$0x0] =	vst v12;
	v19 =	vmul.f32 $2.000000030e-01, v11;
	v5 =	vadd.f32 v5, v13;
	v13 =	vmul.f32 v14, v15  }
0x17a: {  	v10 =	vld [tilespmem:s1+$0x0];
	[tilespmem:s0+$0xFFFFFFB0] =	vst v6;
	v7 =	vmul.f32 $2.000000030e-01, v16;
	v8 =	vmul.f32 v8, v3  }
0x17b: {  	vm9 =	vge.f32 v16, $0.0e+00;
	v12 =	vld [tilespmem:s3+$0xFFFFFFE0];
	vm11 =	vge.f32 v11, $0.0e+00;
	v14 =	vmul.f32 $2.000000030e-01, v5;
	[tilespmem:s7+$0x40] =	vst v13  }
0x17c: {  	v6 =	vld [tilespmem:s3+$0x10];
	vm10 =	vge.f32 v5, $0.0e+00;
	v7 =	vsel vm9, v16, v7;
	[tilespmem:s7+$0xFFFFFFA0] =	vst v8;
	v8 =	vsel vm11, v11, v19  }
0x17d: {  	v13 =	vld [tilespmem:s1+$0x50];
	v5 =	vsel vm10, v5, v14;
	v7 =	vmul.f32 $1.442695020e+00, v7;
	v8 =	vmul.f32 $1.442695020e+00, v8  }
0x17e: {  	s8 =	simm.s32 $0x6400;
	v14 =	vld [tilespmem:s12+$0x10];
	v5 =	vmul.f32 $1.442695020e+00, v5  }
0x17f: {  	(erf) = vpow2.f32 v7;
	v7 =	vld [tilespmem:s8+$0x30]  }
0x180: {  	v17 =	vmul.f32 v17, v4;
	v16 =	vpop (erf);
	v19 =	vld [tilespmem:s9+$0x10];
	(erf) = vpow2.f32 v5  }
0x181: {  	v4 =	vperm.xlane v16, v0;
	v16 =	vld [tilespmem:s9+$0xFFFFFFF0];
	(erf) = vpow2.f32 v8;
	v8 =	vpop (erf)  }
0x182: {  	v5 =	vperm.xlane v20, v0;
	v20 =	vld [tilespmem:s12+$0xFFFFFFF0];
	v8 =	vperm.xlane v8, v0  }
0x183: {  	v21 =	vld [tilespmem:s3+$0xFFFFFFC0]  }
0x184: {  	v11 =	vld [tilespmem:s1+$0xFFFFFFB0];
	v7 =	vmul.f32 v7, v8  }
0x185: {  	s10 =	simm.s32 $0x8200;
	v24 =	vld [tilespmem:s9+$0x0];
	v12 =	vmul.f32 v12, v1;
	v14 =	vadd.f32 v19, v14  }
0x186: {  	v13 =	vmul.f32 v13, v15;
	v15 =	vld [tilespmem:s12+$0xFFFFFFE0];
	v18 =	vmul.f32 v18, v5;
	[tilespmem:s10+$0x30] =	vst v7  }
0x187: {  	[tilespmem:s0+$0x50] =	vst v17;
	v10 =	vmul.f32 v10, v4;
	v16 =	vadd.f32 v16, v20;
	v7 =	vmul.f32 $2.000000030e-01, v14;
	v25 =	vld [tilespmem:s8+$0x40]  }
0x188: {  	v21 =	vmul.f32 v21, v9;
	[tilespmem:s0+$0xFFFFFFE0] =	vst v12;
	v19 =	vmul.f32 v6, v2;
	v20 =	vld [tilespmem:s8+$0xFFFFFFD0];
	vm12 =	vge.f32 v14, $0.0e+00;
	v6 =	vpop (erf)  }
0x189: {  	v17 =	vld [tilespmem:s8+$0xFFFFFFA0];
	[tilespmem:s7+$0x0] =	vst v10;
	v11 =	vmul.f32 v11, v3;
	v12 =	vmul.f32 $2.000000030e-01, v16;
	v9 =	vpop (erf);
	v14 =	vsel vm12, v14, v7  }
0x18a: {  	v61 =	vld [tilespmem:s8+$0x0];
	[tilespmem:s7+$0xFFFFFFD0] =	vst v18;
	vm13 =	vge.f32 v16, $0.0e+00;
	v6 =	vperm.xlane v6, v0;
	v18 =	vpop (erf);
	v10 =	vmul.f32 $1.442695020e+00, v14  }
0x18b: {  	v62 =	vld [tilespmem:s1+$0xFFFFFFE0];
	v9 =	vperm.xlane v9, v0;
	v7 =	vperm.xlane v18, v0;
	v14 =	vadd.f32 v22, v15  }
0x18c: {  	[tilespmem:s7+$0xFFFFFFB0] =	vst v11;
	v11 =	vld [tilespmem:s1+$0x10];
	v18 =	vadd.f32 v24, v23;
	(erf) = vpow2.f32 v10;
	v10 =	vmul.f32 v25, v8  }
0x18d: {  	[tilespmem:s0+$0x10] =	vst v19;
	v16 =	vsel vm13, v16, v12;
	v12 =	vld [tilespmem:s1+$0xFFFFFFC0];
	v20 =	vmul.f32 v20, v6;
	v15 =	vmul.f32 $2.000000030e-01, v14  }
0x18e: {  	v63 =	vmul.f32 v17, v9;
	v19 =	vmul.f32 $2.000000030e-01, v18;
	vm15 =	vge.f32 v14, $0.0e+00;
	[tilespmem:s10+$0x40] =	vst v10;
	v10 =	vld [tilespmem:s3+$0xFFFFFFF0]  }
0x18f: {  	[tilespmem:s7+$0x50] =	vst v13;
	vm14 =	vge.f32 v18, $0.0e+00;
	v13 =	vsel vm15, v14, v15;
	v14 =	vmul.f32 $1.442695020e+00, v16;
	v15 =	vld [tilespmem:s8+$0x50]  }
0x190: {  	[tilespmem:s10+$0xFFFFFFA0] =	vst v63;
	v16 =	vsel vm14, v18, v19;
	v19 =	vmul.f32 v61, v7;
	v18 =	vmul.f32 $1.442695020e+00, v13;
	v13 =	vld [tilespmem:s3+$0x20]  }
0x191: {  	[tilespmem:s0+$0xFFFFFFC0] =	vst v21;
	s12 =	simm.s32 $0x64C0;
	v17 =	vmul.f32 $1.442695020e+00, v16;
	(erf) = vpow2.f32 v14;
	v14 =	vld [tilespmem:s8+$0xFFFFFFB0]  }
0x192: {  	s13 =	simm.s32 $0xC;
	s14 =	simm.s32 $0x4F40;
	[tilespmem:s10+$0xFFFFFFD0] =	vst v20;
	v16 =	vld [tilespmem:s12+$0x30];
	s3 =	simm.s32 $0x8200;
	(erf) = vpow2.f32 v18;
	v18 =	vmul.f32 v62, v5  }
.LBB2_8:
0x193: {  	v20 =	vld [tilespmem:s14+$0x10];
	s9 =	sadd.s32 $0x40, s9;
	(erf) = vpow2.f32 v17;
	[tilespmem:s10+$0x0] =	vst v19;
	v11 =	vmul.f32 v11, v4  }
0x194: {  	s13 =	sadd.s32 $0x4, s13;
	v12 =	vmul.f32 v12, v3;
	v3 =	vmov v9;
	v17 =	vld [tilespmem:s9+$0x10];
	v15 =	vmul.f32 v15, v8;
	[tilespmem:s7+$0xFFFFFFE0] =	vst v18  }
0x195: {  	v9 =	vmul.f32 v10, v1;
	v1 =	vmov v5;
	p0 =	slt.u32 s13, $0x4C;
	v18 =	vld [tilespmem:s9+$0xFFFFFFE0];
	v8 =	vpop (erf);
	[tilespmem:s7+$0x10] =	vst v11;
	v10 =	vmul.f32 v13, v2  }
0x196: {  	v5 =	vmovc v6;
	v2 =	vmov v4;
	v11 =	vld [tilespmem:s14+$0xFFFFFFF0];
	v8 =	vperm.xlane v8, v0;
	v13 =	vmul.f32 v14, v3;
	[tilespmem:s10+$0x50] =	vst v15  }
0x197: {  	v4 =	vmov v7;
	v14 =	vld [tilespmem:s9+$0xFFFFFFF0];
	[tilespmem:s7+$0xFFFFFFC0] =	vst v12  }
0x198: {  	v12 =	vld [tilespmem:s14+$0x0];
	v16 =	vmul.f32 v16, v8;
	[tilespmem:s10+$0xFFFFFFB0] =	vst v13  }
0x199: {  	s10 =	sadd.s32 $0xC0, s10;
	v13 =	vld [tilespmem:s9+$0x0];
	v7 =	vadd.f32 v17, v20;
	[tilespmem:s0+$0xFFFFFFF0] =	vst v9  }
0x19a: {  	v15 =	vld [tilespmem:s14+$0xFFFFFFE0];
	[tilespmem:s10+$0x30] =	vst v16;
	v6 =	vpop (erf)  }
0x19b: {  	v16 =	vmul.f32 $2.000000030e-01, v7;
	v6 =	vperm.xlane v6, v0;
	v17 =	vld [tilespmem:s12+$0x40];
	v9 =	vpop (erf);
	[tilespmem:s0+$0x20] =	vst v10;
	s0 =	smov.u32 s7;
	s7 =	smov.u32 s3;
	s3 =	smov.u32 s10  }
0x19c: {  	vm0 =	vge.f32 v7, $0.0e+00;
	v10 =	vadd.f32 v14, v11;
	v9 =	vperm.xlane v9, v0;
	v14 =	vld [tilespmem:s12+$0xFFFFFFA0];
	v11 =	vpop (erf)  }
0x19d: {  	v16 =	vsel vm0, v7, v16;
	v19 =	vld [tilespmem:s12+$0xFFFFFFD0];
	v7 =	vperm.xlane v11, v0  }
0x19e: {  	v20 =	vmul.f32 $2.000000030e-01, v10;
	v13 =	vadd.f32 v13, v12;
	v11 =	vmul.f32 $1.442695020e+00, v16;
	v16 =	vld [tilespmem:s12+$0x0]  }
0x19f: {  	vm0 =	vge.f32 v10, $0.0e+00;
	v15 =	vadd.f32 v18, v15;
	v18 =	vld [tilespmem:s8+$0xFFFFFFE0]  }
0x1a0: {  	vm1 =	vge.f32 v13, $0.0e+00;
	(erf) = vpow2.f32 v11;
	v17 =	vmul.f32 v17, v8;
	v11 =	vld [tilespmem:s8+$0x10]  }
0x1a1: {  	v22 =	vmul.f32 $2.000000030e-01, v13;
	vm2 =	vge.f32 v15, $0.0e+00;
	v21 =	vmul.f32 $2.000000030e-01, v15;
	v12 =	vld [tilespmem:s8+$0xFFFFFFC0]  }
.Ltmp3:
0x1a2: {  	v20 =	vsel vm0, v10, v20;
	v14 =	vmul.f32 v14, v9;
	v19 =	vmul.f32 v19, v6;
	[tilespmem:s10+$0x40] =	vst v17;
	v10 =	vld [tilespmem:s1+$0xFFFFFFF0];
	(pc) =	sbr.rel @p0 .LBB2_8-.Ltmp3, $4  }
0x1a3: {  	v20 =	vmul.f32 $1.442695020e+00, v20;
	v13 =	vsel vm1, v13, v22;
	v17 =	vsel vm2, v15, v21;
	v15 =	vld [tilespmem:s12+$0x50]  }
0x1a4: {  	v21 =	vmul.f32 $1.442695020e+00, v17;
	v17 =	vmul.f32 $1.442695020e+00, v13;
	[tilespmem:s10+$0xFFFFFFA0] =	vst v14;
	v13 =	vld [tilespmem:s1+$0x20];
	s1 =	smov.u32 s8;
	s8 =	smov.u32 s12  }
0x1a5: {  	s12 =	sadd.s32 $0xC0, s12;
	(erf) = vpow2.f32 v20;
	v14 =	vld [tilespmem:s8+$0xFFFFFFB0];
	[tilespmem:s10+$0xFFFFFFD0] =	vst v19;
	v19 =	vmul.f32 v16, v7  }
0x1a6: {  	s14 =	sadd.s32 $0x40, s14;
	v18 =	vmul.f32 v18, v5;
	v16 =	vld [tilespmem:s12+$0x30];
	(erf) = vpow2.f32 v21  }
0x1a7: {  	_ =	sdelay $0x1  }
0x1a8: {  	v20 =	vpop (erf);
	(erf) = vpow2.f32 v17;
	_ =	sdelay $0x3  }
0x1a9: {  	[tilespmem:s10+$0x0] =	vst v19;
	v11 =	vmul.f32 v11, v4;
	v53 =	vld [tilespmem:s8+$0xFFFFFFE0]  }
0x1aa: {  	v48 =	vld [tilespmem:s12+$0xFFFFFFD0];
	v3 =	vmul.f32 v12, v3;
	[tilespmem:s7+$0xFFFFFFE0] =	vst v18  }
0x1ab: {  	v44 =	vld [tilespmem:s12+$0xFFFFFFA0];
	v1 =	vmul.f32 v10, v1;
	[tilespmem:s7+$0x10] =	vst v11;
	v43 =	vperm.xlane v20, v0  }
0x1ac: {  	v49 =	vld [tilespmem:s12+$0x0];
	[tilespmem:s7+$0xFFFFFFC0] =	vst v3;
	v14 =	vmul.f32 v14, v9;
	v45 =	vpop (erf)  }
0x1ad: {  	[tilespmem:s0+$0xFFFFFFF0] =	vst v1;
	v16 =	vmul.f32 v16, v43;
	v46 =	vpop (erf);
	v51 =	vperm.xlane v45, v0  }
0x1ae: {  	s9 =	sadd.s32 $0xC0, s10;
	[tilespmem:s10+$0xFFFFFFB0] =	vst v14;
	v1 =	vmul.f32 v53, v6;
	v47 =	vperm.xlane v46, v0;
	v52 =	vpop (erf)  }
0x1af: {  	v54 =	vld [tilespmem:s8+$0x10];
	[tilespmem:s9+$0x30] =	vst v16;
	v3 =	vmul.f32 v48, v51;
	v12 =	vperm.xlane v52, v0  }
0x1b0: {  	[tilespmem:s3+$0xFFFFFFE0] =	vst v1;
	v1 =	vld [tilespmem:s1+$0x20];
	v50 =	vmul.f32 v44, v47  }
0x1b1: {  	v16 =	vld [tilespmem:s12+$0x40];
	[tilespmem:s9+$0xFFFFFFD0] =	vst v3;
	v14 =	vmul.f32 v49, v12  }
0x1b2: {  	v8 =	vmul.f32 v15, v8;
	[tilespmem:s9+$0xFFFFFFA0] =	vst v50;
	v3 =	vld [tilespmem:s12+$0xFFFFFFE0]  }
0x1b3: {  	v2 =	vmul.f32 v13, v2;
	v18 =	vld [tilespmem:s12+$0xFFFFFFB0];
	[tilespmem:s9+$0x0] =	vst v14  }
0x1b4: {  	[tilespmem:s10+$0x50] =	vst v8;
	v59 =	vmul.f32 v54, v7;
	v56 =	vld [tilespmem:s12+$0x10]  }
0x1b5: {  	[tilespmem:s0+$0x20] =	vst v2;
	v2 =	vld [tilespmem:s8+$0xFFFFFFC0];
	v1 =	vmul.f32 v1, v4  }
0x1b6: {  	[tilespmem:s3+$0x10] =	vst v59;
	v60 =	vld [tilespmem:s8+$0xFFFFFFF0];
	v16 =	vmul.f32 v16, v43  }
0x1b7: {  	v61 =	vld [tilespmem:s8+$0x20];
	[tilespmem:s7+$0x20] =	vst v1;
	v3 =	vmul.f32 v3, v51  }
0x1b8: {  	v58 =	vld [tilespmem:s1+$0xFFFFFFF0];
	[tilespmem:s9+$0x40] =	vst v16;
	v57 =	vmul.f32 v18, v47  }
0x1b9: {  	v55 =	vld [tilespmem:s12+$0x50];
	[tilespmem:s9+$0xFFFFFFE0] =	vst v3;
	v13 =	vmul.f32 v56, v12  }
0x1ba: {  	v2 =	vmul.f32 v2, v9;
	[tilespmem:s9+$0xFFFFFFB0] =	vst v57;
	v62 =	vld [tilespmem:s12+$0xFFFFFFF0]  }
0x1bb: {  	v1 =	vmul.f32 v60, v6;
	v14 =	vld [tilespmem:s12+$0xFFFFFFC0];
	[tilespmem:s9+$0x10] =	vst v13  }
0x1bc: {  	[tilespmem:s3+$0xFFFFFFC0] =	vst v2;
	v63 =	vmul.f32 v61, v7;
	v2 =	vld [tilespmem:s12+$0x20]  }
0x1bd: {  	[tilespmem:s3+$0xFFFFFFF0] =	vst v1;
	v3 =	vmul.f32 v58, v5  }
0x1be: {  	[tilespmem:s3+$0x20] =	vst v63;
	v10 =	vmul.f32 v55, v43  }
0x1bf: {  	[tilespmem:s7+$0xFFFFFFF0] =	vst v3;
	v1 =	vmul.f32 v62, v51  }
0x1c0: {  	[tilespmem:s9+$0x50] =	vst v10;
	v3 =	vmul.f32 v14, v47  }
0x1c1: {  	[tilespmem:s9+$0xFFFFFFF0] =	vst v1;
	v2 =	vmul.f32 v2, v12  }
0x1c2: {  	[tilespmem:s9+$0xFFFFFFC0] =	vst v3  }
0x1c3: {  	s14 =	simm.s32 $0x4DD0;
	[tilespmem:s9+$0x20] =	vst v2  }
0x1c4: {  	[spmem:s2] =	stream.indirect.scatter.add.f32 [tilespmem:s23], [sflag:$0x5], $0x30, s14, s15, $0xb8;
	[tilespmem:$0x11620] =	vst v63  }
0x1c5: {  	_ =	swait.ge [sflag:s11], $0xF00  }
0x1c6: {  	[sflag:s11] =	ssyncset.done $0x0  }
0x1c7: {  	[sflag:s11] =	ssyncadd.s32 $0xFFFFF100  }
0x1c8: {  	[bflag:$0x0] =	sbarrier.arrive $0xFFFF  }
0x1c9: {  	s8 =	rddreg [dreg:$0x8]  }
0x1ca: {  	s9 =	rddreg [dreg:$0x9]  }
0x1cb: {  	s24 =	rddreg [dreg:$0xa]  }
0x1cc: {  	[hbm:s24], [sflag:s8] =	dma.local [spmem:s9], $0xF00  }
0x1cd: {  	_ =	swait.ge [sflag:s11], $0xF00  }
0x1ce: {  	s30 =	rddreg [dreg:$0xb]  }
0x1cf: {  	s31 =	rddreg [dreg:$0x7];
	s1 =	sadd.s32 $0x1, s30  }
0x1d0: {  	p0 =	sne.s32 s1, s31  }
.Ltmp4:
0x1d1: {  	_ = 	snop;
	(pc) =	sbr.rel @p0 .LBB2_1-.Ltmp4, $3  }
0x1d2: {  	_ =	sdelay $0x1  }
0x1d3: {  	[sflag:s11] =	ssyncset.done $0x0  }
0x1d4: {  	[sflag:s11] =	ssyncadd.s32 $0xFFFFF100  }
0x1d5: {  	_ =	sfence.sel $0x180000  }
0x1d6: {  	[bflag:$0x0] =	sbarrier.arrive $0xFFFF  }
0x1d7: {  	_ =	strace $0x9000004A  }
0x1d8: {  	s0 =	stileid.u32;
	[bflag:$0x2] =	sbarrier.arrive $0xFFFF  }
0x1d9: {  	p0 =	sne.s32 s0, $0x0;
	s0 =	rddreg [dreg:$0x3]  }
0x1da: {  	s0 =	sadd.s32 @!p0 $0x100000, s0  }
0x1db: {  	[sflag:s0] =	ssyncadd.tile.s32 @!p0 $0x1;
	_ =	shalt  }
.Lfunc_end2:
_tile_overlayer_lowered:
.L_overlay_start_2:
0x1dc: {  	(tag) =	ssettag $0x2  }
0x1dd: {  	s0 =	rddreg [dreg:$0x0];
	s2 =	stileid.u32  }
0x1de: {  	s1 =	rddreg [dreg:$0x1];
	p0 =	sne.s32 s2, $0x0  }
0x1df: {  	s3 =	rddreg [dreg:$0x2];
	[bflag:$0x3] =	sbarrier.arrive $0xFFFF;
	s2 =	simm.s32 @!p0 $0x1C05  }
0x1e0: {  	[timem:s3], [sflag:s2] =	dma.local @!p0 [hbm:s0], s1  }
0x1e1: {  	s0 =	simm.s32 @!p0 $0x5  }
0x1e2: {  	_ =	swait.ge @!p0 [sflag:s0], s1  }
0x1e3: {  	s1 =	ssub.s32 @!p0 $0x0, s1;
	[sflag:s0] =	ssyncset.done @!p0 $0x0  }
0x1e4: {  	[sflag:s0] =	ssyncadd.s32 @!p0 s1  }
0x1e5: {  	[bflag:$0x3] =	sbarrier.arrive $0xFFFF  }
0x1e6: {  	_ =	shalt  }

// kernel: kernel.7.cloned.1.call-start
scs
__scs_entry_jumppad:
0x0: {  	(pc) =	sbr.rel $0x88, $3  }
0x1: {  	(tag) =	ssettag $0x0;
	lr =	simm.s32 $0x1  }
0x2: {  	[smem:$0x3F97] =	sst lr;
	_ =	strace $0xD0000000  }
0x3: {  	_ = 	snop  }
0x4: {  	_ = 	snop  }
0x5: {  	_ = 	snop  }
0x6: {  	_ = 	snop  }
0x7: {  	_ = 	snop  }
__scs_overlays_trampoline_lowered:
0x8: {  	[smem:$0x3FA6] =	sst s0  }
0x9: {  	[smem:$0x3FA7] =	sst s1  }
0xa: {  	[smem:$0x3FA8] =	sst s2  }
0xb: {  	[smem:$0x3FA9] =	sst s3  }
0xc: {  	[smem:$0x3FAA] =	sst s4  }
0xd: {  	[smem:$0x3FAB] =	sst s5  }
0xe: {  	[smem:$0x3FAC] =	sst s6  }
0xf: {  	[smem:$0x3FAD] =	sst s7  }
0x10: {  	[smem:$0x3FAE] =	sst s8  }
0x11: {  	[smem:$0x3FAF] =	sst s9;
	s0 =	simm.s32 @!p0 $0x0  }
0x12: {  	s1 =	sld [smem:$0x3F95];
	s0 =	simm.s32 @p0 $0x1  }
0x13: {  	[smem:$0x3FB0] =	sst s0;
	s0 =	simm.s32 @!p1 $0x0  }
0x14: {  	s2 =	sld [smem:$0x3F94];
	s0 =	simm.s32 @p1 $0x1  }
0x15: {  	[smem:$0x3FB1] =	sst s0;
	s0 =	simm.s32 @!p2 $0x0  }
0x16: {  	s3 =	sld [smem:$0x3FDB];
	s0 =	simm.s32 @p2 $0x1  }
0x17: {  	s4 =	simm.s32 $0x1BF5;
	[smem:$0x3FB3] =	sst s0  }
0x18: {  	s0 =	sld [smem:$0x3F96];
	_ =	swait.ge [sflag:s4], $0x0  }
0x19: {  	s7 =	sld [smem:$0x3F97]  }
0x1a: {  	s8 =	sadd.s32 $0xFFFFE003, lr  }
0x1b: {  	s9 =	sadd.s32 $0xFFFFFEF7, lr;
	s5 =	simm.s32 $0xFFFFFFFF;
	p2 =	slt.u32 s8, $0xFFFFF086  }
0x1c: {  	p1 =	slt.u32 s9, $0xF7A;
	s5 =	simm.s32 @!p2 $0x0  }
0x1d: {  	s5 =	simm.s32 @p1 $0x1;
	p0 =	seq.s32 s7, s2  }
0x1e: {  	s7 =	smul.u32 @!p0 $0xF7A, s2;
	p2 =	seq.s32 @!p0 s5, $0x0  }
0x1f: {  	s9 =	smul.u32 $0xF7A, s1;
	s8 =	simm.s32 @!p0 $0x1BF5;
	p2 =	por !p2, p0  }
0x20: {  	[sflag:s8] =	ssyncset.s32 @!p0 $0xFFFFF086;
	s6 =	sadd.s32 @!p0 s3, s7;
	s7 =	simm.s32 @!p0 $0x108  }
0x21: {  	s3 =	sadd.s32 s3, s9;
	s6 =	sadd.s32 @!p0 $0x88, s6;
	s7 =	simm.s32 @p2 $0x1082  }
0x22: {  	[simem:s7], [sflag:s8] =	dma.local @!p0 [hbm:s6], $0xF7A  }
0x23: {  	s9 =	sor.u32 $0xD0000000, s2;
	s6 =	simm.s32 $0x108;
	_ =	swait.ge @!p0 [sflag:s8], $0x0  }
0x24: {  	s3 =	sadd.s32 $0x88, s3;
	s6 =	simm.s32 @!p1 $0x1082;
	[sflag:s4] =	ssyncset.s32 $0xFFFFF086  }
0x25: {  	[simem:s6], [sflag:s4] =	dma.local [hbm:s3], $0xF7A  }
0x26: {  	[smem:$0x3F97] =	sst s1;
	(tag) =	ssettag s2;
	_ =	strace s9  }
0x27: {  	s1 =	sld [smem:$0x3FA7]  }
0x28: {  	s2 =	sld [smem:$0x3FA8]  }
0x29: {  	s4 =	sld [smem:$0x3FAA]  }
0x2a: {  	p0 =	seq.s32 s5, $0x0;
	s5 =	sld [smem:$0x3FAB]  }
0x2b: {  	s6 =	sld [smem:$0x3FAC]  }
0x2c: {  	s7 =	sld [smem:$0x3FAD]  }
0x2d: {  	s3 =	simm.s32 $0x108;
	s8 =	sld [smem:$0x3FAE]  }
0x2e: {  	s3 =	simm.s32 @!p0 $0x1082;
	s9 =	sld [smem:$0x3FAF]  }
0x2f: {  	lr =	sadd.s32 s0, s3;
	s0 =	sld [smem:$0x3FA6]  }
0x30: {  	s3 =	sld [smem:$0x3FA9]  }
0x31: {  	[smem:$0x3FB2] =	sst s10  }
0x32: {  	s10 =	sld [smem:$0x3FB0];
	_ =	sdelay $0x3  }
0x33: {  	p0 =	seq.s32 s10, $0x1;
	s10 =	sld [smem:$0x3FB2];
	_ =	sdelay $0x3  }
0x34: {  	[smem:$0x3FB2] =	sst s10  }
0x35: {  	s10 =	sld [smem:$0x3FB1];
	_ =	sdelay $0x3  }
0x36: {  	p1 =	seq.s32 s10, $0x1;
	s10 =	sld [smem:$0x3FB2];
	_ =	sdelay $0x3  }
0x37: {  	[smem:$0x3FB2] =	sst s10  }
0x38: {  	s10 =	sld [smem:$0x3FB3]  }
0x39: {  	_ = 	snop;
	(pc) =	sbr.ind lr, $3  }
0x3a: {  	_ = 	snop  }
0x3b: {  	_ = 	snop  }
0x3c: {  	p2 =	seq.s32 s10, $0x1;
	s10 =	sld [smem:$0x3FB2]  }
0x3d: {  	_ =	shalt  }
0x3e: {  	_ =	shalt  }
0x3f: {  	_ =	shalt  }
0x40: {  	_ =	shalt  }
0x41: {  	_ =	shalt  }
0x42: {  	_ =	shalt  }
0x43: {  	_ =	shalt  }
0x44: {  	_ =	shalt  }
0x45: {  	_ =	shalt  }
0x46: {  	_ =	shalt  }
0x47: {  	_ =	shalt  }
0x48: {  	_ =	shalt  }
0x49: {  	_ =	shalt  }
0x4a: {  	_ =	shalt  }
0x4b: {  	_ =	shalt  }
0x4c: {  	_ =	shalt  }
0x4d: {  	_ =	shalt  }
0x4e: {  	_ =	shalt  }
0x4f: {  	_ =	shalt  }
0x50: {  	_ =	shalt  }
0x51: {  	_ =	shalt  }
0x52: {  	_ =	shalt  }
0x53: {  	_ =	shalt  }
0x54: {  	_ =	shalt  }
0x55: {  	_ =	shalt  }
0x56: {  	_ =	shalt  }
0x57: {  	_ =	shalt  }
0x58: {  	_ =	shalt  }
0x59: {  	_ =	shalt  }
0x5a: {  	_ =	shalt  }
0x5b: {  	_ =	shalt  }
0x5c: {  	_ =	shalt  }
0x5d: {  	_ =	shalt  }
0x5e: {  	_ =	shalt  }
0x5f: {  	_ =	shalt  }
0x60: {  	_ =	shalt  }
0x61: {  	_ =	shalt  }
0x62: {  	_ =	shalt  }
0x63: {  	_ =	shalt  }
0x64: {  	_ =	shalt  }
0x65: {  	_ =	shalt  }
0x66: {  	_ =	shalt  }
0x67: {  	_ =	shalt  }
0x68: {  	_ =	shalt  }
0x69: {  	_ =	shalt  }
0x6a: {  	_ =	shalt  }
0x6b: {  	_ =	shalt  }
0x6c: {  	_ =	shalt  }
0x6d: {  	_ =	shalt  }
0x6e: {  	_ =	shalt  }
0x6f: {  	_ =	shalt  }
0x70: {  	_ =	shalt  }
0x71: {  	_ =	shalt  }
0x72: {  	_ =	shalt  }
0x73: {  	_ =	shalt  }
0x74: {  	_ =	shalt  }
0x75: {  	_ =	shalt  }
0x76: {  	_ =	shalt  }
0x77: {  	_ =	shalt  }
0x78: {  	_ =	shalt  }
0x79: {  	_ =	shalt  }
0x7a: {  	_ =	shalt  }
0x7b: {  	_ =	shalt  }
0x7c: {  	_ =	shalt  }
0x7d: {  	_ =	shalt  }
0x7e: {  	_ =	shalt  }
0x7f: {  	_ =	shalt  }
0x80: {  	_ =	shalt  }
0x81: {  	_ =	shalt  }
0x82: {  	_ =	shalt  }
0x83: {  	_ =	shalt  }
0x84: {  	_ =	shalt  }
0x85: {  	_ =	shalt  }
0x86: {  	_ =	shalt  }
0x87: {  	_ =	shalt  }
.Lfunc_end0:
.L_simem_size_0:
called_computation_lowered:
.L_overlay_start_0:
0x88: {  	s2 =	sld [smem:$0x3FD9]  }
0x89: {  	s3 =	sld [smem:$0x3FFE];
	_ =	sdelay $0x1  }
0x8a: {  	s1 =	srdreg.scid  }
0x8b: {  	s0 =	sand.u32 $0x1, s1  }
0x8c: {  	s17 =	sshll.u32 s0, $0xA;
	s2 =	sadd.s32 s3, s2  }
0x8d: {  	s2 =	sadd.s32 s2, s17  }
0x8e: {  	[smem:$0x3FBE] =	sst s2  }
0x8f: {  	_ = 	snop  }
0x90: {  	s2 =	sld [smem:$0x3FD0];
	(tm) =	ssettm $0x1  }
0x91: {  	s18 =	sld [smem:$0x3FFB];
	_ =	sdelay $0x3  }
0x92: {  	_ =	strace s18  }
0x93: {  	s3 =	sld [smem:$0x3FFC];
	_ =	sdelay $0x3  }
0x94: {  	_ =	strace s3  }
0x95: {  	s3 =	sld [smem:$0x3FFD];
	_ =	sdelay $0x3  }
0x96: {  	_ =	strace s3  }
0x97: {  	_ =	strace $0x8FFFFFFF  }
0x98: {  	s19 =	sld [smem:$0x3FDB];
	_ =	sdelay $0x1  }
0x99: {  	s4 =	simm.s32 $_scs_section_size  }
0x9a: {  	s5 =	simm.s32 $_size__tile_overlayer_lowered;
	s6 =	simm.s32 $_tile_overlayer_lowered  }
0x9b: {  	s22 =	simm.s32 $0x1BFF;
	s21 =	sshll.u32 s6, $0x1;
	s3 =	sadd.s32 s4, s19  }
0x9c: {  	s7 =	simm.s32 $0x0;
	s20 =	sshll.u32 s5, $0x1;
	s5 =	sadd.s32 s21, s3  }
0x9d: {  	[timem:s7], [sflag:s22] =	dma.local [hbm:s5], s20  }
0x9e: {  	_ =	swait.ge [sflag:s22], s20  }
0x9f: {  	s4 =	ssub.s32 $0x0, s20;
	[sflag:s22] =	ssyncset.done $0x0  }
0xa0: {  	[sflag:s22] =	ssyncadd.s32 s4;
	_ =	sdelay $0x1  }
0xa1: {  	s23 =	simm.s32 $0x1B8B  }
0xa2: {  	_ =	swait.ge [sflag:s23], $0x1  }
0xa3: {  	[sflag:s23] =	ssyncset.done $0x0  }
0xa4: {  	s25 =	simm.s32 $0x1B8E;
	s24 =	sld [smem:$0x3FFE];
	[sflag:s23] =	ssyncadd.s32 $0xFFFFFFFF  }
0xa5: {  	s26 =	simm.s32 $execute0_lowered;
	[smem:$0x3FD2] =	sst s25  }
0xa6: {  	s5 =	sshll.u32 s26, $0x1;
	_ =	strace $0x80000046;
	[dreg:$0x1] =	wrdreg $0xFFFFFFFF  }
0xa7: {  	s28 =	simm.s32 $_size_execute0_lowered;
	s3 =	sadd.s32 s3, s5;
	[dreg:$0x0] =	wrdreg $0x0  }
0xa8: {  	s5 =	sshll.u32 s28, $0x1;
	[dreg:$0x2] =	wrdreg s3  }
0xa9: {  	[dreg:$0x3] =	wrdreg s5  }
0xaa: {  	[dreg:$0x4] =	wrdreg $0xC0  }
0xab: {  	_ =	task [dreg:s7], $0x5FFFF  }
0xac: {  	[dreg:$0x1] =	wrdreg $0xFFFFFFFF  }
0xad: {  	[dreg:$0x0] =	wrdreg $0x60  }
0xae: {  	[dreg:$0x2] =	wrdreg s24  }
0xaf: {  	[dreg:$0x3] =	wrdreg s2  }
0xb0: {  	[dreg:$0x4] =	wrdreg $0xBC200  }
0xb1: {  	[dreg:$0x5] =	wrdreg $0x9  }
0xb2: {  	_ =	task.clear_ibuf [dreg:s7], $0x6FFFF;
	_ =	strace $0x90000046  }
0xb3: {  	s29 =	simm.s32 $0x9;
	_ =	strace $0x80000048  }
0xb4: {  	_ =	swait.ge [sflag:s29], $0x1  }
0xb5: {  	[sflag:s29] =	ssyncadd.s32 $0xFFFFFFFF  }
0xb6: {  	_ =	strace $0x90000048  }
0xb7: {  	_ =	sfence  }
0xb8: {  	s30 =	sld [smem:$0x0];
	_ =	sdelay $0x2  }
0xb9: {  	s31 =	sshll.u32 s1, $0xD;
	s1 =	sshrl.u32 s1, $0x2  }
0xba: {  	s3 =	sand.u32 $0x4000, s31;
	s1 =	sadd.s32 s1, s30  }
0xbb: {  	s0 =	sor.u32 s3, s0;
	s1 =	sshll.u32 s1, $0x11  }
0xbc: {  	s0 =	sor.u32 s1, s0  }
0xbd: {  	s0 =	sadd.s32 $0x8F2B, s0  }
0xbe: {  	[sflag:s0] =	ssyncadd.remote.s32 $0x1  }
0xbf: {  	_ =	sfence.sel $0xFFFF  }
0xc0: {  	[dreg:$0x0] =	wrdreg $0xFFFFFFFF;
	(pc) =	sbr.abs _section_cstart, $3  }
0xc1: {  	[dreg:$0x1] =	wrdreg $0xFFFFFFFF  }
0xc2: {  	_ =	task.clear_ibuf [dreg:s7], $0x2FFFF;
	_ =	strace $0x9FFFFFFF  }
0xc3: {  	(tm) =	ssettm $0x7FFFFFFF  }
tec
execute0_lowered:
.L_overlay_start_1:
0x0: {  	(tag) =	ssettag $0x1  }
0x1: {  	s0 =	srdreg.scid;
	s1 =	rddreg [dreg:$0x0]  }
0x2: {  	s3 =	rddreg [dreg:$0x1];
	s12 =	stileid.u32  }
0x3: {  	s2 =	rddreg [dreg:$0x2];
	s5 =	simm.s32 $0x0;
	s15 =	simm.s32 $0x50  }
0x4: {  	s16 =	simm.s32 $0x4E20;
	s17 =	simm.s32 $0x5820;
	s18 =	simm.s32 $0x6220  }
0x5: {  	s19 =	simm.s32 $0x1;
	s20 =	simm.s32 $0x5320;
	s21 =	simm.s32 $0x5D20  }
0x6: {  	s22 =	simm.s32 $0x7620;
	s23 =	simm.s32 $0x8A20;
	s28 =	simm.s32 $0x3  }
0x7: {  	s29 =	simm.s32 $0x4;
	s0 =	sand.u32 $0x1, s0;
	[smem:$0x7FF] =	sst s5  }
0x8: {  	s5 =	sadd.s32 $0x14C00, s1;
	s6 =	sadd.s32 $0x1200, s1;
	s11 =	smul.u32 $0xC800, s12  }
0x9: {  	s13 =	sadd.s32 $0x28A00, s1;
	s30 =	sshll.u32 s12, $0x6;
	s4 =	sshll.u32 s0, $0x4  }
0xa: {  	_ =	strace $0x80000047;
	s9 =	smul.u32 $0x19000, s0;
	s0 =	ssub.s32 $0x2, s0  }
0xb: {  	[dreg:$0x4] =	wrdreg s13;
	s4 =	sor.u32 s12, s4;
	s10 =	sshrl.u32 s0, $0x1  }
0xc: {  	s25 =	sadd.s32 s11, s2;
	s7 =	smul.u32 $0x4E2, s4;
	s0 =	ssub.s32 s0, s10  }
0xd: {  	s26 =	sshrl.u32 s11, $0x3;
	s4 =	sadd.s32 $0x19C00, s1;
	s0 =	smax.u32 s0, $0x1  }
0xe: {  	s8 =	sadd.s32 s7, s1;
	s3 =	sadd.s32 s3, s7;
	[dreg:$0x7] =	wrdreg s0  }
0xf: {  	s1 =	sadd.s32 s9, s1;
	s9 =	sshrl.u32 s25, $0x3;
	[dreg:$0x6] =	wrdreg s3  }
0x10: {  	s8 =	sadd.s32 $0x1EC00, s8;
	s1 =	sadd.s32 $0x2A400, s1;
	[dreg:$0x9] =	wrdreg s9  }
0x11: {  	v0 =	vlaneseq.u32;
	s11 =	simm.s32 $0x5;
	[dreg:$0x5] =	wrdreg s8;
	s31 =	sadd.s32 s26, s1  }
0x12: {  	vm0 =	vmmov $0xff;
	v0 =	vshrl.u32 v0, $0x3;
	s25 =	simm.s32 $0x2;
	s8 =	sor.u32 $0x1C05, s30;
	[dreg:$0xa] =	wrdreg s31  }
0x13: {  	v1 =	vor.u32 $0x2, v0;
	v2 =	vor.u32 $0x4, v0;
	v3 =	vor.u32 $0x6, v0;
	s26 =	simm.s32 $0xA320;
	s1 =	simm.s32 $0x0;
	[dreg:$0x8] =	wrdreg s8  }
.LBB2_1:
0x14: {  	[dreg:$0xb] =	wrdreg s1  }
0x15: {  	s0 =	simm.s32 $0x0;
	s24 =	rddreg [dreg:$0x5]  }
0x16: {  	[tilespmem:s0], [sflag:$0x5] =	stream.linear.gather [hbm4b:s24+s0], $0x2710, $0x38;
	[tilespmem:$0x18420] =	vst v63  }
0x17: {  	_ =	swait.ge [sflag:s11], $0x2710  }
0x18: {  	[sflag:s11] =	ssyncset.done $0x0  }
0x19: {  	s3 =	simm.s32 $0x2710;
	s30 =	rddreg [dreg:$0x6];
	[sflag:s11] =	ssyncadd.s32 $0xFFFFD8F0  }
0x1a: {  	[tilespmem:s3], [sflag:$0x5] =	stream.linear.gather [hbm4b:s30+s0], $0x2710, $0x38;
	[tilespmem:$0x18420] =	vst v63  }
0x1b: {  	_ =	swait.ge [sflag:s11], $0x2710  }
0x1c: {  	[sflag:s11] =	ssyncset.done $0x0  }
0x1d: {  	s31 =	rddreg [dreg:$0x4];
	[sflag:s11] =	ssyncadd.s32 $0xFFFFD8F0  }
0x1e: {  	[spmem:s9], [sflag:s8] =	dma.local [hbm:s31], $0x1900  }
0x1f: {  	_ =	swait.ge [sflag:s11], $0x1900  }
0x20: {  	[sflag:s11] =	ssyncset.done $0x0  }
0x21: {  	[sflag:s11] =	ssyncadd.s32 $0xFFFFE700  }
0x22: {  	[bflag:$0x0] =	sbarrier.arrive $0xFFFF  }
0x23: {  	[tilespmem:s16], [sflag:$0x1] =	stream.indirect.gather [hbm4b:s4+s15], $0x10, s0, s15, $0xb8;
	[tilespmem:$0x18420] =	vst v63  }
0x24: {  	_ = 	snop  }
0x25: {  	[tilespmem:s17], [sflag:$0x1] =	stream.indirect.gather [hbm4b:s5+s15], $0x10, s3, s15, $0xb8;
	[tilespmem:$0x18420] =	vst v63  }
0x26: {  	s1 =	simm.s32 $0x0  }
0x27: {  	[tilespmem:s18], [sflag:$0x1] =	stream.indirect.gather [hbm4b:s6+s15], $0x40, s0, s15, $0xb8;
	[tilespmem:$0x18420] =	vst v63  }
.LBB2_2:
0x28: {  	_ =	swait.ge [sflag:s19], $0x500  }
0x29: {  	[sflag:s19] =	ssyncset.done $0x0  }
0x2a: {  	[sflag:s19] =	ssyncadd.s32 $0xFFFFFB00  }
0x2b: {  	_ =	swait.ge [sflag:s19], $0x500  }
0x2c: {  	[sflag:s19] =	ssyncset.done $0x0  }
0x2d: {  	[sflag:s19] =	ssyncadd.s32 $0xFFFFFB00  }
0x2e: {  	s30 =	smul.u32 $0xA0, s1;
	_ =	swait.ge [sflag:s19], $0x1400  }
0x2f: {  	[sflag:s19] =	ssyncset.done $0x0  }
0x30: {  	s3 =	sadd.s32 $0x50, s30;
	[sflag:s19] =	ssyncadd.s32 $0xFFFFEC00  }
0x31: {  	[tilespmem:s20], [sflag:$0x2] =	stream.indirect.gather [hbm4b:s4+s15], $0x10, s3, s15, $0xb8;
	[tilespmem:$0x18420] =	vst v63  }
0x32: {  	s0 =	sadd.s32 $0x2760, s30  }
0x33: {  	[tilespmem:s21], [sflag:$0x2] =	stream.indirect.gather [hbm4b:s5+s15], $0x10, s0, s15, $0xb8;
	[tilespmem:$0x18420] =	vst v63  }
0x34: {  	s12 =	simm.s32 $0x4E40  }
0x35: {  	[tilespmem:s22], [sflag:$0x2] =	stream.indirect.gather [hbm4b:s6+s15], $0x40, s3, s15, $0xb8;
	[tilespmem:$0x18420] =	vst v63  }
0x36: {  	s7 =	simm.s32 $0x5840;
	v4 =	vld [tilespmem:s12+$0x10]  }
0x37: {  	v5 =	vld [tilespmem:s7+$0x10];
	_ =	sdelay $0x3  }
0x38: {  	v6 =	vld [tilespmem:s7+$0xFFFFFFE0]  }
0x39: {  	v7 =	vld [tilespmem:s7+$0xFFFFFFF0];
	v4 =	vadd.f32 v5, v4  }
0x3a: {  	v9 =	vld [tilespmem:s12+$0x0]  }
0x3b: {  	v5 =	vld [tilespmem:s12+$0xFFFFFFF0];
	v8 =	vmul.f32 $2.000000030e-01, v4  }
0x3c: {  	v10 =	vld [tilespmem:s7+$0x0];
	vm1 =	vge.f32 v4, $0.0e+00  }
0x3d: {  	v4 =	vsel vm1, v4, v8;
	v8 =	vld [tilespmem:s12+$0xFFFFFFE0]  }
0x3e: {  	v4 =	vmul.f32 $1.442695020e+00, v4;
	_ =	sdelay $0x1  }
0x3f: {  	(erf) = vpow2.f32 v4;
	v4 =	vadd.f32 v7, v5  }
0x40: {  	v5 =	vadd.f32 v10, v9  }
0x41: {  	v7 =	vmul.f32 $2.000000030e-01, v4;
	v6 =	vadd.f32 v6, v8  }
0x42: {  	vm1 =	vge.f32 v4, $0.0e+00;
	v8 =	vmul.f32 $2.000000030e-01, v5  }
0x43: {  	v4 =	vsel vm1, v4, v7;
	vm1 =	vge.f32 v5, $0.0e+00;
	v7 =	vmul.f32 $2.000000030e-01, v6  }
0x44: {  	vm2 =	vge.f32 v6, $0.0e+00;
	v4 =	vmul.f32 $1.442695020e+00, v4;
	v5 =	vsel vm1, v5, v8  }
0x45: {  	v6 =	vsel vm2, v6, v7;
	v5 =	vmul.f32 $1.442695020e+00, v5  }
0x46: {  	s13 =	simm.s32 $0x4E80;
	v6 =	vmul.f32 $1.442695020e+00, v6;
	(erf) = vpow2.f32 v4  }
0x47: {  	s14 =	simm.s32 $0x5880;
	v4 =	vld [tilespmem:s13+$0x10];
	(erf) = vpow2.f32 v5  }
0x48: {  	v7 =	vpop (erf);
	(erf) = vpow2.f32 v6;
	v6 =	vld [tilespmem:s14+$0x10]  }
0x49: {  	v11 =	vld [tilespmem:s14+$0xFFFFFFF0];
	s12 =	simm.s32 $0x8AC0;
	v5 =	vnsel vm0, $0x0, v7  }
0x4a: {  	s9 =	simm.s32 $0x62A0;
	v12 =	vld [tilespmem:s13+$0x0];
	[tilespmem:s12+$0x90] =	vst v5  }
0x4b: {  	v5 =	vld [tilespmem:s9+$0x40]  }
0x4c: {  	v9 =	vld [tilespmem:s13+$0xFFFFFFF0];
	v10 =	vperm.xlane v7, v0  }
0x4d: {  	v13 =	vld [tilespmem:s14+$0x0];
	v4 =	vadd.f32 v6, v4  }
0x4e: {  	v16 =	vld [tilespmem:s13+$0xFFFFFFE0]  }
0x4f: {  	v8 =	vld [tilespmem:s14+$0xFFFFFFE0];
	v6 =	vpop (erf);
	v14 =	vmul.f32 $2.000000030e-01, v4  }
0x50: {  	vm1 =	vge.f32 v4, $0.0e+00;
	v5 =	vmul.f32 v5, v10;
	v10 =	vpop (erf);
	v17 =	vnsel vm0, $0x0, v6  }
0x51: {  	v9 =	vadd.f32 v11, v9;
	v15 =	vpop (erf);
	v4 =	vsel vm1, v4, v14;
	[tilespmem:s12+$0xFFFFFFF0] =	vst v17  }
0x52: {  	[tilespmem:s12+$0x50] =	vst v5;
	v5 =	vnsel vm0, $0x0, v15;
	v4 =	vmul.f32 $1.442695020e+00, v4;
	v11 =	vld [tilespmem:s9+$0xFFFFFFC0]  }
0x53: {  	v12 =	vadd.f32 v13, v12;
	v19 =	vmul.f32 $2.000000030e-01, v9;
	v14 =	vld [tilespmem:s9+$0x50];
	[tilespmem:s12+$0xFFFFFFA0] =	vst v5  }
0x54: {  	v8 =	vadd.f32 v8, v16;
	v17 =	vnsel vm0, $0x0, v10;
	v18 =	vld [tilespmem:s9+$0xFFFFFF80];
	(erf) = vpow2.f32 v4  }
0x55: {  	v16 =	vmul.f32 $2.000000030e-01, v12;
	[tilespmem:s12+$0x40] =	vst v17;
	v5 =	vperm.xlane v6, v0  }
0x56: {  	vm2 =	vge.f32 v8, $0.0e+00;
	v21 =	vperm.xlane v6, v2;
	v13 =	vld [tilespmem:s9+$0x0];
	v4 =	vperm.xlane v7, v1  }
0x57: {  	vm1 =	vge.f32 v9, $0.0e+00;
	v17 =	vperm.xlane v15, v0;
	v5 =	vmul.f32 v11, v5  }
0x58: {  	s10 =	simm.s32 $0x58C0;
	v9 =	vsel vm1, v9, v19;
	v19 =	vmul.f32 $2.000000030e-01, v8;
	v4 =	vmul.f32 v14, v4  }
0x59: {  	v24 =	vld [tilespmem:s10+$0xFFFFFFF0];
	vm1 =	vge.f32 v12, $0.0e+00;
	v14 =	vperm.xlane v10, v0;
	v17 =	vmul.f32 v18, v17;
	[tilespmem:s12+$0xFFFFFFB0] =	vst v5  }
0x5a: {  	v23 =	vperm.xlane v10, v2;
	v11 =	vsel vm1, v12, v16;
	[tilespmem:s12+$0x60] =	vst v4;
	v4 =	vmul.f32 $1.442695020e+00, v9;
	v16 =	vld [tilespmem:s9+$0xFFFFFFD0]  }
0x5b: {  	v8 =	vsel vm2, v8, v19;
	v11 =	vmul.f32 $1.442695020e+00, v11;
	v12 =	vmul.f32 v13, v14;
	v9 =	vld [tilespmem:s9+$0x60];
	[tilespmem:s12+$0xFFFFFF60] =	vst v17  }
0x5c: {  	v8 =	vmul.f32 $1.442695020e+00, v8;
	v14 =	vld [tilespmem:s9+$0xFFFFFF90];
	(erf) = vpow2.f32 v4  }
0x5d: {  	s24 =	simm.s32 $0x4EC0;
	v20 =	vperm.xlane v15, v2;
	[tilespmem:s12+$0x0] =	vst v12;
	v12 =	vld [tilespmem:s10+$0x10];
	(erf) = vpow2.f32 v11;
	v13 =	vpop (erf)  }
0x5e: {  	s7 =	simm.s32 $0x8C00;
	v4 =	vperm.xlane v7, v2;
	(erf) = vpow2.f32 v8;
	v8 =	vld [tilespmem:s24+$0x10];
	v5 =	vnsel vm0, $0x0, v13  }
0x5f: {  	s8 =	simm.s32 $0x63A0;
	v18 =	vperm.xlane v10, v1;
	v17 =	vperm.xlane v6, v1;
	v11 =	vld [tilespmem:s9+$0x10];
	[tilespmem:s7+$0x90] =	vst v5  }
0x60: {  	v4 =	vmul.f32 v9, v4;
	v9 =	vperm.xlane v15, v1;
	v19 =	vld [tilespmem:s8+$0x40]  }
0x61: {  	v29 =	vld [tilespmem:s24+$0xFFFFFFE0];
	v7 =	vperm.xlane v7, v3;
	v5 =	vperm.xlane v6, v3  }
0x62: {  	v16 =	vmul.f32 v16, v17;
	v9 =	vmul.f32 v14, v9;
	v14 =	vld [tilespmem:s24+$0xFFFFFFF0]  }
0x63: {  	v17 =	vperm.xlane v13, v0;
	[tilespmem:s12+$0x70] =	vst v4;
	v4 =	vperm.xlane v15, v3;
	v15 =	vld [tilespmem:s10+$0xFFFFFFE0];
	v8 =	vadd.f32 v12, v8  }
0x64: {  	v6 =	vperm.xlane v10, v3;
	v11 =	vmul.f32 v11, v18;
	v22 =	vld [tilespmem:s9+$0x70]  }
0x65: {  	v18 =	vld [tilespmem:s24+$0x0];
	v10 =	vpop (erf);
	v17 =	vmul.f32 v19, v17;
	v30 =	vmul.f32 $2.000000030e-01, v8;
	vm1 =	vge.f32 v8, $0.0e+00  }
0x66: {  	s13 =	simm.s32 $0x4F00;
	[tilespmem:s12+$0xFFFFFFC0] =	vst v16;
	v19 =	vld [tilespmem:s10+$0x0];
	v12 =	vperm.xlane v10, v0;
	v25 =	vpop (erf);
	v26 =	vnsel vm0, $0x0, v10;
	v33 =	vperm.xlane v10, v2  }
0x67: {  	v39 =	vld [tilespmem:s13+$0xFFFFFFE0];
	[tilespmem:s12+$0xFFFFFF70] =	vst v9;
	v27 =	vperm.xlane v25, v0;
	v28 =	vpop (erf);
	v14 =	vadd.f32 v24, v14;
	v8 =	vsel vm1, v8, v30  }
0x68: {  	v16 =	vld [tilespmem:s9+$0xFFFFFFA0];
	[tilespmem:s7+$0x50] =	vst v17;
	v34 =	vperm.xlane v25, v2;
	v31 =	vnsel vm0, $0x0, v28;
	v17 =	vperm.xlane v28, v0  }
0x69: {  	v30 =	vnsel vm0, $0x0, v25;
	v24 =	vld [tilespmem:s8+$0x50];
	v22 =	vmul.f32 v22, v7;
	v7 =	vmul.f32 $1.442695020e+00, v8;
	[tilespmem:s7+$0xFFFFFFA0] =	vst v31  }
0x6a: {  	[tilespmem:s7+$0xFFFFFFF0] =	vst v26;
	v15 =	vadd.f32 v15, v29;
	v29 =	vperm.xlane v28, v1;
	v26 =	vmul.f32 $2.000000030e-01, v14;
	v8 =	vld [tilespmem:s8+$0xFFFFFF80]  }
0x6b: {  	[tilespmem:s7+$0x40] =	vst v30;
	vm1 =	vge.f32 v14, $0.0e+00;
	v18 =	vadd.f32 v19, v18;
	v19 =	vld [tilespmem:s8+$0xFFFFFFC0];
	(erf) = vpow2.f32 v7  }
0x6c: {  	s24 =	simm.s32 $0x5900;
	v30 =	vld [tilespmem:s8+$0x0];
	v9 =	vmul.f32 $2.000000030e-01, v15;
	v7 =	vperm.xlane v13, v1;
	v14 =	vsel vm1, v14, v26  }
0x6d: {  	v20 =	vmul.f32 v16, v20;
	v16 =	vld [tilespmem:s24+$0x10];
	v14 =	vmul.f32 $1.442695020e+00, v14  }
0x6e: {  	vm2 =	vge.f32 v15, $0.0e+00;
	[tilespmem:s12+$0x80] =	vst v22;
	v22 =	vld [tilespmem:s24+$0xFFFFFFE0];
	v26 =	vmul.f32 $2.000000030e-01, v18;
	v7 =	vmul.f32 v24, v7  }
0x6f: {  	[tilespmem:s12+$0x10] =	vst v11;
	v9 =	vsel vm2, v15, v9;
	vm1 =	vge.f32 v18, $0.0e+00;
	v24 =	vld [tilespmem:s9+$0xFFFFFFE0];
	(erf) = vpow2.f32 v14  }
0x70: {  	v18 =	vsel vm1, v18, v26;
	v8 =	vmul.f32 v8, v17;
	[tilespmem:s7+$0x60] =	vst v7;
	v7 =	vmul.f32 v19, v12;
	v12 =	vld [tilespmem:s9+$0x20]  }
0x71: {  	v9 =	vmul.f32 $1.442695020e+00, v9;
	v15 =	vmul.f32 $1.442695020e+00, v18;
	v11 =	vld [tilespmem:s8+$0x60]  }
0x72: {  	v17 =	vperm.xlane v10, v1;
	[tilespmem:s7+$0xFFFFFF60] =	vst v8;
	v8 =	vmul.f32 v30, v27;
	v27 =	vld [tilespmem:s13+$0x10]  }
0x73: {  	v18 =	vperm.xlane v25, v1;
	(erf) = vpow2.f32 v15;
	[tilespmem:s7+$0xFFFFFFB0] =	vst v7;
	v15 =	vld [tilespmem:s8+$0xFFFFFF90]  }
0x74: {  	v22 =	vadd.f32 v22, v39;
	(erf) = vpow2.f32 v9;
	v7 =	vld [tilespmem:s8+$0xFFFFFFD0];
	[tilespmem:s7+$0x0] =	vst v8;
	v8 =	vperm.xlane v13, v2;
	v14 =	vpop (erf)  }
0x75: {  	s10 =	simm.s32 $0x8D40;
	[tilespmem:s12+$0xFFFFFF80] =	vst v20;
	v19 =	vperm.xlane v28, v2;
	v10 =	vperm.xlane v10, v3;
	v26 =	vld [tilespmem:s8+$0x10];
	v9 =	vnsel vm0, $0x0, v14  }
0x76: {  	s3 =	simm.s32 $0x64A0;
	v35 =	vld [tilespmem:s24+$0x0];
	v20 =	vmul.f32 $2.000000030e-01, v22;
	v8 =	vmul.f32 v11, v8;
	[tilespmem:s10+$0x90] =	vst v9  }
0x77: {  	v21 =	vmul.f32 v24, v21;
	v24 =	vmul.f32 v12, v23;
	v23 =	vld [tilespmem:s3+$0x40]  }
0x78: {  	v30 =	vld [tilespmem:s13+$0xFFFFFFF0];
	[tilespmem:s7+$0x70] =	vst v8;
	v8 =	vperm.xlane v28, v3;
	v15 =	vmul.f32 v15, v29  }
0x79: {  	v16 =	vadd.f32 v16, v27;
	v29 =	vmul.f32 v7, v17;
	v7 =	vperm.xlane v25, v3;
	v9 =	vpop (erf);
	v28 =	vld [tilespmem:s8+$0x70]  }
0x7a: {  	[tilespmem:s12+$0xFFFFFFD0] =	vst v21;
	v17 =	vnsel vm0, $0x0, v9;
	v25 =	vmul.f32 v26, v18;
	v26 =	vld [tilespmem:s24+$0xFFFFFFF0];
	v18 =	vperm.xlane v14, v0  }
0x7b: {  	v31 =	vld [tilespmem:s13+$0x0];
	v13 =	vperm.xlane v13, v3;
	v27 =	vperm.xlane v9, v0;
	[tilespmem:s10+$0xFFFFFFF0] =	vst v17  }
0x7c: {  	v37 =	vmul.f32 $2.000000030e-01, v16;
	[tilespmem:s7+$0xFFFFFF70] =	vst v15;
	v11 =	vpop (erf);
	v23 =	vmul.f32 v23, v18  }
0x7d: {  	vm1 =	vge.f32 v16, $0.0e+00;
	v17 =	vperm.xlane v9, v1;
	[tilespmem:s7+$0xFFFFFFC0] =	vst v29;
	v29 =	vperm.xlane v14, v1;
	v12 =	vpop (erf)  }
0x7e: {  	v21 =	vld [tilespmem:s9+$0xFFFFFFB0];
	v15 =	vperm.xlane v9, v2;
	v38 =	vperm.xlane v11, v0;
	v36 =	vnsel vm0, $0x0, v12;
	[tilespmem:s10+$0x50] =	vst v23  }
0x7f: {  	[tilespmem:s10+$0xFFFFFFA0] =	vst v36;
	v40 =	vmul.f32 v28, v13;
	v13 =	vsel vm1, v16, v37;
	v26 =	vadd.f32 v26, v30;
	v28 =	vld [tilespmem:s3+$0x50]  }
0x80: {  	v31 =	vadd.f32 v35, v31;
	[tilespmem:s12+$0x20] =	vst v24;
	v24 =	vperm.xlane v11, v2;
	v23 =	vld [tilespmem:s3+$0xFFFFFF80];
	v30 =	vmul.f32 $1.442695020e+00, v13  }
0x81: {  	v59 =	vld [tilespmem:s3+$0xFFFFFFC0];
	v32 =	vnsel vm0, $0x0, v11;
	v58 =	vperm.xlane v12, v0;
	v60 =	vmul.f32 $2.000000030e-01, v26  }
0x82: {  	v62 =	vld [tilespmem:s8+$0xFFFFFFA0];
	[tilespmem:s10+$0x40] =	vst v32;
	vm1 =	vge.f32 v26, $0.0e+00;
	(erf) = vpow2.f32 v30;
	v30 =	vmul.f32 $2.000000030e-01, v31  }
0x83: {  	[tilespmem:s7+$0x10] =	vst v25;
	v18 =	vperm.xlane v12, v1;
	v61 =	vld [tilespmem:s3+$0x0];
	v25 =	vsel vm1, v26, v60;
	vm1 =	vge.f32 v31, $0.0e+00  }
0x84: {  	v63 =	vld [tilespmem:s8+$0x20];
	v32 =	vperm.xlane v14, v2;
	v30 =	vsel vm1, v31, v30;
	v28 =	vmul.f32 v28, v29  }
0x85: {  	v26 =	vld [tilespmem:s8+$0xFFFFFFE0];
	vm1 =	vge.f32 v22, $0.0e+00;
	v25 =	vmul.f32 $1.442695020e+00, v25;
	v29 =	vmul.f32 v23, v58  }
0x86: {  	v27 =	vmul.f32 v59, v27;
	v23 =	vld [tilespmem:s9+$0xFFFFFFF0];
	v20 =	vsel vm1, v22, v20;
	v22 =	vmul.f32 $1.442695020e+00, v30;
	[tilespmem:s10+$0x60] =	vst v28  }
0x87: {  	v20 =	vmul.f32 $1.442695020e+00, v20;
	(erf) = vpow2.f32 v25;
	[tilespmem:s10+$0xFFFFFF60] =	vst v29;
	v30 =	vld [tilespmem:s3+$0x60]  }
0x88: {  	[tilespmem:s10+$0xFFFFFFB0] =	vst v27;
	(erf) = vpow2.f32 v22;
	v29 =	vld [tilespmem:s3+$0xFFFFFF90];
	v22 =	vmul.f32 v61, v38  }
0x89: {  	v16 =	vperm.xlane v11, v1;
	v28 =	vld [tilespmem:s3+$0xFFFFFFD0];
	(erf) = vpow2.f32 v20  }
0x8a: {  	s31 =	simm.s32 $0x4F40;
	v13 =	vperm.xlane v12, v2;
	v31 =	vmul.f32 v62, v19;
	v25 =	vld [tilespmem:s9+$0x30];
	[tilespmem:s10+$0x0] =	vst v22  }
0x8b: {  	s14 =	simm.s32 $0xC;
	s13 =	simm.s32 $0x64A0;
	[tilespmem:s7+$0x80] =	vst v40;
	s9 =	simm.s32 $0x8D40;
	v26 =	vmul.f32 v26, v33;
	v20 =	vmul.f32 v63, v34;
	v19 =	vpop (erf);
	v27 =	vld [tilespmem:s3+$0x10]  }
.LBB2_3:
0x8c: {  	v33 =	vld [tilespmem:s31+$0x10];
	v34 =	vnsel vm0, $0x0, v19;
	s24 =	sadd.s32 $0x40, s24;
	v12 =	vperm.xlane v12, v3;
	v30 =	vmul.f32 v30, v32;
	s10 =	sadd.s32 $0x140, s10;
	[tilespmem:s7+$0xFFFFFF80] =	vst v31;
	v22 =	vmovc v24  }
0x8d: {  	s3 =	sadd.s32 $0x100, s3;
	v24 =	vld [tilespmem:s24+$0x10];
	[tilespmem:s10+$0x90] =	vst v34;
	v18 =	vmul.f32 v29, v18;
	v29 =	vperm.xlane v9, v3  }
0x8e: {  	v31 =	vld [tilespmem:s3+$0x40];
	v17 =	vmul.f32 v28, v17;
	v28 =	vperm.xlane v11, v3;
	[tilespmem:s9+$0x70] =	vst v30  }
0x8f: {  	s14 =	sadd.s32 $0x4, s14;
	v21 =	vmul.f32 v21, v4;
	v23 =	vmul.f32 v23, v5;
	v4 =	vmovc v8;
	v8 =	vmov v12;
	[tilespmem:s9+$0xFFFFFF70] =	vst v18;
	v18 =	vld [tilespmem:s13+$0x70]  }
0x90: {  	v5 =	vmov v10;
	p0 =	slt.u32 s14, $0x4C;
	v25 =	vmul.f32 v25, v6;
	v30 =	vld [tilespmem:s24+$0xFFFFFFE0];
	v9 =	vpop (erf);
	[tilespmem:s9+$0xFFFFFFC0] =	vst v17;
	v27 =	vmul.f32 v27, v16  }
0x91: {  	v37 =	vperm.xlane v19, v0;
	v32 =	vld [tilespmem:s31+$0xFFFFFFF0];
	v6 =	vnsel vm0, $0x0, v9;
	v34 =	vperm.xlane v9, v0;
	v11 =	vpop (erf);
	[tilespmem:s7+$0xFFFFFFD0] =	vst v26  }
0x92: {  	v39 =	vperm.xlane v14, v3;
	v26 =	vld [tilespmem:s24+$0xFFFFFFF0];
	[tilespmem:s10+$0xFFFFFFF0] =	vst v6;
	v38 =	vnsel vm0, $0x0, v11;
	v35 =	vperm.xlane v11, v0;
	v12 =	vpop (erf)  }
0x93: {  	v10 =	vmovc v29;
	v24 =	vadd.f32 v24, v33;
	v36 =	vld [tilespmem:s31+$0x0];
	v16 =	vnsel vm0, $0x0, v12;
	[tilespmem:s10+$0x40] =	vst v38;
	v17 =	vmul.f32 v31, v37  }
0x94: {  	v31 =	vperm.xlane v12, v0;
	v29 =	vld [tilespmem:s24+$0x0];
	[tilespmem:s10+$0xFFFFFFA0] =	vst v16;
	v33 =	vmul.f32 v18, v39;
	v6 =	vmovc v7;
	v7 =	vmov v28  }
0x95: {  	v14 =	vmov v19;
	v37 =	vmul.f32 $2.000000030e-01, v24;
	v18 =	vperm.xlane v12, v1;
	v28 =	vld [tilespmem:s31+$0xFFFFFFE0];
	[tilespmem:s10+$0x50] =	vst v17  }
0x96: {  	vm1 =	vge.f32 v24, $0.0e+00;
	v16 =	vperm.xlane v11, v1;
	v17 =	vperm.xlane v9, v1;
	v19 =	vld [tilespmem:s3+$0xFFFFFF80];
	[tilespmem:s9+$0x80] =	vst v33  }
0x97: {  	v24 =	vsel vm1, v24, v37;
	v33 =	vperm.xlane v12, v2;
	v26 =	vadd.f32 v26, v32;
	v32 =	vld [tilespmem:s3+$0x50];
	[tilespmem:s9+$0x10] =	vst v27  }
0x98: {  	v37 =	vperm.xlane v9, v2;
	v24 =	vmul.f32 $1.442695020e+00, v24;
	v27 =	vld [tilespmem:s3+$0xFFFFFFC0];
	[tilespmem:s7+$0x20] =	vst v20  }
0x99: {  	vm1 =	vge.f32 v26, $0.0e+00;
	v20 =	vmul.f32 $2.000000030e-01, v26;
	v29 =	vadd.f32 v29, v36;
	v36 =	vld [tilespmem:s3+$0x0];
	[tilespmem:s12+$0xFFFFFF90] =	vst v21  }
0x9a: {  	v21 =	vperm.xlane v14, v1;
	v28 =	vadd.f32 v30, v28;
	(erf) = vpow2.f32 v24;
	v38 =	vld [tilespmem:s13+$0xFFFFFFA0];
	[tilespmem:s12+$0xFFFFFFE0] =	vst v23  }
0x9b: {  	v20 =	vsel vm1, v26, v20;
	vm1 =	vge.f32 v29, $0.0e+00;
	v23 =	vmul.f32 $2.000000030e-01, v29;
	v26 =	vld [tilespmem:s13+$0xFFFFFFE0];
	[tilespmem:s12+$0x30] =	vst v25;
	s12 =	smov.u32 s7;
	s7 =	smov.u32 s9;
	s9 =	smov.u32 s10  }
0x9c: {  	vm2 =	vge.f32 v28, $0.0e+00;
	v24 =	vmul.f32 $2.000000030e-01, v28;
	v25 =	vmul.f32 v32, v21;
	v39 =	vld [tilespmem:s13+$0x20]  }
0x9d: {  	v19 =	vmul.f32 v19, v31;
	v20 =	vmul.f32 $1.442695020e+00, v20;
	v23 =	vsel vm1, v29, v23;
	v21 =	vld [tilespmem:s8+$0xFFFFFFB0]  }
0x9e: {  	v27 =	vmul.f32 v27, v34;
	v24 =	vsel vm2, v28, v24;
	v28 =	vmul.f32 $1.442695020e+00, v23;
	[tilespmem:s10+$0x60] =	vst v25;
	v23 =	vld [tilespmem:s8+$0xFFFFFFF0]  }
.Ltmp0:
0x9f: {  	v24 =	vmul.f32 $1.442695020e+00, v24;
	(erf) = vpow2.f32 v20;
	[tilespmem:s10+$0xFFFFFF60] =	vst v19;
	v30 =	vld [tilespmem:s3+$0x60];
	(pc) =	sbr.rel @p0 .LBB2_3-.Ltmp0, $4  }
0xa0: {  	v20 =	vmul.f32 v36, v35;
	(erf) = vpow2.f32 v28;
	v29 =	vld [tilespmem:s3+$0xFFFFFF90];
	[tilespmem:s10+$0xFFFFFFB0] =	vst v27  }
0xa1: {  	(erf) = vpow2.f32 v24;
	v28 =	vld [tilespmem:s3+$0xFFFFFFD0];
	v24 =	vperm.xlane v11, v2  }
0xa2: {  	v32 =	vperm.xlane v14, v2;
	v31 =	vmul.f32 v38, v13;
	v13 =	vmov v33;
	[tilespmem:s10+$0x0] =	vst v20;
	v25 =	vld [tilespmem:s8+$0x30];
	s8 =	smov.u32 s13;
	s13 =	smov.u32 s3  }
0xa3: {  	s31 =	sadd.s32 $0x40, s31;
	v26 =	vmul.f32 v26, v15;
	v15 =	vmov v37;
	v20 =	vmul.f32 v39, v22;
	v19 =	vpop (erf);
	v27 =	vld [tilespmem:s3+$0x10]  }
0xa4: {  	v22 =	vnsel vm0, $0x0, v19;
	s10 =	sadd.s32 $0x140, s10  }
0xa5: {  	s3 =	sadd.s32 $0x100, s3;
	[tilespmem:s10+$0x90] =	vst v22  }
0xa6: {  	v22 =	vld [tilespmem:s3+$0x40];
	_ =	sdelay $0x2  }
0xa7: {  	v33 =	vperm.xlane v19, v0;
	_ =	sdelay $0x1  }
0xa8: {  	v22 =	vmul.f32 v22, v33  }
0xa9: {  	[tilespmem:s7+$0xFFFFFF80] =	vst v31  }
0xaa: {  	v30 =	vmul.f32 v30, v32;
	[tilespmem:s7+$0xFFFFFFD0] =	vst v26;
	v31 =	vpop (erf)  }
0xab: {  	v18 =	vmul.f32 v29, v18;
	v29 =	vpop (erf);
	[tilespmem:s10+$0x50] =	vst v22  }
0xac: {  	[tilespmem:s9+$0x70] =	vst v30;
	v30 =	vld [tilespmem:s3+$0x50];
	v22 =	vpop (erf)  }
0xad: {  	[tilespmem:s9+$0xFFFFFF70] =	vst v18;
	v18 =	vld [tilespmem:s13+$0x70];
	v53 =	vnsel vm0, $0x0, v22  }
0xae: {  	v54 =	vnsel vm0, $0x0, v31;
	[tilespmem:s10+$0xFFFFFFA0] =	vst v53  }
0xaf: {  	v55 =	vperm.xlane v19, v1;
	v17 =	vmul.f32 v28, v17;
	[tilespmem:s10+$0xFFFFFFF0] =	vst v54;
	v28 =	vnsel vm0, $0x0, v29;
	v32 =	vld [tilespmem:s3+$0xFFFFFF80]  }
0xb0: {  	v14 =	vperm.xlane v14, v3;
	v4 =	vmul.f32 v21, v4;
	[tilespmem:s10+$0x40] =	vst v28;
	v28 =	vld [tilespmem:s3+$0xFFFFFFC0]  }
0xb1: {  	[tilespmem:s9+$0xFFFFFFC0] =	vst v17;
	v17 =	vld [tilespmem:s3+$0x0];
	v30 =	vmul.f32 v30, v55  }
0xb2: {  	[tilespmem:s12+$0xFFFFFF90] =	vst v4;
	v14 =	vmul.f32 v18, v14;
	v26 =	vperm.xlane v22, v0  }
0xb3: {  	v16 =	vmul.f32 v27, v16;
	v18 =	vperm.xlane v31, v0;
	[tilespmem:s10+$0x60] =	vst v30  }
0xb4: {  	v27 =	vperm.xlane v29, v0;
	[tilespmem:s9+$0x80] =	vst v14;
	v14 =	vmul.f32 v32, v26;
	v26 =	vld [tilespmem:s3+$0x60]  }
0xb5: {  	[tilespmem:s9+$0x10] =	vst v16;
	v16 =	vmul.f32 v28, v18  }
0xb6: {  	v4 =	vld [tilespmem:s13+$0xFFFFFFA0];
	[tilespmem:s10+$0xFFFFFF60] =	vst v14;
	v14 =	vmul.f32 v17, v27  }
0xb7: {  	[tilespmem:s10+$0xFFFFFFB0] =	vst v16;
	v16 =	vperm.xlane v19, v2;
	v17 =	vld [tilespmem:s3+$0xFFFFFF90]  }
0xb8: {  	v6 =	vmul.f32 v25, v6;
	v18 =	vld [tilespmem:s3+$0xFFFFFFD0];
	[tilespmem:s10+$0x0] =	vst v14  }
0xb9: {  	[tilespmem:s7+$0x20] =	vst v20;
	v14 =	vld [tilespmem:s3+$0x10];
	v16 =	vmul.f32 v26, v16  }
0xba: {  	v5 =	vmul.f32 v23, v5;
	v23 =	vld [tilespmem:s13+$0xFFFFFFE0];
	[tilespmem:s12+$0x30] =	vst v6;
	v20 =	vperm.xlane v22, v1  }
0xbb: {  	v21 =	vperm.xlane v31, v1;
	v6 =	vld [tilespmem:s13+$0x20];
	[tilespmem:s10+$0x70] =	vst v16  }
0xbc: {  	[tilespmem:s12+$0xFFFFFFE0] =	vst v5;
	v16 =	vperm.xlane v29, v1;
	v5 =	vmul.f32 v17, v20;
	v17 =	vld [tilespmem:s3+$0x70]  }
0xbd: {  	v18 =	vmul.f32 v18, v21  }
0xbe: {  	v20 =	vld [tilespmem:s8+$0xFFFFFFB0];
	[tilespmem:s10+$0xFFFFFF70] =	vst v5;
	v5 =	vmul.f32 v14, v16  }
0xbf: {  	v4 =	vmul.f32 v4, v13;
	v13 =	vperm.xlane v19, v3;
	[tilespmem:s10+$0xFFFFFFC0] =	vst v18;
	v14 =	vld [tilespmem:s3+$0xFFFFFFA0]  }
0xc0: {  	v15 =	vmul.f32 v23, v15;
	[tilespmem:s10+$0x10] =	vst v5;
	v5 =	vld [tilespmem:s3+$0xFFFFFFE0]  }
0xc1: {  	[tilespmem:s9+$0xFFFFFF80] =	vst v4;
	v6 =	vmul.f32 v6, v24;
	v4 =	vmul.f32 v17, v13;
	v13 =	vld [tilespmem:s3+$0x20]  }
0xc2: {  	[tilespmem:s9+$0xFFFFFFD0] =	vst v15;
	v16 =	vperm.xlane v22, v2;
	v17 =	vld [tilespmem:s8+$0xFFFFFFF0]  }
0xc3: {  	v15 =	vperm.xlane v31, v2;
	[tilespmem:s9+$0x20] =	vst v6;
	v18 =	vld [tilespmem:s8+$0x30];
	v8 =	vmul.f32 v20, v8  }
0xc4: {  	v6 =	vld [tilespmem:s13+$0xFFFFFFB0];
	[tilespmem:s10+$0x80] =	vst v4;
	v4 =	vperm.xlane v29, v2;
	v14 =	vmul.f32 v14, v16  }
0xc5: {  	[tilespmem:s7+$0xFFFFFF90] =	vst v8;
	v8 =	vld [tilespmem:s13+$0xFFFFFFF0];
	v5 =	vmul.f32 v5, v15  }
0xc6: {  	v15 =	vld [tilespmem:s13+$0x30];
	v4 =	vmul.f32 v13, v4;
	[tilespmem:s10+$0xFFFFFF80] =	vst v14  }
0xc7: {  	v12 =	vperm.xlane v12, v3;
	v10 =	vmul.f32 v17, v10;
	[tilespmem:s10+$0xFFFFFFD0] =	vst v5;
	v5 =	vld [tilespmem:s3+$0xFFFFFFB0]  }
0xc8: {  	v9 =	vperm.xlane v9, v3;
	v7 =	vmul.f32 v18, v7;
	[tilespmem:s10+$0x20] =	vst v4;
	v4 =	vld [tilespmem:s3+$0xFFFFFFF0]  }
0xc9: {  	v11 =	vperm.xlane v11, v3;
	v6 =	vmul.f32 v6, v12;
	[tilespmem:s7+$0xFFFFFFE0] =	vst v10;
	v10 =	vld [tilespmem:s3+$0x30]  }
0xca: {  	v12 =	vperm.xlane v22, v3;
	[tilespmem:s7+$0x30] =	vst v7;
	v7 =	vmul.f32 v8, v9  }
0xcb: {  	[tilespmem:s9+$0xFFFFFF90] =	vst v6;
	v8 =	vperm.xlane v31, v3;
	v9 =	vmul.f32 v15, v11  }
0xcc: {  	v6 =	vperm.xlane v29, v3;
	[tilespmem:s9+$0xFFFFFFE0] =	vst v7;
	v5 =	vmul.f32 v5, v12  }
0xcd: {  	s14 =	smul.u32 $0x280, s1;
	[tilespmem:s9+$0x30] =	vst v9;
	v4 =	vmul.f32 v4, v8  }
0xce: {  	v6 =	vmul.f32 v10, v6;
	[tilespmem:s10+$0xFFFFFF90] =	vst v5  }
0xcf: {  	s3 =	sshra.s32 s14, $0x2;
	[tilespmem:s10+$0xFFFFFFE0] =	vst v4  }
0xd0: {  	s3 =	sadd.s32 $0x2710, s3;
	[tilespmem:s10+$0x30] =	vst v6  }
0xd1: {  	[spmem:s2] =	stream.indirect.scatter.add.f32 [tilespmem:s23], [sflag:$0x3], $0x50, s3, s15, $0xb8;
	[tilespmem:$0x18420] =	vst v63  }
0xd2: {  	_ =	swait.ge [sflag:s25], $0x500  }
0xd3: {  	[sflag:s25] =	ssyncset.done $0x0  }
0xd4: {  	[sflag:s25] =	ssyncadd.s32 $0xFFFFFB00  }
0xd5: {  	_ =	swait.ge [sflag:s25], $0x500  }
0xd6: {  	[sflag:s25] =	ssyncset.done $0x0  }
0xd7: {  	[sflag:s25] =	ssyncadd.s32 $0xFFFFFB00  }
0xd8: {  	_ =	swait.ge [sflag:s25], $0x1400  }
0xd9: {  	[sflag:s25] =	ssyncset.done $0x0  }
0xda: {  	s24 =	sadd.s32 $0xA0, s30;
	[sflag:s25] =	ssyncadd.s32 $0xFFFFEC00  }
0xdb: {  	[tilespmem:s16], [sflag:$0x1] =	stream.indirect.gather [hbm4b:s4+s15], $0x10, s24, s15, $0xb8;
	[tilespmem:$0x18420] =	vst v63  }
0xdc: {  	s31 =	sadd.s32 $0x27B0, s30  }
0xdd: {  	[tilespmem:s17], [sflag:$0x1] =	stream.indirect.gather [hbm4b:s5+s15], $0x10, s31, s15, $0xb8;
	[tilespmem:$0x18420] =	vst v63  }
0xde: {  	s8 =	simm.s32 $0x5350  }
0xdf: {  	[tilespmem:s18], [sflag:$0x1] =	stream.indirect.gather [hbm4b:s6+s15], $0x40, s24, s15, $0xb8;
	[tilespmem:$0x18420] =	vst v63  }
0xe0: {  	s9 =	simm.s32 $0x5D50;
	v4 =	vld [tilespmem:s8+$0x0]  }
0xe1: {  	v5 =	vld [tilespmem:s9+$0x0];
	_ =	sdelay $0x3  }
0xe2: {  	v6 =	vld [tilespmem:s9+$0xFFFFFFD0]  }
0xe3: {  	v7 =	vld [tilespmem:s9+$0xFFFFFFE0];
	v4 =	vadd.f32 v5, v4  }
0xe4: {  	v9 =	vld [tilespmem:s8+$0xFFFFFFF0]  }
0xe5: {  	v5 =	vld [tilespmem:s8+$0xFFFFFFE0];
	v8 =	vmul.f32 $2.000000030e-01, v4  }
0xe6: {  	v10 =	vld [tilespmem:s9+$0xFFFFFFF0];
	vm1 =	vge.f32 v4, $0.0e+00  }
0xe7: {  	v4 =	vsel vm1, v4, v8;
	v8 =	vld [tilespmem:s8+$0xFFFFFFD0]  }
0xe8: {  	v4 =	vmul.f32 $1.442695020e+00, v4;
	_ =	sdelay $0x1  }
0xe9: {  	(erf) = vpow2.f32 v4;
	v4 =	vadd.f32 v7, v5  }
0xea: {  	v5 =	vadd.f32 v10, v9  }
0xeb: {  	v7 =	vmul.f32 $2.000000030e-01, v4;
	v6 =	vadd.f32 v6, v8  }
0xec: {  	vm1 =	vge.f32 v4, $0.0e+00;
	v8 =	vmul.f32 $2.000000030e-01, v5  }
0xed: {  	v4 =	vsel vm1, v4, v7;
	vm1 =	vge.f32 v5, $0.0e+00;
	v7 =	vmul.f32 $2.000000030e-01, v6  }
0xee: {  	vm2 =	vge.f32 v6, $0.0e+00;
	v4 =	vmul.f32 $1.442695020e+00, v4;
	v5 =	vsel vm1, v5, v8  }
0xef: {  	v6 =	vsel vm2, v6, v7;
	v5 =	vmul.f32 $1.442695020e+00, v5  }
0xf0: {  	s10 =	simm.s32 $0x5390;
	v6 =	vmul.f32 $1.442695020e+00, v6;
	(erf) = vpow2.f32 v4  }
0xf1: {  	s13 =	simm.s32 $0x5D90;
	v4 =	vld [tilespmem:s10+$0x0];
	(erf) = vpow2.f32 v5  }
0xf2: {  	v7 =	vpop (erf);
	(erf) = vpow2.f32 v6;
	v6 =	vld [tilespmem:s13+$0x0]  }
0xf3: {  	s12 =	simm.s32 $0xA450;
	v11 =	vld [tilespmem:s13+$0xFFFFFFE0];
	v5 =	vnsel vm0, $0x0, v7  }
0xf4: {  	s9 =	simm.s32 $0x7710;
	v12 =	vld [tilespmem:s10+$0xFFFFFFF0];
	[tilespmem:s12+$0x0] =	vst v5  }
0xf5: {  	v5 =	vld [tilespmem:s9+$0xFFFFFFD0]  }
0xf6: {  	v9 =	vld [tilespmem:s10+$0xFFFFFFE0];
	v10 =	vperm.xlane v7, v0  }
0xf7: {  	v13 =	vld [tilespmem:s13+$0xFFFFFFF0];
	v4 =	vadd.f32 v6, v4  }
0xf8: {  	v16 =	vld [tilespmem:s10+$0xFFFFFFD0]  }
0xf9: {  	v8 =	vld [tilespmem:s13+$0xFFFFFFD0];
	v6 =	vpop (erf);
	v14 =	vmul.f32 $2.000000030e-01, v4  }
0xfa: {  	vm1 =	vge.f32 v4, $0.0e+00;
	v5 =	vmul.f32 v5, v10;
	v10 =	vpop (erf);
	v17 =	vnsel vm0, $0x0, v6  }
0xfb: {  	v9 =	vadd.f32 v11, v9;
	v15 =	vpop (erf);
	v4 =	vsel vm1, v4, v14;
	[tilespmem:s12+$0xFFFFFF60] =	vst v17  }
0xfc: {  	[tilespmem:s12+$0xFFFFFFC0] =	vst v5;
	v5 =	vnsel vm0, $0x0, v15;
	v4 =	vmul.f32 $1.442695020e+00, v4;
	v11 =	vld [tilespmem:s9+$0xFFFFFF50]  }
0xfd: {  	v12 =	vadd.f32 v13, v12;
	v19 =	vmul.f32 $2.000000030e-01, v9;
	v14 =	vld [tilespmem:s9+$0xFFFFFFE0];
	[tilespmem:s12+$0xFFFFFF10] =	vst v5  }
0xfe: {  	v8 =	vadd.f32 v8, v16;
	v17 =	vnsel vm0, $0x0, v10;
	v18 =	vld [tilespmem:s9+$0xFFFFFF10];
	(erf) = vpow2.f32 v4  }
0xff: {  	v16 =	vmul.f32 $2.000000030e-01, v12;
	[tilespmem:s12+$0xFFFFFFB0] =	vst v17;
	v5 =	vperm.xlane v6, v0  }
0x100: {  	vm2 =	vge.f32 v8, $0.0e+00;
	v21 =	vperm.xlane v6, v2;
	v13 =	vld [tilespmem:s9+$0xFFFFFF90];
	v4 =	vperm.xlane v7, v1  }
0x101: {  	vm1 =	vge.f32 v9, $0.0e+00;
	v17 =	vperm.xlane v15, v0;
	v5 =	vmul.f32 v11, v5  }
0x102: {  	s24 =	simm.s32 $0x5DD0;
	v9 =	vsel vm1, v9, v19;
	v19 =	vmul.f32 $2.000000030e-01, v8;
	v4 =	vmul.f32 v14, v4  }
0x103: {  	v24 =	vld [tilespmem:s24+$0xFFFFFFE0];
	vm1 =	vge.f32 v12, $0.0e+00;
	v14 =	vperm.xlane v10, v0;
	v17 =	vmul.f32 v18, v17;
	[tilespmem:s12+$0xFFFFFF20] =	vst v5  }
0x104: {  	v23 =	vperm.xlane v10, v2;
	v11 =	vsel vm1, v12, v16;
	[tilespmem:s12+$0xFFFFFFD0] =	vst v4;
	v4 =	vmul.f32 $1.442695020e+00, v9;
	v16 =	vld [tilespmem:s9+$0xFFFFFF60]  }
0x105: {  	v8 =	vsel vm2, v8, v19;
	v11 =	vmul.f32 $1.442695020e+00, v11;
	v12 =	vmul.f32 v13, v14;
	v9 =	vld [tilespmem:s9+$0xFFFFFFF0];
	[tilespmem:s12+$0xFFFFFED0] =	vst v17  }
0x106: {  	v8 =	vmul.f32 $1.442695020e+00, v8;
	v14 =	vld [tilespmem:s9+$0xFFFFFF20];
	(erf) = vpow2.f32 v4  }
0x107: {  	s14 =	simm.s32 $0x53D0;
	v20 =	vperm.xlane v15, v2;
	[tilespmem:s12+$0xFFFFFF70] =	vst v12;
	v12 =	vld [tilespmem:s24+$0x0];
	(erf) = vpow2.f32 v11;
	v13 =	vpop (erf)  }
0x108: {  	s7 =	simm.s32 $0xA590;
	v4 =	vperm.xlane v7, v2;
	(erf) = vpow2.f32 v8;
	v8 =	vld [tilespmem:s14+$0x0];
	v5 =	vnsel vm0, $0x0, v13  }
0x109: {  	s8 =	simm.s32 $0x7810;
	v18 =	vperm.xlane v10, v1;
	v17 =	vperm.xlane v6, v1;
	v11 =	vld [tilespmem:s9+$0xFFFFFFA0];
	[tilespmem:s7+$0x0] =	vst v5  }
0x10a: {  	v4 =	vmul.f32 v9, v4;
	v9 =	vperm.xlane v15, v1;
	v19 =	vld [tilespmem:s8+$0xFFFFFFD0]  }
0x10b: {  	v29 =	vld [tilespmem:s14+$0xFFFFFFD0];
	v7 =	vperm.xlane v7, v3;
	v5 =	vperm.xlane v6, v3  }
0x10c: {  	v16 =	vmul.f32 v16, v17;
	v9 =	vmul.f32 v14, v9;
	v14 =	vld [tilespmem:s14+$0xFFFFFFE0]  }
0x10d: {  	v17 =	vperm.xlane v13, v0;
	[tilespmem:s12+$0xFFFFFFE0] =	vst v4;
	v4 =	vperm.xlane v15, v3;
	v15 =	vld [tilespmem:s24+$0xFFFFFFD0];
	v8 =	vadd.f32 v12, v8  }
0x10e: {  	v6 =	vperm.xlane v10, v3;
	v11 =	vmul.f32 v11, v18;
	v22 =	vld [tilespmem:s9+$0x0]  }
0x10f: {  	v18 =	vld [tilespmem:s14+$0xFFFFFFF0];
	v10 =	vpop (erf);
	v17 =	vmul.f32 v19, v17;
	v30 =	vmul.f32 $2.000000030e-01, v8  }
0x110: {  	s31 =	simm.s32 $0x5410;
	[tilespmem:s12+$0xFFFFFF30] =	vst v16;
	v19 =	vld [tilespmem:s24+$0xFFFFFFF0];
	vm1 =	vge.f32 v8, $0.0e+00;
	v12 =	vperm.xlane v10, v0;
	v25 =	vpop (erf);
	v26 =	vnsel vm0, $0x0, v10  }
0x111: {  	v39 =	vld [tilespmem:s31+$0xFFFFFFD0];
	[tilespmem:s12+$0xFFFFFEE0] =	vst v9;
	v56 =	vperm.xlane v10, v2;
	v27 =	vperm.xlane v25, v0;
	v14 =	vadd.f32 v24, v14  }
0x112: {  	v16 =	vld [tilespmem:s9+$0xFFFFFF30];
	v28 =	vpop (erf);
	[tilespmem:s7+$0xFFFFFFC0] =	vst v17;
	v8 =	vsel vm1, v8, v30;
	v30 =	vnsel vm0, $0x0, v25;
	v15 =	vadd.f32 v15, v29  }
0x113: {  	s24 =	simm.s32 $0x5E10;
	v31 =	vnsel vm0, $0x0, v28;
	v24 =	vld [tilespmem:s8+$0xFFFFFFE0];
	v22 =	vmul.f32 v22, v7;
	v7 =	vmul.f32 $1.442695020e+00, v8  }
0x114: {  	v35 =	vld [tilespmem:s24+$0xFFFFFFF0];
	v34 =	vperm.xlane v25, v2;
	v17 =	vperm.xlane v28, v0;
	[tilespmem:s7+$0xFFFFFF10] =	vst v31;
	vm1 =	vge.f32 v14, $0.0e+00  }
0x115: {  	[tilespmem:s7+$0xFFFFFF60] =	vst v26;
	v26 =	vmul.f32 $2.000000030e-01, v14;
	v8 =	vld [tilespmem:s8+$0xFFFFFF10];
	v18 =	vadd.f32 v19, v18;
	(erf) = vpow2.f32 v7  }
0x116: {  	[tilespmem:s7+$0xFFFFFFB0] =	vst v30;
	v9 =	vmul.f32 $2.000000030e-01, v15;
	vm2 =	vge.f32 v15, $0.0e+00;
	v19 =	vld [tilespmem:s8+$0xFFFFFF50];
	v7 =	vperm.xlane v13, v1  }
0x117: {  	v30 =	vld [tilespmem:s8+$0xFFFFFF90];
	v20 =	vmul.f32 v16, v20;
	v14 =	vsel vm1, v14, v26;
	v26 =	vmul.f32 $2.000000030e-01, v18  }
0x118: {  	v16 =	vld [tilespmem:s24+$0x0];
	v9 =	vsel vm2, v15, v9;
	v14 =	vmul.f32 $1.442695020e+00, v14;
	v7 =	vmul.f32 v24, v7  }
0x119: {  	v29 =	vperm.xlane v28, v1;
	[tilespmem:s12+$0xFFFFFFF0] =	vst v22;
	v22 =	vld [tilespmem:s24+$0xFFFFFFD0];
	vm1 =	vge.f32 v18, $0.0e+00;
	v9 =	vmul.f32 $1.442695020e+00, v9  }
0x11a: {  	v24 =	vld [tilespmem:s9+$0xFFFFFF70];
	v18 =	vsel vm1, v18, v26;
	(erf) = vpow2.f32 v14;
	v8 =	vmul.f32 v8, v17;
	[tilespmem:s7+$0xFFFFFFD0] =	vst v7  }
0x11b: {  	[tilespmem:s12+$0xFFFFFF80] =	vst v11;
	v15 =	vmul.f32 $1.442695020e+00, v18;
	v7 =	vmul.f32 v19, v12;
	v11 =	vld [tilespmem:s8+$0xFFFFFFF0]  }
0x11c: {  	v12 =	vld [tilespmem:s9+$0xFFFFFFB0];
	v17 =	vperm.xlane v10, v1;
	[tilespmem:s7+$0xFFFFFED0] =	vst v8;
	v8 =	vmul.f32 v30, v27  }
0x11d: {  	v18 =	vperm.xlane v25, v1;
	(erf) = vpow2.f32 v15;
	[tilespmem:s7+$0xFFFFFF20] =	vst v7;
	v15 =	vld [tilespmem:s8+$0xFFFFFF20]  }
0x11e: {  	v22 =	vadd.f32 v22, v39;
	(erf) = vpow2.f32 v9;
	v7 =	vld [tilespmem:s8+$0xFFFFFF60];
	[tilespmem:s7+$0xFFFFFF70] =	vst v8;
	v8 =	vperm.xlane v13, v2;
	v14 =	vpop (erf)  }
0x11f: {  	s10 =	simm.s32 $0xA6D0;
	[tilespmem:s12+$0xFFFFFEF0] =	vst v20;
	v19 =	vperm.xlane v28, v2;
	v10 =	vperm.xlane v10, v3;
	v26 =	vld [tilespmem:s8+$0xFFFFFFA0];
	v9 =	vnsel vm0, $0x0, v14  }
0x120: {  	s3 =	simm.s32 $0x7910;
	v27 =	vld [tilespmem:s31+$0x0];
	v20 =	vmul.f32 $2.000000030e-01, v22;
	v8 =	vmul.f32 v11, v8;
	[tilespmem:s10+$0x0] =	vst v9  }
0x121: {  	v21 =	vmul.f32 v24, v21;
	v24 =	vmul.f32 v12, v23;
	v23 =	vld [tilespmem:s3+$0xFFFFFFD0]  }
0x122: {  	v30 =	vld [tilespmem:s31+$0xFFFFFFE0];
	[tilespmem:s7+$0xFFFFFFE0] =	vst v8;
	v8 =	vperm.xlane v28, v3;
	v15 =	vmul.f32 v15, v29  }
0x123: {  	v29 =	vmul.f32 v7, v17;
	v7 =	vperm.xlane v25, v3;
	v9 =	vpop (erf);
	v28 =	vld [tilespmem:s8+$0x0]  }
0x124: {  	[tilespmem:s12+$0xFFFFFF40] =	vst v21;
	v17 =	vnsel vm0, $0x0, v9;
	v25 =	vmul.f32 v26, v18;
	v26 =	vld [tilespmem:s24+$0xFFFFFFE0];
	v18 =	vperm.xlane v14, v0  }
0x125: {  	v31 =	vld [tilespmem:s31+$0xFFFFFFF0];
	v13 =	vperm.xlane v13, v3;
	v32 =	vperm.xlane v14, v2;
	v16 =	vadd.f32 v16, v27;
	[tilespmem:s10+$0xFFFFFF60] =	vst v17  }
0x126: {  	v27 =	vperm.xlane v9, v0;
	[tilespmem:s7+$0xFFFFFEE0] =	vst v15;
	v11 =	vpop (erf);
	v23 =	vmul.f32 v23, v18  }
0x127: {  	v37 =	vmul.f32 $2.000000030e-01, v16;
	vm1 =	vge.f32 v16, $0.0e+00;
	v17 =	vperm.xlane v9, v1;
	[tilespmem:s7+$0xFFFFFF30] =	vst v29;
	v12 =	vpop (erf)  }
0x128: {  	v21 =	vld [tilespmem:s9+$0xFFFFFF40];
	v29 =	vperm.xlane v14, v1;
	v15 =	vperm.xlane v9, v2;
	v36 =	vnsel vm0, $0x0, v12;
	[tilespmem:s10+$0xFFFFFFC0] =	vst v23  }
0x129: {  	[tilespmem:s10+$0xFFFFFF10] =	vst v36;
	v40 =	vmul.f32 v28, v13;
	v13 =	vsel vm1, v16, v37;
	v26 =	vadd.f32 v26, v30;
	v28 =	vld [tilespmem:s3+$0xFFFFFFE0]  }
0x12a: {  	v31 =	vadd.f32 v35, v31;
	v38 =	vperm.xlane v11, v0;
	v23 =	vld [tilespmem:s3+$0xFFFFFF10];
	v30 =	vmul.f32 $1.442695020e+00, v13  }
0x12b: {  	[tilespmem:s12+$0xFFFFFF90] =	vst v24;
	v59 =	vld [tilespmem:s3+$0xFFFFFF50];
	v57 =	vnsel vm0, $0x0, v11;
	v24 =	vperm.xlane v11, v2;
	v60 =	vmul.f32 $2.000000030e-01, v26  }
0x12c: {  	v62 =	vld [tilespmem:s8+$0xFFFFFF30];
	[tilespmem:s10+$0xFFFFFFB0] =	vst v57;
	vm1 =	vge.f32 v26, $0.0e+00;
	(erf) = vpow2.f32 v30;
	v30 =	vmul.f32 $2.000000030e-01, v31  }
0x12d: {  	[tilespmem:s7+$0xFFFFFF80] =	vst v25;
	v58 =	vperm.xlane v12, v0;
	v61 =	vld [tilespmem:s3+$0xFFFFFF90];
	v25 =	vsel vm1, v26, v60;
	vm1 =	vge.f32 v31, $0.0e+00  }
0x12e: {  	v18 =	vperm.xlane v12, v1;
	v63 =	vld [tilespmem:s8+$0xFFFFFFB0];
	v30 =	vsel vm1, v31, v30;
	v28 =	vmul.f32 v28, v29  }
0x12f: {  	v26 =	vld [tilespmem:s8+$0xFFFFFF70];
	vm1 =	vge.f32 v22, $0.0e+00;
	v25 =	vmul.f32 $1.442695020e+00, v25;
	v29 =	vmul.f32 v23, v58  }
0x130: {  	v27 =	vmul.f32 v59, v27;
	v23 =	vld [tilespmem:s9+$0xFFFFFF80];
	v20 =	vsel vm1, v22, v20;
	v22 =	vmul.f32 $1.442695020e+00, v30;
	[tilespmem:s10+$0xFFFFFFD0] =	vst v28  }
0x131: {  	v20 =	vmul.f32 $1.442695020e+00, v20;
	(erf) = vpow2.f32 v25;
	[tilespmem:s10+$0xFFFFFED0] =	vst v29;
	v30 =	vld [tilespmem:s3+$0xFFFFFFF0]  }
0x132: {  	[tilespmem:s10+$0xFFFFFF20] =	vst v27;
	(erf) = vpow2.f32 v22;
	v29 =	vld [tilespmem:s3+$0xFFFFFF20];
	v22 =	vmul.f32 v61, v38  }
0x133: {  	v16 =	vperm.xlane v11, v1;
	v28 =	vld [tilespmem:s3+$0xFFFFFF60];
	(erf) = vpow2.f32 v20  }
0x134: {  	s30 =	simm.s32 $0x5450;
	v13 =	vperm.xlane v12, v2;
	v31 =	vmul.f32 v62, v19;
	v25 =	vld [tilespmem:s9+$0xFFFFFFC0];
	[tilespmem:s10+$0xFFFFFF70] =	vst v22  }
0x135: {  	s13 =	simm.s32 $0x7910;
	s14 =	simm.s32 $0xC;
	[tilespmem:s7+$0xFFFFFFF0] =	vst v40;
	s9 =	simm.s32 $0xA6D0;
	v26 =	vmul.f32 v26, v56;
	v20 =	vmul.f32 v63, v34;
	v19 =	vpop (erf);
	v27 =	vld [tilespmem:s3+$0xFFFFFFA0]  }
.LBB2_5:
0x136: {  	v33 =	vld [tilespmem:s30+$0x0];
	v34 =	vnsel vm0, $0x0, v19;
	s24 =	sadd.s32 $0x40, s24;
	v12 =	vperm.xlane v12, v3;
	v30 =	vmul.f32 v30, v32;
	s10 =	sadd.s32 $0x140, s10;
	[tilespmem:s7+$0xFFFFFEF0] =	vst v31;
	v22 =	vmovc v24  }
0x137: {  	s3 =	sadd.s32 $0x100, s3;
	v24 =	vld [tilespmem:s24+$0x0];
	[tilespmem:s10+$0x0] =	vst v34;
	v18 =	vmul.f32 v29, v18;
	v29 =	vperm.xlane v9, v3  }
0x138: {  	v31 =	vld [tilespmem:s3+$0xFFFFFFD0];
	v17 =	vmul.f32 v28, v17;
	v28 =	vperm.xlane v11, v3;
	[tilespmem:s9+$0xFFFFFFE0] =	vst v30  }
0x139: {  	s14 =	sadd.s32 $0x4, s14;
	v21 =	vmul.f32 v21, v4;
	v23 =	vmul.f32 v23, v5;
	v4 =	vmovc v8;
	v8 =	vmov v12;
	[tilespmem:s9+$0xFFFFFEE0] =	vst v18;
	v18 =	vld [tilespmem:s13+$0x0]  }
0x13a: {  	v5 =	vmov v10;
	p0 =	slt.u32 s14, $0x4C;
	v25 =	vmul.f32 v25, v6;
	v30 =	vld [tilespmem:s24+$0xFFFFFFD0];
	v9 =	vpop (erf);
	[tilespmem:s9+$0xFFFFFF30] =	vst v17;
	v27 =	vmul.f32 v27, v16  }
0x13b: {  	v37 =	vperm.xlane v19, v0;
	v32 =	vld [tilespmem:s30+$0xFFFFFFE0];
	v6 =	vnsel vm0, $0x0, v9;
	v34 =	vperm.xlane v9, v0;
	v11 =	vpop (erf);
	[tilespmem:s7+$0xFFFFFF40] =	vst v26  }
0x13c: {  	v39 =	vperm.xlane v14, v3;
	v26 =	vld [tilespmem:s24+$0xFFFFFFE0];
	[tilespmem:s10+$0xFFFFFF60] =	vst v6;
	v38 =	vnsel vm0, $0x0, v11;
	v35 =	vperm.xlane v11, v0;
	v12 =	vpop (erf)  }
0x13d: {  	v10 =	vmovc v29;
	v24 =	vadd.f32 v24, v33;
	v36 =	vld [tilespmem:s30+$0xFFFFFFF0];
	v16 =	vnsel vm0, $0x0, v12;
	[tilespmem:s10+$0xFFFFFFB0] =	vst v38;
	v17 =	vmul.f32 v31, v37  }
0x13e: {  	v31 =	vperm.xlane v12, v0;
	v29 =	vld [tilespmem:s24+$0xFFFFFFF0];
	[tilespmem:s10+$0xFFFFFF10] =	vst v16;
	v33 =	vmul.f32 v18, v39;
	v6 =	vmovc v7;
	v7 =	vmov v28  }
0x13f: {  	v14 =	vmov v19;
	v37 =	vmul.f32 $2.000000030e-01, v24;
	v18 =	vperm.xlane v12, v1;
	v28 =	vld [tilespmem:s30+$0xFFFFFFD0];
	[tilespmem:s10+$0xFFFFFFC0] =	vst v17  }
0x140: {  	vm1 =	vge.f32 v24, $0.0e+00;
	v16 =	vperm.xlane v11, v1;
	v17 =	vperm.xlane v9, v1;
	v19 =	vld [tilespmem:s3+$0xFFFFFF10];
	[tilespmem:s9+$0xFFFFFFF0] =	vst v33  }
0x141: {  	v24 =	vsel vm1, v24, v37;
	v33 =	vperm.xlane v12, v2;
	v26 =	vadd.f32 v26, v32;
	v32 =	vld [tilespmem:s3+$0xFFFFFFE0];
	[tilespmem:s9+$0xFFFFFF80] =	vst v27  }
0x142: {  	v37 =	vperm.xlane v9, v2;
	v24 =	vmul.f32 $1.442695020e+00, v24;
	v27 =	vld [tilespmem:s3+$0xFFFFFF50];
	[tilespmem:s7+$0xFFFFFF90] =	vst v20  }
0x143: {  	vm1 =	vge.f32 v26, $0.0e+00;
	v20 =	vmul.f32 $2.000000030e-01, v26;
	v29 =	vadd.f32 v29, v36;
	v36 =	vld [tilespmem:s3+$0xFFFFFF90];
	[tilespmem:s12+$0xFFFFFF00] =	vst v21  }
0x144: {  	v21 =	vperm.xlane v14, v1;
	v28 =	vadd.f32 v30, v28;
	(erf) = vpow2.f32 v24;
	v38 =	vld [tilespmem:s13+$0xFFFFFF30];
	[tilespmem:s12+$0xFFFFFF50] =	vst v23  }
0x145: {  	v20 =	vsel vm1, v26, v20;
	vm1 =	vge.f32 v29, $0.0e+00;
	v23 =	vmul.f32 $2.000000030e-01, v29;
	v26 =	vld [tilespmem:s13+$0xFFFFFF70];
	[tilespmem:s12+$0xFFFFFFA0] =	vst v25;
	s12 =	smov.u32 s7;
	s7 =	smov.u32 s9;
	s9 =	smov.u32 s10  }
0x146: {  	vm2 =	vge.f32 v28, $0.0e+00;
	v24 =	vmul.f32 $2.000000030e-01, v28;
	v25 =	vmul.f32 v32, v21;
	v39 =	vld [tilespmem:s13+$0xFFFFFFB0]  }
0x147: {  	v19 =	vmul.f32 v19, v31;
	v20 =	vmul.f32 $1.442695020e+00, v20;
	v23 =	vsel vm1, v29, v23;
	v21 =	vld [tilespmem:s8+$0xFFFFFF40]  }
0x148: {  	v27 =	vmul.f32 v27, v34;
	v24 =	vsel vm2, v28, v24;
	v28 =	vmul.f32 $1.442695020e+00, v23;
	[tilespmem:s10+$0xFFFFFFD0] =	vst v25;
	v23 =	vld [tilespmem:s8+$0xFFFFFF80]  }
.Ltmp1:
0x149: {  	v24 =	vmul.f32 $1.442695020e+00, v24;
	(erf) = vpow2.f32 v20;
	[tilespmem:s10+$0xFFFFFED0] =	vst v19;
	v30 =	vld [tilespmem:s3+$0xFFFFFFF0];
	(pc) =	sbr.rel @p0 .LBB2_5-.Ltmp1, $4  }
0x14a: {  	v20 =	vmul.f32 v36, v35;
	(erf) = vpow2.f32 v28;
	v29 =	vld [tilespmem:s3+$0xFFFFFF20];
	[tilespmem:s10+$0xFFFFFF20] =	vst v27  }
0x14b: {  	(erf) = vpow2.f32 v24;
	v28 =	vld [tilespmem:s3+$0xFFFFFF60];
	v24 =	vperm.xlane v11, v2  }
0x14c: {  	v32 =	vperm.xlane v14, v2;
	v31 =	vmul.f32 v38, v13;
	v13 =	vmov v33;
	[tilespmem:s10+$0xFFFFFF70] =	vst v20;
	v25 =	vld [tilespmem:s8+$0xFFFFFFC0];
	s8 =	smov.u32 s13;
	s13 =	smov.u32 s3  }
0x14d: {  	s30 =	sadd.s32 $0x40, s30;
	v26 =	vmul.f32 v26, v15;
	v15 =	vmov v37;
	v20 =	vmul.f32 v39, v22;
	v19 =	vpop (erf);
	v27 =	vld [tilespmem:s3+$0xFFFFFFA0]  }
0x14e: {  	v22 =	vnsel vm0, $0x0, v19;
	s10 =	sadd.s32 $0x140, s10  }
0x14f: {  	s3 =	sadd.s32 $0x100, s3;
	[tilespmem:s10+$0x0] =	vst v22  }
0x150: {  	v22 =	vld [tilespmem:s3+$0xFFFFFFD0];
	_ =	sdelay $0x2  }
0x151: {  	v33 =	vperm.xlane v19, v0;
	_ =	sdelay $0x1  }
0x152: {  	v22 =	vmul.f32 v22, v33;
	_ =	sdelay $0x1  }
0x153: {  	[tilespmem:s7+$0xFFFFFEF0] =	vst v31;
	v31 =	vpop (erf)  }
0x154: {  	v18 =	vmul.f32 v29, v18;
	[tilespmem:s7+$0xFFFFFF40] =	vst v26;
	v29 =	vpop (erf)  }
0x155: {  	[tilespmem:s10+$0xFFFFFFC0] =	vst v22;
	v22 =	vpop (erf)  }
0x156: {  	[tilespmem:s7+$0xFFFFFF90] =	vst v20;
	v53 =	vld [tilespmem:s3+$0xFFFFFFE0];
	v55 =	vnsel vm0, $0x0, v22  }
0x157: {  	v56 =	vnsel vm0, $0x0, v31;
	[tilespmem:s10+$0xFFFFFF10] =	vst v55  }
0x158: {  	v30 =	vmul.f32 v30, v32;
	[tilespmem:s10+$0xFFFFFF60] =	vst v56;
	v57 =	vnsel vm0, $0x0, v29;
	v32 =	vld [tilespmem:s3+$0xFFFFFF10]  }
0x159: {  	v58 =	vperm.xlane v19, v1;
	v4 =	vmul.f32 v21, v4;
	[tilespmem:s10+$0xFFFFFFB0] =	vst v57;
	v59 =	vld [tilespmem:s3+$0xFFFFFF50]  }
0x15a: {  	v5 =	vmul.f32 v23, v5;
	[tilespmem:s9+$0xFFFFFFE0] =	vst v30;
	v61 =	vld [tilespmem:s3+$0xFFFFFF90]  }
0x15b: {  	[tilespmem:s12+$0xFFFFFF00] =	vst v4;
	v54 =	vld [tilespmem:s13+$0x0];
	v62 =	vperm.xlane v22, v0;
	v60 =	vmul.f32 v53, v58  }
0x15c: {  	[tilespmem:s12+$0xFFFFFF50] =	vst v5;
	v63 =	vperm.xlane v31, v0  }
0x15d: {  	v33 =	vperm.xlane v29, v0;
	[tilespmem:s10+$0xFFFFFFD0] =	vst v60;
	v34 =	vmul.f32 v32, v62  }
0x15e: {  	v14 =	vperm.xlane v14, v3;
	[tilespmem:s9+$0xFFFFFEE0] =	vst v18;
	v36 =	vmul.f32 v59, v63;
	v35 =	vld [tilespmem:s3+$0xFFFFFFF0]  }
0x15f: {  	v37 =	vmul.f32 v61, v33;
	[tilespmem:s10+$0xFFFFFED0] =	vst v34  }
0x160: {  	v14 =	vmul.f32 v54, v14;
	[tilespmem:s10+$0xFFFFFF20] =	vst v36;
	v38 =	vld [tilespmem:s3+$0xFFFFFF20]  }
0x161: {  	v39 =	vperm.xlane v19, v2;
	v16 =	vmul.f32 v27, v16;
	v40 =	vld [tilespmem:s3+$0xFFFFFF60];
	[tilespmem:s10+$0xFFFFFF70] =	vst v37  }
0x162: {  	v17 =	vmul.f32 v28, v17;
	[tilespmem:s9+$0xFFFFFFF0] =	vst v14;
	v14 =	vld [tilespmem:s3+$0xFFFFFFA0]  }
0x163: {  	v47 =	vld [tilespmem:s8+$0xFFFFFF40];
	[tilespmem:s9+$0xFFFFFF80] =	vst v16;
	v41 =	vperm.xlane v22, v1;
	v16 =	vmul.f32 v35, v39  }
0x164: {  	v6 =	vmul.f32 v25, v6;
	[tilespmem:s9+$0xFFFFFF30] =	vst v17;
	v4 =	vld [tilespmem:s13+$0xFFFFFF30];
	v42 =	vperm.xlane v31, v1  }
0x165: {  	v43 =	vld [tilespmem:s13+$0xFFFFFF70];
	v44 =	vperm.xlane v29, v1;
	[tilespmem:s10+$0xFFFFFFE0] =	vst v16;
	v5 =	vmul.f32 v38, v41  }
0x166: {  	[tilespmem:s12+$0xFFFFFFA0] =	vst v6;
	v18 =	vmul.f32 v40, v42;
	v45 =	vld [tilespmem:s3+$0x0]  }
0x167: {  	v46 =	vld [tilespmem:s13+$0xFFFFFFB0];
	[tilespmem:s10+$0xFFFFFEE0] =	vst v5;
	v5 =	vmul.f32 v14, v44  }
0x168: {  	v8 =	vmul.f32 v47, v8;
	[tilespmem:s10+$0xFFFFFF30] =	vst v18;
	v49 =	vld [tilespmem:s3+$0xFFFFFF30]  }
0x169: {  	v48 =	vperm.xlane v19, v3;
	v4 =	vmul.f32 v4, v13;
	[tilespmem:s10+$0xFFFFFF80] =	vst v5;
	v5 =	vld [tilespmem:s3+$0xFFFFFF70]  }
0x16a: {  	[tilespmem:s7+$0xFFFFFF00] =	vst v8;
	v15 =	vmul.f32 v43, v15;
	v50 =	vld [tilespmem:s3+$0xFFFFFFB0]  }
0x16b: {  	v52 =	vld [tilespmem:s8+$0xFFFFFF80];
	[tilespmem:s9+$0xFFFFFEF0] =	vst v4;
	v51 =	vperm.xlane v22, v2;
	v4 =	vmul.f32 v45, v48  }
0x16c: {  	v54 =	vld [tilespmem:s8+$0xFFFFFFC0];
	v6 =	vmul.f32 v46, v24;
	[tilespmem:s9+$0xFFFFFF40] =	vst v15;
	v53 =	vperm.xlane v31, v2  }
0x16d: {  	v55 =	vld [tilespmem:s13+$0xFFFFFF40];
	[tilespmem:s10+$0xFFFFFFF0] =	vst v4;
	v4 =	vperm.xlane v29, v2;
	v14 =	vmul.f32 v49, v51  }
0x16e: {  	v56 =	vld [tilespmem:s13+$0xFFFFFF80];
	[tilespmem:s9+$0xFFFFFF90] =	vst v6;
	v5 =	vmul.f32 v5, v53  }
0x16f: {  	v57 =	vld [tilespmem:s13+$0xFFFFFFC0];
	v4 =	vmul.f32 v50, v4;
	[tilespmem:s10+$0xFFFFFEF0] =	vst v14  }
0x170: {  	v12 =	vperm.xlane v12, v3;
	v10 =	vmul.f32 v52, v10;
	[tilespmem:s10+$0xFFFFFF40] =	vst v5;
	v5 =	vld [tilespmem:s3+$0xFFFFFF40]  }
0x171: {  	v9 =	vperm.xlane v9, v3;
	v7 =	vmul.f32 v54, v7;
	[tilespmem:s10+$0xFFFFFF90] =	vst v4;
	v4 =	vld [tilespmem:s3+$0xFFFFFF80]  }
0x172: {  	v11 =	vperm.xlane v11, v3;
	[tilespmem:s7+$0xFFFFFF50] =	vst v10;
	v6 =	vmul.f32 v55, v12;
	v58 =	vld [tilespmem:s3+$0xFFFFFFC0]  }
0x173: {  	v59 =	vperm.xlane v22, v3;
	[tilespmem:s7+$0xFFFFFFA0] =	vst v7;
	v60 =	vmul.f32 v56, v9  }
0x174: {  	v61 =	vperm.xlane v31, v3;
	v62 =	vmul.f32 v57, v11;
	[tilespmem:s9+$0xFFFFFF00] =	vst v6  }
0x175: {  	v63 =	vperm.xlane v29, v3;
	[tilespmem:s9+$0xFFFFFF50] =	vst v60;
	v5 =	vmul.f32 v5, v59  }
0x176: {  	[tilespmem:s9+$0xFFFFFFA0] =	vst v62;
	v4 =	vmul.f32 v4, v61  }
0x177: {  	v6 =	vmul.f32 v58, v63;
	[tilespmem:s10+$0xFFFFFF00] =	vst v5  }
0x178: {  	[tilespmem:s10+$0xFFFFFF50] =	vst v4  }
0x179: {  	s1 =	sadd.s32 $0x1, s1;
	[tilespmem:s10+$0xFFFFFFA0] =	vst v6  }
0x17a: {  	[spmem:s2] =	stream.indirect.scatter.add.f32 [tilespmem:s26], [sflag:$0x4], $0x50, s0, s15, $0xb8;
	[tilespmem:$0x18420] =	vst v63  }
0x17b: {  	p0 =	sne.s32 s1, $0x3E;
	_ =	swait.ge [sflag:s28], $0x1900  }
.Ltmp2:
0x17c: {  	[sflag:s28] =	ssyncset.done $0x0;
	(pc) =	sbr.rel @p0 .LBB2_2-.Ltmp2, $4  }
0x17d: {  	[sflag:s28] =	ssyncadd.s32 $0xFFFFE700  }
0x17e: {  	_ =	swait.ge [sflag:s29], $0x1900  }
0x17f: {  	[sflag:s29] =	ssyncset.done $0x0  }
0x180: {  	[sflag:s29] =	ssyncadd.s32 $0xFFFFE700  }
0x181: {  	_ =	swait.ge [sflag:s19], $0x500  }
0x182: {  	[sflag:s19] =	ssyncset.done $0x0  }
0x183: {  	[sflag:s19] =	ssyncadd.s32 $0xFFFFFB00  }
0x184: {  	_ =	swait.ge [sflag:s19], $0x500  }
0x185: {  	[sflag:s19] =	ssyncset.done $0x0  }
0x186: {  	[sflag:s19] =	ssyncadd.s32 $0xFFFFFB00  }
0x187: {  	_ =	swait.ge [sflag:s19], $0x1400  }
0x188: {  	[sflag:s19] =	ssyncset.done $0x0  }
0x189: {  	s0 =	simm.s32 $0x4E40;
	[sflag:s19] =	ssyncadd.s32 $0xFFFFEC00  }
0x18a: {  	s1 =	simm.s32 $0x5840;
	v4 =	vld [tilespmem:s0+$0x10]  }
0x18b: {  	v5 =	vld [tilespmem:s1+$0x10];
	_ =	sdelay $0x3  }
0x18c: {  	v6 =	vld [tilespmem:s1+$0xFFFFFFE0]  }
0x18d: {  	v7 =	vld [tilespmem:s1+$0xFFFFFFF0];
	v4 =	vadd.f32 v5, v4  }
0x18e: {  	v9 =	vld [tilespmem:s0+$0x0]  }
0x18f: {  	v5 =	vld [tilespmem:s0+$0xFFFFFFF0];
	v8 =	vmul.f32 $2.000000030e-01, v4  }
0x190: {  	v10 =	vld [tilespmem:s1+$0x0];
	vm1 =	vge.f32 v4, $0.0e+00  }
0x191: {  	v4 =	vsel vm1, v4, v8;
	v8 =	vld [tilespmem:s0+$0xFFFFFFE0]  }
0x192: {  	v4 =	vmul.f32 $1.442695020e+00, v4;
	_ =	sdelay $0x1  }
0x193: {  	(erf) = vpow2.f32 v4;
	v4 =	vadd.f32 v7, v5  }
0x194: {  	v5 =	vadd.f32 v10, v9  }
0x195: {  	v7 =	vmul.f32 $2.000000030e-01, v4;
	v6 =	vadd.f32 v6, v8  }
0x196: {  	vm1 =	vge.f32 v4, $0.0e+00;
	v8 =	vmul.f32 $2.000000030e-01, v5  }
0x197: {  	v4 =	vsel vm1, v4, v7;
	vm1 =	vge.f32 v5, $0.0e+00;
	v7 =	vmul.f32 $2.000000030e-01, v6  }
0x198: {  	vm2 =	vge.f32 v6, $0.0e+00;
	v4 =	vmul.f32 $1.442695020e+00, v4;
	v5 =	vsel vm1, v5, v8  }
0x199: {  	v6 =	vsel vm2, v6, v7;
	v5 =	vmul.f32 $1.442695020e+00, v5  }
0x19a: {  	s30 =	simm.s32 $0x4E80;
	v6 =	vmul.f32 $1.442695020e+00, v6;
	(erf) = vpow2.f32 v4  }
0x19b: {  	s3 =	simm.s32 $0x5880;
	v4 =	vld [tilespmem:s30+$0x10];
	(erf) = vpow2.f32 v5  }
0x19c: {  	v7 =	vpop (erf);
	(erf) = vpow2.f32 v6;
	v6 =	vld [tilespmem:s3+$0x10]  }
0x19d: {  	v11 =	vld [tilespmem:s3+$0xFFFFFFF0];
	s0 =	simm.s32 $0x8AC0;
	v5 =	vnsel vm0, $0x0, v7  }
0x19e: {  	s8 =	simm.s32 $0x62A0;
	v12 =	vld [tilespmem:s30+$0x0];
	[tilespmem:s0+$0x90] =	vst v5  }
0x19f: {  	v5 =	vld [tilespmem:s8+$0x40]  }
0x1a0: {  	v9 =	vld [tilespmem:s30+$0xFFFFFFF0];
	v10 =	vperm.xlane v7, v0  }
0x1a1: {  	v13 =	vld [tilespmem:s3+$0x0];
	v4 =	vadd.f32 v6, v4  }
0x1a2: {  	v16 =	vld [tilespmem:s30+$0xFFFFFFE0]  }
0x1a3: {  	v8 =	vld [tilespmem:s3+$0xFFFFFFE0];
	v6 =	vpop (erf);
	v14 =	vmul.f32 $2.000000030e-01, v4  }
0x1a4: {  	vm1 =	vge.f32 v4, $0.0e+00;
	v5 =	vmul.f32 v5, v10;
	v10 =	vpop (erf);
	v17 =	vnsel vm0, $0x0, v6  }
0x1a5: {  	v9 =	vadd.f32 v11, v9;
	v15 =	vpop (erf);
	v4 =	vsel vm1, v4, v14;
	[tilespmem:s0+$0xFFFFFFF0] =	vst v17  }
0x1a6: {  	[tilespmem:s0+$0x50] =	vst v5;
	v5 =	vnsel vm0, $0x0, v15;
	v4 =	vmul.f32 $1.442695020e+00, v4;
	v11 =	vld [tilespmem:s8+$0xFFFFFFC0]  }
0x1a7: {  	v12 =	vadd.f32 v13, v12;
	v19 =	vmul.f32 $2.000000030e-01, v9;
	v14 =	vld [tilespmem:s8+$0x50];
	[tilespmem:s0+$0xFFFFFFA0] =	vst v5  }
0x1a8: {  	v8 =	vadd.f32 v8, v16;
	v17 =	vnsel vm0, $0x0, v10;
	v18 =	vld [tilespmem:s8+$0xFFFFFF80];
	(erf) = vpow2.f32 v4  }
0x1a9: {  	v16 =	vmul.f32 $2.000000030e-01, v12;
	[tilespmem:s0+$0x40] =	vst v17;
	v5 =	vperm.xlane v6, v0  }
0x1aa: {  	vm2 =	vge.f32 v8, $0.0e+00;
	v21 =	vperm.xlane v6, v2;
	v13 =	vld [tilespmem:s8+$0x0];
	v4 =	vperm.xlane v7, v1  }
0x1ab: {  	vm1 =	vge.f32 v9, $0.0e+00;
	v17 =	vperm.xlane v15, v0;
	v5 =	vmul.f32 v11, v5  }
0x1ac: {  	s9 =	simm.s32 $0x58C0;
	v9 =	vsel vm1, v9, v19;
	v19 =	vmul.f32 $2.000000030e-01, v8;
	v4 =	vmul.f32 v14, v4  }
0x1ad: {  	v24 =	vld [tilespmem:s9+$0xFFFFFFF0];
	vm1 =	vge.f32 v12, $0.0e+00;
	v14 =	vperm.xlane v10, v0;
	v17 =	vmul.f32 v18, v17;
	[tilespmem:s0+$0xFFFFFFB0] =	vst v5  }
0x1ae: {  	v23 =	vperm.xlane v10, v2;
	v11 =	vsel vm1, v12, v16;
	[tilespmem:s0+$0x60] =	vst v4;
	v4 =	vmul.f32 $1.442695020e+00, v9;
	v16 =	vld [tilespmem:s8+$0xFFFFFFD0]  }
0x1af: {  	v8 =	vsel vm2, v8, v19;
	v11 =	vmul.f32 $1.442695020e+00, v11;
	v12 =	vmul.f32 v13, v14;
	v9 =	vld [tilespmem:s8+$0x60];
	[tilespmem:s0+$0xFFFFFF60] =	vst v17  }
0x1b0: {  	v8 =	vmul.f32 $1.442695020e+00, v8;
	v14 =	vld [tilespmem:s8+$0xFFFFFF90];
	(erf) = vpow2.f32 v4  }
0x1b1: {  	s31 =	simm.s32 $0x4EC0;
	v20 =	vperm.xlane v15, v2;
	[tilespmem:s0+$0x0] =	vst v12;
	v12 =	vld [tilespmem:s9+$0x10];
	(erf) = vpow2.f32 v11;
	v13 =	vpop (erf)  }
0x1b2: {  	s1 =	simm.s32 $0x8C00;
	v4 =	vperm.xlane v7, v2;
	(erf) = vpow2.f32 v8;
	v8 =	vld [tilespmem:s31+$0x10];
	v5 =	vnsel vm0, $0x0, v13  }
0x1b3: {  	s7 =	simm.s32 $0x63A0;
	v18 =	vperm.xlane v10, v1;
	v17 =	vperm.xlane v6, v1;
	v11 =	vld [tilespmem:s8+$0x10];
	[tilespmem:s1+$0x90] =	vst v5  }
0x1b4: {  	v4 =	vmul.f32 v9, v4;
	v9 =	vperm.xlane v15, v1;
	v19 =	vld [tilespmem:s7+$0x40]  }
0x1b5: {  	v29 =	vld [tilespmem:s31+$0xFFFFFFE0];
	v7 =	vperm.xlane v7, v3;
	v5 =	vperm.xlane v6, v3  }
0x1b6: {  	v16 =	vmul.f32 v16, v17;
	v9 =	vmul.f32 v14, v9;
	v14 =	vld [tilespmem:s31+$0xFFFFFFF0]  }
0x1b7: {  	v17 =	vperm.xlane v13, v0;
	[tilespmem:s0+$0x70] =	vst v4;
	v4 =	vperm.xlane v15, v3;
	v15 =	vld [tilespmem:s9+$0xFFFFFFE0];
	v8 =	vadd.f32 v12, v8  }
0x1b8: {  	v6 =	vperm.xlane v10, v3;
	v11 =	vmul.f32 v11, v18;
	v22 =	vld [tilespmem:s8+$0x70]  }
0x1b9: {  	v18 =	vld [tilespmem:s31+$0x0];
	v10 =	vpop (erf);
	v17 =	vmul.f32 v19, v17;
	v30 =	vmul.f32 $2.000000030e-01, v8;
	vm1 =	vge.f32 v8, $0.0e+00  }
0x1ba: {  	s12 =	simm.s32 $0x4F00;
	[tilespmem:s0+$0xFFFFFFC0] =	vst v16;
	v19 =	vld [tilespmem:s9+$0x0];
	v12 =	vperm.xlane v10, v0;
	v25 =	vpop (erf);
	v26 =	vnsel vm0, $0x0, v10;
	v33 =	vperm.xlane v10, v2  }
0x1bb: {  	v39 =	vld [tilespmem:s12+$0xFFFFFFE0];
	[tilespmem:s0+$0xFFFFFF70] =	vst v9;
	v27 =	vperm.xlane v25, v0;
	v28 =	vpop (erf);
	v14 =	vadd.f32 v24, v14;
	v8 =	vsel vm1, v8, v30  }
0x1bc: {  	v16 =	vld [tilespmem:s8+$0xFFFFFFA0];
	[tilespmem:s1+$0x50] =	vst v17;
	v34 =	vperm.xlane v25, v2;
	v31 =	vnsel vm0, $0x0, v28;
	v17 =	vperm.xlane v28, v0  }
0x1bd: {  	v30 =	vnsel vm0, $0x0, v25;
	v24 =	vld [tilespmem:s7+$0x50];
	v22 =	vmul.f32 v22, v7;
	v7 =	vmul.f32 $1.442695020e+00, v8;
	[tilespmem:s1+$0xFFFFFFA0] =	vst v31  }
0x1be: {  	[tilespmem:s1+$0xFFFFFFF0] =	vst v26;
	v15 =	vadd.f32 v15, v29;
	v29 =	vperm.xlane v28, v1;
	v26 =	vmul.f32 $2.000000030e-01, v14;
	v8 =	vld [tilespmem:s7+$0xFFFFFF80]  }
0x1bf: {  	[tilespmem:s1+$0x40] =	vst v30;
	vm1 =	vge.f32 v14, $0.0e+00;
	v18 =	vadd.f32 v19, v18;
	v19 =	vld [tilespmem:s7+$0xFFFFFFC0];
	(erf) = vpow2.f32 v7  }
0x1c0: {  	s10 =	simm.s32 $0x5900;
	v30 =	vld [tilespmem:s7+$0x0];
	v9 =	vmul.f32 $2.000000030e-01, v15;
	v7 =	vperm.xlane v13, v1;
	v14 =	vsel vm1, v14, v26  }
0x1c1: {  	v20 =	vmul.f32 v16, v20;
	v16 =	vld [tilespmem:s10+$0x10];
	v14 =	vmul.f32 $1.442695020e+00, v14  }
0x1c2: {  	vm2 =	vge.f32 v15, $0.0e+00;
	[tilespmem:s0+$0x80] =	vst v22;
	v22 =	vld [tilespmem:s10+$0xFFFFFFE0];
	v26 =	vmul.f32 $2.000000030e-01, v18;
	v7 =	vmul.f32 v24, v7  }
0x1c3: {  	[tilespmem:s0+$0x10] =	vst v11;
	v9 =	vsel vm2, v15, v9;
	vm1 =	vge.f32 v18, $0.0e+00;
	v24 =	vld [tilespmem:s8+$0xFFFFFFE0];
	(erf) = vpow2.f32 v14  }
0x1c4: {  	v18 =	vsel vm1, v18, v26;
	v8 =	vmul.f32 v8, v17;
	[tilespmem:s1+$0x60] =	vst v7;
	v7 =	vmul.f32 v19, v12;
	v12 =	vld [tilespmem:s8+$0x20]  }
0x1c5: {  	v9 =	vmul.f32 $1.442695020e+00, v9;
	v15 =	vmul.f32 $1.442695020e+00, v18;
	v11 =	vld [tilespmem:s7+$0x60]  }
0x1c6: {  	v17 =	vperm.xlane v10, v1;
	[tilespmem:s1+$0xFFFFFF60] =	vst v8;
	v8 =	vmul.f32 v30, v27;
	v27 =	vld [tilespmem:s12+$0x10]  }
0x1c7: {  	v18 =	vperm.xlane v25, v1;
	(erf) = vpow2.f32 v15;
	[tilespmem:s1+$0xFFFFFFB0] =	vst v7;
	v15 =	vld [tilespmem:s7+$0xFFFFFF90]  }
0x1c8: {  	v22 =	vadd.f32 v22, v39;
	(erf) = vpow2.f32 v9;
	v7 =	vld [tilespmem:s7+$0xFFFFFFD0];
	[tilespmem:s1+$0x0] =	vst v8;
	v8 =	vperm.xlane v13, v2;
	v14 =	vpop (erf)  }
0x1c9: {  	s9 =	simm.s32 $0x8D40;
	[tilespmem:s0+$0xFFFFFF80] =	vst v20;
	v19 =	vperm.xlane v28, v2;
	v10 =	vperm.xlane v10, v3;
	v26 =	vld [tilespmem:s7+$0x10];
	v9 =	vnsel vm0, $0x0, v14  }
0x1ca: {  	v35 =	vld [tilespmem:s10+$0x0];
	s3 =	simm.s32 $0x64A0;
	v20 =	vmul.f32 $2.000000030e-01, v22;
	v8 =	vmul.f32 v11, v8;
	[tilespmem:s9+$0x90] =	vst v9  }
0x1cb: {  	v21 =	vmul.f32 v24, v21;
	v24 =	vmul.f32 v12, v23;
	v23 =	vld [tilespmem:s3+$0x40]  }
0x1cc: {  	v30 =	vld [tilespmem:s12+$0xFFFFFFF0];
	[tilespmem:s1+$0x70] =	vst v8;
	v8 =	vperm.xlane v28, v3;
	v15 =	vmul.f32 v15, v29  }
0x1cd: {  	v16 =	vadd.f32 v16, v27;
	v29 =	vmul.f32 v7, v17;
	v7 =	vperm.xlane v25, v3;
	v9 =	vpop (erf);
	v28 =	vld [tilespmem:s7+$0x70]  }
0x1ce: {  	[tilespmem:s0+$0xFFFFFFD0] =	vst v21;
	v17 =	vnsel vm0, $0x0, v9;
	v25 =	vmul.f32 v26, v18;
	v26 =	vld [tilespmem:s10+$0xFFFFFFF0];
	v18 =	vperm.xlane v14, v0  }
0x1cf: {  	v31 =	vld [tilespmem:s12+$0x0];
	v13 =	vperm.xlane v13, v3;
	v27 =	vperm.xlane v9, v0;
	[tilespmem:s9+$0xFFFFFFF0] =	vst v17  }
0x1d0: {  	v37 =	vmul.f32 $2.000000030e-01, v16;
	[tilespmem:s1+$0xFFFFFF70] =	vst v15;
	v11 =	vpop (erf);
	v23 =	vmul.f32 v23, v18  }
0x1d1: {  	vm1 =	vge.f32 v16, $0.0e+00;
	v17 =	vperm.xlane v9, v1;
	[tilespmem:s1+$0xFFFFFFC0] =	vst v29;
	v29 =	vperm.xlane v14, v1;
	v12 =	vpop (erf)  }
0x1d2: {  	v21 =	vld [tilespmem:s8+$0xFFFFFFB0];
	v15 =	vperm.xlane v9, v2;
	v38 =	vperm.xlane v11, v0;
	v36 =	vnsel vm0, $0x0, v12;
	[tilespmem:s9+$0x50] =	vst v23  }
0x1d3: {  	[tilespmem:s9+$0xFFFFFFA0] =	vst v36;
	v40 =	vmul.f32 v28, v13;
	v13 =	vsel vm1, v16, v37;
	v26 =	vadd.f32 v26, v30;
	v28 =	vld [tilespmem:s3+$0x50]  }
0x1d4: {  	v31 =	vadd.f32 v35, v31;
	[tilespmem:s0+$0x20] =	vst v24;
	v24 =	vperm.xlane v11, v2;
	v23 =	vld [tilespmem:s3+$0xFFFFFF80];
	v30 =	vmul.f32 $1.442695020e+00, v13  }
0x1d5: {  	v59 =	vld [tilespmem:s3+$0xFFFFFFC0];
	v32 =	vnsel vm0, $0x0, v11;
	v58 =	vperm.xlane v12, v0;
	v60 =	vmul.f32 $2.000000030e-01, v26  }
0x1d6: {  	v62 =	vld [tilespmem:s7+$0xFFFFFFA0];
	[tilespmem:s9+$0x40] =	vst v32;
	vm1 =	vge.f32 v26, $0.0e+00;
	(erf) = vpow2.f32 v30;
	v30 =	vmul.f32 $2.000000030e-01, v31  }
0x1d7: {  	[tilespmem:s1+$0x10] =	vst v25;
	v18 =	vperm.xlane v12, v1;
	v61 =	vld [tilespmem:s3+$0x0];
	v25 =	vsel vm1, v26, v60;
	vm1 =	vge.f32 v31, $0.0e+00  }
0x1d8: {  	v63 =	vld [tilespmem:s7+$0x20];
	v32 =	vperm.xlane v14, v2;
	v30 =	vsel vm1, v31, v30;
	v28 =	vmul.f32 v28, v29  }
0x1d9: {  	v26 =	vld [tilespmem:s7+$0xFFFFFFE0];
	vm1 =	vge.f32 v22, $0.0e+00;
	v25 =	vmul.f32 $1.442695020e+00, v25;
	v29 =	vmul.f32 v23, v58  }
0x1da: {  	v27 =	vmul.f32 v59, v27;
	v23 =	vld [tilespmem:s8+$0xFFFFFFF0];
	v20 =	vsel vm1, v22, v20;
	v22 =	vmul.f32 $1.442695020e+00, v30;
	[tilespmem:s9+$0x60] =	vst v28  }
0x1db: {  	v20 =	vmul.f32 $1.442695020e+00, v20;
	(erf) = vpow2.f32 v25;
	[tilespmem:s9+$0xFFFFFF60] =	vst v29;
	v30 =	vld [tilespmem:s3+$0x60]  }
0x1dc: {  	[tilespmem:s9+$0xFFFFFFB0] =	vst v27;
	(erf) = vpow2.f32 v22;
	v29 =	vld [tilespmem:s3+$0xFFFFFF90];
	v22 =	vmul.f32 v61, v38  }
0x1dd: {  	v16 =	vperm.xlane v11, v1;
	v28 =	vld [tilespmem:s3+$0xFFFFFFD0];
	(erf) = vpow2.f32 v20  }
0x1de: {  	s13 =	simm.s32 $0xC;
	v13 =	vperm.xlane v12, v2;
	v31 =	vmul.f32 v62, v19;
	v25 =	vld [tilespmem:s8+$0x30];
	[tilespmem:s9+$0x0] =	vst v22  }
0x1df: {  	s14 =	simm.s32 $0x4F40;
	s12 =	simm.s32 $0x64A0;
	[tilespmem:s1+$0x80] =	vst v40;
	s8 =	simm.s32 $0x8D40;
	v26 =	vmul.f32 v26, v33;
	v20 =	vmul.f32 v63, v34;
	v19 =	vpop (erf);
	v27 =	vld [tilespmem:s3+$0x10]  }
.LBB2_8:
0x1e0: {  	v33 =	vld [tilespmem:s14+$0x10];
	v34 =	vnsel vm0, $0x0, v19;
	s10 =	sadd.s32 $0x40, s10;
	v12 =	vperm.xlane v12, v3;
	v30 =	vmul.f32 v30, v32;
	s9 =	sadd.s32 $0x140, s9;
	[tilespmem:s1+$0xFFFFFF80] =	vst v31;
	v22 =	vmovc v24  }
0x1e1: {  	s3 =	sadd.s32 $0x100, s3;
	v24 =	vld [tilespmem:s10+$0x10];
	[tilespmem:s9+$0x90] =	vst v34;
	v18 =	vmul.f32 v29, v18;
	v29 =	vperm.xlane v9, v3  }
0x1e2: {  	v31 =	vld [tilespmem:s3+$0x40];
	v17 =	vmul.f32 v28, v17;
	v28 =	vperm.xlane v11, v3;
	[tilespmem:s8+$0x70] =	vst v30  }
0x1e3: {  	s13 =	sadd.s32 $0x4, s13;
	v21 =	vmul.f32 v21, v4;
	v23 =	vmul.f32 v23, v5;
	v4 =	vmovc v8;
	v8 =	vmov v12;
	[tilespmem:s8+$0xFFFFFF70] =	vst v18;
	v18 =	vld [tilespmem:s12+$0x70]  }
0x1e4: {  	v5 =	vmov v10;
	p0 =	slt.u32 s13, $0x4C;
	v25 =	vmul.f32 v25, v6;
	v30 =	vld [tilespmem:s10+$0xFFFFFFE0];
	v9 =	vpop (erf);
	[tilespmem:s8+$0xFFFFFFC0] =	vst v17;
	v27 =	vmul.f32 v27, v16  }
0x1e5: {  	v37 =	vperm.xlane v19, v0;
	v32 =	vld [tilespmem:s14+$0xFFFFFFF0];
	v6 =	vnsel vm0, $0x0, v9;
	v34 =	vperm.xlane v9, v0;
	v11 =	vpop (erf);
	[tilespmem:s1+$0xFFFFFFD0] =	vst v26  }
0x1e6: {  	v39 =	vperm.xlane v14, v3;
	v26 =	vld [tilespmem:s10+$0xFFFFFFF0];
	[tilespmem:s9+$0xFFFFFFF0] =	vst v6;
	v38 =	vnsel vm0, $0x0, v11;
	v35 =	vperm.xlane v11, v0;
	v12 =	vpop (erf)  }
0x1e7: {  	v10 =	vmovc v29;
	v24 =	vadd.f32 v24, v33;
	v36 =	vld [tilespmem:s14+$0x0];
	v16 =	vnsel vm0, $0x0, v12;
	[tilespmem:s9+$0x40] =	vst v38;
	v17 =	vmul.f32 v31, v37  }
0x1e8: {  	v31 =	vperm.xlane v12, v0;
	v29 =	vld [tilespmem:s10+$0x0];
	[tilespmem:s9+$0xFFFFFFA0] =	vst v16;
	v33 =	vmul.f32 v18, v39;
	v6 =	vmovc v7;
	v7 =	vmov v28  }
0x1e9: {  	v14 =	vmov v19;
	v37 =	vmul.f32 $2.000000030e-01, v24;
	v18 =	vperm.xlane v12, v1;
	v28 =	vld [tilespmem:s14+$0xFFFFFFE0];
	[tilespmem:s9+$0x50] =	vst v17  }
0x1ea: {  	vm1 =	vge.f32 v24, $0.0e+00;
	v16 =	vperm.xlane v11, v1;
	v17 =	vperm.xlane v9, v1;
	v19 =	vld [tilespmem:s3+$0xFFFFFF80];
	[tilespmem:s8+$0x80] =	vst v33  }
0x1eb: {  	v24 =	vsel vm1, v24, v37;
	v33 =	vperm.xlane v12, v2;
	v26 =	vadd.f32 v26, v32;
	v32 =	vld [tilespmem:s3+$0x50];
	[tilespmem:s8+$0x10] =	vst v27  }
0x1ec: {  	v37 =	vperm.xlane v9, v2;
	v24 =	vmul.f32 $1.442695020e+00, v24;
	v27 =	vld [tilespmem:s3+$0xFFFFFFC0];
	[tilespmem:s1+$0x20] =	vst v20  }
0x1ed: {  	vm1 =	vge.f32 v26, $0.0e+00;
	v20 =	vmul.f32 $2.000000030e-01, v26;
	v29 =	vadd.f32 v29, v36;
	v36 =	vld [tilespmem:s3+$0x0];
	[tilespmem:s0+$0xFFFFFF90] =	vst v21  }
0x1ee: {  	v21 =	vperm.xlane v14, v1;
	v28 =	vadd.f32 v30, v28;
	(erf) = vpow2.f32 v24;
	v38 =	vld [tilespmem:s12+$0xFFFFFFA0];
	[tilespmem:s0+$0xFFFFFFE0] =	vst v23  }
0x1ef: {  	v20 =	vsel vm1, v26, v20;
	vm1 =	vge.f32 v29, $0.0e+00;
	v23 =	vmul.f32 $2.000000030e-01, v29;
	v26 =	vld [tilespmem:s12+$0xFFFFFFE0];
	[tilespmem:s0+$0x30] =	vst v25;
	s0 =	smov.u32 s1;
	s1 =	smov.u32 s8;
	s8 =	smov.u32 s9  }
0x1f0: {  	vm2 =	vge.f32 v28, $0.0e+00;
	v24 =	vmul.f32 $2.000000030e-01, v28;
	v25 =	vmul.f32 v32, v21;
	v39 =	vld [tilespmem:s12+$0x20]  }
0x1f1: {  	v19 =	vmul.f32 v19, v31;
	v20 =	vmul.f32 $1.442695020e+00, v20;
	v23 =	vsel vm1, v29, v23;
	v21 =	vld [tilespmem:s7+$0xFFFFFFB0]  }
0x1f2: {  	v27 =	vmul.f32 v27, v34;
	v24 =	vsel vm2, v28, v24;
	v28 =	vmul.f32 $1.442695020e+00, v23;
	[tilespmem:s9+$0x60] =	vst v25;
	v23 =	vld [tilespmem:s7+$0xFFFFFFF0]  }
.Ltmp3:
0x1f3: {  	v24 =	vmul.f32 $1.442695020e+00, v24;
	(erf) = vpow2.f32 v20;
	[tilespmem:s9+$0xFFFFFF60] =	vst v19;
	v30 =	vld [tilespmem:s3+$0x60];
	(pc) =	sbr.rel @p0 .LBB2_8-.Ltmp3, $4  }
0x1f4: {  	v20 =	vmul.f32 v36, v35;
	(erf) = vpow2.f32 v28;
	v29 =	vld [tilespmem:s3+$0xFFFFFF90];
	[tilespmem:s9+$0xFFFFFFB0] =	vst v27  }
0x1f5: {  	(erf) = vpow2.f32 v24;
	v28 =	vld [tilespmem:s3+$0xFFFFFFD0];
	v24 =	vperm.xlane v11, v2  }
0x1f6: {  	v32 =	vperm.xlane v14, v2;
	v31 =	vmul.f32 v38, v13;
	v13 =	vmov v33;
	[tilespmem:s9+$0x0] =	vst v20;
	v25 =	vld [tilespmem:s7+$0x30];
	s7 =	smov.u32 s12;
	s12 =	smov.u32 s3  }
0x1f7: {  	s14 =	sadd.s32 $0x40, s14;
	v26 =	vmul.f32 v26, v15;
	v15 =	vmov v37;
	v20 =	vmul.f32 v39, v22;
	v19 =	vpop (erf);
	v27 =	vld [tilespmem:s3+$0x10]  }
0x1f8: {  	v22 =	vnsel vm0, $0x0, v19;
	s9 =	sadd.s32 $0x140, s9  }
0x1f9: {  	s3 =	sadd.s32 $0x100, s3;
	[tilespmem:s9+$0x90] =	vst v22  }
0x1fa: {  	v22 =	vld [tilespmem:s3+$0x40];
	_ =	sdelay $0x2  }
0x1fb: {  	v33 =	vperm.xlane v19, v0;
	_ =	sdelay $0x1  }
0x1fc: {  	v22 =	vmul.f32 v22, v33;
	_ =	sdelay $0x1  }
0x1fd: {  	[tilespmem:s1+$0xFFFFFF80] =	vst v31;
	v31 =	vpop (erf)  }
0x1fe: {  	v18 =	vmul.f32 v29, v18;
	[tilespmem:s1+$0xFFFFFFD0] =	vst v26;
	v29 =	vpop (erf)  }
0x1ff: {  	[tilespmem:s9+$0x50] =	vst v22;
	v22 =	vpop (erf)  }
0x200: {  	[tilespmem:s1+$0x20] =	vst v20;
	v53 =	vld [tilespmem:s3+$0x50];
	v55 =	vnsel vm0, $0x0, v22  }
0x201: {  	v56 =	vnsel vm0, $0x0, v31;
	[tilespmem:s9+$0xFFFFFFA0] =	vst v55  }
0x202: {  	v30 =	vmul.f32 v30, v32;
	[tilespmem:s9+$0xFFFFFFF0] =	vst v56;
	v57 =	vnsel vm0, $0x0, v29;
	v32 =	vld [tilespmem:s3+$0xFFFFFF80]  }
0x203: {  	v58 =	vperm.xlane v19, v1;
	v4 =	vmul.f32 v21, v4;
	[tilespmem:s9+$0x40] =	vst v57;
	v59 =	vld [tilespmem:s3+$0xFFFFFFC0]  }
0x204: {  	v5 =	vmul.f32 v23, v5;
	[tilespmem:s8+$0x70] =	vst v30;
	v61 =	vld [tilespmem:s3+$0x0]  }
0x205: {  	[tilespmem:s0+$0xFFFFFF90] =	vst v4;
	v54 =	vld [tilespmem:s12+$0x70];
	v62 =	vperm.xlane v22, v0;
	v60 =	vmul.f32 v53, v58  }
0x206: {  	[tilespmem:s0+$0xFFFFFFE0] =	vst v5;
	v63 =	vperm.xlane v31, v0  }
0x207: {  	v33 =	vperm.xlane v29, v0;
	[tilespmem:s9+$0x60] =	vst v60;
	v34 =	vmul.f32 v32, v62  }
0x208: {  	v14 =	vperm.xlane v14, v3;
	[tilespmem:s8+$0xFFFFFF70] =	vst v18;
	v36 =	vmul.f32 v59, v63;
	v35 =	vld [tilespmem:s3+$0x60]  }
0x209: {  	v37 =	vmul.f32 v61, v33;
	[tilespmem:s9+$0xFFFFFF60] =	vst v34  }
0x20a: {  	v14 =	vmul.f32 v54, v14;
	[tilespmem:s9+$0xFFFFFFB0] =	vst v36;
	v38 =	vld [tilespmem:s3+$0xFFFFFF90]  }
0x20b: {  	v39 =	vperm.xlane v19, v2;
	v16 =	vmul.f32 v27, v16;
	v40 =	vld [tilespmem:s3+$0xFFFFFFD0];
	[tilespmem:s9+$0x0] =	vst v37  }
0x20c: {  	v17 =	vmul.f32 v28, v17;
	[tilespmem:s8+$0x80] =	vst v14;
	v14 =	vld [tilespmem:s3+$0x10]  }
0x20d: {  	v47 =	vld [tilespmem:s7+$0xFFFFFFB0];
	[tilespmem:s8+$0x10] =	vst v16;
	v41 =	vperm.xlane v22, v1;
	v16 =	vmul.f32 v35, v39  }
0x20e: {  	v6 =	vmul.f32 v25, v6;
	[tilespmem:s8+$0xFFFFFFC0] =	vst v17;
	v4 =	vld [tilespmem:s12+$0xFFFFFFA0];
	v42 =	vperm.xlane v31, v1  }
0x20f: {  	v43 =	vld [tilespmem:s12+$0xFFFFFFE0];
	v44 =	vperm.xlane v29, v1;
	[tilespmem:s9+$0x70] =	vst v16;
	v5 =	vmul.f32 v38, v41  }
0x210: {  	[tilespmem:s0+$0x30] =	vst v6;
	v18 =	vmul.f32 v40, v42;
	v45 =	vld [tilespmem:s3+$0x70]  }
0x211: {  	v46 =	vld [tilespmem:s12+$0x20];
	[tilespmem:s9+$0xFFFFFF70] =	vst v5;
	v5 =	vmul.f32 v14, v44  }
0x212: {  	v8 =	vmul.f32 v47, v8;
	[tilespmem:s9+$0xFFFFFFC0] =	vst v18;
	v49 =	vld [tilespmem:s3+$0xFFFFFFA0]  }
0x213: {  	v48 =	vperm.xlane v19, v3;
	v4 =	vmul.f32 v4, v13;
	[tilespmem:s9+$0x10] =	vst v5;
	v5 =	vld [tilespmem:s3+$0xFFFFFFE0]  }
0x214: {  	[tilespmem:s1+$0xFFFFFF90] =	vst v8;
	v15 =	vmul.f32 v43, v15;
	v50 =	vld [tilespmem:s3+$0x20]  }
0x215: {  	v52 =	vld [tilespmem:s7+$0xFFFFFFF0];
	[tilespmem:s8+$0xFFFFFF80] =	vst v4;
	v51 =	vperm.xlane v22, v2;
	v4 =	vmul.f32 v45, v48  }
0x216: {  	v54 =	vld [tilespmem:s7+$0x30];
	v6 =	vmul.f32 v46, v24;
	[tilespmem:s8+$0xFFFFFFD0] =	vst v15;
	v53 =	vperm.xlane v31, v2  }
0x217: {  	v55 =	vld [tilespmem:s12+$0xFFFFFFB0];
	[tilespmem:s9+$0x80] =	vst v4;
	v4 =	vperm.xlane v29, v2;
	v14 =	vmul.f32 v49, v51  }
0x218: {  	v56 =	vld [tilespmem:s12+$0xFFFFFFF0];
	[tilespmem:s8+$0x20] =	vst v6;
	v5 =	vmul.f32 v5, v53  }
0x219: {  	v57 =	vld [tilespmem:s12+$0x30];
	v4 =	vmul.f32 v50, v4;
	[tilespmem:s9+$0xFFFFFF80] =	vst v14  }
0x21a: {  	v12 =	vperm.xlane v12, v3;
	v10 =	vmul.f32 v52, v10;
	[tilespmem:s9+$0xFFFFFFD0] =	vst v5;
	v5 =	vld [tilespmem:s3+$0xFFFFFFB0]  }
0x21b: {  	v9 =	vperm.xlane v9, v3;
	v7 =	vmul.f32 v54, v7;
	[tilespmem:s9+$0x20] =	vst v4;
	v4 =	vld [tilespmem:s3+$0xFFFFFFF0]  }
0x21c: {  	v11 =	vperm.xlane v11, v3;
	[tilespmem:s1+$0xFFFFFFE0] =	vst v10;
	v6 =	vmul.f32 v55, v12;
	v58 =	vld [tilespmem:s3+$0x30]  }
0x21d: {  	v59 =	vperm.xlane v22, v3;
	[tilespmem:s1+$0x30] =	vst v7;
	v60 =	vmul.f32 v56, v9  }
0x21e: {  	v61 =	vperm.xlane v31, v3;
	v62 =	vmul.f32 v57, v11;
	[tilespmem:s8+$0xFFFFFF90] =	vst v6  }
0x21f: {  	v63 =	vperm.xlane v29, v3;
	[tilespmem:s8+$0xFFFFFFE0] =	vst v60;
	v5 =	vmul.f32 v5, v59  }
0x220: {  	[tilespmem:s8+$0x30] =	vst v62;
	v4 =	vmul.f32 v4, v61  }
0x221: {  	v6 =	vmul.f32 v58, v63;
	[tilespmem:s9+$0xFFFFFF90] =	vst v5  }
0x222: {  	[tilespmem:s9+$0xFFFFFFE0] =	vst v4  }
0x223: {  	s14 =	simm.s32 $0x4DD0;
	[tilespmem:s9+$0x30] =	vst v6  }
0x224: {  	[spmem:s2] =	stream.indirect.scatter.add.f32 [tilespmem:s23], [sflag:$0x5], $0x50, s14, s15, $0xb8;
	[tilespmem:$0x18420] =	vst v63  }
0x225: {  	_ =	swait.ge [sflag:s11], $0x1900  }
0x226: {  	[sflag:s11] =	ssyncset.done $0x0  }
0x227: {  	[sflag:s11] =	ssyncadd.s32 $0xFFFFE700  }
0x228: {  	[bflag:$0x0] =	sbarrier.arrive $0xFFFF  }
0x229: {  	s8 =	rddreg [dreg:$0x8]  }
0x22a: {  	s9 =	rddreg [dreg:$0x9]  }
0x22b: {  	s24 =	rddreg [dreg:$0xa]  }
0x22c: {  	[hbm:s24], [sflag:s8] =	dma.local [spmem:s9], $0x1900  }
0x22d: {  	_ =	swait.ge [sflag:s11], $0x1900  }
0x22e: {  	s30 =	rddreg [dreg:$0xb]  }
0x22f: {  	s31 =	rddreg [dreg:$0x7];
	s1 =	sadd.s32 $0x1, s30  }
0x230: {  	p0 =	sne.s32 s1, s31  }
.Ltmp4:
0x231: {  	_ = 	snop;
	(pc) =	sbr.rel @p0 .LBB2_1-.Ltmp4, $3  }
0x232: {  	_ =	sdelay $0x1  }
0x233: {  	[sflag:s11] =	ssyncset.done $0x0  }
0x234: {  	[sflag:s11] =	ssyncadd.s32 $0xFFFFE700  }
0x235: {  	_ =	sfence.sel $0x180000  }
0x236: {  	[bflag:$0x0] =	sbarrier.arrive $0xFFFF  }
0x237: {  	_ =	strace $0x90000047  }
0x238: {  	s0 =	stileid.u32;
	[bflag:$0x2] =	sbarrier.arrive $0xFFFF  }
0x239: {  	p0 =	sne.s32 s0, $0x0;
	s0 =	rddreg [dreg:$0x3]  }
0x23a: {  	s0 =	sadd.s32 @!p0 $0x100000, s0  }
0x23b: {  	[sflag:s0] =	ssyncadd.tile.s32 @!p0 $0x1;
	_ =	shalt  }
.Lfunc_end2:
_tile_overlayer_lowered:
.L_overlay_start_2:
0x23c: {  	(tag) =	ssettag $0x2  }
0x23d: {  	s0 =	rddreg [dreg:$0x0];
	s2 =	stileid.u32  }
0x23e: {  	s1 =	rddreg [dreg:$0x1];
	p0 =	sne.s32 s2, $0x0  }
0x23f: {  	s3 =	rddreg [dreg:$0x2];
	[bflag:$0x3] =	sbarrier.arrive $0xFFFF;
	s2 =	simm.s32 @!p0 $0x1C05  }
0x240: {  	[timem:s3], [sflag:s2] =	dma.local @!p0 [hbm:s0], s1  }
0x241: {  	s0 =	simm.s32 @!p0 $0x5  }
0x242: {  	_ =	swait.ge @!p0 [sflag:s0], s1  }
0x243: {  	s1 =	ssub.s32 @!p0 $0x0, s1;
	[sflag:s0] =	ssyncset.done @!p0 $0x0  }
0x244: {  	[sflag:s0] =	ssyncadd.s32 @!p0 s1  }
0x245: {  	[bflag:$0x3] =	sbarrier.arrive $0xFFFF  }
0x246: {  	_ =	shalt  }

</sc_bundles>
